<compile_context>
chip_gen: v7x
topology: tpu7x:2x2x1
jax: 0.10.2.dev20260603
libtpu: 0.0.44.dev20260713+nightly
codegen_flags: <defaults>
</compile_context>

<pallas_src>
import functools

import jax
import jax.numpy as jnp
from jax import lax
from jax.experimental import pallas as pl
from jax.experimental.pallas import tpu as pltpu
from jax.experimental.pallas import tpu_sc as plsc

B = 16384
C = 10
L = 100000
NW = 32
BPW = B // NW
CHUNK = 128
NCH = BPW // CHUNK


def _body(fv_hbm, table_hbm, int_hbm, out_hbm, fv_v, cm_v, int_v, gsem, osem):
    wid = lax.axis_index("s") * 2 + lax.axis_index("c")
    base = pl.multiple_of(wid * BPW, BPW)
    fv_cp = pltpu.async_copy(fv_hbm.at[pl.ds(base, BPW)], fv_v, osem)
    pltpu.sync_copy(int_hbm, int_v.at[pl.ds(0, C)])
    fv_cp.wait()

    @pl.loop(0, BPW // 16, unroll=4)
    def _clamp(i):
        off = pl.multiple_of(i * 16, 16)
        fv = fv_v[pl.ds(off, 16)]
        fv_v[pl.ds(off, 16)] = lax.min(lax.max(fv, 0), L - 1)

    copies = [
        [
            pltpu.async_copy(
                table_hbm.at[pl.ds(c * L, L)].at[
                    fv_v.at[pl.ds(k * CHUNK, CHUNK)]
                ],
                cm_v.at[c, pl.ds(k * CHUNK, CHUNK)],
                gsem.at[c],
            )
            for k in range(NCH)
        ]
        for c in range(C)
    ]

    iv = int_v[pl.ds(0, 16)]
    out_cps = []
    for c in range(C):
        for cp in copies[c]:
            cp.wait()
        ivec = jnp.broadcast_to(iv[c], (16,))

        @pl.loop(0, BPW // 16, unroll=4)
        def _add(m, c=c, ivec=ivec):
            off = pl.multiple_of(m * 16, 16)
            cm_v[c, pl.ds(off, 16)] = cm_v[c, pl.ds(off, 16)] + ivec

        out_cps.append(
            pltpu.async_copy(
                cm_v.at[c], out_hbm.at[c, pl.ds(base, BPW)], osem
            )
        )
    for cp in out_cps:
        cp.wait()


@jax.jit
def _encode(feature_vals, table_flat, intercepts):
    run = pl.kernel(
        _body,
        out_type=jax.ShapeDtypeStruct((C, B), jnp.float32),
        mesh=plsc.VectorSubcoreMesh(core_axis_name="c", subcore_axis_name="s"),
        compiler_params=pltpu.CompilerParams(
            needs_layout_passes=False, skip_device_barrier=True
        ),
        scratch_types=[
            pltpu.VMEM((BPW,), jnp.int32),
            pltpu.VMEM((C, BPW), jnp.float32),
            pltpu.VMEM((16,), jnp.float32),
            pltpu.SemaphoreType.DMA((C,)),
            pltpu.SemaphoreType.DMA,
        ],
    )
    return run(feature_vals, table_flat, intercepts)


def kernel(feature_vals, level_locs, intercepts):
    out_cm = _encode(
        feature_vals.astype(jnp.int32), level_locs.reshape(-1), intercepts
    )
    return out_cm.T

# --- scband reference (transcript-rebuilt; emitter-appended) ---
"""Pipeline reference for scband-glmmmulticlass-target-encoder-2774548873376 (READ-ONLY COPY).

The authoritative reference and input builder live on the scoring server;
editing this copy changes nothing except your own understanding.
"""

import jax, jax.numpy as jnp
import numpy as np

NUM_LEVELS = 100000
NUM_CLASSES = 10
BATCH = 16384


def setup_inputs(seed: int = 0) -> dict:
    key = jax.random.key(seed)
    k1, k2, k3 = jax.random.split(key, 3)
    feature_vals = jax.random.randint(k1, (BATCH,), 0, NUM_LEVELS, dtype=jnp.int64 if jax.config.jax_enable_x64 else jnp.int32)
    # Learned surrogate-posterior modes: per-class random-effect locs and intercept locs.
    # Original init: tf.random.uniform(minval=-2, maxval=2); modes of Normal == loc.
    level_locs = jax.random.uniform(k2, (NUM_CLASSES, NUM_LEVELS), minval=-2.0, maxval=2.0, dtype=jnp.float32)
    intercepts = jax.random.uniform(k3, (NUM_CLASSES,), minval=-2.0, maxval=2.0, dtype=jnp.float32)
    return {"feature_vals": feature_vals, "level_locs": level_locs, "intercepts": intercepts}


def reference(feature_vals, level_locs, intercepts):
    # Inference path (training is falsy): append a zero 'missing' slot per class,
    # remap out-of-range feature values to the missing slot, gather, add intercept.
    re_with_missing = jnp.concatenate(
        [level_locs, jnp.zeros((NUM_CLASSES, 1), dtype=level_locs.dtype)], axis=-1
    )  # [C, L+1]
    in_range = jnp.logical_and(feature_vals < NUM_LEVELS, feature_vals >= 0)
    fv = jnp.where(in_range, feature_vals, NUM_LEVELS)
    gathered = jnp.take(re_with_missing, fv, axis=-1)  # [C, B]
    per_class = gathered + intercepts[:, None]  # [C, B]
    # tf.stack([m(x) for m in models], axis=-1) -> [B, C]
    return jnp.transpose(per_class, (1, 0))

if __name__ == "__main__":
    import jax
    _d = setup_inputs()
    print(jax.jit(kernel)(*tuple(_d.values())))

</pallas_src>

<mosaic_0001>
#map = affine_map<(d0, d1) -> (0)>
#map1 = affine_map<(d0, d1) -> (0, 0)>
module attributes {stable_mosaic.version = 14 : i64} {
  func.func @_body(%arg0: i32, %arg1: i32, %arg2: memref<16384xi32, #tpu.memory_space<hbm>>, %arg3: memref<1000000xf32, #tpu.memory_space<hbm>>, %arg4: memref<10xf32, #tpu.memory_space<hbm>>, %arg5: memref<10x16384xf32, #tpu.memory_space<hbm>>, %arg6: memref<512xi32, #tpu.memory_space<vmem>>, %arg7: memref<10x512xf32, #tpu.memory_space<vmem>>, %arg8: memref<16xf32, #tpu.memory_space<vmem>>, %arg9: memref<10x!tpu.dma_semaphore, #tpu.memory_space<semaphore_mem>>, %arg10: memref<!tpu.dma_semaphore, #tpu.memory_space<semaphore_mem>>) attributes {dimension_semantics = [#tpu.dimension_semantics<core_parallel>, #tpu.dimension_semantics<subcore_parallel>], iteration_bounds = array<i64: 2, 16>, scalar_prefetch = 0 : i64, scratch_operands = 5 : i64, tpu.core_type = #tpu.core_type<sc_vector_subcore>, window_params = [{transform_indices = #map}, {transform_indices = #map}, {transform_indices = #map}, {transform_indices = #map1}]} {
    %mul3A = arith.constant 2 : i32
    %mul3A_0 = arith.muli %arg1, %mul3A : i32
    %add3A = arith.addi %mul3A_0, %arg0 : i32
    %mul3A_1 = arith.constant 512 : i32
    %mul3A_2 = arith.muli %add3A, %mul3A_1 : i32
    %multiple_of3A = tpu.assume_multiple %mul3A_2, 512 : i32
    %dma_start3A = tpu.memref_slice %arg2[%multiple_of3A] : memref<16384xi32, #tpu.memory_space<hbm>> -> memref<512xi32, #tpu.memory_space<hbm>>
    %dma_start3A_3 = tpu.memref_slice %arg2[%multiple_of3A] : memref<16384xi32, #tpu.memory_space<hbm>> -> memref<512xi32, #tpu.memory_space<hbm>>
    tpu.enqueue_dma source(%dma_start3A_3 : memref<512xi32, #tpu.memory_space<hbm>>) target(%arg6 : memref<512xi32, #tpu.memory_space<vmem>>) target_semaphore(%arg10 : memref<!tpu.dma_semaphore, #tpu.memory_space<semaphore_mem>>)
    "tpu.region"() ({
      %run_scoped3A = tpu.sem_alloc : memref<!tpu.dma_semaphore, #tpu.memory_space<semaphore_mem>>
      %dma_start3A_1367 = arith.constant 0 : i32
      %dma_start3A_1368 = tpu.memref_slice %arg8[%dma_start3A_1367] : memref<16xf32, #tpu.memory_space<vmem>> -> memref<10xf32, #tpu.memory_space<vmem>>
      %dma_start3A_1369 = arith.constant 0 : i32
      %dma_start3A_1370 = tpu.memref_slice %arg8[%dma_start3A_1369] : memref<16xf32, #tpu.memory_space<vmem>> -> memref<10xf32, #tpu.memory_space<vmem>>
      tpu.enqueue_dma source(%arg4 : memref<10xf32, #tpu.memory_space<hbm>>) target(%dma_start3A_1370 : memref<10xf32, #tpu.memory_space<vmem>>) target_semaphore(%run_scoped3A : memref<!tpu.dma_semaphore, #tpu.memory_space<semaphore_mem>>)
      %dma_wait3A_1371 = arith.constant 0 : i32
      %dma_wait3A_1372 = tpu.memref_slice %arg8[%dma_wait3A_1371] : memref<16xf32, #tpu.memory_space<vmem>> -> memref<10xf32, #tpu.memory_space<vmem>>
      %dma_wait3A_1373 = arith.constant 0 : i32
      %dma_wait3A_1374 = tpu.memref_slice %arg8[%dma_wait3A_1373] : memref<16xf32, #tpu.memory_space<vmem>> -> memref<10xf32, #tpu.memory_space<vmem>>
      tpu.wait_dma2 semaphore(%run_scoped3A : memref<!tpu.dma_semaphore, #tpu.memory_space<semaphore_mem>>) src(%arg4 : memref<10xf32, #tpu.memory_space<hbm>>) dst(%dma_wait3A_1374 : memref<10xf32, #tpu.memory_space<vmem>>)
      tpu.yield
    }) : () -> ()
    %dma_wait3A = tpu.memref_slice %arg2[%multiple_of3A] : memref<16384xi32, #tpu.memory_space<hbm>> -> memref<512xi32, #tpu.memory_space<hbm>>
    %dma_wait3A_4 = tpu.memref_slice %arg2[%multiple_of3A] : memref<16384xi32, #tpu.memory_space<hbm>> -> memref<512xi32, #tpu.memory_space<hbm>>
    tpu.wait_dma2 semaphore(%arg10 : memref<!tpu.dma_semaphore, #tpu.memory_space<semaphore_mem>>) src(%dma_wait3A_4 : memref<512xi32, #tpu.memory_space<hbm>>) dst(%arg6 : memref<512xi32, #tpu.memory_space<vmem>>)
    %scan3A = arith.constant 0 : i32
    %scan3A_5 = arith.constant 32 : i32
    %scan3A_6 = arith.addi %scan3A, %scan3A_5 : i32
    %scan3A_7 = arith.constant 4 : i32
    scf.for %scan3A_1367 = %scan3A to %scan3A_6 step %scan3A_7  : i32 {
      %mul3A_1368 = arith.constant 1 : i32
      %mul3A_1369 = arith.muli %scan3A_1367, %mul3A_1368 : i32
      %add3A_1370 = arith.constant 0 : i32
      %add3A_1371 = arith.addi %add3A_1370, %mul3A_1369 : i32
      %mul3A_1372 = arith.constant 16 : i32
      %mul3A_1373 = arith.muli %add3A_1371, %mul3A_1372 : i32
      %multiple_of3A_1374 = tpu.assume_multiple %mul3A_1373, 16 : i32
      %get3A_1375 = arith.index_cast %multiple_of3A_1374 : i32 to index
      %get3A_1376 = tpu.vector_load %arg6[%get3A_1375] {strides = array<i32>} : memref<512xi32, #tpu.memory_space<vmem>>, vector<16xi32>,
      %max3A = arith.constant 0 : i32
      %max3A_1377 = vector.broadcast %max3A : i32 to vector<16xi32>
      %max3A_1378 = arith.maxsi %get3A_1376, %max3A_1377 : vector<16xi32>
      %min3A = arith.constant 99999 : i32
      %min3A_1379 = vector.broadcast %min3A : i32 to vector<16xi32>
      %min3A_1380 = arith.minsi %max3A_1378, %min3A_1379 : vector<16xi32>
      %swap3A = arith.index_cast %multiple_of3A_1374 : i32 to index
      %swap3A_1381 = tpu.vector_load %arg6[%swap3A] {strides = array<i32>} : memref<512xi32, #tpu.memory_space<vmem>>, vector<16xi32>,
      tpu.vector_store %arg6[%swap3A], %min3A_1380 {strides = array<i32>} : memref<512xi32, #tpu.memory_space<vmem>>, vector<16xi32>,
      %scan3A_1382 = arith.constant 1 : i32
      %scan3A_1383 = arith.addi %scan3A_1367, %scan3A_1382 : i32
      %mul3A_1384 = arith.constant 1 : i32
      %mul3A_1385 = arith.muli %scan3A_1383, %mul3A_1384 : i32
      %add3A_1386 = arith.constant 0 : i32
      %add3A_1387 = arith.addi %add3A_1386, %mul3A_1385 : i32
      %mul3A_1388 = arith.constant 16 : i32
      %mul3A_1389 = arith.muli %add3A_1387, %mul3A_1388 : i32
      %multiple_of3A_1390 = tpu.assume_multiple %mul3A_1389, 16 : i32
      %get3A_1391 = arith.index_cast %multiple_of3A_1390 : i32 to index
      %get3A_1392 = tpu.vector_load %arg6[%get3A_1391] {strides = array<i32>} : memref<512xi32, #tpu.memory_space<vmem>>, vector<16xi32>,
      %max3A_1393 = arith.constant 0 : i32
      %max3A_1394 = vector.broadcast %max3A_1393 : i32 to vector<16xi32>
      %max3A_1395 = arith.maxsi %get3A_1392, %max3A_1394 : vector<16xi32>
      %min3A_1396 = arith.constant 99999 : i32
      %min3A_1397 = vector.broadcast %min3A_1396 : i32 to vector<16xi32>
      %min3A_1398 = arith.minsi %max3A_1395, %min3A_1397 : vector<16xi32>
      %swap3A_1399 = arith.index_cast %multiple_of3A_1390 : i32 to index
      %swap3A_1400 = tpu.vector_load %arg6[%swap3A_1399] {strides = array<i32>} : memref<512xi32, #tpu.memory_space<vmem>>, vector<16xi32>,
      tpu.vector_store %arg6[%swap3A_1399], %min3A_1398 {strides = array<i32>} : memref<512xi32, #tpu.memory_space<vmem>>, vector<16xi32>,
      %scan3A_1401 = arith.constant 2 : i32
      %scan3A_1402 = arith.addi %scan3A_1367, %scan3A_1401 : i32
      %mul3A_1403 = arith.constant 1 : i32
      %mul3A_1404 = arith.muli %scan3A_1402, %mul3A_1403 : i32
      %add3A_1405 = arith.constant 0 : i32
      %add3A_1406 = arith.addi %add3A_1405, %mul3A_1404 : i32
      %mul3A_1407 = arith.constant 16 : i32
      %mul3A_1408 = arith.muli %add3A_1406, %mul3A_1407 : i32
      %multiple_of3A_1409 = tpu.assume_multiple %mul3A_1408, 16 : i32
      %get3A_1410 = arith.index_cast %multiple_of3A_1409 : i32 to index
      %get3A_1411 = tpu.vector_load %arg6[%get3A_1410] {strides = array<i32>} : memref<512xi32, #tpu.memory_space<vmem>>, vector<16xi32>,
      %max3A_1412 = arith.constant 0 : i32
      %max3A_1413 = vector.broadcast %max3A_1412 : i32 to vector<16xi32>
      %max3A_1414 = arith.maxsi %get3A_1411, %max3A_1413 : vector<16xi32>
      %min3A_1415 = arith.constant 99999 : i32
      %min3A_1416 = vector.broadcast %min3A_1415 : i32 to vector<16xi32>
      %min3A_1417 = arith.minsi %max3A_1414, %min3A_1416 : vector<16xi32>
      %swap3A_1418 = arith.index_cast %multiple_of3A_1409 : i32 to index
      %swap3A_1419 = tpu.vector_load %arg6[%swap3A_1418] {strides = array<i32>} : memref<512xi32, #tpu.memory_space<vmem>>, vector<16xi32>,
      tpu.vector_store %arg6[%swap3A_1418], %min3A_1417 {strides = array<i32>} : memref<512xi32, #tpu.memory_space<vmem>>, vector<16xi32>,
      %scan3A_1420 = arith.constant 3 : i32
      %scan3A_1421 = arith.addi %scan3A_1367, %scan3A_1420 : i32
      %mul3A_1422 = arith.constant 1 : i32
      %mul3A_1423 = arith.muli %scan3A_1421, %mul3A_1422 : i32
      %add3A_1424 = arith.constant 0 : i32
      %add3A_1425 = arith.addi %add3A_1424, %mul3A_1423 : i32
      %mul3A_1426 = arith.constant 16 : i32
      %mul3A_1427 = arith.muli %add3A_1425, %mul3A_1426 : i32
      %multiple_of3A_1428 = tpu.assume_multiple %mul3A_1427, 16 : i32
      %get3A_1429 = arith.index_cast %multiple_of3A_1428 : i32 to index
      %get3A_1430 = tpu.vector_load %arg6[%get3A_1429] {strides = array<i32>} : memref<512xi32, #tpu.memory_space<vmem>>, vector<16xi32>,
      %max3A_1431 = arith.constant 0 : i32
      %max3A_1432 = vector.broadcast %max3A_1431 : i32 to vector<16xi32>
      %max3A_1433 = arith.maxsi %get3A_1430, %max3A_1432 : vector<16xi32>
      %min3A_1434 = arith.constant 99999 : i32
      %min3A_1435 = vector.broadcast %min3A_1434 : i32 to vector<16xi32>
      %min3A_1436 = arith.minsi %max3A_1433, %min3A_1435 : vector<16xi32>
      %swap3A_1437 = arith.index_cast %multiple_of3A_1428 : i32 to index
      %swap3A_1438 = tpu.vector_load %arg6[%swap3A_1437] {strides = array<i32>} : memref<512xi32, #tpu.memory_space<vmem>>, vector<16xi32>,
      tpu.vector_store %arg6[%swap3A_1437], %min3A_1436 {strides = array<i32>} : memref<512xi32, #tpu.memory_space<vmem>>, vector<16xi32>,
    }
    %scan3A_8 = arith.constant 32 : i32
    %dma_start3A_9 = arith.constant 0 : i32
    %dma_start3A_10 = arith.constant 0 : i32
    %dma_start3A_11 = arith.constant 0 : i32
    %dma_start3A_12 = tpu.memref_slice %arg7[%dma_start3A_9, %dma_start3A_11] : memref<10x512xf32, #tpu.memory_space<vmem>> -> memref<1x128xf32, #tpu.memory_space<vmem>>
    %dma_start3A_13 = tpu.memref_squeeze %dma_start3A_12 : memref<1x128xf32, #tpu.memory_space<vmem>> -> memref<128xf32, #tpu.memory_space<vmem>>
    %dma_start3A_14 = arith.constant 0 : i32
    %dma_start3A_15 = tpu.memref_slice %arg6[%dma_start3A_14] : memref<512xi32, #tpu.memory_space<vmem>> -> memref<128xi32, #tpu.memory_space<vmem>>
    %dma_start3A_16 = arith.constant 0 : i32
    %dma_start3A_17 = tpu.memref_slice %arg3[%dma_start3A_16] : memref<1000000xf32, #tpu.memory_space<hbm>> -> memref<100000xf32, #tpu.memory_space<hbm>>
    %dma_start3A_18 = arith.constant 0 : i32
    %dma_start3A_19 = tpu.memref_slice %dma_start3A_17[%dma_start3A_18] : memref<100000xf32, #tpu.memory_space<hbm>> -> memref<100000xf32, #tpu.memory_space<hbm>>
    %dma_start3A_20 = tpu.memref_slice %arg9[%dma_start3A_10] : memref<10x!tpu.dma_semaphore, #tpu.memory_space<semaphore_mem>> -> memref<1x!tpu.dma_semaphore, #tpu.memory_space<semaphore_mem>>
    %dma_start3A_21 = tpu.memref_squeeze %dma_start3A_20 : memref<1x!tpu.dma_semaphore, #tpu.memory_space<semaphore_mem>> -> memref<!tpu.dma_semaphore, #tpu.memory_space<semaphore_mem>>
    tpu.enqueue_indirect_dma source(%dma_start3A_19 : memref<100000xf32, #tpu.memory_space<hbm>>) target(%dma_start3A_13 : memref<128xf32, #tpu.memory_space<vmem>>) offsets(%dma_start3A_15 : memref<128xi32, #tpu.memory_space<vmem>>) semaphore(%dma_start3A_21 : memref<!tpu.dma_semaphore, #tpu.memory_space<semaphore_mem>>)
    %dma_start3A_22 = arith.constant 0 : i32
    %dma_start3A_23 = arith.constant 0 : i32
    %dma_start3A_24 = arith.constant 128 : i32
    %dma_start3A_25 = tpu.memref_slice %arg7[%dma_start3A_22, %dma_start3A_24] : memref<10x512xf32, #tpu.memory_space<vmem>> -> memref<1x128xf32, #tpu.memory_space<vmem>>
    %dma_start3A_26 = tpu.memref_squeeze %dma_start3A_25 : memref<1x128xf32, #tpu.memory_space<vmem>> -> memref<128xf32, #tpu.memory_space<vmem>>
    %dma_start3A_27 = arith.constant 128 : i32
    %dma_start3A_28 = tpu.memref_slice %arg6[%dma_start3A_27] : memref<512xi32, #tpu.memory_space<vmem>> -> memref<128xi32, #tpu.memory_space<vmem>>
    %dma_start3A_29 = arith.constant 0 : i32
    %dma_start3A_30 = tpu.memref_slice %arg3[%dma_start3A_29] : memref<1000000xf32, #tpu.memory_space<hbm>> -> memref<100000xf32, #tpu.memory_space<hbm>>
    %dma_start3A_31 = arith.constant 0 : i32
    %dma_start3A_32 = tpu.memref_slice %dma_start3A_30[%dma_start3A_31] : memref<100000xf32, #tpu.memory_space<hbm>> -> memref<100000xf32, #tpu.memory_space<hbm>>
    %dma_start3A_33 = tpu.memref_slice %arg9[%dma_start3A_23] : memref<10x!tpu.dma_semaphore, #tpu.memory_space<semaphore_mem>> -> memref<1x!tpu.dma_semaphore, #tpu.memory_space<semaphore_mem>>
    %dma_start3A_34 = tpu.memref_squeeze %dma_start3A_33 : memref<1x!tpu.dma_semaphore, #tpu.memory_space<semaphore_mem>> -> memref<!tpu.dma_semaphore, #tpu.memory_space<semaphore_mem>>
    tpu.enqueue_indirect_dma source(%dma_start3A_32 : memref<100000xf32, #tpu.memory_space<hbm>>) target(%dma_start3A_26 : memref<128xf32, #tpu.memory_space<vmem>>) offsets(%dma_start3A_28 : memref<128xi32, #tpu.memory_space<vmem>>) semaphore(%dma_start3A_34 : memref<!tpu.dma_semaphore, #tpu.memory_space<semaphore_mem>>)
    %dma_start3A_35 = arith.constant 0 : i32
    %dma_start3A_36 = arith.constant 0 : i32
    %dma_start3A_37 = arith.constant 256 : i32
    %dma_start3A_38 = tpu.memref_slice %arg7[%dma_start3A_35, %dma_start3A_37] : memref<10x512xf32, #tpu.memory_space<vmem>> -> memref<1x128xf32, #tpu.memory_space<vmem>>
    %dma_start3A_39 = tpu.memref_squeeze %dma_start3A_38 : memref<1x128xf32, #tpu.memory_space<vmem>> -> memref<128xf32, #tpu.memory_space<vmem>>
    %dma_start3A_40 = arith.constant 256 : i32
    %dma_start3A_41 = tpu.memref_slice %arg6[%dma_start3A_40] : memref<512xi32, #tpu.memory_space<vmem>> -> memref<128xi32, #tpu.memory_space<vmem>>
    %dma_start3A_42 = arith.constant 0 : i32
    %dma_start3A_43 = tpu.memref_slice %arg3[%dma_start3A_42] : memref<1000000xf32, #tpu.memory_space<hbm>> -> memref<100000xf32, #tpu.memory_space<hbm>>
    %dma_start3A_44 = arith.constant 0 : i32
    %dma_start3A_45 = tpu.memref_slice %dma_start3A_43[%dma_start3A_44] : memref<100000xf32, #tpu.memory_space<hbm>> -> memref<100000xf32, #tpu.memory_space<hbm>>
    %dma_start3A_46 = tpu.memref_slice %arg9[%dma_start3A_36] : memref<10x!tpu.dma_semaphore, #tpu.memory_space<semaphore_mem>> -> memref<1x!tpu.dma_semaphore, #tpu.memory_space<semaphore_mem>>
    %dma_start3A_47 = tpu.memref_squeeze %dma_start3A_46 : memref<1x!tpu.dma_semaphore, #tpu.memory_space<semaphore_mem>> -> memref<!tpu.dma_semaphore, #tpu.memory_space<semaphore_mem>>
    tpu.enqueue_indirect_dma source(%dma_start3A_45 : memref<100000xf32, #tpu.memory_space<hbm>>) target(%dma_start3A_39 : memref<128xf32, #tpu.memory_space<vmem>>) offsets(%dma_start3A_41 : memref<128xi32, #tpu.memory_space<vmem>>) semaphore(%dma_start3A_47 : memref<!tpu.dma_semaphore, #tpu.memory_space<semaphore_mem>>)
    %dma_start3A_48 = arith.constant 0 : i32
    %dma_start3A_49 = arith.constant 0 : i32
    %dma_start3A_50 = arith.constant 384 : i32
    %dma_start3A_51 = tpu.memref_slice %arg7[%dma_start3A_48, %dma_start3A_50] : memref<10x512xf32, #tpu.memory_space<vmem>> -> memref<1x128xf32, #tpu.memory_space<vmem>>
    %dma_start3A_52 = tpu.memref_squeeze %dma_start3A_51 : memref<1x128xf32, #tpu.memory_space<vmem>> -> memref<128xf32, #tpu.memory_space<vmem>>
    %dma_start3A_53 = arith.constant 384 : i32
    %dma_start3A_54 = tpu.memref_slice %arg6[%dma_start3A_53] : memref<512xi32, #tpu.memory_space<vmem>> -> memref<128xi32, #tpu.memory_space<vmem>>
    %dma_start3A_55 = arith.constant 0 : i32
    %dma_start3A_56 = tpu.memref_slice %arg3[%dma_start3A_55] : memref<1000000xf32, #tpu.memory_space<hbm>> -> memref<100000xf32, #tpu.memory_space<hbm>>
    %dma_start3A_57 = arith.constant 0 : i32
    %dma_start3A_58 = tpu.memref_slice %dma_start3A_56[%dma_start3A_57] : memref<100000xf32, #tpu.memory_space<hbm>> -> memref<100000xf32, #tpu.memory_space<hbm>>
    %dma_start3A_59 = tpu.memref_slice %arg9[%dma_start3A_49] : memref<10x!tpu.dma_semaphore, #tpu.memory_space<semaphore_mem>> -> memref<1x!tpu.dma_semaphore, #tpu.memory_space<semaphore_mem>>
    %dma_start3A_60 = tpu.memref_squeeze %dma_start3A_59 : memref<1x!tpu.dma_semaphore, #tpu.memory_space<semaphore_mem>> -> memref<!tpu.dma_semaphore, #tpu.memory_space<semaphore_mem>>
    tpu.enqueue_indirect_dma source(%dma_start3A_58 : memref<100000xf32, #tpu.memory_space<hbm>>) target(%dma_start3A_52 : memref<128xf32, #tpu.memory_space<vmem>>) offsets(%dma_start3A_54 : memref<128xi32, #tpu.memory_space<vmem>>) semaphore(%dma_start3A_60 : memref<!tpu.dma_semaphore, #tpu.memory_space<semaphore_mem>>)
    %dma_start3A_61 = arith.constant 1 : i32
    %dma_start3A_62 = arith.constant 1 : i32
    %dma_start3A_63 = arith.constant 0 : i32
    %dma_start3A_64 = tpu.memref_slice %arg7[%dma_start3A_61, %dma_start3A_63] : memref<10x512xf32, #tpu.memory_space<vmem>> -> memref<1x128xf32, #tpu.memory_space<vmem>>
    %dma_start3A_65 = tpu.memref_squeeze %dma_start3A_64 : memref<1x128xf32, #tpu.memory_space<vmem>> -> memref<128xf32, #tpu.memory_space<vmem>>
    %dma_start3A_66 = arith.constant 0 : i32
    %dma_start3A_67 = tpu.memref_slice %arg6[%dma_start3A_66] : memref<512xi32, #tpu.memory_space<vmem>> -> memref<128xi32, #tpu.memory_space<vmem>>
    %dma_start3A_68 = arith.constant 100000 : i32
    %dma_start3A_69 = tpu.memref_slice %arg3[%dma_start3A_68] : memref<1000000xf32, #tpu.memory_space<hbm>> -> memref<100000xf32, #tpu.memory_space<hbm>>
    %dma_start3A_70 = arith.constant 0 : i32
    %dma_start3A_71 = tpu.memref_slice %dma_start3A_69[%dma_start3A_70] : memref<100000xf32, #tpu.memory_space<hbm>> -> memref<100000xf32, #tpu.memory_space<hbm>>
    %dma_start3A_72 = tpu.memref_slice %arg9[%dma_start3A_62] : memref<10x!tpu.dma_semaphore, #tpu.memory_space<semaphore_mem>> -> memref<1x!tpu.dma_semaphore, #tpu.memory_space<semaphore_mem>>
    %dma_start3A_73 = tpu.memref_squeeze %dma_start3A_72 : memref<1x!tpu.dma_semaphore, #tpu.memory_space<semaphore_mem>> -> memref<!tpu.dma_semaphore, #tpu.memory_space<semaphore_mem>>
    tpu.enqueue_indirect_dma source(%dma_start3A_71 : memref<100000xf32, #tpu.memory_space<hbm>>) target(%dma_start3A_65 : memref<128xf32, #tpu.memory_space<vmem>>) offsets(%dma_start3A_67 : memref<128xi32, #tpu.memory_space<vmem>>) semaphore(%dma_start3A_73 : memref<!tpu.dma_semaphore, #tpu.memory_space<semaphore_mem>>)
    %dma_start3A_74 = arith.constant 1 : i32
    %dma_start3A_75 = arith.constant 1 : i32
    %dma_start3A_76 = arith.constant 128 : i32
    %dma_start3A_77 = tpu.memref_slice %arg7[%dma_start3A_74, %dma_start3A_76] : memref<10x512xf32, #tpu.memory_space<vmem>> -> memref<1x128xf32, #tpu.memory_space<vmem>>
    %dma_start3A_78 = tpu.memref_squeeze %dma_start3A_77 : memref<1x128xf32, #tpu.memory_space<vmem>> -> memref<128xf32, #tpu.memory_space<vmem>>
    %dma_start3A_79 = arith.constant 128 : i32
    %dma_start3A_80 = tpu.memref_slice %arg6[%dma_start3A_79] : memref<512xi32, #tpu.memory_space<vmem>> -> memref<128xi32, #tpu.memory_space<vmem>>
    %dma_start3A_81 = arith.constant 100000 : i32
    %dma_start3A_82 = tpu.memref_slice %arg3[%dma_start3A_81] : memref<1000000xf32, #tpu.memory_space<hbm>> -> memref<100000xf32, #tpu.memory_space<hbm>>
    %dma_start3A_83 = arith.constant 0 : i32
    %dma_start3A_84 = tpu.memref_slice %dma_start3A_82[%dma_start3A_83] : memref<100000xf32, #tpu.memory_space<hbm>> -> memref<100000xf32, #tpu.memory_space<hbm>>
    %dma_start3A_85 = tpu.memref_slice %arg9[%dma_start3A_75] : memref<10x!tpu.dma_semaphore, #tpu.memory_space<semaphore_mem>> -> memref<1x!tpu.dma_semaphore, #tpu.memory_space<semaphore_mem>>
    %dma_start3A_86 = tpu.memref_squeeze %dma_start3A_85 : memref<1x!tpu.dma_semaphore, #tpu.memory_space<semaphore_mem>> -> memref<!tpu.dma_semaphore, #tpu.memory_space<semaphore_mem>>
    tpu.enqueue_indirect_dma source(%dma_start3A_84 : memref<100000xf32, #tpu.memory_space<hbm>>) target(%dma_start3A_78 : memref<128xf32, #tpu.memory_space<vmem>>) offsets(%dma_start3A_80 : memref<128xi32, #tpu.memory_space<vmem>>) semaphore(%dma_start3A_86 : memref<!tpu.dma_semaphore, #tpu.memory_space<semaphore_mem>>)
    %dma_start3A_87 = arith.constant 1 : i32
    %dma_start3A_88 = arith.constant 1 : i32
    %dma_start3A_89 = arith.constant 256 : i32
    %dma_start3A_90 = tpu.memref_slice %arg7[%dma_start3A_87, %dma_start3A_89] : memref<10x512xf32, #tpu.memory_space<vmem>> -> memref<1x128xf32, #tpu.memory_space<vmem>>
    %dma_start3A_91 = tpu.memref_squeeze %dma_start3A_90 : memref<1x128xf32, #tpu.memory_space<vmem>> -> memref<128xf32, #tpu.memory_space<vmem>>
    %dma_start3A_92 = arith.constant 256 : i32
    %dma_start3A_93 = tpu.memref_slice %arg6[%dma_start3A_92] : memref<512xi32, #tpu.memory_space<vmem>> -> memref<128xi32, #tpu.memory_space<vmem>>
    %dma_start3A_94 = arith.constant 100000 : i32
    %dma_start3A_95 = tpu.memref_slice %arg3[%dma_start3A_94] : memref<1000000xf32, #tpu.memory_space<hbm>> -> memref<100000xf32, #tpu.memory_space<hbm>>
    %dma_start3A_96 = arith.constant 0 : i32
    %dma_start3A_97 = tpu.memref_slice %dma_start3A_95[%dma_start3A_96] : memref<100000xf32, #tpu.memory_space<hbm>> -> memref<100000xf32, #tpu.memory_space<hbm>>
    %dma_start3A_98 = tpu.memref_slice %arg9[%dma_start3A_88] : memref<10x!tpu.dma_semaphore, #tpu.memory_space<semaphore_mem>> -> memref<1x!tpu.dma_semaphore, #tpu.memory_space<semaphore_mem>>
    %dma_start3A_99 = tpu.memref_squeeze %dma_start3A_98 : memref<1x!tpu.dma_semaphore, #tpu.memory_space<semaphore_mem>> -> memref<!tpu.dma_semaphore, #tpu.memory_space<semaphore_mem>>
    tpu.enqueue_indirect_dma source(%dma_start3A_97 : memref<100000xf32, #tpu.memory_space<hbm>>) target(%dma_start3A_91 : memref<128xf32, #tpu.memory_space<vmem>>) offsets(%dma_start3A_93 : memref<128xi32, #tpu.memory_space<vmem>>) semaphore(%dma_start3A_99 : memref<!tpu.dma_semaphore, #tpu.memory_space<semaphore_mem>>)
    %dma_start3A_100 = arith.constant 1 : i32
    %dma_start3A_101 = arith.constant 1 : i32
    %dma_start3A_102 = arith.constant 384 : i32
    %dma_start3A_103 = tpu.memref_slice %arg7[%dma_start3A_100, %dma_start3A_102] : memref<10x512xf32, #tpu.memory_space<vmem>> -> memref<1x128xf32, #tpu.memory_space<vmem>>
    %dma_start3A_104 = tpu.memref_squeeze %dma_start3A_103 : memref<1x128xf32, #tpu.memory_space<vmem>> -> memref<128xf32, #tpu.memory_space<vmem>>
    %dma_start3A_105 = arith.constant 384 : i32
    %dma_start3A_106 = tpu.memref_slice %arg6[%dma_start3A_105] : memref<512xi32, #tpu.memory_space<vmem>> -> memref<128xi32, #tpu.memory_space<vmem>>
    %dma_start3A_107 = arith.constant 100000 : i32
    %dma_start3A_108 = tpu.memref_slice %arg3[%dma_start3A_107] : memref<1000000xf32, #tpu.memory_space<hbm>> -> memref<100000xf32, #tpu.memory_space<hbm>>
    %dma_start3A_109 = arith.constant 0 : i32
    %dma_start3A_110 = tpu.memref_slice %dma_start3A_108[%dma_start3A_109] : memref<100000xf32, #tpu.memory_space<hbm>> -> memref<100000xf32, #tpu.memory_space<hbm>>
    %dma_start3A_111 = tpu.memref_slice %arg9[%dma_start3A_101] : memref<10x!tpu.dma_semaphore, #tpu.memory_space<semaphore_mem>> -> memref<1x!tpu.dma_semaphore, #tpu.memory_space<semaphore_mem>>
    %dma_start3A_112 = tpu.memref_squeeze %dma_start3A_111 : memref<1x!tpu.dma_semaphore, #tpu.memory_space<semaphore_mem>> -> memref<!tpu.dma_semaphore, #tpu.memory_space<semaphore_mem>>
    tpu.enqueue_indirect_dma source(%dma_start3A_110 : memref<100000xf32, #tpu.memory_space<hbm>>) target(%dma_start3A_104 : memref<128xf32, #tpu.memory_space<vmem>>) offsets(%dma_start3A_106 : memref<128xi32, #tpu.memory_space<vmem>>) semaphore(%dma_start3A_112 : memref<!tpu.dma_semaphore, #tpu.memory_space<semaphore_mem>>)
    %dma_start3A_113 = arith.constant 2 : i32
    %dma_start3A_114 = arith.constant 2 : i32
    %dma_start3A_115 = arith.constant 0 : i32
    %dma_start3A_116 = tpu.memref_slice %arg7[%dma_start3A_113, %dma_start3A_115] : memref<10x512xf32, #tpu.memory_space<vmem>> -> memref<1x128xf32, #tpu.memory_space<vmem>>
    %dma_start3A_117 = tpu.memref_squeeze %dma_start3A_116 : memref<1x128xf32, #tpu.memory_space<vmem>> -> memref<128xf32, #tpu.memory_space<vmem>>
    %dma_start3A_118 = arith.constant 0 : i32
    %dma_start3A_119 = tpu.memref_slice %arg6[%dma_start3A_118] : memref<512xi32, #tpu.memory_space<vmem>> -> memref<128xi32, #tpu.memory_space<vmem>>
    %dma_start3A_120 = arith.constant 200000 : i32
    %dma_start3A_121 = tpu.memref_slice %arg3[%dma_start3A_120] : memref<1000000xf32, #tpu.memory_space<hbm>> -> memref<100000xf32, #tpu.memory_space<hbm>>
    %dma_start3A_122 = arith.constant 0 : i32
    %dma_start3A_123 = tpu.memref_slice %dma_start3A_121[%dma_start3A_122] : memref<100000xf32, #tpu.memory_space<hbm>> -> memref<100000xf32, #tpu.memory_space<hbm>>
    %dma_start3A_124 = tpu.memref_slice %arg9[%dma_start3A_114] : memref<10x!tpu.dma_semaphore, #tpu.memory_space<semaphore_mem>> -> memref<1x!tpu.dma_semaphore, #tpu.memory_space<semaphore_mem>>
    %dma_start3A_125 = tpu.memref_squeeze %dma_start3A_124 : memref<1x!tpu.dma_semaphore, #tpu.memory_space<semaphore_mem>> -> memref<!tpu.dma_semaphore, #tpu.memory_space<semaphore_mem>>
    tpu.enqueue_indirect_dma source(%dma_start3A_123 : memref<100000xf32, #tpu.memory_space<hbm>>) target(%dma_start3A_117 : memref<128xf32, #tpu.memory_space<vmem>>) offsets(%dma_start3A_119 : memref<128xi32, #tpu.memory_space<vmem>>) semaphore(%dma_start3A_125 : memref<!tpu.dma_semaphore, #tpu.memory_space<semaphore_mem>>)
    %dma_start3A_126 = arith.constant 2 : i32
    %dma_start3A_127 = arith.constant 2 : i32
    %dma_start3A_128 = arith.constant 128 : i32
    %dma_start3A_129 = tpu.memref_slice %arg7[%dma_start3A_126, %dma_start3A_128] : memref<10x512xf32, #tpu.memory_space<vmem>> -> memref<1x128xf32, #tpu.memory_space<vmem>>
    %dma_start3A_130 = tpu.memref_squeeze %dma_start3A_129 : memref<1x128xf32, #tpu.memory_space<vmem>> -> memref<128xf32, #tpu.memory_space<vmem>>
    %dma_start3A_131 = arith.constant 128 : i32
    %dma_start3A_132 = tpu.memref_slice %arg6[%dma_start3A_131] : memref<512xi32, #tpu.memory_space<vmem>> -> memref<128xi32, #tpu.memory_space<vmem>>
    %dma_start3A_133 = arith.constant 200000 : i32
    %dma_start3A_134 = tpu.memref_slice %arg3[%dma_start3A_133] : memref<1000000xf32, #tpu.memory_space<hbm>> -> memref<100000xf32, #tpu.memory_space<hbm>>
    %dma_start3A_135 = arith.constant 0 : i32
    %dma_start3A_136 = tpu.memref_slice %dma_start3A_134[%dma_start3A_135] : memref<100000xf32, #tpu.memory_space<hbm>> -> memref<100000xf32, #tpu.memory_space<hbm>>
    %dma_start3A_137 = tpu.memref_slice %arg9[%dma_start3A_127] : memref<10x!tpu.dma_semaphore, #tpu.memory_space<semaphore_mem>> -> memref<1x!tpu.dma_semaphore, #tpu.memory_space<semaphore_mem>>
    %dma_start3A_138 = tpu.memref_squeeze %dma_start3A_137 : memref<1x!tpu.dma_semaphore, #tpu.memory_space<semaphore_mem>> -> memref<!tpu.dma_semaphore, #tpu.memory_space<semaphore_mem>>
    tpu.enqueue_indirect_dma source(%dma_start3A_136 : memref<100000xf32, #tpu.memory_space<hbm>>) target(%dma_start3A_130 : memref<128xf32, #tpu.memory_space<vmem>>) offsets(%dma_start3A_132 : memref<128xi32, #tpu.memory_space<vmem>>) semaphore(%dma_start3A_138 : memref<!tpu.dma_semaphore, #tpu.memory_space<semaphore_mem>>)
    %dma_start3A_139 = arith.constant 2 : i32
    %dma_start3A_140 = arith.constant 2 : i32
    %dma_start3A_141 = arith.constant 256 : i32
    %dma_start3A_142 = tpu.memref_slice %arg7[%dma_start3A_139, %dma_start3A_141] : memref<10x512xf32, #tpu.memory_space<vmem>> -> memref<1x128xf32, #tpu.memory_space<vmem>>
    %dma_start3A_143 = tpu.memref_squeeze %dma_start3A_142 : memref<1x128xf32, #tpu.memory_space<vmem>> -> memref<128xf32, #tpu.memory_space<vmem>>
    %dma_start3A_144 = arith.constant 256 : i32
    %dma_start3A_145 = tpu.memref_slice %arg6[%dma_start3A_144] : memref<512xi32, #tpu.memory_space<vmem>> -> memref<128xi32, #tpu.memory_space<vmem>>
    %dma_start3A_146 = arith.constant 200000 : i32
    %dma_start3A_147 = tpu.memref_slice %arg3[%dma_start3A_146] : memref<1000000xf32, #tpu.memory_space<hbm>> -> memref<100000xf32, #tpu.memory_space<hbm>>
    %dma_start3A_148 = arith.constant 0 : i32
    %dma_start3A_149 = tpu.memref_slice %dma_start3A_147[%dma_start3A_148] : memref<100000xf32, #tpu.memory_space<hbm>> -> memref<100000xf32, #tpu.memory_space<hbm>>
    %dma_start3A_150 = tpu.memref_slice %arg9[%dma_start3A_140] : memref<10x!tpu.dma_semaphore, #tpu.memory_space<semaphore_mem>> -> memref<1x!tpu.dma_semaphore, #tpu.memory_space<semaphore_mem>>
    %dma_start3A_151 = tpu.memref_squeeze %dma_start3A_150 : memref<1x!tpu.dma_semaphore, #tpu.memory_space<semaphore_mem>> -> memref<!tpu.dma_semaphore, #tpu.memory_space<semaphore_mem>>
    tpu.enqueue_indirect_dma source(%dma_start3A_149 : memref<100000xf32, #tpu.memory_space<hbm>>) target(%dma_start3A_143 : memref<128xf32, #tpu.memory_space<vmem>>) offsets(%dma_start3A_145 : memref<128xi32, #tpu.memory_space<vmem>>) semaphore(%dma_start3A_151 : memref<!tpu.dma_semaphore, #tpu.memory_space<semaphore_mem>>)
    %dma_start3A_152 = arith.constant 2 : i32
    %dma_start3A_153 = arith.constant 2 : i32
    %dma_start3A_154 = arith.constant 384 : i32
    %dma_start3A_155 = tpu.memref_slice %arg7[%dma_start3A_152, %dma_start3A_154] : memref<10x512xf32, #tpu.memory_space<vmem>> -> memref<1x128xf32, #tpu.memory_space<vmem>>
    %dma_start3A_156 = tpu.memref_squeeze %dma_start3A_155 : memref<1x128xf32, #tpu.memory_space<vmem>> -> memref<128xf32, #tpu.memory_space<vmem>>
    %dma_start3A_157 = arith.constant 384 : i32
    %dma_start3A_158 = tpu.memref_slice %arg6[%dma_start3A_157] : memref<512xi32, #tpu.memory_space<vmem>> -> memref<128xi32, #tpu.memory_space<vmem>>
    %dma_start3A_159 = arith.constant 200000 : i32
    %dma_start3A_160 = tpu.memref_slice %arg3[%dma_start3A_159] : memref<1000000xf32, #tpu.memory_space<hbm>> -> memref<100000xf32, #tpu.memory_space<hbm>>
    %dma_start3A_161 = arith.constant 0 : i32
    %dma_start3A_162 = tpu.memref_slice %dma_start3A_160[%dma_start3A_161] : memref<100000xf32, #tpu.memory_space<hbm>> -> memref<100000xf32, #tpu.memory_space<hbm>>
    %dma_start3A_163 = tpu.memref_slice %arg9[%dma_start3A_153] : memref<10x!tpu.dma_semaphore, #tpu.memory_space<semaphore_mem>> -> memref<1x!tpu.dma_semaphore, #tpu.memory_space<semaphore_mem>>
    %dma_start3A_164 = tpu.memref_squeeze %dma_start3A_163 : memref<1x!tpu.dma_semaphore, #tpu.memory_space<semaphore_mem>> -> memref<!tpu.dma_semaphore, #tpu.memory_space<semaphore_mem>>
    tpu.enqueue_indirect_dma source(%dma_start3A_162 : memref<100000xf32, #tpu.memory_space<hbm>>) target(%dma_start3A_156 : memref<128xf32, #tpu.memory_space<vmem>>) offsets(%dma_start3A_158 : memref<128xi32, #tpu.memory_space<vmem>>) semaphore(%dma_start3A_164 : memref<!tpu.dma_semaphore, #tpu.memory_space<semaphore_mem>>)
    %dma_start3A_165 = arith.constant 3 : i32
    %dma_start3A_166 = arith.constant 3 : i32
    %dma_start3A_167 = arith.constant 0 : i32
    %dma_start3A_168 = tpu.memref_slice %arg7[%dma_start3A_165, %dma_start3A_167] : memref<10x512xf32, #tpu.memory_space<vmem>> -> memref<1x128xf32, #tpu.memory_space<vmem>>
    %dma_start3A_169 = tpu.memref_squeeze %dma_start3A_168 : memref<1x128xf32, #tpu.memory_space<vmem>> -> memref<128xf32, #tpu.memory_space<vmem>>
    %dma_start3A_170 = arith.constant 0 : i32
    %dma_start3A_171 = tpu.memref_slice %arg6[%dma_start3A_170] : memref<512xi32, #tpu.memory_space<vmem>> -> memref<128xi32, #tpu.memory_space<vmem>>
    %dma_start3A_172 = arith.constant 300000 : i32
    %dma_start3A_173 = tpu.memref_slice %arg3[%dma_start3A_172] : memref<1000000xf32, #tpu.memory_space<hbm>> -> memref<100000xf32, #tpu.memory_space<hbm>>
    %dma_start3A_174 = arith.constant 0 : i32
    %dma_start3A_175 = tpu.memref_slice %dma_start3A_173[%dma_start3A_174] : memref<100000xf32, #tpu.memory_space<hbm>> -> memref<100000xf32, #tpu.memory_space<hbm>>
    %dma_start3A_176 = tpu.memref_slice %arg9[%dma_start3A_166] : memref<10x!tpu.dma_semaphore, #tpu.memory_space<semaphore_mem>> -> memref<1x!tpu.dma_semaphore, #tpu.memory_space<semaphore_mem>>
    %dma_start3A_177 = tpu.memref_squeeze %dma_start3A_176 : memref<1x!tpu.dma_semaphore, #tpu.memory_space<semaphore_mem>> -> memref<!tpu.dma_semaphore, #tpu.memory_space<semaphore_mem>>
    tpu.enqueue_indirect_dma source(%dma_start3A_175 : memref<100000xf32, #tpu.memory_space<hbm>>) target(%dma_start3A_169 : memref<128xf32, #tpu.memory_space<vmem>>) offsets(%dma_start3A_171 : memref<128xi32, #tpu.memory_space<vmem>>) semaphore(%dma_start3A_177 : memref<!tpu.dma_semaphore, #tpu.memory_space<semaphore_mem>>)
    %dma_start3A_178 = arith.constant 3 : i32
    %dma_start3A_179 = arith.constant 3 : i32
    %dma_start3A_180 = arith.constant 128 : i32
    %dma_start3A_181 = tpu.memref_slice %arg7[%dma_start3A_178, %dma_start3A_180] : memref<10x512xf32, #tpu.memory_space<vmem>> -> memref<1x128xf32, #tpu.memory_space<vmem>>
    %dma_start3A_182 = tpu.memref_squeeze %dma_start3A_181 : memref<1x128xf32, #tpu.memory_space<vmem>> -> memref<128xf32, #tpu.memory_space<vmem>>
    %dma_start3A_183 = arith.constant 128 : i32
    %dma_start3A_184 = tpu.memref_slice %arg6[%dma_start3A_183] : memref<512xi32, #tpu.memory_space<vmem>> -> memref<128xi32, #tpu.memory_space<vmem>>
    %dma_start3A_185 = arith.constant 300000 : i32
    %dma_start3A_186 = tpu.memref_slice %arg3[%dma_start3A_185] : memref<1000000xf32, #tpu.memory_space<hbm>> -> memref<100000xf32, #tpu.memory_space<hbm>>
    %dma_start3A_187 = arith.constant 0 : i32
    %dma_start3A_188 = tpu.memref_slice %dma_start3A_186[%dma_start3A_187] : memref<100000xf32, #tpu.memory_space<hbm>> -> memref<100000xf32, #tpu.memory_space<hbm>>
    %dma_start3A_189 = tpu.memref_slice %arg9[%dma_start3A_179] : memref<10x!tpu.dma_semaphore, #tpu.memory_space<semaphore_mem>> -> memref<1x!tpu.dma_semaphore, #tpu.memory_space<semaphore_mem>>
    %dma_start3A_190 = tpu.memref_squeeze %dma_start3A_189 : memref<1x!tpu.dma_semaphore, #tpu.memory_space<semaphore_mem>> -> memref<!tpu.dma_semaphore, #tpu.memory_space<semaphore_mem>>
    tpu.enqueue_indirect_dma source(%dma_start3A_188 : memref<100000xf32, #tpu.memory_space<hbm>>) target(%dma_start3A_182 : memref<128xf32, #tpu.memory_space<vmem>>) offsets(%dma_start3A_184 : memref<128xi32, #tpu.memory_space<vmem>>) semaphore(%dma_start3A_190 : memref<!tpu.dma_semaphore, #tpu.memory_space<semaphore_mem>>)
    %dma_start3A_191 = arith.constant 3 : i32
    %dma_start3A_192 = arith.constant 3 : i32
    %dma_start3A_193 = arith.constant 256 : i32
    %dma_start3A_194 = tpu.memref_slice %arg7[%dma_start3A_191, %dma_start3A_193] : memref<10x512xf32, #tpu.memory_space<vmem>> -> memref<1x128xf32, #tpu.memory_space<vmem>>
    %dma_start3A_195 = tpu.memref_squeeze %dma_start3A_194 : memref<1x128xf32, #tpu.memory_space<vmem>> -> memref<128xf32, #tpu.memory_space<vmem>>
    %dma_start3A_196 = arith.constant 256 : i32
    %dma_start3A_197 = tpu.memref_slice %arg6[%dma_start3A_196] : memref<512xi32, #tpu.memory_space<vmem>> -> memref<128xi32, #tpu.memory_space<vmem>>
    %dma_start3A_198 = arith.constant 300000 : i32
    %dma_start3A_199 = tpu.memref_slice %arg3[%dma_start3A_198] : memref<1000000xf32, #tpu.memory_space<hbm>> -> memref<100000xf32, #tpu.memory_space<hbm>>
    %dma_start3A_200 = arith.constant 0 : i32
    %dma_start3A_201 = tpu.memref_slice %dma_start3A_199[%dma_start3A_200] : memref<100000xf32, #tpu.memory_space<hbm>> -> memref<100000xf32, #tpu.memory_space<hbm>>
    %dma_start3A_202 = tpu.memref_slice %arg9[%dma_start3A_192] : memref<10x!tpu.dma_semaphore, #tpu.memory_space<semaphore_mem>> -> memref<1x!tpu.dma_semaphore, #tpu.memory_space<semaphore_mem>>
    %dma_start3A_203 = tpu.memref_squeeze %dma_start3A_202 : memref<1x!tpu.dma_semaphore, #tpu.memory_space<semaphore_mem>> -> memref<!tpu.dma_semaphore, #tpu.memory_space<semaphore_mem>>
    tpu.enqueue_indirect_dma source(%dma_start3A_201 : memref<100000xf32, #tpu.memory_space<hbm>>) target(%dma_start3A_195 : memref<128xf32, #tpu.memory_space<vmem>>) offsets(%dma_start3A_197 : memref<128xi32, #tpu.memory_space<vmem>>) semaphore(%dma_start3A_203 : memref<!tpu.dma_semaphore, #tpu.memory_space<semaphore_mem>>)
    %dma_start3A_204 = arith.constant 3 : i32
    %dma_start3A_205 = arith.constant 3 : i32
    %dma_start3A_206 = arith.constant 384 : i32
    %dma_start3A_207 = tpu.memref_slice %arg7[%dma_start3A_204, %dma_start3A_206] : memref<10x512xf32, #tpu.memory_space<vmem>> -> memref<1x128xf32, #tpu.memory_space<vmem>>
    %dma_start3A_208 = tpu.memref_squeeze %dma_start3A_207 : memref<1x128xf32, #tpu.memory_space<vmem>> -> memref<128xf32, #tpu.memory_space<vmem>>
    %dma_start3A_209 = arith.constant 384 : i32
    %dma_start3A_210 = tpu.memref_slice %arg6[%dma_start3A_209] : memref<512xi32, #tpu.memory_space<vmem>> -> memref<128xi32, #tpu.memory_space<vmem>>
    %dma_start3A_211 = arith.constant 300000 : i32
    %dma_start3A_212 = tpu.memref_slice %arg3[%dma_start3A_211] : memref<1000000xf32, #tpu.memory_space<hbm>> -> memref<100000xf32, #tpu.memory_space<hbm>>
    %dma_start3A_213 = arith.constant 0 : i32
    %dma_start3A_214 = tpu.memref_slice %dma_start3A_212[%dma_start3A_213] : memref<100000xf32, #tpu.memory_space<hbm>> -> memref<100000xf32, #tpu.memory_space<hbm>>
    %dma_start3A_215 = tpu.memref_slice %arg9[%dma_start3A_205] : memref<10x!tpu.dma_semaphore, #tpu.memory_space<semaphore_mem>> -> memref<1x!tpu.dma_semaphore, #tpu.memory_space<semaphore_mem>>
    %dma_start3A_216 = tpu.memref_squeeze %dma_start3A_215 : memref<1x!tpu.dma_semaphore, #tpu.memory_space<semaphore_mem>> -> memref<!tpu.dma_semaphore, #tpu.memory_space<semaphore_mem>>
    tpu.enqueue_indirect_dma source(%dma_start3A_214 : memref<100000xf32, #tpu.memory_space<hbm>>) target(%dma_start3A_208 : memref<128xf32, #tpu.memory_space<vmem>>) offsets(%dma_start3A_210 : memref<128xi32, #tpu.memory_space<vmem>>) semaphore(%dma_start3A_216 : memref<!tpu.dma_semaphore, #tpu.memory_space<semaphore_mem>>)
    %dma_start3A_217 = arith.constant 4 : i32
    %dma_start3A_218 = arith.constant 4 : i32
    %dma_start3A_219 = arith.constant 0 : i32
    %dma_start3A_220 = tpu.memref_slice %arg7[%dma_start3A_217, %dma_start3A_219] : memref<10x512xf32, #tpu.memory_space<vmem>> -> memref<1x128xf32, #tpu.memory_space<vmem>>
    %dma_start3A_221 = tpu.memref_squeeze %dma_start3A_220 : memref<1x128xf32, #tpu.memory_space<vmem>> -> memref<128xf32, #tpu.memory_space<vmem>>
    %dma_start3A_222 = arith.constant 0 : i32
    %dma_start3A_223 = tpu.memref_slice %arg6[%dma_start3A_222] : memref<512xi32, #tpu.memory_space<vmem>> -> memref<128xi32, #tpu.memory_space<vmem>>
    %dma_start3A_224 = arith.constant 400000 : i32
    %dma_start3A_225 = tpu.memref_slice %arg3[%dma_start3A_224] : memref<1000000xf32, #tpu.memory_space<hbm>> -> memref<100000xf32, #tpu.memory_space<hbm>>
    %dma_start3A_226 = arith.constant 0 : i32
    %dma_start3A_227 = tpu.memref_slice %dma_start3A_225[%dma_start3A_226] : memref<100000xf32, #tpu.memory_space<hbm>> -> memref<100000xf32, #tpu.memory_space<hbm>>
    %dma_start3A_228 = tpu.memref_slice %arg9[%dma_start3A_218] : memref<10x!tpu.dma_semaphore, #tpu.memory_space<semaphore_mem>> -> memref<1x!tpu.dma_semaphore, #tpu.memory_space<semaphore_mem>>
    %dma_start3A_229 = tpu.memref_squeeze %dma_start3A_228 : memref<1x!tpu.dma_semaphore, #tpu.memory_space<semaphore_mem>> -> memref<!tpu.dma_semaphore, #tpu.memory_space<semaphore_mem>>
    tpu.enqueue_indirect_dma source(%dma_start3A_227 : memref<100000xf32, #tpu.memory_space<hbm>>) target(%dma_start3A_221 : memref<128xf32, #tpu.memory_space<vmem>>) offsets(%dma_start3A_223 : memref<128xi32, #tpu.memory_space<vmem>>) semaphore(%dma_start3A_229 : memref<!tpu.dma_semaphore, #tpu.memory_space<semaphore_mem>>)
    %dma_start3A_230 = arith.constant 4 : i32
    %dma_start3A_231 = arith.constant 4 : i32
    %dma_start3A_232 = arith.constant 128 : i32
    %dma_start3A_233 = tpu.memref_slice %arg7[%dma_start3A_230, %dma_start3A_232] : memref<10x512xf32, #tpu.memory_space<vmem>> -> memref<1x128xf32, #tpu.memory_space<vmem>>
    %dma_start3A_234 = tpu.memref_squeeze %dma_start3A_233 : memref<1x128xf32, #tpu.memory_space<vmem>> -> memref<128xf32, #tpu.memory_space<vmem>>
    %dma_start3A_235 = arith.constant 128 : i32
    %dma_start3A_236 = tpu.memref_slice %arg6[%dma_start3A_235] : memref<512xi32, #tpu.memory_space<vmem>> -> memref<128xi32, #tpu.memory_space<vmem>>
    %dma_start3A_237 = arith.constant 400000 : i32
    %dma_start3A_238 = tpu.memref_slice %arg3[%dma_start3A_237] : memref<1000000xf32, #tpu.memory_space<hbm>> -> memref<100000xf32, #tpu.memory_space<hbm>>
    %dma_start3A_239 = arith.constant 0 : i32
    %dma_start3A_240 = tpu.memref_slice %dma_start3A_238[%dma_start3A_239] : memref<100000xf32, #tpu.memory_space<hbm>> -> memref<100000xf32, #tpu.memory_space<hbm>>
    %dma_start3A_241 = tpu.memref_slice %arg9[%dma_start3A_231] : memref<10x!tpu.dma_semaphore, #tpu.memory_space<semaphore_mem>> -> memref<1x!tpu.dma_semaphore, #tpu.memory_space<semaphore_mem>>
    %dma_start3A_242 = tpu.memref_squeeze %dma_start3A_241 : memref<1x!tpu.dma_semaphore, #tpu.memory_space<semaphore_mem>> -> memref<!tpu.dma_semaphore, #tpu.memory_space<semaphore_mem>>
    tpu.enqueue_indirect_dma source(%dma_start3A_240 : memref<100000xf32, #tpu.memory_space<hbm>>) target(%dma_start3A_234 : memref<128xf32, #tpu.memory_space<vmem>>) offsets(%dma_start3A_236 : memref<128xi32, #tpu.memory_space<vmem>>) semaphore(%dma_start3A_242 : memref<!tpu.dma_semaphore, #tpu.memory_space<semaphore_mem>>)
    %dma_start3A_243 = arith.constant 4 : i32
    %dma_start3A_244 = arith.constant 4 : i32
    %dma_start3A_245 = arith.constant 256 : i32
    %dma_start3A_246 = tpu.memref_slice %arg7[%dma_start3A_243, %dma_start3A_245] : memref<10x512xf32, #tpu.memory_space<vmem>> -> memref<1x128xf32, #tpu.memory_space<vmem>>
    %dma_start3A_247 = tpu.memref_squeeze %dma_start3A_246 : memref<1x128xf32, #tpu.memory_space<vmem>> -> memref<128xf32, #tpu.memory_space<vmem>>
    %dma_start3A_248 = arith.constant 256 : i32
    %dma_start3A_249 = tpu.memref_slice %arg6[%dma_start3A_248] : memref<512xi32, #tpu.memory_space<vmem>> -> memref<128xi32, #tpu.memory_space<vmem>>
    %dma_start3A_250 = arith.constant 400000 : i32
    %dma_start3A_251 = tpu.memref_slice %arg3[%dma_start3A_250] : memref<1000000xf32, #tpu.memory_space<hbm>> -> memref<100000xf32, #tpu.memory_space<hbm>>
    %dma_start3A_252 = arith.constant 0 : i32
    %dma_start3A_253 = tpu.memref_slice %dma_start3A_251[%dma_start3A_252] : memref<100000xf32, #tpu.memory_space<hbm>> -> memref<100000xf32, #tpu.memory_space<hbm>>
    %dma_start3A_254 = tpu.memref_slice %arg9[%dma_start3A_244] : memref<10x!tpu.dma_semaphore, #tpu.memory_space<semaphore_mem>> -> memref<1x!tpu.dma_semaphore, #tpu.memory_space<semaphore_mem>>
    %dma_start3A_255 = tpu.memref_squeeze %dma_start3A_254 : memref<1x!tpu.dma_semaphore, #tpu.memory_space<semaphore_mem>> -> memref<!tpu.dma_semaphore, #tpu.memory_space<semaphore_mem>>
    tpu.enqueue_indirect_dma source(%dma_start3A_253 : memref<100000xf32, #tpu.memory_space<hbm>>) target(%dma_start3A_247 : memref<128xf32, #tpu.memory_space<vmem>>) offsets(%dma_start3A_249 : memref<128xi32, #tpu.memory_space<vmem>>) semaphore(%dma_start3A_255 : memref<!tpu.dma_semaphore, #tpu.memory_space<semaphore_mem>>)
    %dma_start3A_256 = arith.constant 4 : i32
    %dma_start3A_257 = arith.constant 4 : i32
    %dma_start3A_258 = arith.constant 384 : i32
    %dma_start3A_259 = tpu.memref_slice %arg7[%dma_start3A_256, %dma_start3A_258] : memref<10x512xf32, #tpu.memory_space<vmem>> -> memref<1x128xf32, #tpu.memory_space<vmem>>
    %dma_start3A_260 = tpu.memref_squeeze %dma_start3A_259 : memref<1x128xf32, #tpu.memory_space<vmem>> -> memref<128xf32, #tpu.memory_space<vmem>>
    %dma_start3A_261 = arith.constant 384 : i32
    %dma_start3A_262 = tpu.memref_slice %arg6[%dma_start3A_261] : memref<512xi32, #tpu.memory_space<vmem>> -> memref<128xi32, #tpu.memory_space<vmem>>
    %dma_start3A_263 = arith.constant 400000 : i32
    %dma_start3A_264 = tpu.memref_slice %arg3[%dma_start3A_263] : memref<1000000xf32, #tpu.memory_space<hbm>> -> memref<100000xf32, #tpu.memory_space<hbm>>
    %dma_start3A_265 = arith.constant 0 : i32
    %dma_start3A_266 = tpu.memref_slice %dma_start3A_264[%dma_start3A_265] : memref<100000xf32, #tpu.memory_space<hbm>> -> memref<100000xf32, #tpu.memory_space<hbm>>
    %dma_start3A_267 = tpu.memref_slice %arg9[%dma_start3A_257] : memref<10x!tpu.dma_semaphore, #tpu.memory_space<semaphore_mem>> -> memref<1x!tpu.dma_semaphore, #tpu.memory_space<semaphore_mem>>
    %dma_start3A_268 = tpu.memref_squeeze %dma_start3A_267 : memref<1x!tpu.dma_semaphore, #tpu.memory_space<semaphore_mem>> -> memref<!tpu.dma_semaphore, #tpu.memory_space<semaphore_mem>>
    tpu.enqueue_indirect_dma source(%dma_start3A_266 : memref<100000xf32, #tpu.memory_space<hbm>>) target(%dma_start3A_260 : memref<128xf32, #tpu.memory_space<vmem>>) offsets(%dma_start3A_262 : memref<128xi32, #tpu.memory_space<vmem>>) semaphore(%dma_start3A_268 : memref<!tpu.dma_semaphore, #tpu.memory_space<semaphore_mem>>)
    %dma_start3A_269 = arith.constant 5 : i32
    %dma_start3A_270 = arith.constant 5 : i32
    %dma_start3A_271 = arith.constant 0 : i32
    %dma_start3A_272 = tpu.memref_slice %arg7[%dma_start3A_269, %dma_start3A_271] : memref<10x512xf32, #tpu.memory_space<vmem>> -> memref<1x128xf32, #tpu.memory_space<vmem>>
    %dma_start3A_273 = tpu.memref_squeeze %dma_start3A_272 : memref<1x128xf32, #tpu.memory_space<vmem>> -> memref<128xf32, #tpu.memory_space<vmem>>
    %dma_start3A_274 = arith.constant 0 : i32
    %dma_start3A_275 = tpu.memref_slice %arg6[%dma_start3A_274] : memref<512xi32, #tpu.memory_space<vmem>> -> memref<128xi32, #tpu.memory_space<vmem>>
    %dma_start3A_276 = arith.constant 500000 : i32
    %dma_start3A_277 = tpu.memref_slice %arg3[%dma_start3A_276] : memref<1000000xf32, #tpu.memory_space<hbm>> -> memref<100000xf32, #tpu.memory_space<hbm>>
    %dma_start3A_278 = arith.constant 0 : i32
    %dma_start3A_279 = tpu.memref_slice %dma_start3A_277[%dma_start3A_278] : memref<100000xf32, #tpu.memory_space<hbm>> -> memref<100000xf32, #tpu.memory_space<hbm>>
    %dma_start3A_280 = tpu.memref_slice %arg9[%dma_start3A_270] : memref<10x!tpu.dma_semaphore, #tpu.memory_space<semaphore_mem>> -> memref<1x!tpu.dma_semaphore, #tpu.memory_space<semaphore_mem>>
    %dma_start3A_281 = tpu.memref_squeeze %dma_start3A_280 : memref<1x!tpu.dma_semaphore, #tpu.memory_space<semaphore_mem>> -> memref<!tpu.dma_semaphore, #tpu.memory_space<semaphore_mem>>
    tpu.enqueue_indirect_dma source(%dma_start3A_279 : memref<100000xf32, #tpu.memory_space<hbm>>) target(%dma_start3A_273 : memref<128xf32, #tpu.memory_space<vmem>>) offsets(%dma_start3A_275 : memref<128xi32, #tpu.memory_space<vmem>>) semaphore(%dma_start3A_281 : memref<!tpu.dma_semaphore, #tpu.memory_space<semaphore_mem>>)
    %dma_start3A_282 = arith.constant 5 : i32
    %dma_start3A_283 = arith.constant 5 : i32
    %dma_start3A_284 = arith.constant 128 : i32
    %dma_start3A_285 = tpu.memref_slice %arg7[%dma_start3A_282, %dma_start3A_284] : memref<10x512xf32, #tpu.memory_space<vmem>> -> memref<1x128xf32, #tpu.memory_space<vmem>>
    %dma_start3A_286 = tpu.memref_squeeze %dma_start3A_285 : memref<1x128xf32, #tpu.memory_space<vmem>> -> memref<128xf32, #tpu.memory_space<vmem>>
    %dma_start3A_287 = arith.constant 128 : i32
    %dma_start3A_288 = tpu.memref_slice %arg6[%dma_start3A_287] : memref<512xi32, #tpu.memory_space<vmem>> -> memref<128xi32, #tpu.memory_space<vmem>>
    %dma_start3A_289 = arith.constant 500000 : i32
    %dma_start3A_290 = tpu.memref_slice %arg3[%dma_start3A_289] : memref<1000000xf32, #tpu.memory_space<hbm>> -> memref<100000xf32, #tpu.memory_space<hbm>>
    %dma_start3A_291 = arith.constant 0 : i32
    %dma_start3A_292 = tpu.memref_slice %dma_start3A_290[%dma_start3A_291] : memref<100000xf32, #tpu.memory_space<hbm>> -> memref<100000xf32, #tpu.memory_space<hbm>>
    %dma_start3A_293 = tpu.memref_slice %arg9[%dma_start3A_283] : memref<10x!tpu.dma_semaphore, #tpu.memory_space<semaphore_mem>> -> memref<1x!tpu.dma_semaphore, #tpu.memory_space<semaphore_mem>>
    %dma_start3A_294 = tpu.memref_squeeze %dma_start3A_293 : memref<1x!tpu.dma_semaphore, #tpu.memory_space<semaphore_mem>> -> memref<!tpu.dma_semaphore, #tpu.memory_space<semaphore_mem>>
    tpu.enqueue_indirect_dma source(%dma_start3A_292 : memref<100000xf32, #tpu.memory_space<hbm>>) target(%dma_start3A_286 : memref<128xf32, #tpu.memory_space<vmem>>) offsets(%dma_start3A_288 : memref<128xi32, #tpu.memory_space<vmem>>) semaphore(%dma_start3A_294 : memref<!tpu.dma_semaphore, #tpu.memory_space<semaphore_mem>>)
    %dma_start3A_295 = arith.constant 5 : i32
    %dma_start3A_296 = arith.constant 5 : i32
    %dma_start3A_297 = arith.constant 256 : i32
    %dma_start3A_298 = tpu.memref_slice %arg7[%dma_start3A_295, %dma_start3A_297] : memref<10x512xf32, #tpu.memory_space<vmem>> -> memref<1x128xf32, #tpu.memory_space<vmem>>
    %dma_start3A_299 = tpu.memref_squeeze %dma_start3A_298 : memref<1x128xf32, #tpu.memory_space<vmem>> -> memref<128xf32, #tpu.memory_space<vmem>>
    %dma_start3A_300 = arith.constant 256 : i32
    %dma_start3A_301 = tpu.memref_slice %arg6[%dma_start3A_300] : memref<512xi32, #tpu.memory_space<vmem>> -> memref<128xi32, #tpu.memory_space<vmem>>
    %dma_start3A_302 = arith.constant 500000 : i32
    %dma_start3A_303 = tpu.memref_slice %arg3[%dma_start3A_302] : memref<1000000xf32, #tpu.memory_space<hbm>> -> memref<100000xf32, #tpu.memory_space<hbm>>
    %dma_start3A_304 = arith.constant 0 : i32
    %dma_start3A_305 = tpu.memref_slice %dma_start3A_303[%dma_start3A_304] : memref<100000xf32, #tpu.memory_space<hbm>> -> memref<100000xf32, #tpu.memory_space<hbm>>
    %dma_start3A_306 = tpu.memref_slice %arg9[%dma_start3A_296] : memref<10x!tpu.dma_semaphore, #tpu.memory_space<semaphore_mem>> -> memref<1x!tpu.dma_semaphore, #tpu.memory_space<semaphore_mem>>
    %dma_start3A_307 = tpu.memref_squeeze %dma_start3A_306 : memref<1x!tpu.dma_semaphore, #tpu.memory_space<semaphore_mem>> -> memref<!tpu.dma_semaphore, #tpu.memory_space<semaphore_mem>>
    tpu.enqueue_indirect_dma source(%dma_start3A_305 : memref<100000xf32, #tpu.memory_space<hbm>>) target(%dma_start3A_299 : memref<128xf32, #tpu.memory_space<vmem>>) offsets(%dma_start3A_301 : memref<128xi32, #tpu.memory_space<vmem>>) semaphore(%dma_start3A_307 : memref<!tpu.dma_semaphore, #tpu.memory_space<semaphore_mem>>)
    %dma_start3A_308 = arith.constant 5 : i32
    %dma_start3A_309 = arith.constant 5 : i32
    %dma_start3A_310 = arith.constant 384 : i32
    %dma_start3A_311 = tpu.memref_slice %arg7[%dma_start3A_308, %dma_start3A_310] : memref<10x512xf32, #tpu.memory_space<vmem>> -> memref<1x128xf32, #tpu.memory_space<vmem>>
    %dma_start3A_312 = tpu.memref_squeeze %dma_start3A_311 : memref<1x128xf32, #tpu.memory_space<vmem>> -> memref<128xf32, #tpu.memory_space<vmem>>
    %dma_start3A_313 = arith.constant 384 : i32
    %dma_start3A_314 = tpu.memref_slice %arg6[%dma_start3A_313] : memref<512xi32, #tpu.memory_space<vmem>> -> memref<128xi32, #tpu.memory_space<vmem>>
    %dma_start3A_315 = arith.constant 500000 : i32
    %dma_start3A_316 = tpu.memref_slice %arg3[%dma_start3A_315] : memref<1000000xf32, #tpu.memory_space<hbm>> -> memref<100000xf32, #tpu.memory_space<hbm>>
    %dma_start3A_317 = arith.constant 0 : i32
    %dma_start3A_318 = tpu.memref_slice %dma_start3A_316[%dma_start3A_317] : memref<100000xf32, #tpu.memory_space<hbm>> -> memref<100000xf32, #tpu.memory_space<hbm>>
    %dma_start3A_319 = tpu.memref_slice %arg9[%dma_start3A_309] : memref<10x!tpu.dma_semaphore, #tpu.memory_space<semaphore_mem>> -> memref<1x!tpu.dma_semaphore, #tpu.memory_space<semaphore_mem>>
    %dma_start3A_320 = tpu.memref_squeeze %dma_start3A_319 : memref<1x!tpu.dma_semaphore, #tpu.memory_space<semaphore_mem>> -> memref<!tpu.dma_semaphore, #tpu.memory_space<semaphore_mem>>
    tpu.enqueue_indirect_dma source(%dma_start3A_318 : memref<100000xf32, #tpu.memory_space<hbm>>) target(%dma_start3A_312 : memref<128xf32, #tpu.memory_space<vmem>>) offsets(%dma_start3A_314 : memref<128xi32, #tpu.memory_space<vmem>>) semaphore(%dma_start3A_320 : memref<!tpu.dma_semaphore, #tpu.memory_space<semaphore_mem>>)
    %dma_start3A_321 = arith.constant 6 : i32
    %dma_start3A_322 = arith.constant 6 : i32
    %dma_start3A_323 = arith.constant 0 : i32
    %dma_start3A_324 = tpu.memref_slice %arg7[%dma_start3A_321, %dma_start3A_323] : memref<10x512xf32, #tpu.memory_space<vmem>> -> memref<1x128xf32, #tpu.memory_space<vmem>>
    %dma_start3A_325 = tpu.memref_squeeze %dma_start3A_324 : memref<1x128xf32, #tpu.memory_space<vmem>> -> memref<128xf32, #tpu.memory_space<vmem>>
    %dma_start3A_326 = arith.constant 0 : i32
    %dma_start3A_327 = tpu.memref_slice %arg6[%dma_start3A_326] : memref<512xi32, #tpu.memory_space<vmem>> -> memref<128xi32, #tpu.memory_space<vmem>>
    %dma_start3A_328 = arith.constant 600000 : i32
    %dma_start3A_329 = tpu.memref_slice %arg3[%dma_start3A_328] : memref<1000000xf32, #tpu.memory_space<hbm>> -> memref<100000xf32, #tpu.memory_space<hbm>>
    %dma_start3A_330 = arith.constant 0 : i32
    %dma_start3A_331 = tpu.memref_slice %dma_start3A_329[%dma_start3A_330] : memref<100000xf32, #tpu.memory_space<hbm>> -> memref<100000xf32, #tpu.memory_space<hbm>>
    %dma_start3A_332 = tpu.memref_slice %arg9[%dma_start3A_322] : memref<10x!tpu.dma_semaphore, #tpu.memory_space<semaphore_mem>> -> memref<1x!tpu.dma_semaphore, #tpu.memory_space<semaphore_mem>>
    %dma_start3A_333 = tpu.memref_squeeze %dma_start3A_332 : memref<1x!tpu.dma_semaphore, #tpu.memory_space<semaphore_mem>> -> memref<!tpu.dma_semaphore, #tpu.memory_space<semaphore_mem>>
    tpu.enqueue_indirect_dma source(%dma_start3A_331 : memref<100000xf32, #tpu.memory_space<hbm>>) target(%dma_start3A_325 : memref<128xf32, #tpu.memory_space<vmem>>) offsets(%dma_start3A_327 : memref<128xi32, #tpu.memory_space<vmem>>) semaphore(%dma_start3A_333 : memref<!tpu.dma_semaphore, #tpu.memory_space<semaphore_mem>>)
    %dma_start3A_334 = arith.constant 6 : i32
    %dma_start3A_335 = arith.constant 6 : i32
    %dma_start3A_336 = arith.constant 128 : i32
    %dma_start3A_337 = tpu.memref_slice %arg7[%dma_start3A_334, %dma_start3A_336] : memref<10x512xf32, #tpu.memory_space<vmem>> -> memref<1x128xf32, #tpu.memory_space<vmem>>
    %dma_start3A_338 = tpu.memref_squeeze %dma_start3A_337 : memref<1x128xf32, #tpu.memory_space<vmem>> -> memref<128xf32, #tpu.memory_space<vmem>>
    %dma_start3A_339 = arith.constant 128 : i32
    %dma_start3A_340 = tpu.memref_slice %arg6[%dma_start3A_339] : memref<512xi32, #tpu.memory_space<vmem>> -> memref<128xi32, #tpu.memory_space<vmem>>
    %dma_start3A_341 = arith.constant 600000 : i32
    %dma_start3A_342 = tpu.memref_slice %arg3[%dma_start3A_341] : memref<1000000xf32, #tpu.memory_space<hbm>> -> memref<100000xf32, #tpu.memory_space<hbm>>
    %dma_start3A_343 = arith.constant 0 : i32
    %dma_start3A_344 = tpu.memref_slice %dma_start3A_342[%dma_start3A_343] : memref<100000xf32, #tpu.memory_space<hbm>> -> memref<100000xf32, #tpu.memory_space<hbm>>
    %dma_start3A_345 = tpu.memref_slice %arg9[%dma_start3A_335] : memref<10x!tpu.dma_semaphore, #tpu.memory_space<semaphore_mem>> -> memref<1x!tpu.dma_semaphore, #tpu.memory_space<semaphore_mem>>
    %dma_start3A_346 = tpu.memref_squeeze %dma_start3A_345 : memref<1x!tpu.dma_semaphore, #tpu.memory_space<semaphore_mem>> -> memref<!tpu.dma_semaphore, #tpu.memory_space<semaphore_mem>>
    tpu.enqueue_indirect_dma source(%dma_start3A_344 : memref<100000xf32, #tpu.memory_space<hbm>>) target(%dma_start3A_338 : memref<128xf32, #tpu.memory_space<vmem>>) offsets(%dma_start3A_340 : memref<128xi32, #tpu.memory_space<vmem>>) semaphore(%dma_start3A_346 : memref<!tpu.dma_semaphore, #tpu.memory_space<semaphore_mem>>)
    %dma_start3A_347 = arith.constant 6 : i32
    %dma_start3A_348 = arith.constant 6 : i32
    %dma_start3A_349 = arith.constant 256 : i32
    %dma_start3A_350 = tpu.memref_slice %arg7[%dma_start3A_347, %dma_start3A_349] : memref<10x512xf32, #tpu.memory_space<vmem>> -> memref<1x128xf32, #tpu.memory_space<vmem>>
    %dma_start3A_351 = tpu.memref_squeeze %dma_start3A_350 : memref<1x128xf32, #tpu.memory_space<vmem>> -> memref<128xf32, #tpu.memory_space<vmem>>
    %dma_start3A_352 = arith.constant 256 : i32
    %dma_start3A_353 = tpu.memref_slice %arg6[%dma_start3A_352] : memref<512xi32, #tpu.memory_space<vmem>> -> memref<128xi32, #tpu.memory_space<vmem>>
    %dma_start3A_354 = arith.constant 600000 : i32
    %dma_start3A_355 = tpu.memref_slice %arg3[%dma_start3A_354] : memref<1000000xf32, #tpu.memory_space<hbm>> -> memref<100000xf32, #tpu.memory_space<hbm>>
    %dma_start3A_356 = arith.constant 0 : i32
    %dma_start3A_357 = tpu.memref_slice %dma_start3A_355[%dma_start3A_356] : memref<100000xf32, #tpu.memory_space<hbm>> -> memref<100000xf32, #tpu.memory_space<hbm>>
    %dma_start3A_358 = tpu.memref_slice %arg9[%dma_start3A_348] : memref<10x!tpu.dma_semaphore, #tpu.memory_space<semaphore_mem>> -> memref<1x!tpu.dma_semaphore, #tpu.memory_space<semaphore_mem>>
    %dma_start3A_359 = tpu.memref_squeeze %dma_start3A_358 : memref<1x!tpu.dma_semaphore, #tpu.memory_space<semaphore_mem>> -> memref<!tpu.dma_semaphore, #tpu.memory_space<semaphore_mem>>
    tpu.enqueue_indirect_dma source(%dma_start3A_357 : memref<100000xf32, #tpu.memory_space<hbm>>) target(%dma_start3A_351 : memref<128xf32, #tpu.memory_space<vmem>>) offsets(%dma_start3A_353 : memref<128xi32, #tpu.memory_space<vmem>>) semaphore(%dma_start3A_359 : memref<!tpu.dma_semaphore, #tpu.memory_space<semaphore_mem>>)
    %dma_start3A_360 = arith.constant 6 : i32
    %dma_start3A_361 = arith.constant 6 : i32
    %dma_start3A_362 = arith.constant 384 : i32
    %dma_start3A_363 = tpu.memref_slice %arg7[%dma_start3A_360, %dma_start3A_362] : memref<10x512xf32, #tpu.memory_space<vmem>> -> memref<1x128xf32, #tpu.memory_space<vmem>>
    %dma_start3A_364 = tpu.memref_squeeze %dma_start3A_363 : memref<1x128xf32, #tpu.memory_space<vmem>> -> memref<128xf32, #tpu.memory_space<vmem>>
    %dma_start3A_365 = arith.constant 384 : i32
    %dma_start3A_366 = tpu.memref_slice %arg6[%dma_start3A_365] : memref<512xi32, #tpu.memory_space<vmem>> -> memref<128xi32, #tpu.memory_space<vmem>>
    %dma_start3A_367 = arith.constant 600000 : i32
    %dma_start3A_368 = tpu.memref_slice %arg3[%dma_start3A_367] : memref<1000000xf32, #tpu.memory_space<hbm>> -> memref<100000xf32, #tpu.memory_space<hbm>>
    %dma_start3A_369 = arith.constant 0 : i32
    %dma_start3A_370 = tpu.memref_slice %dma_start3A_368[%dma_start3A_369] : memref<100000xf32, #tpu.memory_space<hbm>> -> memref<100000xf32, #tpu.memory_space<hbm>>
    %dma_start3A_371 = tpu.memref_slice %arg9[%dma_start3A_361] : memref<10x!tpu.dma_semaphore, #tpu.memory_space<semaphore_mem>> -> memref<1x!tpu.dma_semaphore, #tpu.memory_space<semaphore_mem>>
    %dma_start3A_372 = tpu.memref_squeeze %dma_start3A_371 : memref<1x!tpu.dma_semaphore, #tpu.memory_space<semaphore_mem>> -> memref<!tpu.dma_semaphore, #tpu.memory_space<semaphore_mem>>
    tpu.enqueue_indirect_dma source(%dma_start3A_370 : memref<100000xf32, #tpu.memory_space<hbm>>) target(%dma_start3A_364 : memref<128xf32, #tpu.memory_space<vmem>>) offsets(%dma_start3A_366 : memref<128xi32, #tpu.memory_space<vmem>>) semaphore(%dma_start3A_372 : memref<!tpu.dma_semaphore, #tpu.memory_space<semaphore_mem>>)
    %dma_start3A_373 = arith.constant 7 : i32
    %dma_start3A_374 = arith.constant 7 : i32
    %dma_start3A_375 = arith.constant 0 : i32
    %dma_start3A_376 = tpu.memref_slice %arg7[%dma_start3A_373, %dma_start3A_375] : memref<10x512xf32, #tpu.memory_space<vmem>> -> memref<1x128xf32, #tpu.memory_space<vmem>>
    %dma_start3A_377 = tpu.memref_squeeze %dma_start3A_376 : memref<1x128xf32, #tpu.memory_space<vmem>> -> memref<128xf32, #tpu.memory_space<vmem>>
    %dma_start3A_378 = arith.constant 0 : i32
    %dma_start3A_379 = tpu.memref_slice %arg6[%dma_start3A_378] : memref<512xi32, #tpu.memory_space<vmem>> -> memref<128xi32, #tpu.memory_space<vmem>>
    %dma_start3A_380 = arith.constant 700000 : i32
    %dma_start3A_381 = tpu.memref_slice %arg3[%dma_start3A_380] : memref<1000000xf32, #tpu.memory_space<hbm>> -> memref<100000xf32, #tpu.memory_space<hbm>>
    %dma_start3A_382 = arith.constant 0 : i32
    %dma_start3A_383 = tpu.memref_slice %dma_start3A_381[%dma_start3A_382] : memref<100000xf32, #tpu.memory_space<hbm>> -> memref<100000xf32, #tpu.memory_space<hbm>>
    %dma_start3A_384 = tpu.memref_slice %arg9[%dma_start3A_374] : memref<10x!tpu.dma_semaphore, #tpu.memory_space<semaphore_mem>> -> memref<1x!tpu.dma_semaphore, #tpu.memory_space<semaphore_mem>>
    %dma_start3A_385 = tpu.memref_squeeze %dma_start3A_384 : memref<1x!tpu.dma_semaphore, #tpu.memory_space<semaphore_mem>> -> memref<!tpu.dma_semaphore, #tpu.memory_space<semaphore_mem>>
    tpu.enqueue_indirect_dma source(%dma_start3A_383 : memref<100000xf32, #tpu.memory_space<hbm>>) target(%dma_start3A_377 : memref<128xf32, #tpu.memory_space<vmem>>) offsets(%dma_start3A_379 : memref<128xi32, #tpu.memory_space<vmem>>) semaphore(%dma_start3A_385 : memref<!tpu.dma_semaphore, #tpu.memory_space<semaphore_mem>>)
    %dma_start3A_386 = arith.constant 7 : i32
    %dma_start3A_387 = arith.constant 7 : i32
    %dma_start3A_388 = arith.constant 128 : i32
    %dma_start3A_389 = tpu.memref_slice %arg7[%dma_start3A_386, %dma_start3A_388] : memref<10x512xf32, #tpu.memory_space<vmem>> -> memref<1x128xf32, #tpu.memory_space<vmem>>
    %dma_start3A_390 = tpu.memref_squeeze %dma_start3A_389 : memref<1x128xf32, #tpu.memory_space<vmem>> -> memref<128xf32, #tpu.memory_space<vmem>>
    %dma_start3A_391 = arith.constant 128 : i32
    %dma_start3A_392 = tpu.memref_slice %arg6[%dma_start3A_391] : memref<512xi32, #tpu.memory_space<vmem>> -> memref<128xi32, #tpu.memory_space<vmem>>
    %dma_start3A_393 = arith.constant 700000 : i32
    %dma_start3A_394 = tpu.memref_slice %arg3[%dma_start3A_393] : memref<1000000xf32, #tpu.memory_space<hbm>> -> memref<100000xf32, #tpu.memory_space<hbm>>
    %dma_start3A_395 = arith.constant 0 : i32
    %dma_start3A_396 = tpu.memref_slice %dma_start3A_394[%dma_start3A_395] : memref<100000xf32, #tpu.memory_space<hbm>> -> memref<100000xf32, #tpu.memory_space<hbm>>
    %dma_start3A_397 = tpu.memref_slice %arg9[%dma_start3A_387] : memref<10x!tpu.dma_semaphore, #tpu.memory_space<semaphore_mem>> -> memref<1x!tpu.dma_semaphore, #tpu.memory_space<semaphore_mem>>
    %dma_start3A_398 = tpu.memref_squeeze %dma_start3A_397 : memref<1x!tpu.dma_semaphore, #tpu.memory_space<semaphore_mem>> -> memref<!tpu.dma_semaphore, #tpu.memory_space<semaphore_mem>>
    tpu.enqueue_indirect_dma source(%dma_start3A_396 : memref<100000xf32, #tpu.memory_space<hbm>>) target(%dma_start3A_390 : memref<128xf32, #tpu.memory_space<vmem>>) offsets(%dma_start3A_392 : memref<128xi32, #tpu.memory_space<vmem>>) semaphore(%dma_start3A_398 : memref<!tpu.dma_semaphore, #tpu.memory_space<semaphore_mem>>)
    %dma_start3A_399 = arith.constant 7 : i32
    %dma_start3A_400 = arith.constant 7 : i32
    %dma_start3A_401 = arith.constant 256 : i32
    %dma_start3A_402 = tpu.memref_slice %arg7[%dma_start3A_399, %dma_start3A_401] : memref<10x512xf32, #tpu.memory_space<vmem>> -> memref<1x128xf32, #tpu.memory_space<vmem>>
    %dma_start3A_403 = tpu.memref_squeeze %dma_start3A_402 : memref<1x128xf32, #tpu.memory_space<vmem>> -> memref<128xf32, #tpu.memory_space<vmem>>
    %dma_start3A_404 = arith.constant 256 : i32
    %dma_start3A_405 = tpu.memref_slice %arg6[%dma_start3A_404] : memref<512xi32, #tpu.memory_space<vmem>> -> memref<128xi32, #tpu.memory_space<vmem>>
    %dma_start3A_406 = arith.constant 700000 : i32
    %dma_start3A_407 = tpu.memref_slice %arg3[%dma_start3A_406] : memref<1000000xf32, #tpu.memory_space<hbm>> -> memref<100000xf32, #tpu.memory_space<hbm>>
    %dma_start3A_408 = arith.constant 0 : i32
    %dma_start3A_409 = tpu.memref_slice %dma_start3A_407[%dma_start3A_408] : memref<100000xf32, #tpu.memory_space<hbm>> -> memref<100000xf32, #tpu.memory_space<hbm>>
    %dma_start3A_410 = tpu.memref_slice %arg9[%dma_start3A_400] : memref<10x!tpu.dma_semaphore, #tpu.memory_space<semaphore_mem>> -> memref<1x!tpu.dma_semaphore, #tpu.memory_space<semaphore_mem>>
    %dma_start3A_411 = tpu.memref_squeeze %dma_start3A_410 : memref<1x!tpu.dma_semaphore, #tpu.memory_space<semaphore_mem>> -> memref<!tpu.dma_semaphore, #tpu.memory_space<semaphore_mem>>
    tpu.enqueue_indirect_dma source(%dma_start3A_409 : memref<100000xf32, #tpu.memory_space<hbm>>) target(%dma_start3A_403 : memref<128xf32, #tpu.memory_space<vmem>>) offsets(%dma_start3A_405 : memref<128xi32, #tpu.memory_space<vmem>>) semaphore(%dma_start3A_411 : memref<!tpu.dma_semaphore, #tpu.memory_space<semaphore_mem>>)
    %dma_start3A_412 = arith.constant 7 : i32
    %dma_start3A_413 = arith.constant 7 : i32
    %dma_start3A_414 = arith.constant 384 : i32
    %dma_start3A_415 = tpu.memref_slice %arg7[%dma_start3A_412, %dma_start3A_414] : memref<10x512xf32, #tpu.memory_space<vmem>> -> memref<1x128xf32, #tpu.memory_space<vmem>>
    %dma_start3A_416 = tpu.memref_squeeze %dma_start3A_415 : memref<1x128xf32, #tpu.memory_space<vmem>> -> memref<128xf32, #tpu.memory_space<vmem>>
    %dma_start3A_417 = arith.constant 384 : i32
    %dma_start3A_418 = tpu.memref_slice %arg6[%dma_start3A_417] : memref<512xi32, #tpu.memory_space<vmem>> -> memref<128xi32, #tpu.memory_space<vmem>>
    %dma_start3A_419 = arith.constant 700000 : i32
    %dma_start3A_420 = tpu.memref_slice %arg3[%dma_start3A_419] : memref<1000000xf32, #tpu.memory_space<hbm>> -> memref<100000xf32, #tpu.memory_space<hbm>>
    %dma_start3A_421 = arith.constant 0 : i32
    %dma_start3A_422 = tpu.memref_slice %dma_start3A_420[%dma_start3A_421] : memref<100000xf32, #tpu.memory_space<hbm>> -> memref<100000xf32, #tpu.memory_space<hbm>>
    %dma_start3A_423 = tpu.memref_slice %arg9[%dma_start3A_413] : memref<10x!tpu.dma_semaphore, #tpu.memory_space<semaphore_mem>> -> memref<1x!tpu.dma_semaphore, #tpu.memory_space<semaphore_mem>>
    %dma_start3A_424 = tpu.memref_squeeze %dma_start3A_423 : memref<1x!tpu.dma_semaphore, #tpu.memory_space<semaphore_mem>> -> memref<!tpu.dma_semaphore, #tpu.memory_space<semaphore_mem>>
    tpu.enqueue_indirect_dma source(%dma_start3A_422 : memref<100000xf32, #tpu.memory_space<hbm>>) target(%dma_start3A_416 : memref<128xf32, #tpu.memory_space<vmem>>) offsets(%dma_start3A_418 : memref<128xi32, #tpu.memory_space<vmem>>) semaphore(%dma_start3A_424 : memref<!tpu.dma_semaphore, #tpu.memory_space<semaphore_mem>>)
    %dma_start3A_425 = arith.constant 8 : i32
    %dma_start3A_426 = arith.constant 8 : i32
    %dma_start3A_427 = arith.constant 0 : i32
    %dma_start3A_428 = tpu.memref_slice %arg7[%dma_start3A_425, %dma_start3A_427] : memref<10x512xf32, #tpu.memory_space<vmem>> -> memref<1x128xf32, #tpu.memory_space<vmem>>
    %dma_start3A_429 = tpu.memref_squeeze %dma_start3A_428 : memref<1x128xf32, #tpu.memory_space<vmem>> -> memref<128xf32, #tpu.memory_space<vmem>>
    %dma_start3A_430 = arith.constant 0 : i32
    %dma_start3A_431 = tpu.memref_slice %arg6[%dma_start3A_430] : memref<512xi32, #tpu.memory_space<vmem>> -> memref<128xi32, #tpu.memory_space<vmem>>
    %dma_start3A_432 = arith.constant 800000 : i32
    %dma_start3A_433 = tpu.memref_slice %arg3[%dma_start3A_432] : memref<1000000xf32, #tpu.memory_space<hbm>> -> memref<100000xf32, #tpu.memory_space<hbm>>
    %dma_start3A_434 = arith.constant 0 : i32
    %dma_start3A_435 = tpu.memref_slice %dma_start3A_433[%dma_start3A_434] : memref<100000xf32, #tpu.memory_space<hbm>> -> memref<100000xf32, #tpu.memory_space<hbm>>
    %dma_start3A_436 = tpu.memref_slice %arg9[%dma_start3A_426] : memref<10x!tpu.dma_semaphore, #tpu.memory_space<semaphore_mem>> -> memref<1x!tpu.dma_semaphore, #tpu.memory_space<semaphore_mem>>
    %dma_start3A_437 = tpu.memref_squeeze %dma_start3A_436 : memref<1x!tpu.dma_semaphore, #tpu.memory_space<semaphore_mem>> -> memref<!tpu.dma_semaphore, #tpu.memory_space<semaphore_mem>>
    tpu.enqueue_indirect_dma source(%dma_start3A_435 : memref<100000xf32, #tpu.memory_space<hbm>>) target(%dma_start3A_429 : memref<128xf32, #tpu.memory_space<vmem>>) offsets(%dma_start3A_431 : memref<128xi32, #tpu.memory_space<vmem>>) semaphore(%dma_start3A_437 : memref<!tpu.dma_semaphore, #tpu.memory_space<semaphore_mem>>)
    %dma_start3A_438 = arith.constant 8 : i32
    %dma_start3A_439 = arith.constant 8 : i32
    %dma_start3A_440 = arith.constant 128 : i32
    %dma_start3A_441 = tpu.memref_slice %arg7[%dma_start3A_438, %dma_start3A_440] : memref<10x512xf32, #tpu.memory_space<vmem>> -> memref<1x128xf32, #tpu.memory_space<vmem>>
    %dma_start3A_442 = tpu.memref_squeeze %dma_start3A_441 : memref<1x128xf32, #tpu.memory_space<vmem>> -> memref<128xf32, #tpu.memory_space<vmem>>
    %dma_start3A_443 = arith.constant 128 : i32
    %dma_start3A_444 = tpu.memref_slice %arg6[%dma_start3A_443] : memref<512xi32, #tpu.memory_space<vmem>> -> memref<128xi32, #tpu.memory_space<vmem>>
    %dma_start3A_445 = arith.constant 800000 : i32
    %dma_start3A_446 = tpu.memref_slice %arg3[%dma_start3A_445] : memref<1000000xf32, #tpu.memory_space<hbm>> -> memref<100000xf32, #tpu.memory_space<hbm>>
    %dma_start3A_447 = arith.constant 0 : i32
    %dma_start3A_448 = tpu.memref_slice %dma_start3A_446[%dma_start3A_447] : memref<100000xf32, #tpu.memory_space<hbm>> -> memref<100000xf32, #tpu.memory_space<hbm>>
    %dma_start3A_449 = tpu.memref_slice %arg9[%dma_start3A_439] : memref<10x!tpu.dma_semaphore, #tpu.memory_space<semaphore_mem>> -> memref<1x!tpu.dma_semaphore, #tpu.memory_space<semaphore_mem>>
    %dma_start3A_450 = tpu.memref_squeeze %dma_start3A_449 : memref<1x!tpu.dma_semaphore, #tpu.memory_space<semaphore_mem>> -> memref<!tpu.dma_semaphore, #tpu.memory_space<semaphore_mem>>
    tpu.enqueue_indirect_dma source(%dma_start3A_448 : memref<100000xf32, #tpu.memory_space<hbm>>) target(%dma_start3A_442 : memref<128xf32, #tpu.memory_space<vmem>>) offsets(%dma_start3A_444 : memref<128xi32, #tpu.memory_space<vmem>>) semaphore(%dma_start3A_450 : memref<!tpu.dma_semaphore, #tpu.memory_space<semaphore_mem>>)
    %dma_start3A_451 = arith.constant 8 : i32
    %dma_start3A_452 = arith.constant 8 : i32
    %dma_start3A_453 = arith.constant 256 : i32
    %dma_start3A_454 = tpu.memref_slice %arg7[%dma_start3A_451, %dma_start3A_453] : memref<10x512xf32, #tpu.memory_space<vmem>> -> memref<1x128xf32, #tpu.memory_space<vmem>>
    %dma_start3A_455 = tpu.memref_squeeze %dma_start3A_454 : memref<1x128xf32, #tpu.memory_space<vmem>> -> memref<128xf32, #tpu.memory_space<vmem>>
    %dma_start3A_456 = arith.constant 256 : i32
    %dma_start3A_457 = tpu.memref_slice %arg6[%dma_start3A_456] : memref<512xi32, #tpu.memory_space<vmem>> -> memref<128xi32, #tpu.memory_space<vmem>>
    %dma_start3A_458 = arith.constant 800000 : i32
    %dma_start3A_459 = tpu.memref_slice %arg3[%dma_start3A_458] : memref<1000000xf32, #tpu.memory_space<hbm>> -> memref<100000xf32, #tpu.memory_space<hbm>>
    %dma_start3A_460 = arith.constant 0 : i32
    %dma_start3A_461 = tpu.memref_slice %dma_start3A_459[%dma_start3A_460] : memref<100000xf32, #tpu.memory_space<hbm>> -> memref<100000xf32, #tpu.memory_space<hbm>>
    %dma_start3A_462 = tpu.memref_slice %arg9[%dma_start3A_452] : memref<10x!tpu.dma_semaphore, #tpu.memory_space<semaphore_mem>> -> memref<1x!tpu.dma_semaphore, #tpu.memory_space<semaphore_mem>>
    %dma_start3A_463 = tpu.memref_squeeze %dma_start3A_462 : memref<1x!tpu.dma_semaphore, #tpu.memory_space<semaphore_mem>> -> memref<!tpu.dma_semaphore, #tpu.memory_space<semaphore_mem>>
    tpu.enqueue_indirect_dma source(%dma_start3A_461 : memref<100000xf32, #tpu.memory_space<hbm>>) target(%dma_start3A_455 : memref<128xf32, #tpu.memory_space<vmem>>) offsets(%dma_start3A_457 : memref<128xi32, #tpu.memory_space<vmem>>) semaphore(%dma_start3A_463 : memref<!tpu.dma_semaphore, #tpu.memory_space<semaphore_mem>>)
    %dma_start3A_464 = arith.constant 8 : i32
    %dma_start3A_465 = arith.constant 8 : i32
    %dma_start3A_466 = arith.constant 384 : i32
    %dma_start3A_467 = tpu.memref_slice %arg7[%dma_start3A_464, %dma_start3A_466] : memref<10x512xf32, #tpu.memory_space<vmem>> -> memref<1x128xf32, #tpu.memory_space<vmem>>
    %dma_start3A_468 = tpu.memref_squeeze %dma_start3A_467 : memref<1x128xf32, #tpu.memory_space<vmem>> -> memref<128xf32, #tpu.memory_space<vmem>>
    %dma_start3A_469 = arith.constant 384 : i32
    %dma_start3A_470 = tpu.memref_slice %arg6[%dma_start3A_469] : memref<512xi32, #tpu.memory_space<vmem>> -> memref<128xi32, #tpu.memory_space<vmem>>
    %dma_start3A_471 = arith.constant 800000 : i32
    %dma_start3A_472 = tpu.memref_slice %arg3[%dma_start3A_471] : memref<1000000xf32, #tpu.memory_space<hbm>> -> memref<100000xf32, #tpu.memory_space<hbm>>
    %dma_start3A_473 = arith.constant 0 : i32
    %dma_start3A_474 = tpu.memref_slice %dma_start3A_472[%dma_start3A_473] : memref<100000xf32, #tpu.memory_space<hbm>> -> memref<100000xf32, #tpu.memory_space<hbm>>
    %dma_start3A_475 = tpu.memref_slice %arg9[%dma_start3A_465] : memref<10x!tpu.dma_semaphore, #tpu.memory_space<semaphore_mem>> -> memref<1x!tpu.dma_semaphore, #tpu.memory_space<semaphore_mem>>
    %dma_start3A_476 = tpu.memref_squeeze %dma_start3A_475 : memref<1x!tpu.dma_semaphore, #tpu.memory_space<semaphore_mem>> -> memref<!tpu.dma_semaphore, #tpu.memory_space<semaphore_mem>>
    tpu.enqueue_indirect_dma source(%dma_start3A_474 : memref<100000xf32, #tpu.memory_space<hbm>>) target(%dma_start3A_468 : memref<128xf32, #tpu.memory_space<vmem>>) offsets(%dma_start3A_470 : memref<128xi32, #tpu.memory_space<vmem>>) semaphore(%dma_start3A_476 : memref<!tpu.dma_semaphore, #tpu.memory_space<semaphore_mem>>)
    %dma_start3A_477 = arith.constant 9 : i32
    %dma_start3A_478 = arith.constant 9 : i32
    %dma_start3A_479 = arith.constant 0 : i32
    %dma_start3A_480 = tpu.memref_slice %arg7[%dma_start3A_477, %dma_start3A_479] : memref<10x512xf32, #tpu.memory_space<vmem>> -> memref<1x128xf32, #tpu.memory_space<vmem>>
    %dma_start3A_481 = tpu.memref_squeeze %dma_start3A_480 : memref<1x128xf32, #tpu.memory_space<vmem>> -> memref<128xf32, #tpu.memory_space<vmem>>
    %dma_start3A_482 = arith.constant 0 : i32
    %dma_start3A_483 = tpu.memref_slice %arg6[%dma_start3A_482] : memref<512xi32, #tpu.memory_space<vmem>> -> memref<128xi32, #tpu.memory_space<vmem>>
    %dma_start3A_484 = arith.constant 900000 : i32
    %dma_start3A_485 = tpu.memref_slice %arg3[%dma_start3A_484] : memref<1000000xf32, #tpu.memory_space<hbm>> -> memref<100000xf32, #tpu.memory_space<hbm>>
    %dma_start3A_486 = arith.constant 0 : i32
    %dma_start3A_487 = tpu.memref_slice %dma_start3A_485[%dma_start3A_486] : memref<100000xf32, #tpu.memory_space<hbm>> -> memref<100000xf32, #tpu.memory_space<hbm>>
    %dma_start3A_488 = tpu.memref_slice %arg9[%dma_start3A_478] : memref<10x!tpu.dma_semaphore, #tpu.memory_space<semaphore_mem>> -> memref<1x!tpu.dma_semaphore, #tpu.memory_space<semaphore_mem>>
    %dma_start3A_489 = tpu.memref_squeeze %dma_start3A_488 : memref<1x!tpu.dma_semaphore, #tpu.memory_space<semaphore_mem>> -> memref<!tpu.dma_semaphore, #tpu.memory_space<semaphore_mem>>
    tpu.enqueue_indirect_dma source(%dma_start3A_487 : memref<100000xf32, #tpu.memory_space<hbm>>) target(%dma_start3A_481 : memref<128xf32, #tpu.memory_space<vmem>>) offsets(%dma_start3A_483 : memref<128xi32, #tpu.memory_space<vmem>>) semaphore(%dma_start3A_489 : memref<!tpu.dma_semaphore, #tpu.memory_space<semaphore_mem>>)
    %dma_start3A_490 = arith.constant 9 : i32
    %dma_start3A_491 = arith.constant 9 : i32
    %dma_start3A_492 = arith.constant 128 : i32
    %dma_start3A_493 = tpu.memref_slice %arg7[%dma_start3A_490, %dma_start3A_492] : memref<10x512xf32, #tpu.memory_space<vmem>> -> memref<1x128xf32, #tpu.memory_space<vmem>>
    %dma_start3A_494 = tpu.memref_squeeze %dma_start3A_493 : memref<1x128xf32, #tpu.memory_space<vmem>> -> memref<128xf32, #tpu.memory_space<vmem>>
    %dma_start3A_495 = arith.constant 128 : i32
    %dma_start3A_496 = tpu.memref_slice %arg6[%dma_start3A_495] : memref<512xi32, #tpu.memory_space<vmem>> -> memref<128xi32, #tpu.memory_space<vmem>>
    %dma_start3A_497 = arith.constant 900000 : i32
    %dma_start3A_498 = tpu.memref_slice %arg3[%dma_start3A_497] : memref<1000000xf32, #tpu.memory_space<hbm>> -> memref<100000xf32, #tpu.memory_space<hbm>>
    %dma_start3A_499 = arith.constant 0 : i32
    %dma_start3A_500 = tpu.memref_slice %dma_start3A_498[%dma_start3A_499] : memref<100000xf32, #tpu.memory_space<hbm>> -> memref<100000xf32, #tpu.memory_space<hbm>>
    %dma_start3A_501 = tpu.memref_slice %arg9[%dma_start3A_491] : memref<10x!tpu.dma_semaphore, #tpu.memory_space<semaphore_mem>> -> memref<1x!tpu.dma_semaphore, #tpu.memory_space<semaphore_mem>>
    %dma_start3A_502 = tpu.memref_squeeze %dma_start3A_501 : memref<1x!tpu.dma_semaphore, #tpu.memory_space<semaphore_mem>> -> memref<!tpu.dma_semaphore, #tpu.memory_space<semaphore_mem>>
    tpu.enqueue_indirect_dma source(%dma_start3A_500 : memref<100000xf32, #tpu.memory_space<hbm>>) target(%dma_start3A_494 : memref<128xf32, #tpu.memory_space<vmem>>) offsets(%dma_start3A_496 : memref<128xi32, #tpu.memory_space<vmem>>) semaphore(%dma_start3A_502 : memref<!tpu.dma_semaphore, #tpu.memory_space<semaphore_mem>>)
    %dma_start3A_503 = arith.constant 9 : i32
    %dma_start3A_504 = arith.constant 9 : i32
    %dma_start3A_505 = arith.constant 256 : i32
    %dma_start3A_506 = tpu.memref_slice %arg7[%dma_start3A_503, %dma_start3A_505] : memref<10x512xf32, #tpu.memory_space<vmem>> -> memref<1x128xf32, #tpu.memory_space<vmem>>
    %dma_start3A_507 = tpu.memref_squeeze %dma_start3A_506 : memref<1x128xf32, #tpu.memory_space<vmem>> -> memref<128xf32, #tpu.memory_space<vmem>>
    %dma_start3A_508 = arith.constant 256 : i32
    %dma_start3A_509 = tpu.memref_slice %arg6[%dma_start3A_508] : memref<512xi32, #tpu.memory_space<vmem>> -> memref<128xi32, #tpu.memory_space<vmem>>
    %dma_start3A_510 = arith.constant 900000 : i32
    %dma_start3A_511 = tpu.memref_slice %arg3[%dma_start3A_510] : memref<1000000xf32, #tpu.memory_space<hbm>> -> memref<100000xf32, #tpu.memory_space<hbm>>
    %dma_start3A_512 = arith.constant 0 : i32
    %dma_start3A_513 = tpu.memref_slice %dma_start3A_511[%dma_start3A_512] : memref<100000xf32, #tpu.memory_space<hbm>> -> memref<100000xf32, #tpu.memory_space<hbm>>
    %dma_start3A_514 = tpu.memref_slice %arg9[%dma_start3A_504] : memref<10x!tpu.dma_semaphore, #tpu.memory_space<semaphore_mem>> -> memref<1x!tpu.dma_semaphore, #tpu.memory_space<semaphore_mem>>
    %dma_start3A_515 = tpu.memref_squeeze %dma_start3A_514 : memref<1x!tpu.dma_semaphore, #tpu.memory_space<semaphore_mem>> -> memref<!tpu.dma_semaphore, #tpu.memory_space<semaphore_mem>>
    tpu.enqueue_indirect_dma source(%dma_start3A_513 : memref<100000xf32, #tpu.memory_space<hbm>>) target(%dma_start3A_507 : memref<128xf32, #tpu.memory_space<vmem>>) offsets(%dma_start3A_509 : memref<128xi32, #tpu.memory_space<vmem>>) semaphore(%dma_start3A_515 : memref<!tpu.dma_semaphore, #tpu.memory_space<semaphore_mem>>)
    %dma_start3A_516 = arith.constant 9 : i32
    %dma_start3A_517 = arith.constant 9 : i32
    %dma_start3A_518 = arith.constant 384 : i32
    %dma_start3A_519 = tpu.memref_slice %arg7[%dma_start3A_516, %dma_start3A_518] : memref<10x512xf32, #tpu.memory_space<vmem>> -> memref<1x128xf32, #tpu.memory_space<vmem>>
    %dma_start3A_520 = tpu.memref_squeeze %dma_start3A_519 : memref<1x128xf32, #tpu.memory_space<vmem>> -> memref<128xf32, #tpu.memory_space<vmem>>
    %dma_start3A_521 = arith.constant 384 : i32
    %dma_start3A_522 = tpu.memref_slice %arg6[%dma_start3A_521] : memref<512xi32, #tpu.memory_space<vmem>> -> memref<128xi32, #tpu.memory_space<vmem>>
    %dma_start3A_523 = arith.constant 900000 : i32
    %dma_start3A_524 = tpu.memref_slice %arg3[%dma_start3A_523] : memref<1000000xf32, #tpu.memory_space<hbm>> -> memref<100000xf32, #tpu.memory_space<hbm>>
    %dma_start3A_525 = arith.constant 0 : i32
    %dma_start3A_526 = tpu.memref_slice %dma_start3A_524[%dma_start3A_525] : memref<100000xf32, #tpu.memory_space<hbm>> -> memref<100000xf32, #tpu.memory_space<hbm>>
    %dma_start3A_527 = tpu.memref_slice %arg9[%dma_start3A_517] : memref<10x!tpu.dma_semaphore, #tpu.memory_space<semaphore_mem>> -> memref<1x!tpu.dma_semaphore, #tpu.memory_space<semaphore_mem>>
    %dma_start3A_528 = tpu.memref_squeeze %dma_start3A_527 : memref<1x!tpu.dma_semaphore, #tpu.memory_space<semaphore_mem>> -> memref<!tpu.dma_semaphore, #tpu.memory_space<semaphore_mem>>
    tpu.enqueue_indirect_dma source(%dma_start3A_526 : memref<100000xf32, #tpu.memory_space<hbm>>) target(%dma_start3A_520 : memref<128xf32, #tpu.memory_space<vmem>>) offsets(%dma_start3A_522 : memref<128xi32, #tpu.memory_space<vmem>>) semaphore(%dma_start3A_528 : memref<!tpu.dma_semaphore, #tpu.memory_space<semaphore_mem>>)
    %get3A = arith.constant 0 : index
    %get3A_529 = tpu.vector_load %arg8[%get3A] {strides = array<i32>} : memref<16xf32, #tpu.memory_space<vmem>>, vector<16xf32>,
    %dma_wait3A_530 = arith.constant 0 : i32
    %dma_wait3A_531 = arith.constant 0 : i32
    %dma_wait3A_532 = arith.constant 0 : i32
    %dma_wait3A_533 = tpu.memref_slice %arg7[%dma_wait3A_530, %dma_wait3A_532] : memref<10x512xf32, #tpu.memory_space<vmem>> -> memref<1x128xf32, #tpu.memory_space<vmem>>
    %dma_wait3A_534 = tpu.memref_squeeze %dma_wait3A_533 : memref<1x128xf32, #tpu.memory_space<vmem>> -> memref<128xf32, #tpu.memory_space<vmem>>
    %dma_wait3A_535 = arith.constant 0 : i32
    %dma_wait3A_536 = tpu.memref_slice %arg6[%dma_wait3A_535] : memref<512xi32, #tpu.memory_space<vmem>> -> memref<128xi32, #tpu.memory_space<vmem>>
    %dma_wait3A_537 = arith.constant 0 : i32
    %dma_wait3A_538 = tpu.memref_slice %arg3[%dma_wait3A_537] : memref<1000000xf32, #tpu.memory_space<hbm>> -> memref<100000xf32, #tpu.memory_space<hbm>>
    %dma_wait3A_539 = arith.constant 0 : i32
    %dma_wait3A_540 = tpu.memref_slice %dma_wait3A_538[%dma_wait3A_539] : memref<100000xf32, #tpu.memory_space<hbm>> -> memref<100000xf32, #tpu.memory_space<hbm>>
    %dma_wait3A_541 = tpu.memref_slice %arg9[%dma_wait3A_531] : memref<10x!tpu.dma_semaphore, #tpu.memory_space<semaphore_mem>> -> memref<1x!tpu.dma_semaphore, #tpu.memory_space<semaphore_mem>>
    %dma_wait3A_542 = tpu.memref_squeeze %dma_wait3A_541 : memref<1x!tpu.dma_semaphore, #tpu.memory_space<semaphore_mem>> -> memref<!tpu.dma_semaphore, #tpu.memory_space<semaphore_mem>>
    tpu.wait_indirect_dma semaphore(%dma_wait3A_542 : memref<!tpu.dma_semaphore, #tpu.memory_space<semaphore_mem>>) src(%dma_wait3A_540 : memref<100000xf32, #tpu.memory_space<hbm>>) dst(%dma_wait3A_534 : memref<128xf32, #tpu.memory_space<vmem>>)
    %dma_wait3A_543 = arith.constant 0 : i32
    %dma_wait3A_544 = arith.constant 0 : i32
    %dma_wait3A_545 = arith.constant 128 : i32
    %dma_wait3A_546 = tpu.memref_slice %arg7[%dma_wait3A_543, %dma_wait3A_545] : memref<10x512xf32, #tpu.memory_space<vmem>> -> memref<1x128xf32, #tpu.memory_space<vmem>>
    %dma_wait3A_547 = tpu.memref_squeeze %dma_wait3A_546 : memref<1x128xf32, #tpu.memory_space<vmem>> -> memref<128xf32, #tpu.memory_space<vmem>>
    %dma_wait3A_548 = arith.constant 128 : i32
    %dma_wait3A_549 = tpu.memref_slice %arg6[%dma_wait3A_548] : memref<512xi32, #tpu.memory_space<vmem>> -> memref<128xi32, #tpu.memory_space<vmem>>
    %dma_wait3A_550 = arith.constant 0 : i32
    %dma_wait3A_551 = tpu.memref_slice %arg3[%dma_wait3A_550] : memref<1000000xf32, #tpu.memory_space<hbm>> -> memref<100000xf32, #tpu.memory_space<hbm>>
    %dma_wait3A_552 = arith.constant 0 : i32
    %dma_wait3A_553 = tpu.memref_slice %dma_wait3A_551[%dma_wait3A_552] : memref<100000xf32, #tpu.memory_space<hbm>> -> memref<100000xf32, #tpu.memory_space<hbm>>
    %dma_wait3A_554 = tpu.memref_slice %arg9[%dma_wait3A_544] : memref<10x!tpu.dma_semaphore, #tpu.memory_space<semaphore_mem>> -> memref<1x!tpu.dma_semaphore, #tpu.memory_space<semaphore_mem>>
    %dma_wait3A_555 = tpu.memref_squeeze %dma_wait3A_554 : memref<1x!tpu.dma_semaphore, #tpu.memory_space<semaphore_mem>> -> memref<!tpu.dma_semaphore, #tpu.memory_space<semaphore_mem>>
    tpu.wait_indirect_dma semaphore(%dma_wait3A_555 : memref<!tpu.dma_semaphore, #tpu.memory_space<semaphore_mem>>) src(%dma_wait3A_553 : memref<100000xf32, #tpu.memory_space<hbm>>) dst(%dma_wait3A_547 : memref<128xf32, #tpu.memory_space<vmem>>)
    %dma_wait3A_556 = arith.constant 0 : i32
    %dma_wait3A_557 = arith.constant 0 : i32
    %dma_wait3A_558 = arith.constant 256 : i32
    %dma_wait3A_559 = tpu.memref_slice %arg7[%dma_wait3A_556, %dma_wait3A_558] : memref<10x512xf32, #tpu.memory_space<vmem>> -> memref<1x128xf32, #tpu.memory_space<vmem>>
    %dma_wait3A_560 = tpu.memref_squeeze %dma_wait3A_559 : memref<1x128xf32, #tpu.memory_space<vmem>> -> memref<128xf32, #tpu.memory_space<vmem>>
    %dma_wait3A_561 = arith.constant 256 : i32
    %dma_wait3A_562 = tpu.memref_slice %arg6[%dma_wait3A_561] : memref<512xi32, #tpu.memory_space<vmem>> -> memref<128xi32, #tpu.memory_space<vmem>>
    %dma_wait3A_563 = arith.constant 0 : i32
    %dma_wait3A_564 = tpu.memref_slice %arg3[%dma_wait3A_563] : memref<1000000xf32, #tpu.memory_space<hbm>> -> memref<100000xf32, #tpu.memory_space<hbm>>
    %dma_wait3A_565 = arith.constant 0 : i32
    %dma_wait3A_566 = tpu.memref_slice %dma_wait3A_564[%dma_wait3A_565] : memref<100000xf32, #tpu.memory_space<hbm>> -> memref<100000xf32, #tpu.memory_space<hbm>>
    %dma_wait3A_567 = tpu.memref_slice %arg9[%dma_wait3A_557] : memref<10x!tpu.dma_semaphore, #tpu.memory_space<semaphore_mem>> -> memref<1x!tpu.dma_semaphore, #tpu.memory_space<semaphore_mem>>
    %dma_wait3A_568 = tpu.memref_squeeze %dma_wait3A_567 : memref<1x!tpu.dma_semaphore, #tpu.memory_space<semaphore_mem>> -> memref<!tpu.dma_semaphore, #tpu.memory_space<semaphore_mem>>
    tpu.wait_indirect_dma semaphore(%dma_wait3A_568 : memref<!tpu.dma_semaphore, #tpu.memory_space<semaphore_mem>>) src(%dma_wait3A_566 : memref<100000xf32, #tpu.memory_space<hbm>>) dst(%dma_wait3A_560 : memref<128xf32, #tpu.memory_space<vmem>>)
    %dma_wait3A_569 = arith.constant 0 : i32
    %dma_wait3A_570 = arith.constant 0 : i32
    %dma_wait3A_571 = arith.constant 384 : i32
    %dma_wait3A_572 = tpu.memref_slice %arg7[%dma_wait3A_569, %dma_wait3A_571] : memref<10x512xf32, #tpu.memory_space<vmem>> -> memref<1x128xf32, #tpu.memory_space<vmem>>
    %dma_wait3A_573 = tpu.memref_squeeze %dma_wait3A_572 : memref<1x128xf32, #tpu.memory_space<vmem>> -> memref<128xf32, #tpu.memory_space<vmem>>
    %dma_wait3A_574 = arith.constant 384 : i32
    %dma_wait3A_575 = tpu.memref_slice %arg6[%dma_wait3A_574] : memref<512xi32, #tpu.memory_space<vmem>> -> memref<128xi32, #tpu.memory_space<vmem>>
    %dma_wait3A_576 = arith.constant 0 : i32
    %dma_wait3A_577 = tpu.memref_slice %arg3[%dma_wait3A_576] : memref<1000000xf32, #tpu.memory_space<hbm>> -> memref<100000xf32, #tpu.memory_space<hbm>>
    %dma_wait3A_578 = arith.constant 0 : i32
    %dma_wait3A_579 = tpu.memref_slice %dma_wait3A_577[%dma_wait3A_578] : memref<100000xf32, #tpu.memory_space<hbm>> -> memref<100000xf32, #tpu.memory_space<hbm>>
    %dma_wait3A_580 = tpu.memref_slice %arg9[%dma_wait3A_570] : memref<10x!tpu.dma_semaphore, #tpu.memory_space<semaphore_mem>> -> memref<1x!tpu.dma_semaphore, #tpu.memory_space<semaphore_mem>>
    %dma_wait3A_581 = tpu.memref_squeeze %dma_wait3A_580 : memref<1x!tpu.dma_semaphore, #tpu.memory_space<semaphore_mem>> -> memref<!tpu.dma_semaphore, #tpu.memory_space<semaphore_mem>>
    tpu.wait_indirect_dma semaphore(%dma_wait3A_581 : memref<!tpu.dma_semaphore, #tpu.memory_space<semaphore_mem>>) src(%dma_wait3A_579 : memref<100000xf32, #tpu.memory_space<hbm>>) dst(%dma_wait3A_573 : memref<128xf32, #tpu.memory_space<vmem>>)
    %slice3A = vector.extract_strided_slice %get3A_529 {offsets = [0], sizes = [1], strides = [1]} : vector<16xf32> to vector<1xf32>
    %squeeze3A = vector.extract %slice3A[0] : f32 from vector<1xf32>
    %broadcast_in_dim3A = vector.broadcast %squeeze3A : f32 to vector<16xf32>
    %scan3A_582 = arith.constant 0 : i32
    %scan3A_583 = arith.constant 32 : i32
    %scan3A_584 = arith.addi %scan3A_582, %scan3A_583 : i32
    %scan3A_585 = arith.constant 4 : i32
    scf.for %scan3A_1367 = %scan3A_582 to %scan3A_584 step %scan3A_585  : i32 {
      %mul3A_1368 = arith.constant 1 : i32
      %mul3A_1369 = arith.muli %scan3A_1367, %mul3A_1368 : i32
      %add3A_1370 = arith.constant 0 : i32
      %add3A_1371 = arith.addi %add3A_1370, %mul3A_1369 : i32
      %mul3A_1372 = arith.constant 16 : i32
      %mul3A_1373 = arith.muli %add3A_1371, %mul3A_1372 : i32
      %multiple_of3A_1374 = tpu.assume_multiple %mul3A_1373, 16 : i32
      %get3A_1375 = arith.constant 0 : i32
      %get3A_1376 = arith.index_cast %get3A_1375 : i32 to index
      %get3A_1377 = arith.index_cast %multiple_of3A_1374 : i32 to index
      %get3A_1378 = tpu.vector_load %arg7[%get3A_1376, %get3A_1377] {strides = array<i32>} : memref<10x512xf32, #tpu.memory_space<vmem>>, vector<16xf32>,
      %add3A_1379 = arith.addf %get3A_1378, %broadcast_in_dim3A : vector<16xf32>
      %swap3A = arith.constant 0 : i32
      %swap3A_1380 = arith.index_cast %swap3A : i32 to index
      %swap3A_1381 = arith.index_cast %multiple_of3A_1374 : i32 to index
      %swap3A_1382 = tpu.vector_load %arg7[%swap3A_1380, %swap3A_1381] {strides = array<i32>} : memref<10x512xf32, #tpu.memory_space<vmem>>, vector<16xf32>,
      tpu.vector_store %arg7[%swap3A_1380, %swap3A_1381], %add3A_1379 {strides = array<i32>} : memref<10x512xf32, #tpu.memory_space<vmem>>, vector<16xf32>,
      %scan3A_1383 = arith.constant 1 : i32
      %scan3A_1384 = arith.addi %scan3A_1367, %scan3A_1383 : i32
      %mul3A_1385 = arith.constant 1 : i32
      %mul3A_1386 = arith.muli %scan3A_1384, %mul3A_1385 : i32
      %add3A_1387 = arith.constant 0 : i32
      %add3A_1388 = arith.addi %add3A_1387, %mul3A_1386 : i32
      %mul3A_1389 = arith.constant 16 : i32
      %mul3A_1390 = arith.muli %add3A_1388, %mul3A_1389 : i32
      %multiple_of3A_1391 = tpu.assume_multiple %mul3A_1390, 16 : i32
      %get3A_1392 = arith.constant 0 : i32
      %get3A_1393 = arith.index_cast %get3A_1392 : i32 to index
      %get3A_1394 = arith.index_cast %multiple_of3A_1391 : i32 to index
      %get3A_1395 = tpu.vector_load %arg7[%get3A_1393, %get3A_1394] {strides = array<i32>} : memref<10x512xf32, #tpu.memory_space<vmem>>, vector<16xf32>,
      %add3A_1396 = arith.addf %get3A_1395, %broadcast_in_dim3A : vector<16xf32>
      %swap3A_1397 = arith.constant 0 : i32
      %swap3A_1398 = arith.index_cast %swap3A_1397 : i32 to index
      %swap3A_1399 = arith.index_cast %multiple_of3A_1391 : i32 to index
      %swap3A_1400 = tpu.vector_load %arg7[%swap3A_1398, %swap3A_1399] {strides = array<i32>} : memref<10x512xf32, #tpu.memory_space<vmem>>, vector<16xf32>,
      tpu.vector_store %arg7[%swap3A_1398, %swap3A_1399], %add3A_1396 {strides = array<i32>} : memref<10x512xf32, #tpu.memory_space<vmem>>, vector<16xf32>,
      %scan3A_1401 = arith.constant 2 : i32
      %scan3A_1402 = arith.addi %scan3A_1367, %scan3A_1401 : i32
      %mul3A_1403 = arith.constant 1 : i32
      %mul3A_1404 = arith.muli %scan3A_1402, %mul3A_1403 : i32
      %add3A_1405 = arith.constant 0 : i32
      %add3A_1406 = arith.addi %add3A_1405, %mul3A_1404 : i32
      %mul3A_1407 = arith.constant 16 : i32
      %mul3A_1408 = arith.muli %add3A_1406, %mul3A_1407 : i32
      %multiple_of3A_1409 = tpu.assume_multiple %mul3A_1408, 16 : i32
      %get3A_1410 = arith.constant 0 : i32
      %get3A_1411 = arith.index_cast %get3A_1410 : i32 to index
      %get3A_1412 = arith.index_cast %multiple_of3A_1409 : i32 to index
      %get3A_1413 = tpu.vector_load %arg7[%get3A_1411, %get3A_1412] {strides = array<i32>} : memref<10x512xf32, #tpu.memory_space<vmem>>, vector<16xf32>,
      %add3A_1414 = arith.addf %get3A_1413, %broadcast_in_dim3A : vector<16xf32>
      %swap3A_1415 = arith.constant 0 : i32
      %swap3A_1416 = arith.index_cast %swap3A_1415 : i32 to index
      %swap3A_1417 = arith.index_cast %multiple_of3A_1409 : i32 to index
      %swap3A_1418 = tpu.vector_load %arg7[%swap3A_1416, %swap3A_1417] {strides = array<i32>} : memref<10x512xf32, #tpu.memory_space<vmem>>, vector<16xf32>,
      tpu.vector_store %arg7[%swap3A_1416, %swap3A_1417], %add3A_1414 {strides = array<i32>} : memref<10x512xf32, #tpu.memory_space<vmem>>, vector<16xf32>,
      %scan3A_1419 = arith.constant 3 : i32
      %scan3A_1420 = arith.addi %scan3A_1367, %scan3A_1419 : i32
      %mul3A_1421 = arith.constant 1 : i32
      %mul3A_1422 = arith.muli %scan3A_1420, %mul3A_1421 : i32
      %add3A_1423 = arith.constant 0 : i32
      %add3A_1424 = arith.addi %add3A_1423, %mul3A_1422 : i32
      %mul3A_1425 = arith.constant 16 : i32
      %mul3A_1426 = arith.muli %add3A_1424, %mul3A_1425 : i32
      %multiple_of3A_1427 = tpu.assume_multiple %mul3A_1426, 16 : i32
      %get3A_1428 = arith.constant 0 : i32
      %get3A_1429 = arith.index_cast %get3A_1428 : i32 to index
      %get3A_1430 = arith.index_cast %multiple_of3A_1427 : i32 to index
      %get3A_1431 = tpu.vector_load %arg7[%get3A_1429, %get3A_1430] {strides = array<i32>} : memref<10x512xf32, #tpu.memory_space<vmem>>, vector<16xf32>,
      %add3A_1432 = arith.addf %get3A_1431, %broadcast_in_dim3A : vector<16xf32>
      %swap3A_1433 = arith.constant 0 : i32
      %swap3A_1434 = arith.index_cast %swap3A_1433 : i32 to index
      %swap3A_1435 = arith.index_cast %multiple_of3A_1427 : i32 to index
      %swap3A_1436 = tpu.vector_load %arg7[%swap3A_1434, %swap3A_1435] {strides = array<i32>} : memref<10x512xf32, #tpu.memory_space<vmem>>, vector<16xf32>,
      tpu.vector_store %arg7[%swap3A_1434, %swap3A_1435], %add3A_1432 {strides = array<i32>} : memref<10x512xf32, #tpu.memory_space<vmem>>, vector<16xf32>,
    }
    %scan3A_586 = arith.constant 32 : i32
    %dma_start3A_587 = arith.constant 0 : i32
    %dma_start3A_588 = arith.constant 0 : i32
    %dma_start3A_589 = arith.constant 0 : i32
    %dma_start3A_590 = tpu.memref_slice %arg7[%dma_start3A_587, %dma_start3A_589] : memref<10x512xf32, #tpu.memory_space<vmem>> -> memref<1x512xf32, #tpu.memory_space<vmem>>
    %dma_start3A_591 = tpu.memref_squeeze %dma_start3A_590 : memref<1x512xf32, #tpu.memory_space<vmem>> -> memref<512xf32, #tpu.memory_space<vmem>>
    %dma_start3A_592 = tpu.memref_slice %arg5[%dma_start3A_588, %multiple_of3A] : memref<10x16384xf32, #tpu.memory_space<hbm>> -> memref<1x512xf32, #tpu.memory_space<hbm>>
    %dma_start3A_593 = tpu.memref_squeeze %dma_start3A_592 : memref<1x512xf32, #tpu.memory_space<hbm>> -> memref<512xf32, #tpu.memory_space<hbm>>
    %dma_start3A_594 = tpu.memref_slice %arg5[%dma_start3A_588, %multiple_of3A] : memref<10x16384xf32, #tpu.memory_space<hbm>> -> memref<1x512xf32, #tpu.memory_space<hbm>>
    %dma_start3A_595 = tpu.memref_squeeze %dma_start3A_594 : memref<1x512xf32, #tpu.memory_space<hbm>> -> memref<512xf32, #tpu.memory_space<hbm>>
    %dma_start3A_596 = arith.constant 0 : i32
    %dma_start3A_597 = tpu.memref_slice %arg7[%dma_start3A_587, %dma_start3A_596] : memref<10x512xf32, #tpu.memory_space<vmem>> -> memref<1x512xf32, #tpu.memory_space<vmem>>
    %dma_start3A_598 = tpu.memref_squeeze %dma_start3A_597 : memref<1x512xf32, #tpu.memory_space<vmem>> -> memref<512xf32, #tpu.memory_space<vmem>>
    tpu.enqueue_dma source(%dma_start3A_598 : memref<512xf32, #tpu.memory_space<vmem>>) target(%dma_start3A_595 : memref<512xf32, #tpu.memory_space<hbm>>) target_semaphore(%arg10 : memref<!tpu.dma_semaphore, #tpu.memory_space<semaphore_mem>>)
    %dma_wait3A_599 = arith.constant 1 : i32
    %dma_wait3A_600 = arith.constant 1 : i32
    %dma_wait3A_601 = arith.constant 0 : i32
    %dma_wait3A_602 = tpu.memref_slice %arg7[%dma_wait3A_599, %dma_wait3A_601] : memref<10x512xf32, #tpu.memory_space<vmem>> -> memref<1x128xf32, #tpu.memory_space<vmem>>
    %dma_wait3A_603 = tpu.memref_squeeze %dma_wait3A_602 : memref<1x128xf32, #tpu.memory_space<vmem>> -> memref<128xf32, #tpu.memory_space<vmem>>
    %dma_wait3A_604 = arith.constant 0 : i32
    %dma_wait3A_605 = tpu.memref_slice %arg6[%dma_wait3A_604] : memref<512xi32, #tpu.memory_space<vmem>> -> memref<128xi32, #tpu.memory_space<vmem>>
    %dma_wait3A_606 = arith.constant 100000 : i32
    %dma_wait3A_607 = tpu.memref_slice %arg3[%dma_wait3A_606] : memref<1000000xf32, #tpu.memory_space<hbm>> -> memref<100000xf32, #tpu.memory_space<hbm>>
    %dma_wait3A_608 = arith.constant 0 : i32
    %dma_wait3A_609 = tpu.memref_slice %dma_wait3A_607[%dma_wait3A_608] : memref<100000xf32, #tpu.memory_space<hbm>> -> memref<100000xf32, #tpu.memory_space<hbm>>
    %dma_wait3A_610 = tpu.memref_slice %arg9[%dma_wait3A_600] : memref<10x!tpu.dma_semaphore, #tpu.memory_space<semaphore_mem>> -> memref<1x!tpu.dma_semaphore, #tpu.memory_space<semaphore_mem>>
    %dma_wait3A_611 = tpu.memref_squeeze %dma_wait3A_610 : memref<1x!tpu.dma_semaphore, #tpu.memory_space<semaphore_mem>> -> memref<!tpu.dma_semaphore, #tpu.memory_space<semaphore_mem>>
    tpu.wait_indirect_dma semaphore(%dma_wait3A_611 : memref<!tpu.dma_semaphore, #tpu.memory_space<semaphore_mem>>) src(%dma_wait3A_609 : memref<100000xf32, #tpu.memory_space<hbm>>) dst(%dma_wait3A_603 : memref<128xf32, #tpu.memory_space<vmem>>)
    %dma_wait3A_612 = arith.constant 1 : i32
    %dma_wait3A_613 = arith.constant 1 : i32
    %dma_wait3A_614 = arith.constant 128 : i32
    %dma_wait3A_615 = tpu.memref_slice %arg7[%dma_wait3A_612, %dma_wait3A_614] : memref<10x512xf32, #tpu.memory_space<vmem>> -> memref<1x128xf32, #tpu.memory_space<vmem>>
    %dma_wait3A_616 = tpu.memref_squeeze %dma_wait3A_615 : memref<1x128xf32, #tpu.memory_space<vmem>> -> memref<128xf32, #tpu.memory_space<vmem>>
    %dma_wait3A_617 = arith.constant 128 : i32
    %dma_wait3A_618 = tpu.memref_slice %arg6[%dma_wait3A_617] : memref<512xi32, #tpu.memory_space<vmem>> -> memref<128xi32, #tpu.memory_space<vmem>>
    %dma_wait3A_619 = arith.constant 100000 : i32
    %dma_wait3A_620 = tpu.memref_slice %arg3[%dma_wait3A_619] : memref<1000000xf32, #tpu.memory_space<hbm>> -> memref<100000xf32, #tpu.memory_space<hbm>>
    %dma_wait3A_621 = arith.constant 0 : i32
    %dma_wait3A_622 = tpu.memref_slice %dma_wait3A_620[%dma_wait3A_621] : memref<100000xf32, #tpu.memory_space<hbm>> -> memref<100000xf32, #tpu.memory_space<hbm>>
    %dma_wait3A_623 = tpu.memref_slice %arg9[%dma_wait3A_613] : memref<10x!tpu.dma_semaphore, #tpu.memory_space<semaphore_mem>> -> memref<1x!tpu.dma_semaphore, #tpu.memory_space<semaphore_mem>>
    %dma_wait3A_624 = tpu.memref_squeeze %dma_wait3A_623 : memref<1x!tpu.dma_semaphore, #tpu.memory_space<semaphore_mem>> -> memref<!tpu.dma_semaphore, #tpu.memory_space<semaphore_mem>>
    tpu.wait_indirect_dma semaphore(%dma_wait3A_624 : memref<!tpu.dma_semaphore, #tpu.memory_space<semaphore_mem>>) src(%dma_wait3A_622 : memref<100000xf32, #tpu.memory_space<hbm>>) dst(%dma_wait3A_616 : memref<128xf32, #tpu.memory_space<vmem>>)
    %dma_wait3A_625 = arith.constant 1 : i32
    %dma_wait3A_626 = arith.constant 1 : i32
    %dma_wait3A_627 = arith.constant 256 : i32
    %dma_wait3A_628 = tpu.memref_slice %arg7[%dma_wait3A_625, %dma_wait3A_627] : memref<10x512xf32, #tpu.memory_space<vmem>> -> memref<1x128xf32, #tpu.memory_space<vmem>>
    %dma_wait3A_629 = tpu.memref_squeeze %dma_wait3A_628 : memref<1x128xf32, #tpu.memory_space<vmem>> -> memref<128xf32, #tpu.memory_space<vmem>>
    %dma_wait3A_630 = arith.constant 256 : i32
    %dma_wait3A_631 = tpu.memref_slice %arg6[%dma_wait3A_630] : memref<512xi32, #tpu.memory_space<vmem>> -> memref<128xi32, #tpu.memory_space<vmem>>
    %dma_wait3A_632 = arith.constant 100000 : i32
    %dma_wait3A_633 = tpu.memref_slice %arg3[%dma_wait3A_632] : memref<1000000xf32, #tpu.memory_space<hbm>> -> memref<100000xf32, #tpu.memory_space<hbm>>
    %dma_wait3A_634 = arith.constant 0 : i32
    %dma_wait3A_635 = tpu.memref_slice %dma_wait3A_633[%dma_wait3A_634] : memref<100000xf32, #tpu.memory_space<hbm>> -> memref<100000xf32, #tpu.memory_space<hbm>>
    %dma_wait3A_636 = tpu.memref_slice %arg9[%dma_wait3A_626] : memref<10x!tpu.dma_semaphore, #tpu.memory_space<semaphore_mem>> -> memref<1x!tpu.dma_semaphore, #tpu.memory_space<semaphore_mem>>
    %dma_wait3A_637 = tpu.memref_squeeze %dma_wait3A_636 : memref<1x!tpu.dma_semaphore, #tpu.memory_space<semaphore_mem>> -> memref<!tpu.dma_semaphore, #tpu.memory_space<semaphore_mem>>
    tpu.wait_indirect_dma semaphore(%dma_wait3A_637 : memref<!tpu.dma_semaphore, #tpu.memory_space<semaphore_mem>>) src(%dma_wait3A_635 : memref<100000xf32, #tpu.memory_space<hbm>>) dst(%dma_wait3A_629 : memref<128xf32, #tpu.memory_space<vmem>>)
    %dma_wait3A_638 = arith.constant 1 : i32
    %dma_wait3A_639 = arith.constant 1 : i32
    %dma_wait3A_640 = arith.constant 384 : i32
    %dma_wait3A_641 = tpu.memref_slice %arg7[%dma_wait3A_638, %dma_wait3A_640] : memref<10x512xf32, #tpu.memory_space<vmem>> -> memref<1x128xf32, #tpu.memory_space<vmem>>
    %dma_wait3A_642 = tpu.memref_squeeze %dma_wait3A_641 : memref<1x128xf32, #tpu.memory_space<vmem>> -> memref<128xf32, #tpu.memory_space<vmem>>
    %dma_wait3A_643 = arith.constant 384 : i32
    %dma_wait3A_644 = tpu.memref_slice %arg6[%dma_wait3A_643] : memref<512xi32, #tpu.memory_space<vmem>> -> memref<128xi32, #tpu.memory_space<vmem>>
    %dma_wait3A_645 = arith.constant 100000 : i32
    %dma_wait3A_646 = tpu.memref_slice %arg3[%dma_wait3A_645] : memref<1000000xf32, #tpu.memory_space<hbm>> -> memref<100000xf32, #tpu.memory_space<hbm>>
    %dma_wait3A_647 = arith.constant 0 : i32
    %dma_wait3A_648 = tpu.memref_slice %dma_wait3A_646[%dma_wait3A_647] : memref<100000xf32, #tpu.memory_space<hbm>> -> memref<100000xf32, #tpu.memory_space<hbm>>
    %dma_wait3A_649 = tpu.memref_slice %arg9[%dma_wait3A_639] : memref<10x!tpu.dma_semaphore, #tpu.memory_space<semaphore_mem>> -> memref<1x!tpu.dma_semaphore, #tpu.memory_space<semaphore_mem>>
    %dma_wait3A_650 = tpu.memref_squeeze %dma_wait3A_649 : memref<1x!tpu.dma_semaphore, #tpu.memory_space<semaphore_mem>> -> memref<!tpu.dma_semaphore, #tpu.memory_space<semaphore_mem>>
    tpu.wait_indirect_dma semaphore(%dma_wait3A_650 : memref<!tpu.dma_semaphore, #tpu.memory_space<semaphore_mem>>) src(%dma_wait3A_648 : memref<100000xf32, #tpu.memory_space<hbm>>) dst(%dma_wait3A_642 : memref<128xf32, #tpu.memory_space<vmem>>)
    %slice3A_651 = vector.extract_strided_slice %get3A_529 {offsets = [1], sizes = [1], strides = [1]} : vector<16xf32> to vector<1xf32>
    %squeeze3A_652 = vector.extract %slice3A_651[0] : f32 from vector<1xf32>
    %broadcast_in_dim3A_653 = vector.broadcast %squeeze3A_652 : f32 to vector<16xf32>
    %scan3A_654 = arith.constant 0 : i32
    %scan3A_655 = arith.constant 32 : i32
    %scan3A_656 = arith.addi %scan3A_654, %scan3A_655 : i32
    %scan3A_657 = arith.constant 4 : i32
    scf.for %scan3A_1367 = %scan3A_654 to %scan3A_656 step %scan3A_657  : i32 {
      %mul3A_1368 = arith.constant 1 : i32
      %mul3A_1369 = arith.muli %scan3A_1367, %mul3A_1368 : i32
      %add3A_1370 = arith.constant 0 : i32
      %add3A_1371 = arith.addi %add3A_1370, %mul3A_1369 : i32
      %mul3A_1372 = arith.constant 16 : i32
      %mul3A_1373 = arith.muli %add3A_1371, %mul3A_1372 : i32
      %multiple_of3A_1374 = tpu.assume_multiple %mul3A_1373, 16 : i32
      %get3A_1375 = arith.constant 1 : i32
      %get3A_1376 = arith.index_cast %get3A_1375 : i32 to index
      %get3A_1377 = arith.index_cast %multiple_of3A_1374 : i32 to index
      %get3A_1378 = tpu.vector_load %arg7[%get3A_1376, %get3A_1377] {strides = array<i32>} : memref<10x512xf32, #tpu.memory_space<vmem>>, vector<16xf32>,
      %add3A_1379 = arith.addf %get3A_1378, %broadcast_in_dim3A_653 : vector<16xf32>
      %swap3A = arith.constant 1 : i32
      %swap3A_1380 = arith.index_cast %swap3A : i32 to index
      %swap3A_1381 = arith.index_cast %multiple_of3A_1374 : i32 to index
      %swap3A_1382 = tpu.vector_load %arg7[%swap3A_1380, %swap3A_1381] {strides = array<i32>} : memref<10x512xf32, #tpu.memory_space<vmem>>, vector<16xf32>,
      tpu.vector_store %arg7[%swap3A_1380, %swap3A_1381], %add3A_1379 {strides = array<i32>} : memref<10x512xf32, #tpu.memory_space<vmem>>, vector<16xf32>,
      %scan3A_1383 = arith.constant 1 : i32
      %scan3A_1384 = arith.addi %scan3A_1367, %scan3A_1383 : i32
      %mul3A_1385 = arith.constant 1 : i32
      %mul3A_1386 = arith.muli %scan3A_1384, %mul3A_1385 : i32
      %add3A_1387 = arith.constant 0 : i32
      %add3A_1388 = arith.addi %add3A_1387, %mul3A_1386 : i32
      %mul3A_1389 = arith.constant 16 : i32
      %mul3A_1390 = arith.muli %add3A_1388, %mul3A_1389 : i32
      %multiple_of3A_1391 = tpu.assume_multiple %mul3A_1390, 16 : i32
      %get3A_1392 = arith.constant 1 : i32
      %get3A_1393 = arith.index_cast %get3A_1392 : i32 to index
      %get3A_1394 = arith.index_cast %multiple_of3A_1391 : i32 to index
      %get3A_1395 = tpu.vector_load %arg7[%get3A_1393, %get3A_1394] {strides = array<i32>} : memref<10x512xf32, #tpu.memory_space<vmem>>, vector<16xf32>,
      %add3A_1396 = arith.addf %get3A_1395, %broadcast_in_dim3A_653 : vector<16xf32>
      %swap3A_1397 = arith.constant 1 : i32
      %swap3A_1398 = arith.index_cast %swap3A_1397 : i32 to index
      %swap3A_1399 = arith.index_cast %multiple_of3A_1391 : i32 to index
      %swap3A_1400 = tpu.vector_load %arg7[%swap3A_1398, %swap3A_1399] {strides = array<i32>} : memref<10x512xf32, #tpu.memory_space<vmem>>, vector<16xf32>,
      tpu.vector_store %arg7[%swap3A_1398, %swap3A_1399], %add3A_1396 {strides = array<i32>} : memref<10x512xf32, #tpu.memory_space<vmem>>, vector<16xf32>,
      %scan3A_1401 = arith.constant 2 : i32
      %scan3A_1402 = arith.addi %scan3A_1367, %scan3A_1401 : i32
      %mul3A_1403 = arith.constant 1 : i32
      %mul3A_1404 = arith.muli %scan3A_1402, %mul3A_1403 : i32
      %add3A_1405 = arith.constant 0 : i32
      %add3A_1406 = arith.addi %add3A_1405, %mul3A_1404 : i32
      %mul3A_1407 = arith.constant 16 : i32
      %mul3A_1408 = arith.muli %add3A_1406, %mul3A_1407 : i32
      %multiple_of3A_1409 = tpu.assume_multiple %mul3A_1408, 16 : i32
      %get3A_1410 = arith.constant 1 : i32
      %get3A_1411 = arith.index_cast %get3A_1410 : i32 to index
      %get3A_1412 = arith.index_cast %multiple_of3A_1409 : i32 to index
      %get3A_1413 = tpu.vector_load %arg7[%get3A_1411, %get3A_1412] {strides = array<i32>} : memref<10x512xf32, #tpu.memory_space<vmem>>, vector<16xf32>,
      %add3A_1414 = arith.addf %get3A_1413, %broadcast_in_dim3A_653 : vector<16xf32>
      %swap3A_1415 = arith.constant 1 : i32
      %swap3A_1416 = arith.index_cast %swap3A_1415 : i32 to index
      %swap3A_1417 = arith.index_cast %multiple_of3A_1409 : i32 to index
      %swap3A_1418 = tpu.vector_load %arg7[%swap3A_1416, %swap3A_1417] {strides = array<i32>} : memref<10x512xf32, #tpu.memory_space<vmem>>, vector<16xf32>,
      tpu.vector_store %arg7[%swap3A_1416, %swap3A_1417], %add3A_1414 {strides = array<i32>} : memref<10x512xf32, #tpu.memory_space<vmem>>, vector<16xf32>,
      %scan3A_1419 = arith.constant 3 : i32
      %scan3A_1420 = arith.addi %scan3A_1367, %scan3A_1419 : i32
      %mul3A_1421 = arith.constant 1 : i32
      %mul3A_1422 = arith.muli %scan3A_1420, %mul3A_1421 : i32
      %add3A_1423 = arith.constant 0 : i32
      %add3A_1424 = arith.addi %add3A_1423, %mul3A_1422 : i32
      %mul3A_1425 = arith.constant 16 : i32
      %mul3A_1426 = arith.muli %add3A_1424, %mul3A_1425 : i32
      %multiple_of3A_1427 = tpu.assume_multiple %mul3A_1426, 16 : i32
      %get3A_1428 = arith.constant 1 : i32
      %get3A_1429 = arith.index_cast %get3A_1428 : i32 to index
      %get3A_1430 = arith.index_cast %multiple_of3A_1427 : i32 to index
      %get3A_1431 = tpu.vector_load %arg7[%get3A_1429, %get3A_1430] {strides = array<i32>} : memref<10x512xf32, #tpu.memory_space<vmem>>, vector<16xf32>,
      %add3A_1432 = arith.addf %get3A_1431, %broadcast_in_dim3A_653 : vector<16xf32>
      %swap3A_1433 = arith.constant 1 : i32
      %swap3A_1434 = arith.index_cast %swap3A_1433 : i32 to index
      %swap3A_1435 = arith.index_cast %multiple_of3A_1427 : i32 to index
      %swap3A_1436 = tpu.vector_load %arg7[%swap3A_1434, %swap3A_1435] {strides = array<i32>} : memref<10x512xf32, #tpu.memory_space<vmem>>, vector<16xf32>,
      tpu.vector_store %arg7[%swap3A_1434, %swap3A_1435], %add3A_1432 {strides = array<i32>} : memref<10x512xf32, #tpu.memory_space<vmem>>, vector<16xf32>,
    }
    %scan3A_658 = arith.constant 32 : i32
    %dma_start3A_659 = arith.constant 1 : i32
    %dma_start3A_660 = arith.constant 1 : i32
    %dma_start3A_661 = arith.constant 0 : i32
    %dma_start3A_662 = tpu.memref_slice %arg7[%dma_start3A_659, %dma_start3A_661] : memref<10x512xf32, #tpu.memory_space<vmem>> -> memref<1x512xf32, #tpu.memory_space<vmem>>
    %dma_start3A_663 = tpu.memref_squeeze %dma_start3A_662 : memref<1x512xf32, #tpu.memory_space<vmem>> -> memref<512xf32, #tpu.memory_space<vmem>>
    %dma_start3A_664 = tpu.memref_slice %arg5[%dma_start3A_660, %multiple_of3A] : memref<10x16384xf32, #tpu.memory_space<hbm>> -> memref<1x512xf32, #tpu.memory_space<hbm>>
    %dma_start3A_665 = tpu.memref_squeeze %dma_start3A_664 : memref<1x512xf32, #tpu.memory_space<hbm>> -> memref<512xf32, #tpu.memory_space<hbm>>
    %dma_start3A_666 = tpu.memref_slice %arg5[%dma_start3A_660, %multiple_of3A] : memref<10x16384xf32, #tpu.memory_space<hbm>> -> memref<1x512xf32, #tpu.memory_space<hbm>>
    %dma_start3A_667 = tpu.memref_squeeze %dma_start3A_666 : memref<1x512xf32, #tpu.memory_space<hbm>> -> memref<512xf32, #tpu.memory_space<hbm>>
    %dma_start3A_668 = arith.constant 0 : i32
    %dma_start3A_669 = tpu.memref_slice %arg7[%dma_start3A_659, %dma_start3A_668] : memref<10x512xf32, #tpu.memory_space<vmem>> -> memref<1x512xf32, #tpu.memory_space<vmem>>
    %dma_start3A_670 = tpu.memref_squeeze %dma_start3A_669 : memref<1x512xf32, #tpu.memory_space<vmem>> -> memref<512xf32, #tpu.memory_space<vmem>>
    tpu.enqueue_dma source(%dma_start3A_670 : memref<512xf32, #tpu.memory_space<vmem>>) target(%dma_start3A_667 : memref<512xf32, #tpu.memory_space<hbm>>) target_semaphore(%arg10 : memref<!tpu.dma_semaphore, #tpu.memory_space<semaphore_mem>>)
    %dma_wait3A_671 = arith.constant 2 : i32
    %dma_wait3A_672 = arith.constant 2 : i32
    %dma_wait3A_673 = arith.constant 0 : i32
    %dma_wait3A_674 = tpu.memref_slice %arg7[%dma_wait3A_671, %dma_wait3A_673] : memref<10x512xf32, #tpu.memory_space<vmem>> -> memref<1x128xf32, #tpu.memory_space<vmem>>
    %dma_wait3A_675 = tpu.memref_squeeze %dma_wait3A_674 : memref<1x128xf32, #tpu.memory_space<vmem>> -> memref<128xf32, #tpu.memory_space<vmem>>
    %dma_wait3A_676 = arith.constant 0 : i32
    %dma_wait3A_677 = tpu.memref_slice %arg6[%dma_wait3A_676] : memref<512xi32, #tpu.memory_space<vmem>> -> memref<128xi32, #tpu.memory_space<vmem>>
    %dma_wait3A_678 = arith.constant 200000 : i32
    %dma_wait3A_679 = tpu.memref_slice %arg3[%dma_wait3A_678] : memref<1000000xf32, #tpu.memory_space<hbm>> -> memref<100000xf32, #tpu.memory_space<hbm>>
    %dma_wait3A_680 = arith.constant 0 : i32
    %dma_wait3A_681 = tpu.memref_slice %dma_wait3A_679[%dma_wait3A_680] : memref<100000xf32, #tpu.memory_space<hbm>> -> memref<100000xf32, #tpu.memory_space<hbm>>
    %dma_wait3A_682 = tpu.memref_slice %arg9[%dma_wait3A_672] : memref<10x!tpu.dma_semaphore, #tpu.memory_space<semaphore_mem>> -> memref<1x!tpu.dma_semaphore, #tpu.memory_space<semaphore_mem>>
    %dma_wait3A_683 = tpu.memref_squeeze %dma_wait3A_682 : memref<1x!tpu.dma_semaphore, #tpu.memory_space<semaphore_mem>> -> memref<!tpu.dma_semaphore, #tpu.memory_space<semaphore_mem>>
    tpu.wait_indirect_dma semaphore(%dma_wait3A_683 : memref<!tpu.dma_semaphore, #tpu.memory_space<semaphore_mem>>) src(%dma_wait3A_681 : memref<100000xf32, #tpu.memory_space<hbm>>) dst(%dma_wait3A_675 : memref<128xf32, #tpu.memory_space<vmem>>)
    %dma_wait3A_684 = arith.constant 2 : i32
    %dma_wait3A_685 = arith.constant 2 : i32
    %dma_wait3A_686 = arith.constant 128 : i32
    %dma_wait3A_687 = tpu.memref_slice %arg7[%dma_wait3A_684, %dma_wait3A_686] : memref<10x512xf32, #tpu.memory_space<vmem>> -> memref<1x128xf32, #tpu.memory_space<vmem>>
    %dma_wait3A_688 = tpu.memref_squeeze %dma_wait3A_687 : memref<1x128xf32, #tpu.memory_space<vmem>> -> memref<128xf32, #tpu.memory_space<vmem>>
    %dma_wait3A_689 = arith.constant 128 : i32
    %dma_wait3A_690 = tpu.memref_slice %arg6[%dma_wait3A_689] : memref<512xi32, #tpu.memory_space<vmem>> -> memref<128xi32, #tpu.memory_space<vmem>>
    %dma_wait3A_691 = arith.constant 200000 : i32
    %dma_wait3A_692 = tpu.memref_slice %arg3[%dma_wait3A_691] : memref<1000000xf32, #tpu.memory_space<hbm>> -> memref<100000xf32, #tpu.memory_space<hbm>>
    %dma_wait3A_693 = arith.constant 0 : i32
    %dma_wait3A_694 = tpu.memref_slice %dma_wait3A_692[%dma_wait3A_693] : memref<100000xf32, #tpu.memory_space<hbm>> -> memref<100000xf32, #tpu.memory_space<hbm>>
    %dma_wait3A_695 = tpu.memref_slice %arg9[%dma_wait3A_685] : memref<10x!tpu.dma_semaphore, #tpu.memory_space<semaphore_mem>> -> memref<1x!tpu.dma_semaphore, #tpu.memory_space<semaphore_mem>>
    %dma_wait3A_696 = tpu.memref_squeeze %dma_wait3A_695 : memref<1x!tpu.dma_semaphore, #tpu.memory_space<semaphore_mem>> -> memref<!tpu.dma_semaphore, #tpu.memory_space<semaphore_mem>>
    tpu.wait_indirect_dma semaphore(%dma_wait3A_696 : memref<!tpu.dma_semaphore, #tpu.memory_space<semaphore_mem>>) src(%dma_wait3A_694 : memref<100000xf32, #tpu.memory_space<hbm>>) dst(%dma_wait3A_688 : memref<128xf32, #tpu.memory_space<vmem>>)
    %dma_wait3A_697 = arith.constant 2 : i32
    %dma_wait3A_698 = arith.constant 2 : i32
    %dma_wait3A_699 = arith.constant 256 : i32
    %dma_wait3A_700 = tpu.memref_slice %arg7[%dma_wait3A_697, %dma_wait3A_699] : memref<10x512xf32, #tpu.memory_space<vmem>> -> memref<1x128xf32, #tpu.memory_space<vmem>>
    %dma_wait3A_701 = tpu.memref_squeeze %dma_wait3A_700 : memref<1x128xf32, #tpu.memory_space<vmem>> -> memref<128xf32, #tpu.memory_space<vmem>>
    %dma_wait3A_702 = arith.constant 256 : i32
    %dma_wait3A_703 = tpu.memref_slice %arg6[%dma_wait3A_702] : memref<512xi32, #tpu.memory_space<vmem>> -> memref<128xi32, #tpu.memory_space<vmem>>
    %dma_wait3A_704 = arith.constant 200000 : i32
    %dma_wait3A_705 = tpu.memref_slice %arg3[%dma_wait3A_704] : memref<1000000xf32, #tpu.memory_space<hbm>> -> memref<100000xf32, #tpu.memory_space<hbm>>
    %dma_wait3A_706 = arith.constant 0 : i32
    %dma_wait3A_707 = tpu.memref_slice %dma_wait3A_705[%dma_wait3A_706] : memref<100000xf32, #tpu.memory_space<hbm>> -> memref<100000xf32, #tpu.memory_space<hbm>>
    %dma_wait3A_708 = tpu.memref_slice %arg9[%dma_wait3A_698] : memref<10x!tpu.dma_semaphore, #tpu.memory_space<semaphore_mem>> -> memref<1x!tpu.dma_semaphore, #tpu.memory_space<semaphore_mem>>
    %dma_wait3A_709 = tpu.memref_squeeze %dma_wait3A_708 : memref<1x!tpu.dma_semaphore, #tpu.memory_space<semaphore_mem>> -> memref<!tpu.dma_semaphore, #tpu.memory_space<semaphore_mem>>
    tpu.wait_indirect_dma semaphore(%dma_wait3A_709 : memref<!tpu.dma_semaphore, #tpu.memory_space<semaphore_mem>>) src(%dma_wait3A_707 : memref<100000xf32, #tpu.memory_space<hbm>>) dst(%dma_wait3A_701 : memref<128xf32, #tpu.memory_space<vmem>>)
    %dma_wait3A_710 = arith.constant 2 : i32
    %dma_wait3A_711 = arith.constant 2 : i32
    %dma_wait3A_712 = arith.constant 384 : i32
    %dma_wait3A_713 = tpu.memref_slice %arg7[%dma_wait3A_710, %dma_wait3A_712] : memref<10x512xf32, #tpu.memory_space<vmem>> -> memref<1x128xf32, #tpu.memory_space<vmem>>
    %dma_wait3A_714 = tpu.memref_squeeze %dma_wait3A_713 : memref<1x128xf32, #tpu.memory_space<vmem>> -> memref<128xf32, #tpu.memory_space<vmem>>
    %dma_wait3A_715 = arith.constant 384 : i32
    %dma_wait3A_716 = tpu.memref_slice %arg6[%dma_wait3A_715] : memref<512xi32, #tpu.memory_space<vmem>> -> memref<128xi32, #tpu.memory_space<vmem>>
    %dma_wait3A_717 = arith.constant 200000 : i32
    %dma_wait3A_718 = tpu.memref_slice %arg3[%dma_wait3A_717] : memref<1000000xf32, #tpu.memory_space<hbm>> -> memref<100000xf32, #tpu.memory_space<hbm>>
    %dma_wait3A_719 = arith.constant 0 : i32
    %dma_wait3A_720 = tpu.memref_slice %dma_wait3A_718[%dma_wait3A_719] : memref<100000xf32, #tpu.memory_space<hbm>> -> memref<100000xf32, #tpu.memory_space<hbm>>
    %dma_wait3A_721 = tpu.memref_slice %arg9[%dma_wait3A_711] : memref<10x!tpu.dma_semaphore, #tpu.memory_space<semaphore_mem>> -> memref<1x!tpu.dma_semaphore, #tpu.memory_space<semaphore_mem>>
    %dma_wait3A_722 = tpu.memref_squeeze %dma_wait3A_721 : memref<1x!tpu.dma_semaphore, #tpu.memory_space<semaphore_mem>> -> memref<!tpu.dma_semaphore, #tpu.memory_space<semaphore_mem>>
    tpu.wait_indirect_dma semaphore(%dma_wait3A_722 : memref<!tpu.dma_semaphore, #tpu.memory_space<semaphore_mem>>) src(%dma_wait3A_720 : memref<100000xf32, #tpu.memory_space<hbm>>) dst(%dma_wait3A_714 : memref<128xf32, #tpu.memory_space<vmem>>)
    %slice3A_723 = vector.extract_strided_slice %get3A_529 {offsets = [2], sizes = [1], strides = [1]} : vector<16xf32> to vector<1xf32>
    %squeeze3A_724 = vector.extract %slice3A_723[0] : f32 from vector<1xf32>
    %broadcast_in_dim3A_725 = vector.broadcast %squeeze3A_724 : f32 to vector<16xf32>
    %scan3A_726 = arith.constant 0 : i32
    %scan3A_727 = arith.constant 32 : i32
    %scan3A_728 = arith.addi %scan3A_726, %scan3A_727 : i32
    %scan3A_729 = arith.constant 4 : i32
    scf.for %scan3A_1367 = %scan3A_726 to %scan3A_728 step %scan3A_729  : i32 {
      %mul3A_1368 = arith.constant 1 : i32
      %mul3A_1369 = arith.muli %scan3A_1367, %mul3A_1368 : i32
      %add3A_1370 = arith.constant 0 : i32
      %add3A_1371 = arith.addi %add3A_1370, %mul3A_1369 : i32
      %mul3A_1372 = arith.constant 16 : i32
      %mul3A_1373 = arith.muli %add3A_1371, %mul3A_1372 : i32
      %multiple_of3A_1374 = tpu.assume_multiple %mul3A_1373, 16 : i32
      %get3A_1375 = arith.constant 2 : i32
      %get3A_1376 = arith.index_cast %get3A_1375 : i32 to index
      %get3A_1377 = arith.index_cast %multiple_of3A_1374 : i32 to index
      %get3A_1378 = tpu.vector_load %arg7[%get3A_1376, %get3A_1377] {strides = array<i32>} : memref<10x512xf32, #tpu.memory_space<vmem>>, vector<16xf32>,
      %add3A_1379 = arith.addf %get3A_1378, %broadcast_in_dim3A_725 : vector<16xf32>
      %swap3A = arith.constant 2 : i32
      %swap3A_1380 = arith.index_cast %swap3A : i32 to index
      %swap3A_1381 = arith.index_cast %multiple_of3A_1374 : i32 to index
      %swap3A_1382 = tpu.vector_load %arg7[%swap3A_1380, %swap3A_1381] {strides = array<i32>} : memref<10x512xf32, #tpu.memory_space<vmem>>, vector<16xf32>,
      tpu.vector_store %arg7[%swap3A_1380, %swap3A_1381], %add3A_1379 {strides = array<i32>} : memref<10x512xf32, #tpu.memory_space<vmem>>, vector<16xf32>,
      %scan3A_1383 = arith.constant 1 : i32
      %scan3A_1384 = arith.addi %scan3A_1367, %scan3A_1383 : i32
      %mul3A_1385 = arith.constant 1 : i32
      %mul3A_1386 = arith.muli %scan3A_1384, %mul3A_1385 : i32
      %add3A_1387 = arith.constant 0 : i32
      %add3A_1388 = arith.addi %add3A_1387, %mul3A_1386 : i32
      %mul3A_1389 = arith.constant 16 : i32
      %mul3A_1390 = arith.muli %add3A_1388, %mul3A_1389 : i32
      %multiple_of3A_1391 = tpu.assume_multiple %mul3A_1390, 16 : i32
      %get3A_1392 = arith.constant 2 : i32
      %get3A_1393 = arith.index_cast %get3A_1392 : i32 to index
      %get3A_1394 = arith.index_cast %multiple_of3A_1391 : i32 to index
      %get3A_1395 = tpu.vector_load %arg7[%get3A_1393, %get3A_1394] {strides = array<i32>} : memref<10x512xf32, #tpu.memory_space<vmem>>, vector<16xf32>,
      %add3A_1396 = arith.addf %get3A_1395, %broadcast_in_dim3A_725 : vector<16xf32>
      %swap3A_1397 = arith.constant 2 : i32
      %swap3A_1398 = arith.index_cast %swap3A_1397 : i32 to index
      %swap3A_1399 = arith.index_cast %multiple_of3A_1391 : i32 to index
      %swap3A_1400 = tpu.vector_load %arg7[%swap3A_1398, %swap3A_1399] {strides = array<i32>} : memref<10x512xf32, #tpu.memory_space<vmem>>, vector<16xf32>,
      tpu.vector_store %arg7[%swap3A_1398, %swap3A_1399], %add3A_1396 {strides = array<i32>} : memref<10x512xf32, #tpu.memory_space<vmem>>, vector<16xf32>,
      %scan3A_1401 = arith.constant 2 : i32
      %scan3A_1402 = arith.addi %scan3A_1367, %scan3A_1401 : i32
      %mul3A_1403 = arith.constant 1 : i32
      %mul3A_1404 = arith.muli %scan3A_1402, %mul3A_1403 : i32
      %add3A_1405 = arith.constant 0 : i32
      %add3A_1406 = arith.addi %add3A_1405, %mul3A_1404 : i32
      %mul3A_1407 = arith.constant 16 : i32
      %mul3A_1408 = arith.muli %add3A_1406, %mul3A_1407 : i32
      %multiple_of3A_1409 = tpu.assume_multiple %mul3A_1408, 16 : i32
      %get3A_1410 = arith.constant 2 : i32
      %get3A_1411 = arith.index_cast %get3A_1410 : i32 to index
      %get3A_1412 = arith.index_cast %multiple_of3A_1409 : i32 to index
      %get3A_1413 = tpu.vector_load %arg7[%get3A_1411, %get3A_1412] {strides = array<i32>} : memref<10x512xf32, #tpu.memory_space<vmem>>, vector<16xf32>,
      %add3A_1414 = arith.addf %get3A_1413, %broadcast_in_dim3A_725 : vector<16xf32>
      %swap3A_1415 = arith.constant 2 : i32
      %swap3A_1416 = arith.index_cast %swap3A_1415 : i32 to index
      %swap3A_1417 = arith.index_cast %multiple_of3A_1409 : i32 to index
      %swap3A_1418 = tpu.vector_load %arg7[%swap3A_1416, %swap3A_1417] {strides = array<i32>} : memref<10x512xf32, #tpu.memory_space<vmem>>, vector<16xf32>,
      tpu.vector_store %arg7[%swap3A_1416, %swap3A_1417], %add3A_1414 {strides = array<i32>} : memref<10x512xf32, #tpu.memory_space<vmem>>, vector<16xf32>,
      %scan3A_1419 = arith.constant 3 : i32
      %scan3A_1420 = arith.addi %scan3A_1367, %scan3A_1419 : i32
      %mul3A_1421 = arith.constant 1 : i32
      %mul3A_1422 = arith.muli %scan3A_1420, %mul3A_1421 : i32
      %add3A_1423 = arith.constant 0 : i32
      %add3A_1424 = arith.addi %add3A_1423, %mul3A_1422 : i32
      %mul3A_1425 = arith.constant 16 : i32
      %mul3A_1426 = arith.muli %add3A_1424, %mul3A_1425 : i32
      %multiple_of3A_1427 = tpu.assume_multiple %mul3A_1426, 16 : i32
      %get3A_1428 = arith.constant 2 : i32
      %get3A_1429 = arith.index_cast %get3A_1428 : i32 to index
      %get3A_1430 = arith.index_cast %multiple_of3A_1427 : i32 to index
      %get3A_1431 = tpu.vector_load %arg7[%get3A_1429, %get3A_1430] {strides = array<i32>} : memref<10x512xf32, #tpu.memory_space<vmem>>, vector<16xf32>,
      %add3A_1432 = arith.addf %get3A_1431, %broadcast_in_dim3A_725 : vector<16xf32>
      %swap3A_1433 = arith.constant 2 : i32
      %swap3A_1434 = arith.index_cast %swap3A_1433 : i32 to index
      %swap3A_1435 = arith.index_cast %multiple_of3A_1427 : i32 to index
      %swap3A_1436 = tpu.vector_load %arg7[%swap3A_1434, %swap3A_1435] {strides = array<i32>} : memref<10x512xf32, #tpu.memory_space<vmem>>, vector<16xf32>,
      tpu.vector_store %arg7[%swap3A_1434, %swap3A_1435], %add3A_1432 {strides = array<i32>} : memref<10x512xf32, #tpu.memory_space<vmem>>, vector<16xf32>,
    }
    %scan3A_730 = arith.constant 32 : i32
    %dma_start3A_731 = arith.constant 2 : i32
    %dma_start3A_732 = arith.constant 2 : i32
    %dma_start3A_733 = arith.constant 0 : i32
    %dma_start3A_734 = tpu.memref_slice %arg7[%dma_start3A_731, %dma_start3A_733] : memref<10x512xf32, #tpu.memory_space<vmem>> -> memref<1x512xf32, #tpu.memory_space<vmem>>
    %dma_start3A_735 = tpu.memref_squeeze %dma_start3A_734 : memref<1x512xf32, #tpu.memory_space<vmem>> -> memref<512xf32, #tpu.memory_space<vmem>>
    %dma_start3A_736 = tpu.memref_slice %arg5[%dma_start3A_732, %multiple_of3A] : memref<10x16384xf32, #tpu.memory_space<hbm>> -> memref<1x512xf32, #tpu.memory_space<hbm>>
    %dma_start3A_737 = tpu.memref_squeeze %dma_start3A_736 : memref<1x512xf32, #tpu.memory_space<hbm>> -> memref<512xf32, #tpu.memory_space<hbm>>
    %dma_start3A_738 = tpu.memref_slice %arg5[%dma_start3A_732, %multiple_of3A] : memref<10x16384xf32, #tpu.memory_space<hbm>> -> memref<1x512xf32, #tpu.memory_space<hbm>>
    %dma_start3A_739 = tpu.memref_squeeze %dma_start3A_738 : memref<1x512xf32, #tpu.memory_space<hbm>> -> memref<512xf32, #tpu.memory_space<hbm>>
    %dma_start3A_740 = arith.constant 0 : i32
    %dma_start3A_741 = tpu.memref_slice %arg7[%dma_start3A_731, %dma_start3A_740] : memref<10x512xf32, #tpu.memory_space<vmem>> -> memref<1x512xf32, #tpu.memory_space<vmem>>
    %dma_start3A_742 = tpu.memref_squeeze %dma_start3A_741 : memref<1x512xf32, #tpu.memory_space<vmem>> -> memref<512xf32, #tpu.memory_space<vmem>>
    tpu.enqueue_dma source(%dma_start3A_742 : memref<512xf32, #tpu.memory_space<vmem>>) target(%dma_start3A_739 : memref<512xf32, #tpu.memory_space<hbm>>) target_semaphore(%arg10 : memref<!tpu.dma_semaphore, #tpu.memory_space<semaphore_mem>>)
    %dma_wait3A_743 = arith.constant 3 : i32
    %dma_wait3A_744 = arith.constant 3 : i32
    %dma_wait3A_745 = arith.constant 0 : i32
    %dma_wait3A_746 = tpu.memref_slice %arg7[%dma_wait3A_743, %dma_wait3A_745] : memref<10x512xf32, #tpu.memory_space<vmem>> -> memref<1x128xf32, #tpu.memory_space<vmem>>
    %dma_wait3A_747 = tpu.memref_squeeze %dma_wait3A_746 : memref<1x128xf32, #tpu.memory_space<vmem>> -> memref<128xf32, #tpu.memory_space<vmem>>
    %dma_wait3A_748 = arith.constant 0 : i32
    %dma_wait3A_749 = tpu.memref_slice %arg6[%dma_wait3A_748] : memref<512xi32, #tpu.memory_space<vmem>> -> memref<128xi32, #tpu.memory_space<vmem>>
    %dma_wait3A_750 = arith.constant 300000 : i32
    %dma_wait3A_751 = tpu.memref_slice %arg3[%dma_wait3A_750] : memref<1000000xf32, #tpu.memory_space<hbm>> -> memref<100000xf32, #tpu.memory_space<hbm>>
    %dma_wait3A_752 = arith.constant 0 : i32
    %dma_wait3A_753 = tpu.memref_slice %dma_wait3A_751[%dma_wait3A_752] : memref<100000xf32, #tpu.memory_space<hbm>> -> memref<100000xf32, #tpu.memory_space<hbm>>
    %dma_wait3A_754 = tpu.memref_slice %arg9[%dma_wait3A_744] : memref<10x!tpu.dma_semaphore, #tpu.memory_space<semaphore_mem>> -> memref<1x!tpu.dma_semaphore, #tpu.memory_space<semaphore_mem>>
    %dma_wait3A_755 = tpu.memref_squeeze %dma_wait3A_754 : memref<1x!tpu.dma_semaphore, #tpu.memory_space<semaphore_mem>> -> memref<!tpu.dma_semaphore, #tpu.memory_space<semaphore_mem>>
    tpu.wait_indirect_dma semaphore(%dma_wait3A_755 : memref<!tpu.dma_semaphore, #tpu.memory_space<semaphore_mem>>) src(%dma_wait3A_753 : memref<100000xf32, #tpu.memory_space<hbm>>) dst(%dma_wait3A_747 : memref<128xf32, #tpu.memory_space<vmem>>)
    %dma_wait3A_756 = arith.constant 3 : i32
    %dma_wait3A_757 = arith.constant 3 : i32
    %dma_wait3A_758 = arith.constant 128 : i32
    %dma_wait3A_759 = tpu.memref_slice %arg7[%dma_wait3A_756, %dma_wait3A_758] : memref<10x512xf32, #tpu.memory_space<vmem>> -> memref<1x128xf32, #tpu.memory_space<vmem>>
    %dma_wait3A_760 = tpu.memref_squeeze %dma_wait3A_759 : memref<1x128xf32, #tpu.memory_space<vmem>> -> memref<128xf32, #tpu.memory_space<vmem>>
    %dma_wait3A_761 = arith.constant 128 : i32
    %dma_wait3A_762 = tpu.memref_slice %arg6[%dma_wait3A_761] : memref<512xi32, #tpu.memory_space<vmem>> -> memref<128xi32, #tpu.memory_space<vmem>>
    %dma_wait3A_763 = arith.constant 300000 : i32
    %dma_wait3A_764 = tpu.memref_slice %arg3[%dma_wait3A_763] : memref<1000000xf32, #tpu.memory_space<hbm>> -> memref<100000xf32, #tpu.memory_space<hbm>>
    %dma_wait3A_765 = arith.constant 0 : i32
    %dma_wait3A_766 = tpu.memref_slice %dma_wait3A_764[%dma_wait3A_765] : memref<100000xf32, #tpu.memory_space<hbm>> -> memref<100000xf32, #tpu.memory_space<hbm>>
    %dma_wait3A_767 = tpu.memref_slice %arg9[%dma_wait3A_757] : memref<10x!tpu.dma_semaphore, #tpu.memory_space<semaphore_mem>> -> memref<1x!tpu.dma_semaphore, #tpu.memory_space<semaphore_mem>>
    %dma_wait3A_768 = tpu.memref_squeeze %dma_wait3A_767 : memref<1x!tpu.dma_semaphore, #tpu.memory_space<semaphore_mem>> -> memref<!tpu.dma_semaphore, #tpu.memory_space<semaphore_mem>>
    tpu.wait_indirect_dma semaphore(%dma_wait3A_768 : memref<!tpu.dma_semaphore, #tpu.memory_space<semaphore_mem>>) src(%dma_wait3A_766 : memref<100000xf32, #tpu.memory_space<hbm>>) dst(%dma_wait3A_760 : memref<128xf32, #tpu.memory_space<vmem>>)
    %dma_wait3A_769 = arith.constant 3 : i32
    %dma_wait3A_770 = arith.constant 3 : i32
    %dma_wait3A_771 = arith.constant 256 : i32
    %dma_wait3A_772 = tpu.memref_slice %arg7[%dma_wait3A_769, %dma_wait3A_771] : memref<10x512xf32, #tpu.memory_space<vmem>> -> memref<1x128xf32, #tpu.memory_space<vmem>>
    %dma_wait3A_773 = tpu.memref_squeeze %dma_wait3A_772 : memref<1x128xf32, #tpu.memory_space<vmem>> -> memref<128xf32, #tpu.memory_space<vmem>>
    %dma_wait3A_774 = arith.constant 256 : i32
    %dma_wait3A_775 = tpu.memref_slice %arg6[%dma_wait3A_774] : memref<512xi32, #tpu.memory_space<vmem>> -> memref<128xi32, #tpu.memory_space<vmem>>
    %dma_wait3A_776 = arith.constant 300000 : i32
    %dma_wait3A_777 = tpu.memref_slice %arg3[%dma_wait3A_776] : memref<1000000xf32, #tpu.memory_space<hbm>> -> memref<100000xf32, #tpu.memory_space<hbm>>
    %dma_wait3A_778 = arith.constant 0 : i32
    %dma_wait3A_779 = tpu.memref_slice %dma_wait3A_777[%dma_wait3A_778] : memref<100000xf32, #tpu.memory_space<hbm>> -> memref<100000xf32, #tpu.memory_space<hbm>>
    %dma_wait3A_780 = tpu.memref_slice %arg9[%dma_wait3A_770] : memref<10x!tpu.dma_semaphore, #tpu.memory_space<semaphore_mem>> -> memref<1x!tpu.dma_semaphore, #tpu.memory_space<semaphore_mem>>
    %dma_wait3A_781 = tpu.memref_squeeze %dma_wait3A_780 : memref<1x!tpu.dma_semaphore, #tpu.memory_space<semaphore_mem>> -> memref<!tpu.dma_semaphore, #tpu.memory_space<semaphore_mem>>
    tpu.wait_indirect_dma semaphore(%dma_wait3A_781 : memref<!tpu.dma_semaphore, #tpu.memory_space<semaphore_mem>>) src(%dma_wait3A_779 : memref<100000xf32, #tpu.memory_space<hbm>>) dst(%dma_wait3A_773 : memref<128xf32, #tpu.memory_space<vmem>>)
    %dma_wait3A_782 = arith.constant 3 : i32
    %dma_wait3A_783 = arith.constant 3 : i32
    %dma_wait3A_784 = arith.constant 384 : i32
    %dma_wait3A_785 = tpu.memref_slice %arg7[%dma_wait3A_782, %dma_wait3A_784] : memref<10x512xf32, #tpu.memory_space<vmem>> -> memref<1x128xf32, #tpu.memory_space<vmem>>
    %dma_wait3A_786 = tpu.memref_squeeze %dma_wait3A_785 : memref<1x128xf32, #tpu.memory_space<vmem>> -> memref<128xf32, #tpu.memory_space<vmem>>
    %dma_wait3A_787 = arith.constant 384 : i32
    %dma_wait3A_788 = tpu.memref_slice %arg6[%dma_wait3A_787] : memref<512xi32, #tpu.memory_space<vmem>> -> memref<128xi32, #tpu.memory_space<vmem>>
    %dma_wait3A_789 = arith.constant 300000 : i32
    %dma_wait3A_790 = tpu.memref_slice %arg3[%dma_wait3A_789] : memref<1000000xf32, #tpu.memory_space<hbm>> -> memref<100000xf32, #tpu.memory_space<hbm>>
    %dma_wait3A_791 = arith.constant 0 : i32
    %dma_wait3A_792 = tpu.memref_slice %dma_wait3A_790[%dma_wait3A_791] : memref<100000xf32, #tpu.memory_space<hbm>> -> memref<100000xf32, #tpu.memory_space<hbm>>
    %dma_wait3A_793 = tpu.memref_slice %arg9[%dma_wait3A_783] : memref<10x!tpu.dma_semaphore, #tpu.memory_space<semaphore_mem>> -> memref<1x!tpu.dma_semaphore, #tpu.memory_space<semaphore_mem>>
    %dma_wait3A_794 = tpu.memref_squeeze %dma_wait3A_793 : memref<1x!tpu.dma_semaphore, #tpu.memory_space<semaphore_mem>> -> memref<!tpu.dma_semaphore, #tpu.memory_space<semaphore_mem>>
    tpu.wait_indirect_dma semaphore(%dma_wait3A_794 : memref<!tpu.dma_semaphore, #tpu.memory_space<semaphore_mem>>) src(%dma_wait3A_792 : memref<100000xf32, #tpu.memory_space<hbm>>) dst(%dma_wait3A_786 : memref<128xf32, #tpu.memory_space<vmem>>)
    %slice3A_795 = vector.extract_strided_slice %get3A_529 {offsets = [3], sizes = [1], strides = [1]} : vector<16xf32> to vector<1xf32>
    %squeeze3A_796 = vector.extract %slice3A_795[0] : f32 from vector<1xf32>
    %broadcast_in_dim3A_797 = vector.broadcast %squeeze3A_796 : f32 to vector<16xf32>
    %scan3A_798 = arith.constant 0 : i32
    %scan3A_799 = arith.constant 32 : i32
    %scan3A_800 = arith.addi %scan3A_798, %scan3A_799 : i32
    %scan3A_801 = arith.constant 4 : i32
    scf.for %scan3A_1367 = %scan3A_798 to %scan3A_800 step %scan3A_801  : i32 {
      %mul3A_1368 = arith.constant 1 : i32
      %mul3A_1369 = arith.muli %scan3A_1367, %mul3A_1368 : i32
      %add3A_1370 = arith.constant 0 : i32
      %add3A_1371 = arith.addi %add3A_1370, %mul3A_1369 : i32
      %mul3A_1372 = arith.constant 16 : i32
      %mul3A_1373 = arith.muli %add3A_1371, %mul3A_1372 : i32
      %multiple_of3A_1374 = tpu.assume_multiple %mul3A_1373, 16 : i32
      %get3A_1375 = arith.constant 3 : i32
      %get3A_1376 = arith.index_cast %get3A_1375 : i32 to index
      %get3A_1377 = arith.index_cast %multiple_of3A_1374 : i32 to index
      %get3A_1378 = tpu.vector_load %arg7[%get3A_1376, %get3A_1377] {strides = array<i32>} : memref<10x512xf32, #tpu.memory_space<vmem>>, vector<16xf32>,
      %add3A_1379 = arith.addf %get3A_1378, %broadcast_in_dim3A_797 : vector<16xf32>
      %swap3A = arith.constant 3 : i32
      %swap3A_1380 = arith.index_cast %swap3A : i32 to index
      %swap3A_1381 = arith.index_cast %multiple_of3A_1374 : i32 to index
      %swap3A_1382 = tpu.vector_load %arg7[%swap3A_1380, %swap3A_1381] {strides = array<i32>} : memref<10x512xf32, #tpu.memory_space<vmem>>, vector<16xf32>,
      tpu.vector_store %arg7[%swap3A_1380, %swap3A_1381], %add3A_1379 {strides = array<i32>} : memref<10x512xf32, #tpu.memory_space<vmem>>, vector<16xf32>,
      %scan3A_1383 = arith.constant 1 : i32
      %scan3A_1384 = arith.addi %scan3A_1367, %scan3A_1383 : i32
      %mul3A_1385 = arith.constant 1 : i32
      %mul3A_1386 = arith.muli %scan3A_1384, %mul3A_1385 : i32
      %add3A_1387 = arith.constant 0 : i32
      %add3A_1388 = arith.addi %add3A_1387, %mul3A_1386 : i32
      %mul3A_1389 = arith.constant 16 : i32
      %mul3A_1390 = arith.muli %add3A_1388, %mul3A_1389 : i32
      %multiple_of3A_1391 = tpu.assume_multiple %mul3A_1390, 16 : i32
      %get3A_1392 = arith.constant 3 : i32
      %get3A_1393 = arith.index_cast %get3A_1392 : i32 to index
      %get3A_1394 = arith.index_cast %multiple_of3A_1391 : i32 to index
      %get3A_1395 = tpu.vector_load %arg7[%get3A_1393, %get3A_1394] {strides = array<i32>} : memref<10x512xf32, #tpu.memory_space<vmem>>, vector<16xf32>,
      %add3A_1396 = arith.addf %get3A_1395, %broadcast_in_dim3A_797 : vector<16xf32>
      %swap3A_1397 = arith.constant 3 : i32
      %swap3A_1398 = arith.index_cast %swap3A_1397 : i32 to index
      %swap3A_1399 = arith.index_cast %multiple_of3A_1391 : i32 to index
      %swap3A_1400 = tpu.vector_load %arg7[%swap3A_1398, %swap3A_1399] {strides = array<i32>} : memref<10x512xf32, #tpu.memory_space<vmem>>, vector<16xf32>,
      tpu.vector_store %arg7[%swap3A_1398, %swap3A_1399], %add3A_1396 {strides = array<i32>} : memref<10x512xf32, #tpu.memory_space<vmem>>, vector<16xf32>,
      %scan3A_1401 = arith.constant 2 : i32
      %scan3A_1402 = arith.addi %scan3A_1367, %scan3A_1401 : i32
      %mul3A_1403 = arith.constant 1 : i32
      %mul3A_1404 = arith.muli %scan3A_1402, %mul3A_1403 : i32
      %add3A_1405 = arith.constant 0 : i32
      %add3A_1406 = arith.addi %add3A_1405, %mul3A_1404 : i32
      %mul3A_1407 = arith.constant 16 : i32
      %mul3A_1408 = arith.muli %add3A_1406, %mul3A_1407 : i32
      %multiple_of3A_1409 = tpu.assume_multiple %mul3A_1408, 16 : i32
      %get3A_1410 = arith.constant 3 : i32
      %get3A_1411 = arith.index_cast %get3A_1410 : i32 to index
      %get3A_1412 = arith.index_cast %multiple_of3A_1409 : i32 to index
      %get3A_1413 = tpu.vector_load %arg7[%get3A_1411, %get3A_1412] {strides = array<i32>} : memref<10x512xf32, #tpu.memory_space<vmem>>, vector<16xf32>,
      %add3A_1414 = arith.addf %get3A_1413, %broadcast_in_dim3A_797 : vector<16xf32>
      %swap3A_1415 = arith.constant 3 : i32
      %swap3A_1416 = arith.index_cast %swap3A_1415 : i32 to index
      %swap3A_1417 = arith.index_cast %multiple_of3A_1409 : i32 to index
      %swap3A_1418 = tpu.vector_load %arg7[%swap3A_1416, %swap3A_1417] {strides = array<i32>} : memref<10x512xf32, #tpu.memory_space<vmem>>, vector<16xf32>,
      tpu.vector_store %arg7[%swap3A_1416, %swap3A_1417], %add3A_1414 {strides = array<i32>} : memref<10x512xf32, #tpu.memory_space<vmem>>, vector<16xf32>,
      %scan3A_1419 = arith.constant 3 : i32
      %scan3A_1420 = arith.addi %scan3A_1367, %scan3A_1419 : i32
      %mul3A_1421 = arith.constant 1 : i32
      %mul3A_1422 = arith.muli %scan3A_1420, %mul3A_1421 : i32
      %add3A_1423 = arith.constant 0 : i32
      %add3A_1424 = arith.addi %add3A_1423, %mul3A_1422 : i32
      %mul3A_1425 = arith.constant 16 : i32
      %mul3A_1426 = arith.muli %add3A_1424, %mul3A_1425 : i32
      %multiple_of3A_1427 = tpu.assume_multiple %mul3A_1426, 16 : i32
      %get3A_1428 = arith.constant 3 : i32
      %get3A_1429 = arith.index_cast %get3A_1428 : i32 to index
      %get3A_1430 = arith.index_cast %multiple_of3A_1427 : i32 to index
      %get3A_1431 = tpu.vector_load %arg7[%get3A_1429, %get3A_1430] {strides = array<i32>} : memref<10x512xf32, #tpu.memory_space<vmem>>, vector<16xf32>,
      %add3A_1432 = arith.addf %get3A_1431, %broadcast_in_dim3A_797 : vector<16xf32>
      %swap3A_1433 = arith.constant 3 : i32
      %swap3A_1434 = arith.index_cast %swap3A_1433 : i32 to index
      %swap3A_1435 = arith.index_cast %multiple_of3A_1427 : i32 to index
      %swap3A_1436 = tpu.vector_load %arg7[%swap3A_1434, %swap3A_1435] {strides = array<i32>} : memref<10x512xf32, #tpu.memory_space<vmem>>, vector<16xf32>,
      tpu.vector_store %arg7[%swap3A_1434, %swap3A_1435], %add3A_1432 {strides = array<i32>} : memref<10x512xf32, #tpu.memory_space<vmem>>, vector<16xf32>,
    }
    %scan3A_802 = arith.constant 32 : i32
    %dma_start3A_803 = arith.constant 3 : i32
    %dma_start3A_804 = arith.constant 3 : i32
    %dma_start3A_805 = arith.constant 0 : i32
    %dma_start3A_806 = tpu.memref_slice %arg7[%dma_start3A_803, %dma_start3A_805] : memref<10x512xf32, #tpu.memory_space<vmem>> -> memref<1x512xf32, #tpu.memory_space<vmem>>
    %dma_start3A_807 = tpu.memref_squeeze %dma_start3A_806 : memref<1x512xf32, #tpu.memory_space<vmem>> -> memref<512xf32, #tpu.memory_space<vmem>>
    %dma_start3A_808 = tpu.memref_slice %arg5[%dma_start3A_804, %multiple_of3A] : memref<10x16384xf32, #tpu.memory_space<hbm>> -> memref<1x512xf32, #tpu.memory_space<hbm>>
    %dma_start3A_809 = tpu.memref_squeeze %dma_start3A_808 : memref<1x512xf32, #tpu.memory_space<hbm>> -> memref<512xf32, #tpu.memory_space<hbm>>
    %dma_start3A_810 = tpu.memref_slice %arg5[%dma_start3A_804, %multiple_of3A] : memref<10x16384xf32, #tpu.memory_space<hbm>> -> memref<1x512xf32, #tpu.memory_space<hbm>>
    %dma_start3A_811 = tpu.memref_squeeze %dma_start3A_810 : memref<1x512xf32, #tpu.memory_space<hbm>> -> memref<512xf32, #tpu.memory_space<hbm>>
    %dma_start3A_812 = arith.constant 0 : i32
    %dma_start3A_813 = tpu.memref_slice %arg7[%dma_start3A_803, %dma_start3A_812] : memref<10x512xf32, #tpu.memory_space<vmem>> -> memref<1x512xf32, #tpu.memory_space<vmem>>
    %dma_start3A_814 = tpu.memref_squeeze %dma_start3A_813 : memref<1x512xf32, #tpu.memory_space<vmem>> -> memref<512xf32, #tpu.memory_space<vmem>>
    tpu.enqueue_dma source(%dma_start3A_814 : memref<512xf32, #tpu.memory_space<vmem>>) target(%dma_start3A_811 : memref<512xf32, #tpu.memory_space<hbm>>) target_semaphore(%arg10 : memref<!tpu.dma_semaphore, #tpu.memory_space<semaphore_mem>>)
    %dma_wait3A_815 = arith.constant 4 : i32
    %dma_wait3A_816 = arith.constant 4 : i32
    %dma_wait3A_817 = arith.constant 0 : i32
    %dma_wait3A_818 = tpu.memref_slice %arg7[%dma_wait3A_815, %dma_wait3A_817] : memref<10x512xf32, #tpu.memory_space<vmem>> -> memref<1x128xf32, #tpu.memory_space<vmem>>
    %dma_wait3A_819 = tpu.memref_squeeze %dma_wait3A_818 : memref<1x128xf32, #tpu.memory_space<vmem>> -> memref<128xf32, #tpu.memory_space<vmem>>
    %dma_wait3A_820 = arith.constant 0 : i32
    %dma_wait3A_821 = tpu.memref_slice %arg6[%dma_wait3A_820] : memref<512xi32, #tpu.memory_space<vmem>> -> memref<128xi32, #tpu.memory_space<vmem>>
    %dma_wait3A_822 = arith.constant 400000 : i32
    %dma_wait3A_823 = tpu.memref_slice %arg3[%dma_wait3A_822] : memref<1000000xf32, #tpu.memory_space<hbm>> -> memref<100000xf32, #tpu.memory_space<hbm>>
    %dma_wait3A_824 = arith.constant 0 : i32
    %dma_wait3A_825 = tpu.memref_slice %dma_wait3A_823[%dma_wait3A_824] : memref<100000xf32, #tpu.memory_space<hbm>> -> memref<100000xf32, #tpu.memory_space<hbm>>
    %dma_wait3A_826 = tpu.memref_slice %arg9[%dma_wait3A_816] : memref<10x!tpu.dma_semaphore, #tpu.memory_space<semaphore_mem>> -> memref<1x!tpu.dma_semaphore, #tpu.memory_space<semaphore_mem>>
    %dma_wait3A_827 = tpu.memref_squeeze %dma_wait3A_826 : memref<1x!tpu.dma_semaphore, #tpu.memory_space<semaphore_mem>> -> memref<!tpu.dma_semaphore, #tpu.memory_space<semaphore_mem>>
    tpu.wait_indirect_dma semaphore(%dma_wait3A_827 : memref<!tpu.dma_semaphore, #tpu.memory_space<semaphore_mem>>) src(%dma_wait3A_825 : memref<100000xf32, #tpu.memory_space<hbm>>) dst(%dma_wait3A_819 : memref<128xf32, #tpu.memory_space<vmem>>)
    %dma_wait3A_828 = arith.constant 4 : i32
    %dma_wait3A_829 = arith.constant 4 : i32
    %dma_wait3A_830 = arith.constant 128 : i32
    %dma_wait3A_831 = tpu.memref_slice %arg7[%dma_wait3A_828, %dma_wait3A_830] : memref<10x512xf32, #tpu.memory_space<vmem>> -> memref<1x128xf32, #tpu.memory_space<vmem>>
    %dma_wait3A_832 = tpu.memref_squeeze %dma_wait3A_831 : memref<1x128xf32, #tpu.memory_space<vmem>> -> memref<128xf32, #tpu.memory_space<vmem>>
    %dma_wait3A_833 = arith.constant 128 : i32
    %dma_wait3A_834 = tpu.memref_slice %arg6[%dma_wait3A_833] : memref<512xi32, #tpu.memory_space<vmem>> -> memref<128xi32, #tpu.memory_space<vmem>>
    %dma_wait3A_835 = arith.constant 400000 : i32
    %dma_wait3A_836 = tpu.memref_slice %arg3[%dma_wait3A_835] : memref<1000000xf32, #tpu.memory_space<hbm>> -> memref<100000xf32, #tpu.memory_space<hbm>>
    %dma_wait3A_837 = arith.constant 0 : i32
    %dma_wait3A_838 = tpu.memref_slice %dma_wait3A_836[%dma_wait3A_837] : memref<100000xf32, #tpu.memory_space<hbm>> -> memref<100000xf32, #tpu.memory_space<hbm>>
    %dma_wait3A_839 = tpu.memref_slice %arg9[%dma_wait3A_829] : memref<10x!tpu.dma_semaphore, #tpu.memory_space<semaphore_mem>> -> memref<1x!tpu.dma_semaphore, #tpu.memory_space<semaphore_mem>>
    %dma_wait3A_840 = tpu.memref_squeeze %dma_wait3A_839 : memref<1x!tpu.dma_semaphore, #tpu.memory_space<semaphore_mem>> -> memref<!tpu.dma_semaphore, #tpu.memory_space<semaphore_mem>>
    tpu.wait_indirect_dma semaphore(%dma_wait3A_840 : memref<!tpu.dma_semaphore, #tpu.memory_space<semaphore_mem>>) src(%dma_wait3A_838 : memref<100000xf32, #tpu.memory_space<hbm>>) dst(%dma_wait3A_832 : memref<128xf32, #tpu.memory_space<vmem>>)
    %dma_wait3A_841 = arith.constant 4 : i32
    %dma_wait3A_842 = arith.constant 4 : i32
    %dma_wait3A_843 = arith.constant 256 : i32
    %dma_wait3A_844 = tpu.memref_slice %arg7[%dma_wait3A_841, %dma_wait3A_843] : memref<10x512xf32, #tpu.memory_space<vmem>> -> memref<1x128xf32, #tpu.memory_space<vmem>>
    %dma_wait3A_845 = tpu.memref_squeeze %dma_wait3A_844 : memref<1x128xf32, #tpu.memory_space<vmem>> -> memref<128xf32, #tpu.memory_space<vmem>>
    %dma_wait3A_846 = arith.constant 256 : i32
    %dma_wait3A_847 = tpu.memref_slice %arg6[%dma_wait3A_846] : memref<512xi32, #tpu.memory_space<vmem>> -> memref<128xi32, #tpu.memory_space<vmem>>
    %dma_wait3A_848 = arith.constant 400000 : i32
    %dma_wait3A_849 = tpu.memref_slice %arg3[%dma_wait3A_848] : memref<1000000xf32, #tpu.memory_space<hbm>> -> memref<100000xf32, #tpu.memory_space<hbm>>
    %dma_wait3A_850 = arith.constant 0 : i32
    %dma_wait3A_851 = tpu.memref_slice %dma_wait3A_849[%dma_wait3A_850] : memref<100000xf32, #tpu.memory_space<hbm>> -> memref<100000xf32, #tpu.memory_space<hbm>>
    %dma_wait3A_852 = tpu.memref_slice %arg9[%dma_wait3A_842] : memref<10x!tpu.dma_semaphore, #tpu.memory_space<semaphore_mem>> -> memref<1x!tpu.dma_semaphore, #tpu.memory_space<semaphore_mem>>
    %dma_wait3A_853 = tpu.memref_squeeze %dma_wait3A_852 : memref<1x!tpu.dma_semaphore, #tpu.memory_space<semaphore_mem>> -> memref<!tpu.dma_semaphore, #tpu.memory_space<semaphore_mem>>
    tpu.wait_indirect_dma semaphore(%dma_wait3A_853 : memref<!tpu.dma_semaphore, #tpu.memory_space<semaphore_mem>>) src(%dma_wait3A_851 : memref<100000xf32, #tpu.memory_space<hbm>>) dst(%dma_wait3A_845 : memref<128xf32, #tpu.memory_space<vmem>>)
    %dma_wait3A_854 = arith.constant 4 : i32
    %dma_wait3A_855 = arith.constant 4 : i32
    %dma_wait3A_856 = arith.constant 384 : i32
    %dma_wait3A_857 = tpu.memref_slice %arg7[%dma_wait3A_854, %dma_wait3A_856] : memref<10x512xf32, #tpu.memory_space<vmem>> -> memref<1x128xf32, #tpu.memory_space<vmem>>
    %dma_wait3A_858 = tpu.memref_squeeze %dma_wait3A_857 : memref<1x128xf32, #tpu.memory_space<vmem>> -> memref<128xf32, #tpu.memory_space<vmem>>
    %dma_wait3A_859 = arith.constant 384 : i32
    %dma_wait3A_860 = tpu.memref_slice %arg6[%dma_wait3A_859] : memref<512xi32, #tpu.memory_space<vmem>> -> memref<128xi32, #tpu.memory_space<vmem>>
    %dma_wait3A_861 = arith.constant 400000 : i32
    %dma_wait3A_862 = tpu.memref_slice %arg3[%dma_wait3A_861] : memref<1000000xf32, #tpu.memory_space<hbm>> -> memref<100000xf32, #tpu.memory_space<hbm>>
    %dma_wait3A_863 = arith.constant 0 : i32
    %dma_wait3A_864 = tpu.memref_slice %dma_wait3A_862[%dma_wait3A_863] : memref<100000xf32, #tpu.memory_space<hbm>> -> memref<100000xf32, #tpu.memory_space<hbm>>
    %dma_wait3A_865 = tpu.memref_slice %arg9[%dma_wait3A_855] : memref<10x!tpu.dma_semaphore, #tpu.memory_space<semaphore_mem>> -> memref<1x!tpu.dma_semaphore, #tpu.memory_space<semaphore_mem>>
    %dma_wait3A_866 = tpu.memref_squeeze %dma_wait3A_865 : memref<1x!tpu.dma_semaphore, #tpu.memory_space<semaphore_mem>> -> memref<!tpu.dma_semaphore, #tpu.memory_space<semaphore_mem>>
    tpu.wait_indirect_dma semaphore(%dma_wait3A_866 : memref<!tpu.dma_semaphore, #tpu.memory_space<semaphore_mem>>) src(%dma_wait3A_864 : memref<100000xf32, #tpu.memory_space<hbm>>) dst(%dma_wait3A_858 : memref<128xf32, #tpu.memory_space<vmem>>)
    %slice3A_867 = vector.extract_strided_slice %get3A_529 {offsets = [4], sizes = [1], strides = [1]} : vector<16xf32> to vector<1xf32>
    %squeeze3A_868 = vector.extract %slice3A_867[0] : f32 from vector<1xf32>
    %broadcast_in_dim3A_869 = vector.broadcast %squeeze3A_868 : f32 to vector<16xf32>
    %scan3A_870 = arith.constant 0 : i32
    %scan3A_871 = arith.constant 32 : i32
    %scan3A_872 = arith.addi %scan3A_870, %scan3A_871 : i32
    %scan3A_873 = arith.constant 4 : i32
    scf.for %scan3A_1367 = %scan3A_870 to %scan3A_872 step %scan3A_873  : i32 {
      %mul3A_1368 = arith.constant 1 : i32
      %mul3A_1369 = arith.muli %scan3A_1367, %mul3A_1368 : i32
      %add3A_1370 = arith.constant 0 : i32
      %add3A_1371 = arith.addi %add3A_1370, %mul3A_1369 : i32
      %mul3A_1372 = arith.constant 16 : i32
      %mul3A_1373 = arith.muli %add3A_1371, %mul3A_1372 : i32
      %multiple_of3A_1374 = tpu.assume_multiple %mul3A_1373, 16 : i32
      %get3A_1375 = arith.constant 4 : i32
      %get3A_1376 = arith.index_cast %get3A_1375 : i32 to index
      %get3A_1377 = arith.index_cast %multiple_of3A_1374 : i32 to index
      %get3A_1378 = tpu.vector_load %arg7[%get3A_1376, %get3A_1377] {strides = array<i32>} : memref<10x512xf32, #tpu.memory_space<vmem>>, vector<16xf32>,
      %add3A_1379 = arith.addf %get3A_1378, %broadcast_in_dim3A_869 : vector<16xf32>
      %swap3A = arith.constant 4 : i32
      %swap3A_1380 = arith.index_cast %swap3A : i32 to index
      %swap3A_1381 = arith.index_cast %multiple_of3A_1374 : i32 to index
      %swap3A_1382 = tpu.vector_load %arg7[%swap3A_1380, %swap3A_1381] {strides = array<i32>} : memref<10x512xf32, #tpu.memory_space<vmem>>, vector<16xf32>,
      tpu.vector_store %arg7[%swap3A_1380, %swap3A_1381], %add3A_1379 {strides = array<i32>} : memref<10x512xf32, #tpu.memory_space<vmem>>, vector<16xf32>,
      %scan3A_1383 = arith.constant 1 : i32
      %scan3A_1384 = arith.addi %scan3A_1367, %scan3A_1383 : i32
      %mul3A_1385 = arith.constant 1 : i32
      %mul3A_1386 = arith.muli %scan3A_1384, %mul3A_1385 : i32
      %add3A_1387 = arith.constant 0 : i32
      %add3A_1388 = arith.addi %add3A_1387, %mul3A_1386 : i32
      %mul3A_1389 = arith.constant 16 : i32
      %mul3A_1390 = arith.muli %add3A_1388, %mul3A_1389 : i32
      %multiple_of3A_1391 = tpu.assume_multiple %mul3A_1390, 16 : i32
      %get3A_1392 = arith.constant 4 : i32
      %get3A_1393 = arith.index_cast %get3A_1392 : i32 to index
      %get3A_1394 = arith.index_cast %multiple_of3A_1391 : i32 to index
      %get3A_1395 = tpu.vector_load %arg7[%get3A_1393, %get3A_1394] {strides = array<i32>} : memref<10x512xf32, #tpu.memory_space<vmem>>, vector<16xf32>,
      %add3A_1396 = arith.addf %get3A_1395, %broadcast_in_dim3A_869 : vector<16xf32>
      %swap3A_1397 = arith.constant 4 : i32
      %swap3A_1398 = arith.index_cast %swap3A_1397 : i32 to index
      %swap3A_1399 = arith.index_cast %multiple_of3A_1391 : i32 to index
      %swap3A_1400 = tpu.vector_load %arg7[%swap3A_1398, %swap3A_1399] {strides = array<i32>} : memref<10x512xf32, #tpu.memory_space<vmem>>, vector<16xf32>,
      tpu.vector_store %arg7[%swap3A_1398, %swap3A_1399], %add3A_1396 {strides = array<i32>} : memref<10x512xf32, #tpu.memory_space<vmem>>, vector<16xf32>,
      %scan3A_1401 = arith.constant 2 : i32
      %scan3A_1402 = arith.addi %scan3A_1367, %scan3A_1401 : i32
      %mul3A_1403 = arith.constant 1 : i32
      %mul3A_1404 = arith.muli %scan3A_1402, %mul3A_1403 : i32
      %add3A_1405 = arith.constant 0 : i32
      %add3A_1406 = arith.addi %add3A_1405, %mul3A_1404 : i32
      %mul3A_1407 = arith.constant 16 : i32
      %mul3A_1408 = arith.muli %add3A_1406, %mul3A_1407 : i32
      %multiple_of3A_1409 = tpu.assume_multiple %mul3A_1408, 16 : i32
      %get3A_1410 = arith.constant 4 : i32
      %get3A_1411 = arith.index_cast %get3A_1410 : i32 to index
      %get3A_1412 = arith.index_cast %multiple_of3A_1409 : i32 to index
      %get3A_1413 = tpu.vector_load %arg7[%get3A_1411, %get3A_1412] {strides = array<i32>} : memref<10x512xf32, #tpu.memory_space<vmem>>, vector<16xf32>,
      %add3A_1414 = arith.addf %get3A_1413, %broadcast_in_dim3A_869 : vector<16xf32>
      %swap3A_1415 = arith.constant 4 : i32
      %swap3A_1416 = arith.index_cast %swap3A_1415 : i32 to index
      %swap3A_1417 = arith.index_cast %multiple_of3A_1409 : i32 to index
      %swap3A_1418 = tpu.vector_load %arg7[%swap3A_1416, %swap3A_1417] {strides = array<i32>} : memref<10x512xf32, #tpu.memory_space<vmem>>, vector<16xf32>,
      tpu.vector_store %arg7[%swap3A_1416, %swap3A_1417], %add3A_1414 {strides = array<i32>} : memref<10x512xf32, #tpu.memory_space<vmem>>, vector<16xf32>,
      %scan3A_1419 = arith.constant 3 : i32
      %scan3A_1420 = arith.addi %scan3A_1367, %scan3A_1419 : i32
      %mul3A_1421 = arith.constant 1 : i32
      %mul3A_1422 = arith.muli %scan3A_1420, %mul3A_1421 : i32
      %add3A_1423 = arith.constant 0 : i32
      %add3A_1424 = arith.addi %add3A_1423, %mul3A_1422 : i32
      %mul3A_1425 = arith.constant 16 : i32
      %mul3A_1426 = arith.muli %add3A_1424, %mul3A_1425 : i32
      %multiple_of3A_1427 = tpu.assume_multiple %mul3A_1426, 16 : i32
      %get3A_1428 = arith.constant 4 : i32
      %get3A_1429 = arith.index_cast %get3A_1428 : i32 to index
      %get3A_1430 = arith.index_cast %multiple_of3A_1427 : i32 to index
      %get3A_1431 = tpu.vector_load %arg7[%get3A_1429, %get3A_1430] {strides = array<i32>} : memref<10x512xf32, #tpu.memory_space<vmem>>, vector<16xf32>,
      %add3A_1432 = arith.addf %get3A_1431, %broadcast_in_dim3A_869 : vector<16xf32>
      %swap3A_1433 = arith.constant 4 : i32
      %swap3A_1434 = arith.index_cast %swap3A_1433 : i32 to index
      %swap3A_1435 = arith.index_cast %multiple_of3A_1427 : i32 to index
      %swap3A_1436 = tpu.vector_load %arg7[%swap3A_1434, %swap3A_1435] {strides = array<i32>} : memref<10x512xf32, #tpu.memory_space<vmem>>, vector<16xf32>,
      tpu.vector_store %arg7[%swap3A_1434, %swap3A_1435], %add3A_1432 {strides = array<i32>} : memref<10x512xf32, #tpu.memory_space<vmem>>, vector<16xf32>,
    }
    %scan3A_874 = arith.constant 32 : i32
    %dma_start3A_875 = arith.constant 4 : i32
    %dma_start3A_876 = arith.constant 4 : i32
    %dma_start3A_877 = arith.constant 0 : i32
    %dma_start3A_878 = tpu.memref_slice %arg7[%dma_start3A_875, %dma_start3A_877] : memref<10x512xf32, #tpu.memory_space<vmem>> -> memref<1x512xf32, #tpu.memory_space<vmem>>
    %dma_start3A_879 = tpu.memref_squeeze %dma_start3A_878 : memref<1x512xf32, #tpu.memory_space<vmem>> -> memref<512xf32, #tpu.memory_space<vmem>>
    %dma_start3A_880 = tpu.memref_slice %arg5[%dma_start3A_876, %multiple_of3A] : memref<10x16384xf32, #tpu.memory_space<hbm>> -> memref<1x512xf32, #tpu.memory_space<hbm>>
    %dma_start3A_881 = tpu.memref_squeeze %dma_start3A_880 : memref<1x512xf32, #tpu.memory_space<hbm>> -> memref<512xf32, #tpu.memory_space<hbm>>
    %dma_start3A_882 = tpu.memref_slice %arg5[%dma_start3A_876, %multiple_of3A] : memref<10x16384xf32, #tpu.memory_space<hbm>> -> memref<1x512xf32, #tpu.memory_space<hbm>>
    %dma_start3A_883 = tpu.memref_squeeze %dma_start3A_882 : memref<1x512xf32, #tpu.memory_space<hbm>> -> memref<512xf32, #tpu.memory_space<hbm>>
    %dma_start3A_884 = arith.constant 0 : i32
    %dma_start3A_885 = tpu.memref_slice %arg7[%dma_start3A_875, %dma_start3A_884] : memref<10x512xf32, #tpu.memory_space<vmem>> -> memref<1x512xf32, #tpu.memory_space<vmem>>
    %dma_start3A_886 = tpu.memref_squeeze %dma_start3A_885 : memref<1x512xf32, #tpu.memory_space<vmem>> -> memref<512xf32, #tpu.memory_space<vmem>>
    tpu.enqueue_dma source(%dma_start3A_886 : memref<512xf32, #tpu.memory_space<vmem>>) target(%dma_start3A_883 : memref<512xf32, #tpu.memory_space<hbm>>) target_semaphore(%arg10 : memref<!tpu.dma_semaphore, #tpu.memory_space<semaphore_mem>>)
    %dma_wait3A_887 = arith.constant 5 : i32
    %dma_wait3A_888 = arith.constant 5 : i32
    %dma_wait3A_889 = arith.constant 0 : i32
    %dma_wait3A_890 = tpu.memref_slice %arg7[%dma_wait3A_887, %dma_wait3A_889] : memref<10x512xf32, #tpu.memory_space<vmem>> -> memref<1x128xf32, #tpu.memory_space<vmem>>
    %dma_wait3A_891 = tpu.memref_squeeze %dma_wait3A_890 : memref<1x128xf32, #tpu.memory_space<vmem>> -> memref<128xf32, #tpu.memory_space<vmem>>
    %dma_wait3A_892 = arith.constant 0 : i32
    %dma_wait3A_893 = tpu.memref_slice %arg6[%dma_wait3A_892] : memref<512xi32, #tpu.memory_space<vmem>> -> memref<128xi32, #tpu.memory_space<vmem>>
    %dma_wait3A_894 = arith.constant 500000 : i32
    %dma_wait3A_895 = tpu.memref_slice %arg3[%dma_wait3A_894] : memref<1000000xf32, #tpu.memory_space<hbm>> -> memref<100000xf32, #tpu.memory_space<hbm>>
    %dma_wait3A_896 = arith.constant 0 : i32
    %dma_wait3A_897 = tpu.memref_slice %dma_wait3A_895[%dma_wait3A_896] : memref<100000xf32, #tpu.memory_space<hbm>> -> memref<100000xf32, #tpu.memory_space<hbm>>
    %dma_wait3A_898 = tpu.memref_slice %arg9[%dma_wait3A_888] : memref<10x!tpu.dma_semaphore, #tpu.memory_space<semaphore_mem>> -> memref<1x!tpu.dma_semaphore, #tpu.memory_space<semaphore_mem>>
    %dma_wait3A_899 = tpu.memref_squeeze %dma_wait3A_898 : memref<1x!tpu.dma_semaphore, #tpu.memory_space<semaphore_mem>> -> memref<!tpu.dma_semaphore, #tpu.memory_space<semaphore_mem>>
    tpu.wait_indirect_dma semaphore(%dma_wait3A_899 : memref<!tpu.dma_semaphore, #tpu.memory_space<semaphore_mem>>) src(%dma_wait3A_897 : memref<100000xf32, #tpu.memory_space<hbm>>) dst(%dma_wait3A_891 : memref<128xf32, #tpu.memory_space<vmem>>)
    %dma_wait3A_900 = arith.constant 5 : i32
    %dma_wait3A_901 = arith.constant 5 : i32
    %dma_wait3A_902 = arith.constant 128 : i32
    %dma_wait3A_903 = tpu.memref_slice %arg7[%dma_wait3A_900, %dma_wait3A_902] : memref<10x512xf32, #tpu.memory_space<vmem>> -> memref<1x128xf32, #tpu.memory_space<vmem>>
    %dma_wait3A_904 = tpu.memref_squeeze %dma_wait3A_903 : memref<1x128xf32, #tpu.memory_space<vmem>> -> memref<128xf32, #tpu.memory_space<vmem>>
    %dma_wait3A_905 = arith.constant 128 : i32
    %dma_wait3A_906 = tpu.memref_slice %arg6[%dma_wait3A_905] : memref<512xi32, #tpu.memory_space<vmem>> -> memref<128xi32, #tpu.memory_space<vmem>>
    %dma_wait3A_907 = arith.constant 500000 : i32
    %dma_wait3A_908 = tpu.memref_slice %arg3[%dma_wait3A_907] : memref<1000000xf32, #tpu.memory_space<hbm>> -> memref<100000xf32, #tpu.memory_space<hbm>>
    %dma_wait3A_909 = arith.constant 0 : i32
    %dma_wait3A_910 = tpu.memref_slice %dma_wait3A_908[%dma_wait3A_909] : memref<100000xf32, #tpu.memory_space<hbm>> -> memref<100000xf32, #tpu.memory_space<hbm>>
    %dma_wait3A_911 = tpu.memref_slice %arg9[%dma_wait3A_901] : memref<10x!tpu.dma_semaphore, #tpu.memory_space<semaphore_mem>> -> memref<1x!tpu.dma_semaphore, #tpu.memory_space<semaphore_mem>>
    %dma_wait3A_912 = tpu.memref_squeeze %dma_wait3A_911 : memref<1x!tpu.dma_semaphore, #tpu.memory_space<semaphore_mem>> -> memref<!tpu.dma_semaphore, #tpu.memory_space<semaphore_mem>>
    tpu.wait_indirect_dma semaphore(%dma_wait3A_912 : memref<!tpu.dma_semaphore, #tpu.memory_space<semaphore_mem>>) src(%dma_wait3A_910 : memref<100000xf32, #tpu.memory_space<hbm>>) dst(%dma_wait3A_904 : memref<128xf32, #tpu.memory_space<vmem>>)
    %dma_wait3A_913 = arith.constant 5 : i32
    %dma_wait3A_914 = arith.constant 5 : i32
    %dma_wait3A_915 = arith.constant 256 : i32
    %dma_wait3A_916 = tpu.memref_slice %arg7[%dma_wait3A_913, %dma_wait3A_915] : memref<10x512xf32, #tpu.memory_space<vmem>> -> memref<1x128xf32, #tpu.memory_space<vmem>>
    %dma_wait3A_917 = tpu.memref_squeeze %dma_wait3A_916 : memref<1x128xf32, #tpu.memory_space<vmem>> -> memref<128xf32, #tpu.memory_space<vmem>>
    %dma_wait3A_918 = arith.constant 256 : i32
    %dma_wait3A_919 = tpu.memref_slice %arg6[%dma_wait3A_918] : memref<512xi32, #tpu.memory_space<vmem>> -> memref<128xi32, #tpu.memory_space<vmem>>
    %dma_wait3A_920 = arith.constant 500000 : i32
    %dma_wait3A_921 = tpu.memref_slice %arg3[%dma_wait3A_920] : memref<1000000xf32, #tpu.memory_space<hbm>> -> memref<100000xf32, #tpu.memory_space<hbm>>
    %dma_wait3A_922 = arith.constant 0 : i32
    %dma_wait3A_923 = tpu.memref_slice %dma_wait3A_921[%dma_wait3A_922] : memref<100000xf32, #tpu.memory_space<hbm>> -> memref<100000xf32, #tpu.memory_space<hbm>>
    %dma_wait3A_924 = tpu.memref_slice %arg9[%dma_wait3A_914] : memref<10x!tpu.dma_semaphore, #tpu.memory_space<semaphore_mem>> -> memref<1x!tpu.dma_semaphore, #tpu.memory_space<semaphore_mem>>
    %dma_wait3A_925 = tpu.memref_squeeze %dma_wait3A_924 : memref<1x!tpu.dma_semaphore, #tpu.memory_space<semaphore_mem>> -> memref<!tpu.dma_semaphore, #tpu.memory_space<semaphore_mem>>
    tpu.wait_indirect_dma semaphore(%dma_wait3A_925 : memref<!tpu.dma_semaphore, #tpu.memory_space<semaphore_mem>>) src(%dma_wait3A_923 : memref<100000xf32, #tpu.memory_space<hbm>>) dst(%dma_wait3A_917 : memref<128xf32, #tpu.memory_space<vmem>>)
    %dma_wait3A_926 = arith.constant 5 : i32
    %dma_wait3A_927 = arith.constant 5 : i32
    %dma_wait3A_928 = arith.constant 384 : i32
    %dma_wait3A_929 = tpu.memref_slice %arg7[%dma_wait3A_926, %dma_wait3A_928] : memref<10x512xf32, #tpu.memory_space<vmem>> -> memref<1x128xf32, #tpu.memory_space<vmem>>
    %dma_wait3A_930 = tpu.memref_squeeze %dma_wait3A_929 : memref<1x128xf32, #tpu.memory_space<vmem>> -> memref<128xf32, #tpu.memory_space<vmem>>
    %dma_wait3A_931 = arith.constant 384 : i32
    %dma_wait3A_932 = tpu.memref_slice %arg6[%dma_wait3A_931] : memref<512xi32, #tpu.memory_space<vmem>> -> memref<128xi32, #tpu.memory_space<vmem>>
    %dma_wait3A_933 = arith.constant 500000 : i32
    %dma_wait3A_934 = tpu.memref_slice %arg3[%dma_wait3A_933] : memref<1000000xf32, #tpu.memory_space<hbm>> -> memref<100000xf32, #tpu.memory_space<hbm>>
    %dma_wait3A_935 = arith.constant 0 : i32
    %dma_wait3A_936 = tpu.memref_slice %dma_wait3A_934[%dma_wait3A_935] : memref<100000xf32, #tpu.memory_space<hbm>> -> memref<100000xf32, #tpu.memory_space<hbm>>
    %dma_wait3A_937 = tpu.memref_slice %arg9[%dma_wait3A_927] : memref<10x!tpu.dma_semaphore, #tpu.memory_space<semaphore_mem>> -> memref<1x!tpu.dma_semaphore, #tpu.memory_space<semaphore_mem>>
    %dma_wait3A_938 = tpu.memref_squeeze %dma_wait3A_937 : memref<1x!tpu.dma_semaphore, #tpu.memory_space<semaphore_mem>> -> memref<!tpu.dma_semaphore, #tpu.memory_space<semaphore_mem>>
    tpu.wait_indirect_dma semaphore(%dma_wait3A_938 : memref<!tpu.dma_semaphore, #tpu.memory_space<semaphore_mem>>) src(%dma_wait3A_936 : memref<100000xf32, #tpu.memory_space<hbm>>) dst(%dma_wait3A_930 : memref<128xf32, #tpu.memory_space<vmem>>)
    %slice3A_939 = vector.extract_strided_slice %get3A_529 {offsets = [5], sizes = [1], strides = [1]} : vector<16xf32> to vector<1xf32>
    %squeeze3A_940 = vector.extract %slice3A_939[0] : f32 from vector<1xf32>
    %broadcast_in_dim3A_941 = vector.broadcast %squeeze3A_940 : f32 to vector<16xf32>
    %scan3A_942 = arith.constant 0 : i32
    %scan3A_943 = arith.constant 32 : i32
    %scan3A_944 = arith.addi %scan3A_942, %scan3A_943 : i32
    %scan3A_945 = arith.constant 4 : i32
    scf.for %scan3A_1367 = %scan3A_942 to %scan3A_944 step %scan3A_945  : i32 {
      %mul3A_1368 = arith.constant 1 : i32
      %mul3A_1369 = arith.muli %scan3A_1367, %mul3A_1368 : i32
      %add3A_1370 = arith.constant 0 : i32
      %add3A_1371 = arith.addi %add3A_1370, %mul3A_1369 : i32
      %mul3A_1372 = arith.constant 16 : i32
      %mul3A_1373 = arith.muli %add3A_1371, %mul3A_1372 : i32
      %multiple_of3A_1374 = tpu.assume_multiple %mul3A_1373, 16 : i32
      %get3A_1375 = arith.constant 5 : i32
      %get3A_1376 = arith.index_cast %get3A_1375 : i32 to index
      %get3A_1377 = arith.index_cast %multiple_of3A_1374 : i32 to index
      %get3A_1378 = tpu.vector_load %arg7[%get3A_1376, %get3A_1377] {strides = array<i32>} : memref<10x512xf32, #tpu.memory_space<vmem>>, vector<16xf32>,
      %add3A_1379 = arith.addf %get3A_1378, %broadcast_in_dim3A_941 : vector<16xf32>
      %swap3A = arith.constant 5 : i32
      %swap3A_1380 = arith.index_cast %swap3A : i32 to index
      %swap3A_1381 = arith.index_cast %multiple_of3A_1374 : i32 to index
      %swap3A_1382 = tpu.vector_load %arg7[%swap3A_1380, %swap3A_1381] {strides = array<i32>} : memref<10x512xf32, #tpu.memory_space<vmem>>, vector<16xf32>,
      tpu.vector_store %arg7[%swap3A_1380, %swap3A_1381], %add3A_1379 {strides = array<i32>} : memref<10x512xf32, #tpu.memory_space<vmem>>, vector<16xf32>,
      %scan3A_1383 = arith.constant 1 : i32
      %scan3A_1384 = arith.addi %scan3A_1367, %scan3A_1383 : i32
      %mul3A_1385 = arith.constant 1 : i32
      %mul3A_1386 = arith.muli %scan3A_1384, %mul3A_1385 : i32
      %add3A_1387 = arith.constant 0 : i32
      %add3A_1388 = arith.addi %add3A_1387, %mul3A_1386 : i32
      %mul3A_1389 = arith.constant 16 : i32
      %mul3A_1390 = arith.muli %add3A_1388, %mul3A_1389 : i32
      %multiple_of3A_1391 = tpu.assume_multiple %mul3A_1390, 16 : i32
      %get3A_1392 = arith.constant 5 : i32
      %get3A_1393 = arith.index_cast %get3A_1392 : i32 to index
      %get3A_1394 = arith.index_cast %multiple_of3A_1391 : i32 to index
      %get3A_1395 = tpu.vector_load %arg7[%get3A_1393, %get3A_1394] {strides = array<i32>} : memref<10x512xf32, #tpu.memory_space<vmem>>, vector<16xf32>,
      %add3A_1396 = arith.addf %get3A_1395, %broadcast_in_dim3A_941 : vector<16xf32>
      %swap3A_1397 = arith.constant 5 : i32
      %swap3A_1398 = arith.index_cast %swap3A_1397 : i32 to index
      %swap3A_1399 = arith.index_cast %multiple_of3A_1391 : i32 to index
      %swap3A_1400 = tpu.vector_load %arg7[%swap3A_1398, %swap3A_1399] {strides = array<i32>} : memref<10x512xf32, #tpu.memory_space<vmem>>, vector<16xf32>,
      tpu.vector_store %arg7[%swap3A_1398, %swap3A_1399], %add3A_1396 {strides = array<i32>} : memref<10x512xf32, #tpu.memory_space<vmem>>, vector<16xf32>,
      %scan3A_1401 = arith.constant 2 : i32
      %scan3A_1402 = arith.addi %scan3A_1367, %scan3A_1401 : i32
      %mul3A_1403 = arith.constant 1 : i32
      %mul3A_1404 = arith.muli %scan3A_1402, %mul3A_1403 : i32
      %add3A_1405 = arith.constant 0 : i32
      %add3A_1406 = arith.addi %add3A_1405, %mul3A_1404 : i32
      %mul3A_1407 = arith.constant 16 : i32
      %mul3A_1408 = arith.muli %add3A_1406, %mul3A_1407 : i32
      %multiple_of3A_1409 = tpu.assume_multiple %mul3A_1408, 16 : i32
      %get3A_1410 = arith.constant 5 : i32
      %get3A_1411 = arith.index_cast %get3A_1410 : i32 to index
      %get3A_1412 = arith.index_cast %multiple_of3A_1409 : i32 to index
      %get3A_1413 = tpu.vector_load %arg7[%get3A_1411, %get3A_1412] {strides = array<i32>} : memref<10x512xf32, #tpu.memory_space<vmem>>, vector<16xf32>,
      %add3A_1414 = arith.addf %get3A_1413, %broadcast_in_dim3A_941 : vector<16xf32>
      %swap3A_1415 = arith.constant 5 : i32
      %swap3A_1416 = arith.index_cast %swap3A_1415 : i32 to index
      %swap3A_1417 = arith.index_cast %multiple_of3A_1409 : i32 to index
      %swap3A_1418 = tpu.vector_load %arg7[%swap3A_1416, %swap3A_1417] {strides = array<i32>} : memref<10x512xf32, #tpu.memory_space<vmem>>, vector<16xf32>,
      tpu.vector_store %arg7[%swap3A_1416, %swap3A_1417], %add3A_1414 {strides = array<i32>} : memref<10x512xf32, #tpu.memory_space<vmem>>, vector<16xf32>,
      %scan3A_1419 = arith.constant 3 : i32
      %scan3A_1420 = arith.addi %scan3A_1367, %scan3A_1419 : i32
      %mul3A_1421 = arith.constant 1 : i32
      %mul3A_1422 = arith.muli %scan3A_1420, %mul3A_1421 : i32
      %add3A_1423 = arith.constant 0 : i32
      %add3A_1424 = arith.addi %add3A_1423, %mul3A_1422 : i32
      %mul3A_1425 = arith.constant 16 : i32
      %mul3A_1426 = arith.muli %add3A_1424, %mul3A_1425 : i32
      %multiple_of3A_1427 = tpu.assume_multiple %mul3A_1426, 16 : i32
      %get3A_1428 = arith.constant 5 : i32
      %get3A_1429 = arith.index_cast %get3A_1428 : i32 to index
      %get3A_1430 = arith.index_cast %multiple_of3A_1427 : i32 to index
      %get3A_1431 = tpu.vector_load %arg7[%get3A_1429, %get3A_1430] {strides = array<i32>} : memref<10x512xf32, #tpu.memory_space<vmem>>, vector<16xf32>,
      %add3A_1432 = arith.addf %get3A_1431, %broadcast_in_dim3A_941 : vector<16xf32>
      %swap3A_1433 = arith.constant 5 : i32
      %swap3A_1434 = arith.index_cast %swap3A_1433 : i32 to index
      %swap3A_1435 = arith.index_cast %multiple_of3A_1427 : i32 to index
      %swap3A_1436 = tpu.vector_load %arg7[%swap3A_1434, %swap3A_1435] {strides = array<i32>} : memref<10x512xf32, #tpu.memory_space<vmem>>, vector<16xf32>,
      tpu.vector_store %arg7[%swap3A_1434, %swap3A_1435], %add3A_1432 {strides = array<i32>} : memref<10x512xf32, #tpu.memory_space<vmem>>, vector<16xf32>,
    }
    %scan3A_946 = arith.constant 32 : i32
    %dma_start3A_947 = arith.constant 5 : i32
    %dma_start3A_948 = arith.constant 5 : i32
    %dma_start3A_949 = arith.constant 0 : i32
    %dma_start3A_950 = tpu.memref_slice %arg7[%dma_start3A_947, %dma_start3A_949] : memref<10x512xf32, #tpu.memory_space<vmem>> -> memref<1x512xf32, #tpu.memory_space<vmem>>
    %dma_start3A_951 = tpu.memref_squeeze %dma_start3A_950 : memref<1x512xf32, #tpu.memory_space<vmem>> -> memref<512xf32, #tpu.memory_space<vmem>>
    %dma_start3A_952 = tpu.memref_slice %arg5[%dma_start3A_948, %multiple_of3A] : memref<10x16384xf32, #tpu.memory_space<hbm>> -> memref<1x512xf32, #tpu.memory_space<hbm>>
    %dma_start3A_953 = tpu.memref_squeeze %dma_start3A_952 : memref<1x512xf32, #tpu.memory_space<hbm>> -> memref<512xf32, #tpu.memory_space<hbm>>
    %dma_start3A_954 = tpu.memref_slice %arg5[%dma_start3A_948, %multiple_of3A] : memref<10x16384xf32, #tpu.memory_space<hbm>> -> memref<1x512xf32, #tpu.memory_space<hbm>>
    %dma_start3A_955 = tpu.memref_squeeze %dma_start3A_954 : memref<1x512xf32, #tpu.memory_space<hbm>> -> memref<512xf32, #tpu.memory_space<hbm>>
    %dma_start3A_956 = arith.constant 0 : i32
    %dma_start3A_957 = tpu.memref_slice %arg7[%dma_start3A_947, %dma_start3A_956] : memref<10x512xf32, #tpu.memory_space<vmem>> -> memref<1x512xf32, #tpu.memory_space<vmem>>
    %dma_start3A_958 = tpu.memref_squeeze %dma_start3A_957 : memref<1x512xf32, #tpu.memory_space<vmem>> -> memref<512xf32, #tpu.memory_space<vmem>>
    tpu.enqueue_dma source(%dma_start3A_958 : memref<512xf32, #tpu.memory_space<vmem>>) target(%dma_start3A_955 : memref<512xf32, #tpu.memory_space<hbm>>) target_semaphore(%arg10 : memref<!tpu.dma_semaphore, #tpu.memory_space<semaphore_mem>>)
    %dma_wait3A_959 = arith.constant 6 : i32
    %dma_wait3A_960 = arith.constant 6 : i32
    %dma_wait3A_961 = arith.constant 0 : i32
    %dma_wait3A_962 = tpu.memref_slice %arg7[%dma_wait3A_959, %dma_wait3A_961] : memref<10x512xf32, #tpu.memory_space<vmem>> -> memref<1x128xf32, #tpu.memory_space<vmem>>
    %dma_wait3A_963 = tpu.memref_squeeze %dma_wait3A_962 : memref<1x128xf32, #tpu.memory_space<vmem>> -> memref<128xf32, #tpu.memory_space<vmem>>
    %dma_wait3A_964 = arith.constant 0 : i32
    %dma_wait3A_965 = tpu.memref_slice %arg6[%dma_wait3A_964] : memref<512xi32, #tpu.memory_space<vmem>> -> memref<128xi32, #tpu.memory_space<vmem>>
    %dma_wait3A_966 = arith.constant 600000 : i32
    %dma_wait3A_967 = tpu.memref_slice %arg3[%dma_wait3A_966] : memref<1000000xf32, #tpu.memory_space<hbm>> -> memref<100000xf32, #tpu.memory_space<hbm>>
    %dma_wait3A_968 = arith.constant 0 : i32
    %dma_wait3A_969 = tpu.memref_slice %dma_wait3A_967[%dma_wait3A_968] : memref<100000xf32, #tpu.memory_space<hbm>> -> memref<100000xf32, #tpu.memory_space<hbm>>
    %dma_wait3A_970 = tpu.memref_slice %arg9[%dma_wait3A_960] : memref<10x!tpu.dma_semaphore, #tpu.memory_space<semaphore_mem>> -> memref<1x!tpu.dma_semaphore, #tpu.memory_space<semaphore_mem>>
    %dma_wait3A_971 = tpu.memref_squeeze %dma_wait3A_970 : memref<1x!tpu.dma_semaphore, #tpu.memory_space<semaphore_mem>> -> memref<!tpu.dma_semaphore, #tpu.memory_space<semaphore_mem>>
    tpu.wait_indirect_dma semaphore(%dma_wait3A_971 : memref<!tpu.dma_semaphore, #tpu.memory_space<semaphore_mem>>) src(%dma_wait3A_969 : memref<100000xf32, #tpu.memory_space<hbm>>) dst(%dma_wait3A_963 : memref<128xf32, #tpu.memory_space<vmem>>)
    %dma_wait3A_972 = arith.constant 6 : i32
    %dma_wait3A_973 = arith.constant 6 : i32
    %dma_wait3A_974 = arith.constant 128 : i32
    %dma_wait3A_975 = tpu.memref_slice %arg7[%dma_wait3A_972, %dma_wait3A_974] : memref<10x512xf32, #tpu.memory_space<vmem>> -> memref<1x128xf32, #tpu.memory_space<vmem>>
    %dma_wait3A_976 = tpu.memref_squeeze %dma_wait3A_975 : memref<1x128xf32, #tpu.memory_space<vmem>> -> memref<128xf32, #tpu.memory_space<vmem>>
    %dma_wait3A_977 = arith.constant 128 : i32
    %dma_wait3A_978 = tpu.memref_slice %arg6[%dma_wait3A_977] : memref<512xi32, #tpu.memory_space<vmem>> -> memref<128xi32, #tpu.memory_space<vmem>>
    %dma_wait3A_979 = arith.constant 600000 : i32
    %dma_wait3A_980 = tpu.memref_slice %arg3[%dma_wait3A_979] : memref<1000000xf32, #tpu.memory_space<hbm>> -> memref<100000xf32, #tpu.memory_space<hbm>>
    %dma_wait3A_981 = arith.constant 0 : i32
    %dma_wait3A_982 = tpu.memref_slice %dma_wait3A_980[%dma_wait3A_981] : memref<100000xf32, #tpu.memory_space<hbm>> -> memref<100000xf32, #tpu.memory_space<hbm>>
    %dma_wait3A_983 = tpu.memref_slice %arg9[%dma_wait3A_973] : memref<10x!tpu.dma_semaphore, #tpu.memory_space<semaphore_mem>> -> memref<1x!tpu.dma_semaphore, #tpu.memory_space<semaphore_mem>>
    %dma_wait3A_984 = tpu.memref_squeeze %dma_wait3A_983 : memref<1x!tpu.dma_semaphore, #tpu.memory_space<semaphore_mem>> -> memref<!tpu.dma_semaphore, #tpu.memory_space<semaphore_mem>>
    tpu.wait_indirect_dma semaphore(%dma_wait3A_984 : memref<!tpu.dma_semaphore, #tpu.memory_space<semaphore_mem>>) src(%dma_wait3A_982 : memref<100000xf32, #tpu.memory_space<hbm>>) dst(%dma_wait3A_976 : memref<128xf32, #tpu.memory_space<vmem>>)
    %dma_wait3A_985 = arith.constant 6 : i32
    %dma_wait3A_986 = arith.constant 6 : i32
    %dma_wait3A_987 = arith.constant 256 : i32
    %dma_wait3A_988 = tpu.memref_slice %arg7[%dma_wait3A_985, %dma_wait3A_987] : memref<10x512xf32, #tpu.memory_space<vmem>> -> memref<1x128xf32, #tpu.memory_space<vmem>>
    %dma_wait3A_989 = tpu.memref_squeeze %dma_wait3A_988 : memref<1x128xf32, #tpu.memory_space<vmem>> -> memref<128xf32, #tpu.memory_space<vmem>>
    %dma_wait3A_990 = arith.constant 256 : i32
    %dma_wait3A_991 = tpu.memref_slice %arg6[%dma_wait3A_990] : memref<512xi32, #tpu.memory_space<vmem>> -> memref<128xi32, #tpu.memory_space<vmem>>
    %dma_wait3A_992 = arith.constant 600000 : i32
    %dma_wait3A_993 = tpu.memref_slice %arg3[%dma_wait3A_992] : memref<1000000xf32, #tpu.memory_space<hbm>> -> memref<100000xf32, #tpu.memory_space<hbm>>
    %dma_wait3A_994 = arith.constant 0 : i32
    %dma_wait3A_995 = tpu.memref_slice %dma_wait3A_993[%dma_wait3A_994] : memref<100000xf32, #tpu.memory_space<hbm>> -> memref<100000xf32, #tpu.memory_space<hbm>>
    %dma_wait3A_996 = tpu.memref_slice %arg9[%dma_wait3A_986] : memref<10x!tpu.dma_semaphore, #tpu.memory_space<semaphore_mem>> -> memref<1x!tpu.dma_semaphore, #tpu.memory_space<semaphore_mem>>
    %dma_wait3A_997 = tpu.memref_squeeze %dma_wait3A_996 : memref<1x!tpu.dma_semaphore, #tpu.memory_space<semaphore_mem>> -> memref<!tpu.dma_semaphore, #tpu.memory_space<semaphore_mem>>
    tpu.wait_indirect_dma semaphore(%dma_wait3A_997 : memref<!tpu.dma_semaphore, #tpu.memory_space<semaphore_mem>>) src(%dma_wait3A_995 : memref<100000xf32, #tpu.memory_space<hbm>>) dst(%dma_wait3A_989 : memref<128xf32, #tpu.memory_space<vmem>>)
    %dma_wait3A_998 = arith.constant 6 : i32
    %dma_wait3A_999 = arith.constant 6 : i32
    %dma_wait3A_1000 = arith.constant 384 : i32
    %dma_wait3A_1001 = tpu.memref_slice %arg7[%dma_wait3A_998, %dma_wait3A_1000] : memref<10x512xf32, #tpu.memory_space<vmem>> -> memref<1x128xf32, #tpu.memory_space<vmem>>
    %dma_wait3A_1002 = tpu.memref_squeeze %dma_wait3A_1001 : memref<1x128xf32, #tpu.memory_space<vmem>> -> memref<128xf32, #tpu.memory_space<vmem>>
    %dma_wait3A_1003 = arith.constant 384 : i32
    %dma_wait3A_1004 = tpu.memref_slice %arg6[%dma_wait3A_1003] : memref<512xi32, #tpu.memory_space<vmem>> -> memref<128xi32, #tpu.memory_space<vmem>>
    %dma_wait3A_1005 = arith.constant 600000 : i32
    %dma_wait3A_1006 = tpu.memref_slice %arg3[%dma_wait3A_1005] : memref<1000000xf32, #tpu.memory_space<hbm>> -> memref<100000xf32, #tpu.memory_space<hbm>>
    %dma_wait3A_1007 = arith.constant 0 : i32
    %dma_wait3A_1008 = tpu.memref_slice %dma_wait3A_1006[%dma_wait3A_1007] : memref<100000xf32, #tpu.memory_space<hbm>> -> memref<100000xf32, #tpu.memory_space<hbm>>
    %dma_wait3A_1009 = tpu.memref_slice %arg9[%dma_wait3A_999] : memref<10x!tpu.dma_semaphore, #tpu.memory_space<semaphore_mem>> -> memref<1x!tpu.dma_semaphore, #tpu.memory_space<semaphore_mem>>
    %dma_wait3A_1010 = tpu.memref_squeeze %dma_wait3A_1009 : memref<1x!tpu.dma_semaphore, #tpu.memory_space<semaphore_mem>> -> memref<!tpu.dma_semaphore, #tpu.memory_space<semaphore_mem>>
    tpu.wait_indirect_dma semaphore(%dma_wait3A_1010 : memref<!tpu.dma_semaphore, #tpu.memory_space<semaphore_mem>>) src(%dma_wait3A_1008 : memref<100000xf32, #tpu.memory_space<hbm>>) dst(%dma_wait3A_1002 : memref<128xf32, #tpu.memory_space<vmem>>)
    %slice3A_1011 = vector.extract_strided_slice %get3A_529 {offsets = [6], sizes = [1], strides = [1]} : vector<16xf32> to vector<1xf32>
    %squeeze3A_1012 = vector.extract %slice3A_1011[0] : f32 from vector<1xf32>
    %broadcast_in_dim3A_1013 = vector.broadcast %squeeze3A_1012 : f32 to vector<16xf32>
    %scan3A_1014 = arith.constant 0 : i32
    %scan3A_1015 = arith.constant 32 : i32
    %scan3A_1016 = arith.addi %scan3A_1014, %scan3A_1015 : i32
    %scan3A_1017 = arith.constant 4 : i32
    scf.for %scan3A_1367 = %scan3A_1014 to %scan3A_1016 step %scan3A_1017  : i32 {
      %mul3A_1368 = arith.constant 1 : i32
      %mul3A_1369 = arith.muli %scan3A_1367, %mul3A_1368 : i32
      %add3A_1370 = arith.constant 0 : i32
      %add3A_1371 = arith.addi %add3A_1370, %mul3A_1369 : i32
      %mul3A_1372 = arith.constant 16 : i32
      %mul3A_1373 = arith.muli %add3A_1371, %mul3A_1372 : i32
      %multiple_of3A_1374 = tpu.assume_multiple %mul3A_1373, 16 : i32
      %get3A_1375 = arith.constant 6 : i32
      %get3A_1376 = arith.index_cast %get3A_1375 : i32 to index
      %get3A_1377 = arith.index_cast %multiple_of3A_1374 : i32 to index
      %get3A_1378 = tpu.vector_load %arg7[%get3A_1376, %get3A_1377] {strides = array<i32>} : memref<10x512xf32, #tpu.memory_space<vmem>>, vector<16xf32>,
      %add3A_1379 = arith.addf %get3A_1378, %broadcast_in_dim3A_1013 : vector<16xf32>
      %swap3A = arith.constant 6 : i32
      %swap3A_1380 = arith.index_cast %swap3A : i32 to index
      %swap3A_1381 = arith.index_cast %multiple_of3A_1374 : i32 to index
      %swap3A_1382 = tpu.vector_load %arg7[%swap3A_1380, %swap3A_1381] {strides = array<i32>} : memref<10x512xf32, #tpu.memory_space<vmem>>, vector<16xf32>,
      tpu.vector_store %arg7[%swap3A_1380, %swap3A_1381], %add3A_1379 {strides = array<i32>} : memref<10x512xf32, #tpu.memory_space<vmem>>, vector<16xf32>,
      %scan3A_1383 = arith.constant 1 : i32
      %scan3A_1384 = arith.addi %scan3A_1367, %scan3A_1383 : i32
      %mul3A_1385 = arith.constant 1 : i32
      %mul3A_1386 = arith.muli %scan3A_1384, %mul3A_1385 : i32
      %add3A_1387 = arith.constant 0 : i32
      %add3A_1388 = arith.addi %add3A_1387, %mul3A_1386 : i32
      %mul3A_1389 = arith.constant 16 : i32
      %mul3A_1390 = arith.muli %add3A_1388, %mul3A_1389 : i32
      %multiple_of3A_1391 = tpu.assume_multiple %mul3A_1390, 16 : i32
      %get3A_1392 = arith.constant 6 : i32
      %get3A_1393 = arith.index_cast %get3A_1392 : i32 to index
      %get3A_1394 = arith.index_cast %multiple_of3A_1391 : i32 to index
      %get3A_1395 = tpu.vector_load %arg7[%get3A_1393, %get3A_1394] {strides = array<i32>} : memref<10x512xf32, #tpu.memory_space<vmem>>, vector<16xf32>,
      %add3A_1396 = arith.addf %get3A_1395, %broadcast_in_dim3A_1013 : vector<16xf32>
      %swap3A_1397 = arith.constant 6 : i32
      %swap3A_1398 = arith.index_cast %swap3A_1397 : i32 to index
      %swap3A_1399 = arith.index_cast %multiple_of3A_1391 : i32 to index
      %swap3A_1400 = tpu.vector_load %arg7[%swap3A_1398, %swap3A_1399] {strides = array<i32>} : memref<10x512xf32, #tpu.memory_space<vmem>>, vector<16xf32>,
      tpu.vector_store %arg7[%swap3A_1398, %swap3A_1399], %add3A_1396 {strides = array<i32>} : memref<10x512xf32, #tpu.memory_space<vmem>>, vector<16xf32>,
      %scan3A_1401 = arith.constant 2 : i32
      %scan3A_1402 = arith.addi %scan3A_1367, %scan3A_1401 : i32
      %mul3A_1403 = arith.constant 1 : i32
      %mul3A_1404 = arith.muli %scan3A_1402, %mul3A_1403 : i32
      %add3A_1405 = arith.constant 0 : i32
      %add3A_1406 = arith.addi %add3A_1405, %mul3A_1404 : i32
      %mul3A_1407 = arith.constant 16 : i32
      %mul3A_1408 = arith.muli %add3A_1406, %mul3A_1407 : i32
      %multiple_of3A_1409 = tpu.assume_multiple %mul3A_1408, 16 : i32
      %get3A_1410 = arith.constant 6 : i32
      %get3A_1411 = arith.index_cast %get3A_1410 : i32 to index
      %get3A_1412 = arith.index_cast %multiple_of3A_1409 : i32 to index
      %get3A_1413 = tpu.vector_load %arg7[%get3A_1411, %get3A_1412] {strides = array<i32>} : memref<10x512xf32, #tpu.memory_space<vmem>>, vector<16xf32>,
      %add3A_1414 = arith.addf %get3A_1413, %broadcast_in_dim3A_1013 : vector<16xf32>
      %swap3A_1415 = arith.constant 6 : i32
      %swap3A_1416 = arith.index_cast %swap3A_1415 : i32 to index
      %swap3A_1417 = arith.index_cast %multiple_of3A_1409 : i32 to index
      %swap3A_1418 = tpu.vector_load %arg7[%swap3A_1416, %swap3A_1417] {strides = array<i32>} : memref<10x512xf32, #tpu.memory_space<vmem>>, vector<16xf32>,
      tpu.vector_store %arg7[%swap3A_1416, %swap3A_1417], %add3A_1414 {strides = array<i32>} : memref<10x512xf32, #tpu.memory_space<vmem>>, vector<16xf32>,
      %scan3A_1419 = arith.constant 3 : i32
      %scan3A_1420 = arith.addi %scan3A_1367, %scan3A_1419 : i32
      %mul3A_1421 = arith.constant 1 : i32
      %mul3A_1422 = arith.muli %scan3A_1420, %mul3A_1421 : i32
      %add3A_1423 = arith.constant 0 : i32
      %add3A_1424 = arith.addi %add3A_1423, %mul3A_1422 : i32
      %mul3A_1425 = arith.constant 16 : i32
      %mul3A_1426 = arith.muli %add3A_1424, %mul3A_1425 : i32
      %multiple_of3A_1427 = tpu.assume_multiple %mul3A_1426, 16 : i32
      %get3A_1428 = arith.constant 6 : i32
      %get3A_1429 = arith.index_cast %get3A_1428 : i32 to index
      %get3A_1430 = arith.index_cast %multiple_of3A_1427 : i32 to index
      %get3A_1431 = tpu.vector_load %arg7[%get3A_1429, %get3A_1430] {strides = array<i32>} : memref<10x512xf32, #tpu.memory_space<vmem>>, vector<16xf32>,
      %add3A_1432 = arith.addf %get3A_1431, %broadcast_in_dim3A_1013 : vector<16xf32>
      %swap3A_1433 = arith.constant 6 : i32
      %swap3A_1434 = arith.index_cast %swap3A_1433 : i32 to index
      %swap3A_1435 = arith.index_cast %multiple_of3A_1427 : i32 to index
      %swap3A_1436 = tpu.vector_load %arg7[%swap3A_1434, %swap3A_1435] {strides = array<i32>} : memref<10x512xf32, #tpu.memory_space<vmem>>, vector<16xf32>,
      tpu.vector_store %arg7[%swap3A_1434, %swap3A_1435], %add3A_1432 {strides = array<i32>} : memref<10x512xf32, #tpu.memory_space<vmem>>, vector<16xf32>,
    }
    %scan3A_1018 = arith.constant 32 : i32
    %dma_start3A_1019 = arith.constant 6 : i32
    %dma_start3A_1020 = arith.constant 6 : i32
    %dma_start3A_1021 = arith.constant 0 : i32
    %dma_start3A_1022 = tpu.memref_slice %arg7[%dma_start3A_1019, %dma_start3A_1021] : memref<10x512xf32, #tpu.memory_space<vmem>> -> memref<1x512xf32, #tpu.memory_space<vmem>>
    %dma_start3A_1023 = tpu.memref_squeeze %dma_start3A_1022 : memref<1x512xf32, #tpu.memory_space<vmem>> -> memref<512xf32, #tpu.memory_space<vmem>>
    %dma_start3A_1024 = tpu.memref_slice %arg5[%dma_start3A_1020, %multiple_of3A] : memref<10x16384xf32, #tpu.memory_space<hbm>> -> memref<1x512xf32, #tpu.memory_space<hbm>>
    %dma_start3A_1025 = tpu.memref_squeeze %dma_start3A_1024 : memref<1x512xf32, #tpu.memory_space<hbm>> -> memref<512xf32, #tpu.memory_space<hbm>>
    %dma_start3A_1026 = tpu.memref_slice %arg5[%dma_start3A_1020, %multiple_of3A] : memref<10x16384xf32, #tpu.memory_space<hbm>> -> memref<1x512xf32, #tpu.memory_space<hbm>>
    %dma_start3A_1027 = tpu.memref_squeeze %dma_start3A_1026 : memref<1x512xf32, #tpu.memory_space<hbm>> -> memref<512xf32, #tpu.memory_space<hbm>>
    %dma_start3A_1028 = arith.constant 0 : i32
    %dma_start3A_1029 = tpu.memref_slice %arg7[%dma_start3A_1019, %dma_start3A_1028] : memref<10x512xf32, #tpu.memory_space<vmem>> -> memref<1x512xf32, #tpu.memory_space<vmem>>
    %dma_start3A_1030 = tpu.memref_squeeze %dma_start3A_1029 : memref<1x512xf32, #tpu.memory_space<vmem>> -> memref<512xf32, #tpu.memory_space<vmem>>
    tpu.enqueue_dma source(%dma_start3A_1030 : memref<512xf32, #tpu.memory_space<vmem>>) target(%dma_start3A_1027 : memref<512xf32, #tpu.memory_space<hbm>>) target_semaphore(%arg10 : memref<!tpu.dma_semaphore, #tpu.memory_space<semaphore_mem>>)
    %dma_wait3A_1031 = arith.constant 7 : i32
    %dma_wait3A_1032 = arith.constant 7 : i32
    %dma_wait3A_1033 = arith.constant 0 : i32
    %dma_wait3A_1034 = tpu.memref_slice %arg7[%dma_wait3A_1031, %dma_wait3A_1033] : memref<10x512xf32, #tpu.memory_space<vmem>> -> memref<1x128xf32, #tpu.memory_space<vmem>>
    %dma_wait3A_1035 = tpu.memref_squeeze %dma_wait3A_1034 : memref<1x128xf32, #tpu.memory_space<vmem>> -> memref<128xf32, #tpu.memory_space<vmem>>
    %dma_wait3A_1036 = arith.constant 0 : i32
    %dma_wait3A_1037 = tpu.memref_slice %arg6[%dma_wait3A_1036] : memref<512xi32, #tpu.memory_space<vmem>> -> memref<128xi32, #tpu.memory_space<vmem>>
    %dma_wait3A_1038 = arith.constant 700000 : i32
    %dma_wait3A_1039 = tpu.memref_slice %arg3[%dma_wait3A_1038] : memref<1000000xf32, #tpu.memory_space<hbm>> -> memref<100000xf32, #tpu.memory_space<hbm>>
    %dma_wait3A_1040 = arith.constant 0 : i32
    %dma_wait3A_1041 = tpu.memref_slice %dma_wait3A_1039[%dma_wait3A_1040] : memref<100000xf32, #tpu.memory_space<hbm>> -> memref<100000xf32, #tpu.memory_space<hbm>>
    %dma_wait3A_1042 = tpu.memref_slice %arg9[%dma_wait3A_1032] : memref<10x!tpu.dma_semaphore, #tpu.memory_space<semaphore_mem>> -> memref<1x!tpu.dma_semaphore, #tpu.memory_space<semaphore_mem>>
    %dma_wait3A_1043 = tpu.memref_squeeze %dma_wait3A_1042 : memref<1x!tpu.dma_semaphore, #tpu.memory_space<semaphore_mem>> -> memref<!tpu.dma_semaphore, #tpu.memory_space<semaphore_mem>>
    tpu.wait_indirect_dma semaphore(%dma_wait3A_1043 : memref<!tpu.dma_semaphore, #tpu.memory_space<semaphore_mem>>) src(%dma_wait3A_1041 : memref<100000xf32, #tpu.memory_space<hbm>>) dst(%dma_wait3A_1035 : memref<128xf32, #tpu.memory_space<vmem>>)
    %dma_wait3A_1044 = arith.constant 7 : i32
    %dma_wait3A_1045 = arith.constant 7 : i32
    %dma_wait3A_1046 = arith.constant 128 : i32
    %dma_wait3A_1047 = tpu.memref_slice %arg7[%dma_wait3A_1044, %dma_wait3A_1046] : memref<10x512xf32, #tpu.memory_space<vmem>> -> memref<1x128xf32, #tpu.memory_space<vmem>>
    %dma_wait3A_1048 = tpu.memref_squeeze %dma_wait3A_1047 : memref<1x128xf32, #tpu.memory_space<vmem>> -> memref<128xf32, #tpu.memory_space<vmem>>
    %dma_wait3A_1049 = arith.constant 128 : i32
    %dma_wait3A_1050 = tpu.memref_slice %arg6[%dma_wait3A_1049] : memref<512xi32, #tpu.memory_space<vmem>> -> memref<128xi32, #tpu.memory_space<vmem>>
    %dma_wait3A_1051 = arith.constant 700000 : i32
    %dma_wait3A_1052 = tpu.memref_slice %arg3[%dma_wait3A_1051] : memref<1000000xf32, #tpu.memory_space<hbm>> -> memref<100000xf32, #tpu.memory_space<hbm>>
    %dma_wait3A_1053 = arith.constant 0 : i32
    %dma_wait3A_1054 = tpu.memref_slice %dma_wait3A_1052[%dma_wait3A_1053] : memref<100000xf32, #tpu.memory_space<hbm>> -> memref<100000xf32, #tpu.memory_space<hbm>>
    %dma_wait3A_1055 = tpu.memref_slice %arg9[%dma_wait3A_1045] : memref<10x!tpu.dma_semaphore, #tpu.memory_space<semaphore_mem>> -> memref<1x!tpu.dma_semaphore, #tpu.memory_space<semaphore_mem>>
    %dma_wait3A_1056 = tpu.memref_squeeze %dma_wait3A_1055 : memref<1x!tpu.dma_semaphore, #tpu.memory_space<semaphore_mem>> -> memref<!tpu.dma_semaphore, #tpu.memory_space<semaphore_mem>>
    tpu.wait_indirect_dma semaphore(%dma_wait3A_1056 : memref<!tpu.dma_semaphore, #tpu.memory_space<semaphore_mem>>) src(%dma_wait3A_1054 : memref<100000xf32, #tpu.memory_space<hbm>>) dst(%dma_wait3A_1048 : memref<128xf32, #tpu.memory_space<vmem>>)
    %dma_wait3A_1057 = arith.constant 7 : i32
    %dma_wait3A_1058 = arith.constant 7 : i32
    %dma_wait3A_1059 = arith.constant 256 : i32
    %dma_wait3A_1060 = tpu.memref_slice %arg7[%dma_wait3A_1057, %dma_wait3A_1059] : memref<10x512xf32, #tpu.memory_space<vmem>> -> memref<1x128xf32, #tpu.memory_space<vmem>>
    %dma_wait3A_1061 = tpu.memref_squeeze %dma_wait3A_1060 : memref<1x128xf32, #tpu.memory_space<vmem>> -> memref<128xf32, #tpu.memory_space<vmem>>
    %dma_wait3A_1062 = arith.constant 256 : i32
    %dma_wait3A_1063 = tpu.memref_slice %arg6[%dma_wait3A_1062] : memref<512xi32, #tpu.memory_space<vmem>> -> memref<128xi32, #tpu.memory_space<vmem>>
    %dma_wait3A_1064 = arith.constant 700000 : i32
    %dma_wait3A_1065 = tpu.memref_slice %arg3[%dma_wait3A_1064] : memref<1000000xf32, #tpu.memory_space<hbm>> -> memref<100000xf32, #tpu.memory_space<hbm>>
    %dma_wait3A_1066 = arith.constant 0 : i32
    %dma_wait3A_1067 = tpu.memref_slice %dma_wait3A_1065[%dma_wait3A_1066] : memref<100000xf32, #tpu.memory_space<hbm>> -> memref<100000xf32, #tpu.memory_space<hbm>>
    %dma_wait3A_1068 = tpu.memref_slice %arg9[%dma_wait3A_1058] : memref<10x!tpu.dma_semaphore, #tpu.memory_space<semaphore_mem>> -> memref<1x!tpu.dma_semaphore, #tpu.memory_space<semaphore_mem>>
    %dma_wait3A_1069 = tpu.memref_squeeze %dma_wait3A_1068 : memref<1x!tpu.dma_semaphore, #tpu.memory_space<semaphore_mem>> -> memref<!tpu.dma_semaphore, #tpu.memory_space<semaphore_mem>>
    tpu.wait_indirect_dma semaphore(%dma_wait3A_1069 : memref<!tpu.dma_semaphore, #tpu.memory_space<semaphore_mem>>) src(%dma_wait3A_1067 : memref<100000xf32, #tpu.memory_space<hbm>>) dst(%dma_wait3A_1061 : memref<128xf32, #tpu.memory_space<vmem>>)
    %dma_wait3A_1070 = arith.constant 7 : i32
    %dma_wait3A_1071 = arith.constant 7 : i32
    %dma_wait3A_1072 = arith.constant 384 : i32
    %dma_wait3A_1073 = tpu.memref_slice %arg7[%dma_wait3A_1070, %dma_wait3A_1072] : memref<10x512xf32, #tpu.memory_space<vmem>> -> memref<1x128xf32, #tpu.memory_space<vmem>>
    %dma_wait3A_1074 = tpu.memref_squeeze %dma_wait3A_1073 : memref<1x128xf32, #tpu.memory_space<vmem>> -> memref<128xf32, #tpu.memory_space<vmem>>
    %dma_wait3A_1075 = arith.constant 384 : i32
    %dma_wait3A_1076 = tpu.memref_slice %arg6[%dma_wait3A_1075] : memref<512xi32, #tpu.memory_space<vmem>> -> memref<128xi32, #tpu.memory_space<vmem>>
    %dma_wait3A_1077 = arith.constant 700000 : i32
    %dma_wait3A_1078 = tpu.memref_slice %arg3[%dma_wait3A_1077] : memref<1000000xf32, #tpu.memory_space<hbm>> -> memref<100000xf32, #tpu.memory_space<hbm>>
    %dma_wait3A_1079 = arith.constant 0 : i32
    %dma_wait3A_1080 = tpu.memref_slice %dma_wait3A_1078[%dma_wait3A_1079] : memref<100000xf32, #tpu.memory_space<hbm>> -> memref<100000xf32, #tpu.memory_space<hbm>>
    %dma_wait3A_1081 = tpu.memref_slice %arg9[%dma_wait3A_1071] : memref<10x!tpu.dma_semaphore, #tpu.memory_space<semaphore_mem>> -> memref<1x!tpu.dma_semaphore, #tpu.memory_space<semaphore_mem>>
    %dma_wait3A_1082 = tpu.memref_squeeze %dma_wait3A_1081 : memref<1x!tpu.dma_semaphore, #tpu.memory_space<semaphore_mem>> -> memref<!tpu.dma_semaphore, #tpu.memory_space<semaphore_mem>>
    tpu.wait_indirect_dma semaphore(%dma_wait3A_1082 : memref<!tpu.dma_semaphore, #tpu.memory_space<semaphore_mem>>) src(%dma_wait3A_1080 : memref<100000xf32, #tpu.memory_space<hbm>>) dst(%dma_wait3A_1074 : memref<128xf32, #tpu.memory_space<vmem>>)
    %slice3A_1083 = vector.extract_strided_slice %get3A_529 {offsets = [7], sizes = [1], strides = [1]} : vector<16xf32> to vector<1xf32>
    %squeeze3A_1084 = vector.extract %slice3A_1083[0] : f32 from vector<1xf32>
    %broadcast_in_dim3A_1085 = vector.broadcast %squeeze3A_1084 : f32 to vector<16xf32>
    %scan3A_1086 = arith.constant 0 : i32
    %scan3A_1087 = arith.constant 32 : i32
    %scan3A_1088 = arith.addi %scan3A_1086, %scan3A_1087 : i32
    %scan3A_1089 = arith.constant 4 : i32
    scf.for %scan3A_1367 = %scan3A_1086 to %scan3A_1088 step %scan3A_1089  : i32 {
      %mul3A_1368 = arith.constant 1 : i32
      %mul3A_1369 = arith.muli %scan3A_1367, %mul3A_1368 : i32
      %add3A_1370 = arith.constant 0 : i32
      %add3A_1371 = arith.addi %add3A_1370, %mul3A_1369 : i32
      %mul3A_1372 = arith.constant 16 : i32
      %mul3A_1373 = arith.muli %add3A_1371, %mul3A_1372 : i32
      %multiple_of3A_1374 = tpu.assume_multiple %mul3A_1373, 16 : i32
      %get3A_1375 = arith.constant 7 : i32
      %get3A_1376 = arith.index_cast %get3A_1375 : i32 to index
      %get3A_1377 = arith.index_cast %multiple_of3A_1374 : i32 to index
      %get3A_1378 = tpu.vector_load %arg7[%get3A_1376, %get3A_1377] {strides = array<i32>} : memref<10x512xf32, #tpu.memory_space<vmem>>, vector<16xf32>,
      %add3A_1379 = arith.addf %get3A_1378, %broadcast_in_dim3A_1085 : vector<16xf32>
      %swap3A = arith.constant 7 : i32
      %swap3A_1380 = arith.index_cast %swap3A : i32 to index
      %swap3A_1381 = arith.index_cast %multiple_of3A_1374 : i32 to index
      %swap3A_1382 = tpu.vector_load %arg7[%swap3A_1380, %swap3A_1381] {strides = array<i32>} : memref<10x512xf32, #tpu.memory_space<vmem>>, vector<16xf32>,
      tpu.vector_store %arg7[%swap3A_1380, %swap3A_1381], %add3A_1379 {strides = array<i32>} : memref<10x512xf32, #tpu.memory_space<vmem>>, vector<16xf32>,
      %scan3A_1383 = arith.constant 1 : i32
      %scan3A_1384 = arith.addi %scan3A_1367, %scan3A_1383 : i32
      %mul3A_1385 = arith.constant 1 : i32
      %mul3A_1386 = arith.muli %scan3A_1384, %mul3A_1385 : i32
      %add3A_1387 = arith.constant 0 : i32
      %add3A_1388 = arith.addi %add3A_1387, %mul3A_1386 : i32
      %mul3A_1389 = arith.constant 16 : i32
      %mul3A_1390 = arith.muli %add3A_1388, %mul3A_1389 : i32
      %multiple_of3A_1391 = tpu.assume_multiple %mul3A_1390, 16 : i32
      %get3A_1392 = arith.constant 7 : i32
      %get3A_1393 = arith.index_cast %get3A_1392 : i32 to index
      %get3A_1394 = arith.index_cast %multiple_of3A_1391 : i32 to index
      %get3A_1395 = tpu.vector_load %arg7[%get3A_1393, %get3A_1394] {strides = array<i32>} : memref<10x512xf32, #tpu.memory_space<vmem>>, vector<16xf32>,
      %add3A_1396 = arith.addf %get3A_1395, %broadcast_in_dim3A_1085 : vector<16xf32>
      %swap3A_1397 = arith.constant 7 : i32
      %swap3A_1398 = arith.index_cast %swap3A_1397 : i32 to index
      %swap3A_1399 = arith.index_cast %multiple_of3A_1391 : i32 to index
      %swap3A_1400 = tpu.vector_load %arg7[%swap3A_1398, %swap3A_1399] {strides = array<i32>} : memref<10x512xf32, #tpu.memory_space<vmem>>, vector<16xf32>,
      tpu.vector_store %arg7[%swap3A_1398, %swap3A_1399], %add3A_1396 {strides = array<i32>} : memref<10x512xf32, #tpu.memory_space<vmem>>, vector<16xf32>,
      %scan3A_1401 = arith.constant 2 : i32
      %scan3A_1402 = arith.addi %scan3A_1367, %scan3A_1401 : i32
      %mul3A_1403 = arith.constant 1 : i32
      %mul3A_1404 = arith.muli %scan3A_1402, %mul3A_1403 : i32
      %add3A_1405 = arith.constant 0 : i32
      %add3A_1406 = arith.addi %add3A_1405, %mul3A_1404 : i32
      %mul3A_1407 = arith.constant 16 : i32
      %mul3A_1408 = arith.muli %add3A_1406, %mul3A_1407 : i32
      %multiple_of3A_1409 = tpu.assume_multiple %mul3A_1408, 16 : i32
      %get3A_1410 = arith.constant 7 : i32
      %get3A_1411 = arith.index_cast %get3A_1410 : i32 to index
      %get3A_1412 = arith.index_cast %multiple_of3A_1409 : i32 to index
      %get3A_1413 = tpu.vector_load %arg7[%get3A_1411, %get3A_1412] {strides = array<i32>} : memref<10x512xf32, #tpu.memory_space<vmem>>, vector<16xf32>,
      %add3A_1414 = arith.addf %get3A_1413, %broadcast_in_dim3A_1085 : vector<16xf32>
      %swap3A_1415 = arith.constant 7 : i32
      %swap3A_1416 = arith.index_cast %swap3A_1415 : i32 to index
      %swap3A_1417 = arith.index_cast %multiple_of3A_1409 : i32 to index
      %swap3A_1418 = tpu.vector_load %arg7[%swap3A_1416, %swap3A_1417] {strides = array<i32>} : memref<10x512xf32, #tpu.memory_space<vmem>>, vector<16xf32>,
      tpu.vector_store %arg7[%swap3A_1416, %swap3A_1417], %add3A_1414 {strides = array<i32>} : memref<10x512xf32, #tpu.memory_space<vmem>>, vector<16xf32>,
      %scan3A_1419 = arith.constant 3 : i32
      %scan3A_1420 = arith.addi %scan3A_1367, %scan3A_1419 : i32
      %mul3A_1421 = arith.constant 1 : i32
      %mul3A_1422 = arith.muli %scan3A_1420, %mul3A_1421 : i32
      %add3A_1423 = arith.constant 0 : i32
      %add3A_1424 = arith.addi %add3A_1423, %mul3A_1422 : i32
      %mul3A_1425 = arith.constant 16 : i32
      %mul3A_1426 = arith.muli %add3A_1424, %mul3A_1425 : i32
      %multiple_of3A_1427 = tpu.assume_multiple %mul3A_1426, 16 : i32
      %get3A_1428 = arith.constant 7 : i32
      %get3A_1429 = arith.index_cast %get3A_1428 : i32 to index
      %get3A_1430 = arith.index_cast %multiple_of3A_1427 : i32 to index
      %get3A_1431 = tpu.vector_load %arg7[%get3A_1429, %get3A_1430] {strides = array<i32>} : memref<10x512xf32, #tpu.memory_space<vmem>>, vector<16xf32>,
      %add3A_1432 = arith.addf %get3A_1431, %broadcast_in_dim3A_1085 : vector<16xf32>
      %swap3A_1433 = arith.constant 7 : i32
      %swap3A_1434 = arith.index_cast %swap3A_1433 : i32 to index
      %swap3A_1435 = arith.index_cast %multiple_of3A_1427 : i32 to index
      %swap3A_1436 = tpu.vector_load %arg7[%swap3A_1434, %swap3A_1435] {strides = array<i32>} : memref<10x512xf32, #tpu.memory_space<vmem>>, vector<16xf32>,
      tpu.vector_store %arg7[%swap3A_1434, %swap3A_1435], %add3A_1432 {strides = array<i32>} : memref<10x512xf32, #tpu.memory_space<vmem>>, vector<16xf32>,
    }
    %scan3A_1090 = arith.constant 32 : i32
    %dma_start3A_1091 = arith.constant 7 : i32
    %dma_start3A_1092 = arith.constant 7 : i32
    %dma_start3A_1093 = arith.constant 0 : i32
    %dma_start3A_1094 = tpu.memref_slice %arg7[%dma_start3A_1091, %dma_start3A_1093] : memref<10x512xf32, #tpu.memory_space<vmem>> -> memref<1x512xf32, #tpu.memory_space<vmem>>
    %dma_start3A_1095 = tpu.memref_squeeze %dma_start3A_1094 : memref<1x512xf32, #tpu.memory_space<vmem>> -> memref<512xf32, #tpu.memory_space<vmem>>
    %dma_start3A_1096 = tpu.memref_slice %arg5[%dma_start3A_1092, %multiple_of3A] : memref<10x16384xf32, #tpu.memory_space<hbm>> -> memref<1x512xf32, #tpu.memory_space<hbm>>
    %dma_start3A_1097 = tpu.memref_squeeze %dma_start3A_1096 : memref<1x512xf32, #tpu.memory_space<hbm>> -> memref<512xf32, #tpu.memory_space<hbm>>
    %dma_start3A_1098 = tpu.memref_slice %arg5[%dma_start3A_1092, %multiple_of3A] : memref<10x16384xf32, #tpu.memory_space<hbm>> -> memref<1x512xf32, #tpu.memory_space<hbm>>
    %dma_start3A_1099 = tpu.memref_squeeze %dma_start3A_1098 : memref<1x512xf32, #tpu.memory_space<hbm>> -> memref<512xf32, #tpu.memory_space<hbm>>
    %dma_start3A_1100 = arith.constant 0 : i32
    %dma_start3A_1101 = tpu.memref_slice %arg7[%dma_start3A_1091, %dma_start3A_1100] : memref<10x512xf32, #tpu.memory_space<vmem>> -> memref<1x512xf32, #tpu.memory_space<vmem>>
    %dma_start3A_1102 = tpu.memref_squeeze %dma_start3A_1101 : memref<1x512xf32, #tpu.memory_space<vmem>> -> memref<512xf32, #tpu.memory_space<vmem>>
    tpu.enqueue_dma source(%dma_start3A_1102 : memref<512xf32, #tpu.memory_space<vmem>>) target(%dma_start3A_1099 : memref<512xf32, #tpu.memory_space<hbm>>) target_semaphore(%arg10 : memref<!tpu.dma_semaphore, #tpu.memory_space<semaphore_mem>>)
    %dma_wait3A_1103 = arith.constant 8 : i32
    %dma_wait3A_1104 = arith.constant 8 : i32
    %dma_wait3A_1105 = arith.constant 0 : i32
    %dma_wait3A_1106 = tpu.memref_slice %arg7[%dma_wait3A_1103, %dma_wait3A_1105] : memref<10x512xf32, #tpu.memory_space<vmem>> -> memref<1x128xf32, #tpu.memory_space<vmem>>
    %dma_wait3A_1107 = tpu.memref_squeeze %dma_wait3A_1106 : memref<1x128xf32, #tpu.memory_space<vmem>> -> memref<128xf32, #tpu.memory_space<vmem>>
    %dma_wait3A_1108 = arith.constant 0 : i32
    %dma_wait3A_1109 = tpu.memref_slice %arg6[%dma_wait3A_1108] : memref<512xi32, #tpu.memory_space<vmem>> -> memref<128xi32, #tpu.memory_space<vmem>>
    %dma_wait3A_1110 = arith.constant 800000 : i32
    %dma_wait3A_1111 = tpu.memref_slice %arg3[%dma_wait3A_1110] : memref<1000000xf32, #tpu.memory_space<hbm>> -> memref<100000xf32, #tpu.memory_space<hbm>>
    %dma_wait3A_1112 = arith.constant 0 : i32
    %dma_wait3A_1113 = tpu.memref_slice %dma_wait3A_1111[%dma_wait3A_1112] : memref<100000xf32, #tpu.memory_space<hbm>> -> memref<100000xf32, #tpu.memory_space<hbm>>
    %dma_wait3A_1114 = tpu.memref_slice %arg9[%dma_wait3A_1104] : memref<10x!tpu.dma_semaphore, #tpu.memory_space<semaphore_mem>> -> memref<1x!tpu.dma_semaphore, #tpu.memory_space<semaphore_mem>>
    %dma_wait3A_1115 = tpu.memref_squeeze %dma_wait3A_1114 : memref<1x!tpu.dma_semaphore, #tpu.memory_space<semaphore_mem>> -> memref<!tpu.dma_semaphore, #tpu.memory_space<semaphore_mem>>
    tpu.wait_indirect_dma semaphore(%dma_wait3A_1115 : memref<!tpu.dma_semaphore, #tpu.memory_space<semaphore_mem>>) src(%dma_wait3A_1113 : memref<100000xf32, #tpu.memory_space<hbm>>) dst(%dma_wait3A_1107 : memref<128xf32, #tpu.memory_space<vmem>>)
    %dma_wait3A_1116 = arith.constant 8 : i32
    %dma_wait3A_1117 = arith.constant 8 : i32
    %dma_wait3A_1118 = arith.constant 128 : i32
    %dma_wait3A_1119 = tpu.memref_slice %arg7[%dma_wait3A_1116, %dma_wait3A_1118] : memref<10x512xf32, #tpu.memory_space<vmem>> -> memref<1x128xf32, #tpu.memory_space<vmem>>
    %dma_wait3A_1120 = tpu.memref_squeeze %dma_wait3A_1119 : memref<1x128xf32, #tpu.memory_space<vmem>> -> memref<128xf32, #tpu.memory_space<vmem>>
    %dma_wait3A_1121 = arith.constant 128 : i32
    %dma_wait3A_1122 = tpu.memref_slice %arg6[%dma_wait3A_1121] : memref<512xi32, #tpu.memory_space<vmem>> -> memref<128xi32, #tpu.memory_space<vmem>>
    %dma_wait3A_1123 = arith.constant 800000 : i32
    %dma_wait3A_1124 = tpu.memref_slice %arg3[%dma_wait3A_1123] : memref<1000000xf32, #tpu.memory_space<hbm>> -> memref<100000xf32, #tpu.memory_space<hbm>>
    %dma_wait3A_1125 = arith.constant 0 : i32
    %dma_wait3A_1126 = tpu.memref_slice %dma_wait3A_1124[%dma_wait3A_1125] : memref<100000xf32, #tpu.memory_space<hbm>> -> memref<100000xf32, #tpu.memory_space<hbm>>
    %dma_wait3A_1127 = tpu.memref_slice %arg9[%dma_wait3A_1117] : memref<10x!tpu.dma_semaphore, #tpu.memory_space<semaphore_mem>> -> memref<1x!tpu.dma_semaphore, #tpu.memory_space<semaphore_mem>>
    %dma_wait3A_1128 = tpu.memref_squeeze %dma_wait3A_1127 : memref<1x!tpu.dma_semaphore, #tpu.memory_space<semaphore_mem>> -> memref<!tpu.dma_semaphore, #tpu.memory_space<semaphore_mem>>
    tpu.wait_indirect_dma semaphore(%dma_wait3A_1128 : memref<!tpu.dma_semaphore, #tpu.memory_space<semaphore_mem>>) src(%dma_wait3A_1126 : memref<100000xf32, #tpu.memory_space<hbm>>) dst(%dma_wait3A_1120 : memref<128xf32, #tpu.memory_space<vmem>>)
    %dma_wait3A_1129 = arith.constant 8 : i32
    %dma_wait3A_1130 = arith.constant 8 : i32
    %dma_wait3A_1131 = arith.constant 256 : i32
    %dma_wait3A_1132 = tpu.memref_slice %arg7[%dma_wait3A_1129, %dma_wait3A_1131] : memref<10x512xf32, #tpu.memory_space<vmem>> -> memref<1x128xf32, #tpu.memory_space<vmem>>
    %dma_wait3A_1133 = tpu.memref_squeeze %dma_wait3A_1132 : memref<1x128xf32, #tpu.memory_space<vmem>> -> memref<128xf32, #tpu.memory_space<vmem>>
    %dma_wait3A_1134 = arith.constant 256 : i32
    %dma_wait3A_1135 = tpu.memref_slice %arg6[%dma_wait3A_1134] : memref<512xi32, #tpu.memory_space<vmem>> -> memref<128xi32, #tpu.memory_space<vmem>>
    %dma_wait3A_1136 = arith.constant 800000 : i32
    %dma_wait3A_1137 = tpu.memref_slice %arg3[%dma_wait3A_1136] : memref<1000000xf32, #tpu.memory_space<hbm>> -> memref<100000xf32, #tpu.memory_space<hbm>>
    %dma_wait3A_1138 = arith.constant 0 : i32
    %dma_wait3A_1139 = tpu.memref_slice %dma_wait3A_1137[%dma_wait3A_1138] : memref<100000xf32, #tpu.memory_space<hbm>> -> memref<100000xf32, #tpu.memory_space<hbm>>
    %dma_wait3A_1140 = tpu.memref_slice %arg9[%dma_wait3A_1130] : memref<10x!tpu.dma_semaphore, #tpu.memory_space<semaphore_mem>> -> memref<1x!tpu.dma_semaphore, #tpu.memory_space<semaphore_mem>>
    %dma_wait3A_1141 = tpu.memref_squeeze %dma_wait3A_1140 : memref<1x!tpu.dma_semaphore, #tpu.memory_space<semaphore_mem>> -> memref<!tpu.dma_semaphore, #tpu.memory_space<semaphore_mem>>
    tpu.wait_indirect_dma semaphore(%dma_wait3A_1141 : memref<!tpu.dma_semaphore, #tpu.memory_space<semaphore_mem>>) src(%dma_wait3A_1139 : memref<100000xf32, #tpu.memory_space<hbm>>) dst(%dma_wait3A_1133 : memref<128xf32, #tpu.memory_space<vmem>>)
    %dma_wait3A_1142 = arith.constant 8 : i32
    %dma_wait3A_1143 = arith.constant 8 : i32
    %dma_wait3A_1144 = arith.constant 384 : i32
    %dma_wait3A_1145 = tpu.memref_slice %arg7[%dma_wait3A_1142, %dma_wait3A_1144] : memref<10x512xf32, #tpu.memory_space<vmem>> -> memref<1x128xf32, #tpu.memory_space<vmem>>
    %dma_wait3A_1146 = tpu.memref_squeeze %dma_wait3A_1145 : memref<1x128xf32, #tpu.memory_space<vmem>> -> memref<128xf32, #tpu.memory_space<vmem>>
    %dma_wait3A_1147 = arith.constant 384 : i32
    %dma_wait3A_1148 = tpu.memref_slice %arg6[%dma_wait3A_1147] : memref<512xi32, #tpu.memory_space<vmem>> -> memref<128xi32, #tpu.memory_space<vmem>>
    %dma_wait3A_1149 = arith.constant 800000 : i32
    %dma_wait3A_1150 = tpu.memref_slice %arg3[%dma_wait3A_1149] : memref<1000000xf32, #tpu.memory_space<hbm>> -> memref<100000xf32, #tpu.memory_space<hbm>>
    %dma_wait3A_1151 = arith.constant 0 : i32
    %dma_wait3A_1152 = tpu.memref_slice %dma_wait3A_1150[%dma_wait3A_1151] : memref<100000xf32, #tpu.memory_space<hbm>> -> memref<100000xf32, #tpu.memory_space<hbm>>
    %dma_wait3A_1153 = tpu.memref_slice %arg9[%dma_wait3A_1143] : memref<10x!tpu.dma_semaphore, #tpu.memory_space<semaphore_mem>> -> memref<1x!tpu.dma_semaphore, #tpu.memory_space<semaphore_mem>>
    %dma_wait3A_1154 = tpu.memref_squeeze %dma_wait3A_1153 : memref<1x!tpu.dma_semaphore, #tpu.memory_space<semaphore_mem>> -> memref<!tpu.dma_semaphore, #tpu.memory_space<semaphore_mem>>
    tpu.wait_indirect_dma semaphore(%dma_wait3A_1154 : memref<!tpu.dma_semaphore, #tpu.memory_space<semaphore_mem>>) src(%dma_wait3A_1152 : memref<100000xf32, #tpu.memory_space<hbm>>) dst(%dma_wait3A_1146 : memref<128xf32, #tpu.memory_space<vmem>>)
    %slice3A_1155 = vector.extract_strided_slice %get3A_529 {offsets = [8], sizes = [1], strides = [1]} : vector<16xf32> to vector<1xf32>
    %squeeze3A_1156 = vector.extract %slice3A_1155[0] : f32 from vector<1xf32>
    %broadcast_in_dim3A_1157 = vector.broadcast %squeeze3A_1156 : f32 to vector<16xf32>
    %scan3A_1158 = arith.constant 0 : i32
    %scan3A_1159 = arith.constant 32 : i32
    %scan3A_1160 = arith.addi %scan3A_1158, %scan3A_1159 : i32
    %scan3A_1161 = arith.constant 4 : i32
    scf.for %scan3A_1367 = %scan3A_1158 to %scan3A_1160 step %scan3A_1161  : i32 {
      %mul3A_1368 = arith.constant 1 : i32
      %mul3A_1369 = arith.muli %scan3A_1367, %mul3A_1368 : i32
      %add3A_1370 = arith.constant 0 : i32
      %add3A_1371 = arith.addi %add3A_1370, %mul3A_1369 : i32
      %mul3A_1372 = arith.constant 16 : i32
      %mul3A_1373 = arith.muli %add3A_1371, %mul3A_1372 : i32
      %multiple_of3A_1374 = tpu.assume_multiple %mul3A_1373, 16 : i32
      %get3A_1375 = arith.constant 8 : i32
      %get3A_1376 = arith.index_cast %get3A_1375 : i32 to index
      %get3A_1377 = arith.index_cast %multiple_of3A_1374 : i32 to index
      %get3A_1378 = tpu.vector_load %arg7[%get3A_1376, %get3A_1377] {strides = array<i32>} : memref<10x512xf32, #tpu.memory_space<vmem>>, vector<16xf32>,
      %add3A_1379 = arith.addf %get3A_1378, %broadcast_in_dim3A_1157 : vector<16xf32>
      %swap3A = arith.constant 8 : i32
      %swap3A_1380 = arith.index_cast %swap3A : i32 to index
      %swap3A_1381 = arith.index_cast %multiple_of3A_1374 : i32 to index
      %swap3A_1382 = tpu.vector_load %arg7[%swap3A_1380, %swap3A_1381] {strides = array<i32>} : memref<10x512xf32, #tpu.memory_space<vmem>>, vector<16xf32>,
      tpu.vector_store %arg7[%swap3A_1380, %swap3A_1381], %add3A_1379 {strides = array<i32>} : memref<10x512xf32, #tpu.memory_space<vmem>>, vector<16xf32>,
      %scan3A_1383 = arith.constant 1 : i32
      %scan3A_1384 = arith.addi %scan3A_1367, %scan3A_1383 : i32
      %mul3A_1385 = arith.constant 1 : i32
      %mul3A_1386 = arith.muli %scan3A_1384, %mul3A_1385 : i32
      %add3A_1387 = arith.constant 0 : i32
      %add3A_1388 = arith.addi %add3A_1387, %mul3A_1386 : i32
      %mul3A_1389 = arith.constant 16 : i32
      %mul3A_1390 = arith.muli %add3A_1388, %mul3A_1389 : i32
      %multiple_of3A_1391 = tpu.assume_multiple %mul3A_1390, 16 : i32
      %get3A_1392 = arith.constant 8 : i32
      %get3A_1393 = arith.index_cast %get3A_1392 : i32 to index
      %get3A_1394 = arith.index_cast %multiple_of3A_1391 : i32 to index
      %get3A_1395 = tpu.vector_load %arg7[%get3A_1393, %get3A_1394] {strides = array<i32>} : memref<10x512xf32, #tpu.memory_space<vmem>>, vector<16xf32>,
      %add3A_1396 = arith.addf %get3A_1395, %broadcast_in_dim3A_1157 : vector<16xf32>
      %swap3A_1397 = arith.constant 8 : i32
      %swap3A_1398 = arith.index_cast %swap3A_1397 : i32 to index
      %swap3A_1399 = arith.index_cast %multiple_of3A_1391 : i32 to index
      %swap3A_1400 = tpu.vector_load %arg7[%swap3A_1398, %swap3A_1399] {strides = array<i32>} : memref<10x512xf32, #tpu.memory_space<vmem>>, vector<16xf32>,
      tpu.vector_store %arg7[%swap3A_1398, %swap3A_1399], %add3A_1396 {strides = array<i32>} : memref<10x512xf32, #tpu.memory_space<vmem>>, vector<16xf32>,
      %scan3A_1401 = arith.constant 2 : i32
      %scan3A_1402 = arith.addi %scan3A_1367, %scan3A_1401 : i32
      %mul3A_1403 = arith.constant 1 : i32
      %mul3A_1404 = arith.muli %scan3A_1402, %mul3A_1403 : i32
      %add3A_1405 = arith.constant 0 : i32
      %add3A_1406 = arith.addi %add3A_1405, %mul3A_1404 : i32
      %mul3A_1407 = arith.constant 16 : i32
      %mul3A_1408 = arith.muli %add3A_1406, %mul3A_1407 : i32
      %multiple_of3A_1409 = tpu.assume_multiple %mul3A_1408, 16 : i32
      %get3A_1410 = arith.constant 8 : i32
      %get3A_1411 = arith.index_cast %get3A_1410 : i32 to index
      %get3A_1412 = arith.index_cast %multiple_of3A_1409 : i32 to index
      %get3A_1413 = tpu.vector_load %arg7[%get3A_1411, %get3A_1412] {strides = array<i32>} : memref<10x512xf32, #tpu.memory_space<vmem>>, vector<16xf32>,
      %add3A_1414 = arith.addf %get3A_1413, %broadcast_in_dim3A_1157 : vector<16xf32>
      %swap3A_1415 = arith.constant 8 : i32
      %swap3A_1416 = arith.index_cast %swap3A_1415 : i32 to index
      %swap3A_1417 = arith.index_cast %multiple_of3A_1409 : i32 to index
      %swap3A_1418 = tpu.vector_load %arg7[%swap3A_1416, %swap3A_1417] {strides = array<i32>} : memref<10x512xf32, #tpu.memory_space<vmem>>, vector<16xf32>,
      tpu.vector_store %arg7[%swap3A_1416, %swap3A_1417], %add3A_1414 {strides = array<i32>} : memref<10x512xf32, #tpu.memory_space<vmem>>, vector<16xf32>,
      %scan3A_1419 = arith.constant 3 : i32
      %scan3A_1420 = arith.addi %scan3A_1367, %scan3A_1419 : i32
      %mul3A_1421 = arith.constant 1 : i32
      %mul3A_1422 = arith.muli %scan3A_1420, %mul3A_1421 : i32
      %add3A_1423 = arith.constant 0 : i32
      %add3A_1424 = arith.addi %add3A_1423, %mul3A_1422 : i32
      %mul3A_1425 = arith.constant 16 : i32
      %mul3A_1426 = arith.muli %add3A_1424, %mul3A_1425 : i32
      %multiple_of3A_1427 = tpu.assume_multiple %mul3A_1426, 16 : i32
      %get3A_1428 = arith.constant 8 : i32
      %get3A_1429 = arith.index_cast %get3A_1428 : i32 to index
      %get3A_1430 = arith.index_cast %multiple_of3A_1427 : i32 to index
      %get3A_1431 = tpu.vector_load %arg7[%get3A_1429, %get3A_1430] {strides = array<i32>} : memref<10x512xf32, #tpu.memory_space<vmem>>, vector<16xf32>,
      %add3A_1432 = arith.addf %get3A_1431, %broadcast_in_dim3A_1157 : vector<16xf32>
      %swap3A_1433 = arith.constant 8 : i32
      %swap3A_1434 = arith.index_cast %swap3A_1433 : i32 to index
      %swap3A_1435 = arith.index_cast %multiple_of3A_1427 : i32 to index
      %swap3A_1436 = tpu.vector_load %arg7[%swap3A_1434, %swap3A_1435] {strides = array<i32>} : memref<10x512xf32, #tpu.memory_space<vmem>>, vector<16xf32>,
      tpu.vector_store %arg7[%swap3A_1434, %swap3A_1435], %add3A_1432 {strides = array<i32>} : memref<10x512xf32, #tpu.memory_space<vmem>>, vector<16xf32>,
    }
    %scan3A_1162 = arith.constant 32 : i32
    %dma_start3A_1163 = arith.constant 8 : i32
    %dma_start3A_1164 = arith.constant 8 : i32
    %dma_start3A_1165 = arith.constant 0 : i32
    %dma_start3A_1166 = tpu.memref_slice %arg7[%dma_start3A_1163, %dma_start3A_1165] : memref<10x512xf32, #tpu.memory_space<vmem>> -> memref<1x512xf32, #tpu.memory_space<vmem>>
    %dma_start3A_1167 = tpu.memref_squeeze %dma_start3A_1166 : memref<1x512xf32, #tpu.memory_space<vmem>> -> memref<512xf32, #tpu.memory_space<vmem>>
    %dma_start3A_1168 = tpu.memref_slice %arg5[%dma_start3A_1164, %multiple_of3A] : memref<10x16384xf32, #tpu.memory_space<hbm>> -> memref<1x512xf32, #tpu.memory_space<hbm>>
    %dma_start3A_1169 = tpu.memref_squeeze %dma_start3A_1168 : memref<1x512xf32, #tpu.memory_space<hbm>> -> memref<512xf32, #tpu.memory_space<hbm>>
    %dma_start3A_1170 = tpu.memref_slice %arg5[%dma_start3A_1164, %multiple_of3A] : memref<10x16384xf32, #tpu.memory_space<hbm>> -> memref<1x512xf32, #tpu.memory_space<hbm>>
    %dma_start3A_1171 = tpu.memref_squeeze %dma_start3A_1170 : memref<1x512xf32, #tpu.memory_space<hbm>> -> memref<512xf32, #tpu.memory_space<hbm>>
    %dma_start3A_1172 = arith.constant 0 : i32
    %dma_start3A_1173 = tpu.memref_slice %arg7[%dma_start3A_1163, %dma_start3A_1172] : memref<10x512xf32, #tpu.memory_space<vmem>> -> memref<1x512xf32, #tpu.memory_space<vmem>>
    %dma_start3A_1174 = tpu.memref_squeeze %dma_start3A_1173 : memref<1x512xf32, #tpu.memory_space<vmem>> -> memref<512xf32, #tpu.memory_space<vmem>>
    tpu.enqueue_dma source(%dma_start3A_1174 : memref<512xf32, #tpu.memory_space<vmem>>) target(%dma_start3A_1171 : memref<512xf32, #tpu.memory_space<hbm>>) target_semaphore(%arg10 : memref<!tpu.dma_semaphore, #tpu.memory_space<semaphore_mem>>)
    %dma_wait3A_1175 = arith.constant 9 : i32
    %dma_wait3A_1176 = arith.constant 9 : i32
    %dma_wait3A_1177 = arith.constant 0 : i32
    %dma_wait3A_1178 = tpu.memref_slice %arg7[%dma_wait3A_1175, %dma_wait3A_1177] : memref<10x512xf32, #tpu.memory_space<vmem>> -> memref<1x128xf32, #tpu.memory_space<vmem>>
    %dma_wait3A_1179 = tpu.memref_squeeze %dma_wait3A_1178 : memref<1x128xf32, #tpu.memory_space<vmem>> -> memref<128xf32, #tpu.memory_space<vmem>>
    %dma_wait3A_1180 = arith.constant 0 : i32
    %dma_wait3A_1181 = tpu.memref_slice %arg6[%dma_wait3A_1180] : memref<512xi32, #tpu.memory_space<vmem>> -> memref<128xi32, #tpu.memory_space<vmem>>
    %dma_wait3A_1182 = arith.constant 900000 : i32
    %dma_wait3A_1183 = tpu.memref_slice %arg3[%dma_wait3A_1182] : memref<1000000xf32, #tpu.memory_space<hbm>> -> memref<100000xf32, #tpu.memory_space<hbm>>
    %dma_wait3A_1184 = arith.constant 0 : i32
    %dma_wait3A_1185 = tpu.memref_slice %dma_wait3A_1183[%dma_wait3A_1184] : memref<100000xf32, #tpu.memory_space<hbm>> -> memref<100000xf32, #tpu.memory_space<hbm>>
    %dma_wait3A_1186 = tpu.memref_slice %arg9[%dma_wait3A_1176] : memref<10x!tpu.dma_semaphore, #tpu.memory_space<semaphore_mem>> -> memref<1x!tpu.dma_semaphore, #tpu.memory_space<semaphore_mem>>
    %dma_wait3A_1187 = tpu.memref_squeeze %dma_wait3A_1186 : memref<1x!tpu.dma_semaphore, #tpu.memory_space<semaphore_mem>> -> memref<!tpu.dma_semaphore, #tpu.memory_space<semaphore_mem>>
    tpu.wait_indirect_dma semaphore(%dma_wait3A_1187 : memref<!tpu.dma_semaphore, #tpu.memory_space<semaphore_mem>>) src(%dma_wait3A_1185 : memref<100000xf32, #tpu.memory_space<hbm>>) dst(%dma_wait3A_1179 : memref<128xf32, #tpu.memory_space<vmem>>)
    %dma_wait3A_1188 = arith.constant 9 : i32
    %dma_wait3A_1189 = arith.constant 9 : i32
    %dma_wait3A_1190 = arith.constant 128 : i32
    %dma_wait3A_1191 = tpu.memref_slice %arg7[%dma_wait3A_1188, %dma_wait3A_1190] : memref<10x512xf32, #tpu.memory_space<vmem>> -> memref<1x128xf32, #tpu.memory_space<vmem>>
    %dma_wait3A_1192 = tpu.memref_squeeze %dma_wait3A_1191 : memref<1x128xf32, #tpu.memory_space<vmem>> -> memref<128xf32, #tpu.memory_space<vmem>>
    %dma_wait3A_1193 = arith.constant 128 : i32
    %dma_wait3A_1194 = tpu.memref_slice %arg6[%dma_wait3A_1193] : memref<512xi32, #tpu.memory_space<vmem>> -> memref<128xi32, #tpu.memory_space<vmem>>
    %dma_wait3A_1195 = arith.constant 900000 : i32
    %dma_wait3A_1196 = tpu.memref_slice %arg3[%dma_wait3A_1195] : memref<1000000xf32, #tpu.memory_space<hbm>> -> memref<100000xf32, #tpu.memory_space<hbm>>
    %dma_wait3A_1197 = arith.constant 0 : i32
    %dma_wait3A_1198 = tpu.memref_slice %dma_wait3A_1196[%dma_wait3A_1197] : memref<100000xf32, #tpu.memory_space<hbm>> -> memref<100000xf32, #tpu.memory_space<hbm>>
    %dma_wait3A_1199 = tpu.memref_slice %arg9[%dma_wait3A_1189] : memref<10x!tpu.dma_semaphore, #tpu.memory_space<semaphore_mem>> -> memref<1x!tpu.dma_semaphore, #tpu.memory_space<semaphore_mem>>
    %dma_wait3A_1200 = tpu.memref_squeeze %dma_wait3A_1199 : memref<1x!tpu.dma_semaphore, #tpu.memory_space<semaphore_mem>> -> memref<!tpu.dma_semaphore, #tpu.memory_space<semaphore_mem>>
    tpu.wait_indirect_dma semaphore(%dma_wait3A_1200 : memref<!tpu.dma_semaphore, #tpu.memory_space<semaphore_mem>>) src(%dma_wait3A_1198 : memref<100000xf32, #tpu.memory_space<hbm>>) dst(%dma_wait3A_1192 : memref<128xf32, #tpu.memory_space<vmem>>)
    %dma_wait3A_1201 = arith.constant 9 : i32
    %dma_wait3A_1202 = arith.constant 9 : i32
    %dma_wait3A_1203 = arith.constant 256 : i32
    %dma_wait3A_1204 = tpu.memref_slice %arg7[%dma_wait3A_1201, %dma_wait3A_1203] : memref<10x512xf32, #tpu.memory_space<vmem>> -> memref<1x128xf32, #tpu.memory_space<vmem>>
    %dma_wait3A_1205 = tpu.memref_squeeze %dma_wait3A_1204 : memref<1x128xf32, #tpu.memory_space<vmem>> -> memref<128xf32, #tpu.memory_space<vmem>>
    %dma_wait3A_1206 = arith.constant 256 : i32
    %dma_wait3A_1207 = tpu.memref_slice %arg6[%dma_wait3A_1206] : memref<512xi32, #tpu.memory_space<vmem>> -> memref<128xi32, #tpu.memory_space<vmem>>
    %dma_wait3A_1208 = arith.constant 900000 : i32
    %dma_wait3A_1209 = tpu.memref_slice %arg3[%dma_wait3A_1208] : memref<1000000xf32, #tpu.memory_space<hbm>> -> memref<100000xf32, #tpu.memory_space<hbm>>
    %dma_wait3A_1210 = arith.constant 0 : i32
    %dma_wait3A_1211 = tpu.memref_slice %dma_wait3A_1209[%dma_wait3A_1210] : memref<100000xf32, #tpu.memory_space<hbm>> -> memref<100000xf32, #tpu.memory_space<hbm>>
    %dma_wait3A_1212 = tpu.memref_slice %arg9[%dma_wait3A_1202] : memref<10x!tpu.dma_semaphore, #tpu.memory_space<semaphore_mem>> -> memref<1x!tpu.dma_semaphore, #tpu.memory_space<semaphore_mem>>
    %dma_wait3A_1213 = tpu.memref_squeeze %dma_wait3A_1212 : memref<1x!tpu.dma_semaphore, #tpu.memory_space<semaphore_mem>> -> memref<!tpu.dma_semaphore, #tpu.memory_space<semaphore_mem>>
    tpu.wait_indirect_dma semaphore(%dma_wait3A_1213 : memref<!tpu.dma_semaphore, #tpu.memory_space<semaphore_mem>>) src(%dma_wait3A_1211 : memref<100000xf32, #tpu.memory_space<hbm>>) dst(%dma_wait3A_1205 : memref<128xf32, #tpu.memory_space<vmem>>)
    %dma_wait3A_1214 = arith.constant 9 : i32
    %dma_wait3A_1215 = arith.constant 9 : i32
    %dma_wait3A_1216 = arith.constant 384 : i32
    %dma_wait3A_1217 = tpu.memref_slice %arg7[%dma_wait3A_1214, %dma_wait3A_1216] : memref<10x512xf32, #tpu.memory_space<vmem>> -> memref<1x128xf32, #tpu.memory_space<vmem>>
    %dma_wait3A_1218 = tpu.memref_squeeze %dma_wait3A_1217 : memref<1x128xf32, #tpu.memory_space<vmem>> -> memref<128xf32, #tpu.memory_space<vmem>>
    %dma_wait3A_1219 = arith.constant 384 : i32
    %dma_wait3A_1220 = tpu.memref_slice %arg6[%dma_wait3A_1219] : memref<512xi32, #tpu.memory_space<vmem>> -> memref<128xi32, #tpu.memory_space<vmem>>
    %dma_wait3A_1221 = arith.constant 900000 : i32
    %dma_wait3A_1222 = tpu.memref_slice %arg3[%dma_wait3A_1221] : memref<1000000xf32, #tpu.memory_space<hbm>> -> memref<100000xf32, #tpu.memory_space<hbm>>
    %dma_wait3A_1223 = arith.constant 0 : i32
    %dma_wait3A_1224 = tpu.memref_slice %dma_wait3A_1222[%dma_wait3A_1223] : memref<100000xf32, #tpu.memory_space<hbm>> -> memref<100000xf32, #tpu.memory_space<hbm>>
    %dma_wait3A_1225 = tpu.memref_slice %arg9[%dma_wait3A_1215] : memref<10x!tpu.dma_semaphore, #tpu.memory_space<semaphore_mem>> -> memref<1x!tpu.dma_semaphore, #tpu.memory_space<semaphore_mem>>
    %dma_wait3A_1226 = tpu.memref_squeeze %dma_wait3A_1225 : memref<1x!tpu.dma_semaphore, #tpu.memory_space<semaphore_mem>> -> memref<!tpu.dma_semaphore, #tpu.memory_space<semaphore_mem>>
    tpu.wait_indirect_dma semaphore(%dma_wait3A_1226 : memref<!tpu.dma_semaphore, #tpu.memory_space<semaphore_mem>>) src(%dma_wait3A_1224 : memref<100000xf32, #tpu.memory_space<hbm>>) dst(%dma_wait3A_1218 : memref<128xf32, #tpu.memory_space<vmem>>)
    %slice3A_1227 = vector.extract_strided_slice %get3A_529 {offsets = [9], sizes = [1], strides = [1]} : vector<16xf32> to vector<1xf32>
    %squeeze3A_1228 = vector.extract %slice3A_1227[0] : f32 from vector<1xf32>
    %broadcast_in_dim3A_1229 = vector.broadcast %squeeze3A_1228 : f32 to vector<16xf32>
    %scan3A_1230 = arith.constant 0 : i32
    %scan3A_1231 = arith.constant 32 : i32
    %scan3A_1232 = arith.addi %scan3A_1230, %scan3A_1231 : i32
    %scan3A_1233 = arith.constant 4 : i32
    scf.for %scan3A_1367 = %scan3A_1230 to %scan3A_1232 step %scan3A_1233  : i32 {
      %mul3A_1368 = arith.constant 1 : i32
      %mul3A_1369 = arith.muli %scan3A_1367, %mul3A_1368 : i32
      %add3A_1370 = arith.constant 0 : i32
      %add3A_1371 = arith.addi %add3A_1370, %mul3A_1369 : i32
      %mul3A_1372 = arith.constant 16 : i32
      %mul3A_1373 = arith.muli %add3A_1371, %mul3A_1372 : i32
      %multiple_of3A_1374 = tpu.assume_multiple %mul3A_1373, 16 : i32
      %get3A_1375 = arith.constant 9 : i32
      %get3A_1376 = arith.index_cast %get3A_1375 : i32 to index
      %get3A_1377 = arith.index_cast %multiple_of3A_1374 : i32 to index
      %get3A_1378 = tpu.vector_load %arg7[%get3A_1376, %get3A_1377] {strides = array<i32>} : memref<10x512xf32, #tpu.memory_space<vmem>>, vector<16xf32>,
      %add3A_1379 = arith.addf %get3A_1378, %broadcast_in_dim3A_1229 : vector<16xf32>
      %swap3A = arith.constant 9 : i32
      %swap3A_1380 = arith.index_cast %swap3A : i32 to index
      %swap3A_1381 = arith.index_cast %multiple_of3A_1374 : i32 to index
      %swap3A_1382 = tpu.vector_load %arg7[%swap3A_1380, %swap3A_1381] {strides = array<i32>} : memref<10x512xf32, #tpu.memory_space<vmem>>, vector<16xf32>,
      tpu.vector_store %arg7[%swap3A_1380, %swap3A_1381], %add3A_1379 {strides = array<i32>} : memref<10x512xf32, #tpu.memory_space<vmem>>, vector<16xf32>,
      %scan3A_1383 = arith.constant 1 : i32
      %scan3A_1384 = arith.addi %scan3A_1367, %scan3A_1383 : i32
      %mul3A_1385 = arith.constant 1 : i32
      %mul3A_1386 = arith.muli %scan3A_1384, %mul3A_1385 : i32
      %add3A_1387 = arith.constant 0 : i32
      %add3A_1388 = arith.addi %add3A_1387, %mul3A_1386 : i32
      %mul3A_1389 = arith.constant 16 : i32
      %mul3A_1390 = arith.muli %add3A_1388, %mul3A_1389 : i32
      %multiple_of3A_1391 = tpu.assume_multiple %mul3A_1390, 16 : i32
      %get3A_1392 = arith.constant 9 : i32
      %get3A_1393 = arith.index_cast %get3A_1392 : i32 to index
      %get3A_1394 = arith.index_cast %multiple_of3A_1391 : i32 to index
      %get3A_1395 = tpu.vector_load %arg7[%get3A_1393, %get3A_1394] {strides = array<i32>} : memref<10x512xf32, #tpu.memory_space<vmem>>, vector<16xf32>,
      %add3A_1396 = arith.addf %get3A_1395, %broadcast_in_dim3A_1229 : vector<16xf32>
      %swap3A_1397 = arith.constant 9 : i32
      %swap3A_1398 = arith.index_cast %swap3A_1397 : i32 to index
      %swap3A_1399 = arith.index_cast %multiple_of3A_1391 : i32 to index
      %swap3A_1400 = tpu.vector_load %arg7[%swap3A_1398, %swap3A_1399] {strides = array<i32>} : memref<10x512xf32, #tpu.memory_space<vmem>>, vector<16xf32>,
      tpu.vector_store %arg7[%swap3A_1398, %swap3A_1399], %add3A_1396 {strides = array<i32>} : memref<10x512xf32, #tpu.memory_space<vmem>>, vector<16xf32>,
      %scan3A_1401 = arith.constant 2 : i32
      %scan3A_1402 = arith.addi %scan3A_1367, %scan3A_1401 : i32
      %mul3A_1403 = arith.constant 1 : i32
      %mul3A_1404 = arith.muli %scan3A_1402, %mul3A_1403 : i32
      %add3A_1405 = arith.constant 0 : i32
      %add3A_1406 = arith.addi %add3A_1405, %mul3A_1404 : i32
      %mul3A_1407 = arith.constant 16 : i32
      %mul3A_1408 = arith.muli %add3A_1406, %mul3A_1407 : i32
      %multiple_of3A_1409 = tpu.assume_multiple %mul3A_1408, 16 : i32
      %get3A_1410 = arith.constant 9 : i32
      %get3A_1411 = arith.index_cast %get3A_1410 : i32 to index
      %get3A_1412 = arith.index_cast %multiple_of3A_1409 : i32 to index
      %get3A_1413 = tpu.vector_load %arg7[%get3A_1411, %get3A_1412] {strides = array<i32>} : memref<10x512xf32, #tpu.memory_space<vmem>>, vector<16xf32>,
      %add3A_1414 = arith.addf %get3A_1413, %broadcast_in_dim3A_1229 : vector<16xf32>
      %swap3A_1415 = arith.constant 9 : i32
      %swap3A_1416 = arith.index_cast %swap3A_1415 : i32 to index
      %swap3A_1417 = arith.index_cast %multiple_of3A_1409 : i32 to index
      %swap3A_1418 = tpu.vector_load %arg7[%swap3A_1416, %swap3A_1417] {strides = array<i32>} : memref<10x512xf32, #tpu.memory_space<vmem>>, vector<16xf32>,
      tpu.vector_store %arg7[%swap3A_1416, %swap3A_1417], %add3A_1414 {strides = array<i32>} : memref<10x512xf32, #tpu.memory_space<vmem>>, vector<16xf32>,
      %scan3A_1419 = arith.constant 3 : i32
      %scan3A_1420 = arith.addi %scan3A_1367, %scan3A_1419 : i32
      %mul3A_1421 = arith.constant 1 : i32
      %mul3A_1422 = arith.muli %scan3A_1420, %mul3A_1421 : i32
      %add3A_1423 = arith.constant 0 : i32
      %add3A_1424 = arith.addi %add3A_1423, %mul3A_1422 : i32
      %mul3A_1425 = arith.constant 16 : i32
      %mul3A_1426 = arith.muli %add3A_1424, %mul3A_1425 : i32
      %multiple_of3A_1427 = tpu.assume_multiple %mul3A_1426, 16 : i32
      %get3A_1428 = arith.constant 9 : i32
      %get3A_1429 = arith.index_cast %get3A_1428 : i32 to index
      %get3A_1430 = arith.index_cast %multiple_of3A_1427 : i32 to index
      %get3A_1431 = tpu.vector_load %arg7[%get3A_1429, %get3A_1430] {strides = array<i32>} : memref<10x512xf32, #tpu.memory_space<vmem>>, vector<16xf32>,
      %add3A_1432 = arith.addf %get3A_1431, %broadcast_in_dim3A_1229 : vector<16xf32>
      %swap3A_1433 = arith.constant 9 : i32
      %swap3A_1434 = arith.index_cast %swap3A_1433 : i32 to index
      %swap3A_1435 = arith.index_cast %multiple_of3A_1427 : i32 to index
      %swap3A_1436 = tpu.vector_load %arg7[%swap3A_1434, %swap3A_1435] {strides = array<i32>} : memref<10x512xf32, #tpu.memory_space<vmem>>, vector<16xf32>,
      tpu.vector_store %arg7[%swap3A_1434, %swap3A_1435], %add3A_1432 {strides = array<i32>} : memref<10x512xf32, #tpu.memory_space<vmem>>, vector<16xf32>,
    }
    %scan3A_1234 = arith.constant 32 : i32
    %dma_start3A_1235 = arith.constant 9 : i32
    %dma_start3A_1236 = arith.constant 9 : i32
    %dma_start3A_1237 = arith.constant 0 : i32
    %dma_start3A_1238 = tpu.memref_slice %arg7[%dma_start3A_1235, %dma_start3A_1237] : memref<10x512xf32, #tpu.memory_space<vmem>> -> memref<1x512xf32, #tpu.memory_space<vmem>>
    %dma_start3A_1239 = tpu.memref_squeeze %dma_start3A_1238 : memref<1x512xf32, #tpu.memory_space<vmem>> -> memref<512xf32, #tpu.memory_space<vmem>>
    %dma_start3A_1240 = tpu.memref_slice %arg5[%dma_start3A_1236, %multiple_of3A] : memref<10x16384xf32, #tpu.memory_space<hbm>> -> memref<1x512xf32, #tpu.memory_space<hbm>>
    %dma_start3A_1241 = tpu.memref_squeeze %dma_start3A_1240 : memref<1x512xf32, #tpu.memory_space<hbm>> -> memref<512xf32, #tpu.memory_space<hbm>>
    %dma_start3A_1242 = tpu.memref_slice %arg5[%dma_start3A_1236, %multiple_of3A] : memref<10x16384xf32, #tpu.memory_space<hbm>> -> memref<1x512xf32, #tpu.memory_space<hbm>>
    %dma_start3A_1243 = tpu.memref_squeeze %dma_start3A_1242 : memref<1x512xf32, #tpu.memory_space<hbm>> -> memref<512xf32, #tpu.memory_space<hbm>>
    %dma_start3A_1244 = arith.constant 0 : i32
    %dma_start3A_1245 = tpu.memref_slice %arg7[%dma_start3A_1235, %dma_start3A_1244] : memref<10x512xf32, #tpu.memory_space<vmem>> -> memref<1x512xf32, #tpu.memory_space<vmem>>
    %dma_start3A_1246 = tpu.memref_squeeze %dma_start3A_1245 : memref<1x512xf32, #tpu.memory_space<vmem>> -> memref<512xf32, #tpu.memory_space<vmem>>
    tpu.enqueue_dma source(%dma_start3A_1246 : memref<512xf32, #tpu.memory_space<vmem>>) target(%dma_start3A_1243 : memref<512xf32, #tpu.memory_space<hbm>>) target_semaphore(%arg10 : memref<!tpu.dma_semaphore, #tpu.memory_space<semaphore_mem>>)
    %dma_wait3A_1247 = arith.constant 0 : i32
    %dma_wait3A_1248 = arith.constant 0 : i32
    %dma_wait3A_1249 = arith.constant 0 : i32
    %dma_wait3A_1250 = tpu.memref_slice %arg7[%dma_wait3A_1247, %dma_wait3A_1249] : memref<10x512xf32, #tpu.memory_space<vmem>> -> memref<1x512xf32, #tpu.memory_space<vmem>>
    %dma_wait3A_1251 = tpu.memref_squeeze %dma_wait3A_1250 : memref<1x512xf32, #tpu.memory_space<vmem>> -> memref<512xf32, #tpu.memory_space<vmem>>
    %dma_wait3A_1252 = tpu.memref_slice %arg5[%dma_wait3A_1248, %multiple_of3A] : memref<10x16384xf32, #tpu.memory_space<hbm>> -> memref<1x512xf32, #tpu.memory_space<hbm>>
    %dma_wait3A_1253 = tpu.memref_squeeze %dma_wait3A_1252 : memref<1x512xf32, #tpu.memory_space<hbm>> -> memref<512xf32, #tpu.memory_space<hbm>>
    %dma_wait3A_1254 = tpu.memref_slice %arg5[%dma_wait3A_1248, %multiple_of3A] : memref<10x16384xf32, #tpu.memory_space<hbm>> -> memref<1x512xf32, #tpu.memory_space<hbm>>
    %dma_wait3A_1255 = tpu.memref_squeeze %dma_wait3A_1254 : memref<1x512xf32, #tpu.memory_space<hbm>> -> memref<512xf32, #tpu.memory_space<hbm>>
    %dma_wait3A_1256 = arith.constant 0 : i32
    %dma_wait3A_1257 = tpu.memref_slice %arg7[%dma_wait3A_1247, %dma_wait3A_1256] : memref<10x512xf32, #tpu.memory_space<vmem>> -> memref<1x512xf32, #tpu.memory_space<vmem>>
    %dma_wait3A_1258 = tpu.memref_squeeze %dma_wait3A_1257 : memref<1x512xf32, #tpu.memory_space<vmem>> -> memref<512xf32, #tpu.memory_space<vmem>>
    tpu.wait_dma2 semaphore(%arg10 : memref<!tpu.dma_semaphore, #tpu.memory_space<semaphore_mem>>) src(%dma_wait3A_1258 : memref<512xf32, #tpu.memory_space<vmem>>) dst(%dma_wait3A_1255 : memref<512xf32, #tpu.memory_space<hbm>>)
    %dma_wait3A_1259 = arith.constant 1 : i32
    %dma_wait3A_1260 = arith.constant 1 : i32
    %dma_wait3A_1261 = arith.constant 0 : i32
    %dma_wait3A_1262 = tpu.memref_slice %arg7[%dma_wait3A_1259, %dma_wait3A_1261] : memref<10x512xf32, #tpu.memory_space<vmem>> -> memref<1x512xf32, #tpu.memory_space<vmem>>
    %dma_wait3A_1263 = tpu.memref_squeeze %dma_wait3A_1262 : memref<1x512xf32, #tpu.memory_space<vmem>> -> memref<512xf32, #tpu.memory_space<vmem>>
    %dma_wait3A_1264 = tpu.memref_slice %arg5[%dma_wait3A_1260, %multiple_of3A] : memref<10x16384xf32, #tpu.memory_space<hbm>> -> memref<1x512xf32, #tpu.memory_space<hbm>>
    %dma_wait3A_1265 = tpu.memref_squeeze %dma_wait3A_1264 : memref<1x512xf32, #tpu.memory_space<hbm>> -> memref<512xf32, #tpu.memory_space<hbm>>
    %dma_wait3A_1266 = tpu.memref_slice %arg5[%dma_wait3A_1260, %multiple_of3A] : memref<10x16384xf32, #tpu.memory_space<hbm>> -> memref<1x512xf32, #tpu.memory_space<hbm>>
    %dma_wait3A_1267 = tpu.memref_squeeze %dma_wait3A_1266 : memref<1x512xf32, #tpu.memory_space<hbm>> -> memref<512xf32, #tpu.memory_space<hbm>>
    %dma_wait3A_1268 = arith.constant 0 : i32
    %dma_wait3A_1269 = tpu.memref_slice %arg7[%dma_wait3A_1259, %dma_wait3A_1268] : memref<10x512xf32, #tpu.memory_space<vmem>> -> memref<1x512xf32, #tpu.memory_space<vmem>>
    %dma_wait3A_1270 = tpu.memref_squeeze %dma_wait3A_1269 : memref<1x512xf32, #tpu.memory_space<vmem>> -> memref<512xf32, #tpu.memory_space<vmem>>
    tpu.wait_dma2 semaphore(%arg10 : memref<!tpu.dma_semaphore, #tpu.memory_space<semaphore_mem>>) src(%dma_wait3A_1270 : memref<512xf32, #tpu.memory_space<vmem>>) dst(%dma_wait3A_1267 : memref<512xf32, #tpu.memory_space<hbm>>)
    %dma_wait3A_1271 = arith.constant 2 : i32
    %dma_wait3A_1272 = arith.constant 2 : i32
    %dma_wait3A_1273 = arith.constant 0 : i32
    %dma_wait3A_1274 = tpu.memref_slice %arg7[%dma_wait3A_1271, %dma_wait3A_1273] : memref<10x512xf32, #tpu.memory_space<vmem>> -> memref<1x512xf32, #tpu.memory_space<vmem>>
    %dma_wait3A_1275 = tpu.memref_squeeze %dma_wait3A_1274 : memref<1x512xf32, #tpu.memory_space<vmem>> -> memref<512xf32, #tpu.memory_space<vmem>>
    %dma_wait3A_1276 = tpu.memref_slice %arg5[%dma_wait3A_1272, %multiple_of3A] : memref<10x16384xf32, #tpu.memory_space<hbm>> -> memref<1x512xf32, #tpu.memory_space<hbm>>
    %dma_wait3A_1277 = tpu.memref_squeeze %dma_wait3A_1276 : memref<1x512xf32, #tpu.memory_space<hbm>> -> memref<512xf32, #tpu.memory_space<hbm>>
    %dma_wait3A_1278 = tpu.memref_slice %arg5[%dma_wait3A_1272, %multiple_of3A] : memref<10x16384xf32, #tpu.memory_space<hbm>> -> memref<1x512xf32, #tpu.memory_space<hbm>>
    %dma_wait3A_1279 = tpu.memref_squeeze %dma_wait3A_1278 : memref<1x512xf32, #tpu.memory_space<hbm>> -> memref<512xf32, #tpu.memory_space<hbm>>
    %dma_wait3A_1280 = arith.constant 0 : i32
    %dma_wait3A_1281 = tpu.memref_slice %arg7[%dma_wait3A_1271, %dma_wait3A_1280] : memref<10x512xf32, #tpu.memory_space<vmem>> -> memref<1x512xf32, #tpu.memory_space<vmem>>
    %dma_wait3A_1282 = tpu.memref_squeeze %dma_wait3A_1281 : memref<1x512xf32, #tpu.memory_space<vmem>> -> memref<512xf32, #tpu.memory_space<vmem>>
    tpu.wait_dma2 semaphore(%arg10 : memref<!tpu.dma_semaphore, #tpu.memory_space<semaphore_mem>>) src(%dma_wait3A_1282 : memref<512xf32, #tpu.memory_space<vmem>>) dst(%dma_wait3A_1279 : memref<512xf32, #tpu.memory_space<hbm>>)
    %dma_wait3A_1283 = arith.constant 3 : i32
    %dma_wait3A_1284 = arith.constant 3 : i32
    %dma_wait3A_1285 = arith.constant 0 : i32
    %dma_wait3A_1286 = tpu.memref_slice %arg7[%dma_wait3A_1283, %dma_wait3A_1285] : memref<10x512xf32, #tpu.memory_space<vmem>> -> memref<1x512xf32, #tpu.memory_space<vmem>>
    %dma_wait3A_1287 = tpu.memref_squeeze %dma_wait3A_1286 : memref<1x512xf32, #tpu.memory_space<vmem>> -> memref<512xf32, #tpu.memory_space<vmem>>
    %dma_wait3A_1288 = tpu.memref_slice %arg5[%dma_wait3A_1284, %multiple_of3A] : memref<10x16384xf32, #tpu.memory_space<hbm>> -> memref<1x512xf32, #tpu.memory_space<hbm>>
    %dma_wait3A_1289 = tpu.memref_squeeze %dma_wait3A_1288 : memref<1x512xf32, #tpu.memory_space<hbm>> -> memref<512xf32, #tpu.memory_space<hbm>>
    %dma_wait3A_1290 = tpu.memref_slice %arg5[%dma_wait3A_1284, %multiple_of3A] : memref<10x16384xf32, #tpu.memory_space<hbm>> -> memref<1x512xf32, #tpu.memory_space<hbm>>
    %dma_wait3A_1291 = tpu.memref_squeeze %dma_wait3A_1290 : memref<1x512xf32, #tpu.memory_space<hbm>> -> memref<512xf32, #tpu.memory_space<hbm>>
    %dma_wait3A_1292 = arith.constant 0 : i32
    %dma_wait3A_1293 = tpu.memref_slice %arg7[%dma_wait3A_1283, %dma_wait3A_1292] : memref<10x512xf32, #tpu.memory_space<vmem>> -> memref<1x512xf32, #tpu.memory_space<vmem>>
    %dma_wait3A_1294 = tpu.memref_squeeze %dma_wait3A_1293 : memref<1x512xf32, #tpu.memory_space<vmem>> -> memref<512xf32, #tpu.memory_space<vmem>>
    tpu.wait_dma2 semaphore(%arg10 : memref<!tpu.dma_semaphore, #tpu.memory_space<semaphore_mem>>) src(%dma_wait3A_1294 : memref<512xf32, #tpu.memory_space<vmem>>) dst(%dma_wait3A_1291 : memref<512xf32, #tpu.memory_space<hbm>>)
    %dma_wait3A_1295 = arith.constant 4 : i32
    %dma_wait3A_1296 = arith.constant 4 : i32
    %dma_wait3A_1297 = arith.constant 0 : i32
    %dma_wait3A_1298 = tpu.memref_slice %arg7[%dma_wait3A_1295, %dma_wait3A_1297] : memref<10x512xf32, #tpu.memory_space<vmem>> -> memref<1x512xf32, #tpu.memory_space<vmem>>
    %dma_wait3A_1299 = tpu.memref_squeeze %dma_wait3A_1298 : memref<1x512xf32, #tpu.memory_space<vmem>> -> memref<512xf32, #tpu.memory_space<vmem>>
    %dma_wait3A_1300 = tpu.memref_slice %arg5[%dma_wait3A_1296, %multiple_of3A] : memref<10x16384xf32, #tpu.memory_space<hbm>> -> memref<1x512xf32, #tpu.memory_space<hbm>>
    %dma_wait3A_1301 = tpu.memref_squeeze %dma_wait3A_1300 : memref<1x512xf32, #tpu.memory_space<hbm>> -> memref<512xf32, #tpu.memory_space<hbm>>
    %dma_wait3A_1302 = tpu.memref_slice %arg5[%dma_wait3A_1296, %multiple_of3A] : memref<10x16384xf32, #tpu.memory_space<hbm>> -> memref<1x512xf32, #tpu.memory_space<hbm>>
    %dma_wait3A_1303 = tpu.memref_squeeze %dma_wait3A_1302 : memref<1x512xf32, #tpu.memory_space<hbm>> -> memref<512xf32, #tpu.memory_space<hbm>>
    %dma_wait3A_1304 = arith.constant 0 : i32
    %dma_wait3A_1305 = tpu.memref_slice %arg7[%dma_wait3A_1295, %dma_wait3A_1304] : memref<10x512xf32, #tpu.memory_space<vmem>> -> memref<1x512xf32, #tpu.memory_space<vmem>>
    %dma_wait3A_1306 = tpu.memref_squeeze %dma_wait3A_1305 : memref<1x512xf32, #tpu.memory_space<vmem>> -> memref<512xf32, #tpu.memory_space<vmem>>
    tpu.wait_dma2 semaphore(%arg10 : memref<!tpu.dma_semaphore, #tpu.memory_space<semaphore_mem>>) src(%dma_wait3A_1306 : memref<512xf32, #tpu.memory_space<vmem>>) dst(%dma_wait3A_1303 : memref<512xf32, #tpu.memory_space<hbm>>)
    %dma_wait3A_1307 = arith.constant 5 : i32
    %dma_wait3A_1308 = arith.constant 5 : i32
    %dma_wait3A_1309 = arith.constant 0 : i32
    %dma_wait3A_1310 = tpu.memref_slice %arg7[%dma_wait3A_1307, %dma_wait3A_1309] : memref<10x512xf32, #tpu.memory_space<vmem>> -> memref<1x512xf32, #tpu.memory_space<vmem>>
    %dma_wait3A_1311 = tpu.memref_squeeze %dma_wait3A_1310 : memref<1x512xf32, #tpu.memory_space<vmem>> -> memref<512xf32, #tpu.memory_space<vmem>>
    %dma_wait3A_1312 = tpu.memref_slice %arg5[%dma_wait3A_1308, %multiple_of3A] : memref<10x16384xf32, #tpu.memory_space<hbm>> -> memref<1x512xf32, #tpu.memory_space<hbm>>
    %dma_wait3A_1313 = tpu.memref_squeeze %dma_wait3A_1312 : memref<1x512xf32, #tpu.memory_space<hbm>> -> memref<512xf32, #tpu.memory_space<hbm>>
    %dma_wait3A_1314 = tpu.memref_slice %arg5[%dma_wait3A_1308, %multiple_of3A] : memref<10x16384xf32, #tpu.memory_space<hbm>> -> memref<1x512xf32, #tpu.memory_space<hbm>>
    %dma_wait3A_1315 = tpu.memref_squeeze %dma_wait3A_1314 : memref<1x512xf32, #tpu.memory_space<hbm>> -> memref<512xf32, #tpu.memory_space<hbm>>
    %dma_wait3A_1316 = arith.constant 0 : i32
    %dma_wait3A_1317 = tpu.memref_slice %arg7[%dma_wait3A_1307, %dma_wait3A_1316] : memref<10x512xf32, #tpu.memory_space<vmem>> -> memref<1x512xf32, #tpu.memory_space<vmem>>
    %dma_wait3A_1318 = tpu.memref_squeeze %dma_wait3A_1317 : memref<1x512xf32, #tpu.memory_space<vmem>> -> memref<512xf32, #tpu.memory_space<vmem>>
    tpu.wait_dma2 semaphore(%arg10 : memref<!tpu.dma_semaphore, #tpu.memory_space<semaphore_mem>>) src(%dma_wait3A_1318 : memref<512xf32, #tpu.memory_space<vmem>>) dst(%dma_wait3A_1315 : memref<512xf32, #tpu.memory_space<hbm>>)
    %dma_wait3A_1319 = arith.constant 6 : i32
    %dma_wait3A_1320 = arith.constant 6 : i32
    %dma_wait3A_1321 = arith.constant 0 : i32
    %dma_wait3A_1322 = tpu.memref_slice %arg7[%dma_wait3A_1319, %dma_wait3A_1321] : memref<10x512xf32, #tpu.memory_space<vmem>> -> memref<1x512xf32, #tpu.memory_space<vmem>>
    %dma_wait3A_1323 = tpu.memref_squeeze %dma_wait3A_1322 : memref<1x512xf32, #tpu.memory_space<vmem>> -> memref<512xf32, #tpu.memory_space<vmem>>
    %dma_wait3A_1324 = tpu.memref_slice %arg5[%dma_wait3A_1320, %multiple_of3A] : memref<10x16384xf32, #tpu.memory_space<hbm>> -> memref<1x512xf32, #tpu.memory_space<hbm>>
    %dma_wait3A_1325 = tpu.memref_squeeze %dma_wait3A_1324 : memref<1x512xf32, #tpu.memory_space<hbm>> -> memref<512xf32, #tpu.memory_space<hbm>>
    %dma_wait3A_1326 = tpu.memref_slice %arg5[%dma_wait3A_1320, %multiple_of3A] : memref<10x16384xf32, #tpu.memory_space<hbm>> -> memref<1x512xf32, #tpu.memory_space<hbm>>
    %dma_wait3A_1327 = tpu.memref_squeeze %dma_wait3A_1326 : memref<1x512xf32, #tpu.memory_space<hbm>> -> memref<512xf32, #tpu.memory_space<hbm>>
    %dma_wait3A_1328 = arith.constant 0 : i32
    %dma_wait3A_1329 = tpu.memref_slice %arg7[%dma_wait3A_1319, %dma_wait3A_1328] : memref<10x512xf32, #tpu.memory_space<vmem>> -> memref<1x512xf32, #tpu.memory_space<vmem>>
    %dma_wait3A_1330 = tpu.memref_squeeze %dma_wait3A_1329 : memref<1x512xf32, #tpu.memory_space<vmem>> -> memref<512xf32, #tpu.memory_space<vmem>>
    tpu.wait_dma2 semaphore(%arg10 : memref<!tpu.dma_semaphore, #tpu.memory_space<semaphore_mem>>) src(%dma_wait3A_1330 : memref<512xf32, #tpu.memory_space<vmem>>) dst(%dma_wait3A_1327 : memref<512xf32, #tpu.memory_space<hbm>>)
    %dma_wait3A_1331 = arith.constant 7 : i32
    %dma_wait3A_1332 = arith.constant 7 : i32
    %dma_wait3A_1333 = arith.constant 0 : i32
    %dma_wait3A_1334 = tpu.memref_slice %arg7[%dma_wait3A_1331, %dma_wait3A_1333] : memref<10x512xf32, #tpu.memory_space<vmem>> -> memref<1x512xf32, #tpu.memory_space<vmem>>
    %dma_wait3A_1335 = tpu.memref_squeeze %dma_wait3A_1334 : memref<1x512xf32, #tpu.memory_space<vmem>> -> memref<512xf32, #tpu.memory_space<vmem>>
    %dma_wait3A_1336 = tpu.memref_slice %arg5[%dma_wait3A_1332, %multiple_of3A] : memref<10x16384xf32, #tpu.memory_space<hbm>> -> memref<1x512xf32, #tpu.memory_space<hbm>>
    %dma_wait3A_1337 = tpu.memref_squeeze %dma_wait3A_1336 : memref<1x512xf32, #tpu.memory_space<hbm>> -> memref<512xf32, #tpu.memory_space<hbm>>
    %dma_wait3A_1338 = tpu.memref_slice %arg5[%dma_wait3A_1332, %multiple_of3A] : memref<10x16384xf32, #tpu.memory_space<hbm>> -> memref<1x512xf32, #tpu.memory_space<hbm>>
    %dma_wait3A_1339 = tpu.memref_squeeze %dma_wait3A_1338 : memref<1x512xf32, #tpu.memory_space<hbm>> -> memref<512xf32, #tpu.memory_space<hbm>>
    %dma_wait3A_1340 = arith.constant 0 : i32
    %dma_wait3A_1341 = tpu.memref_slice %arg7[%dma_wait3A_1331, %dma_wait3A_1340] : memref<10x512xf32, #tpu.memory_space<vmem>> -> memref<1x512xf32, #tpu.memory_space<vmem>>
    %dma_wait3A_1342 = tpu.memref_squeeze %dma_wait3A_1341 : memref<1x512xf32, #tpu.memory_space<vmem>> -> memref<512xf32, #tpu.memory_space<vmem>>
    tpu.wait_dma2 semaphore(%arg10 : memref<!tpu.dma_semaphore, #tpu.memory_space<semaphore_mem>>) src(%dma_wait3A_1342 : memref<512xf32, #tpu.memory_space<vmem>>) dst(%dma_wait3A_1339 : memref<512xf32, #tpu.memory_space<hbm>>)
    %dma_wait3A_1343 = arith.constant 8 : i32
    %dma_wait3A_1344 = arith.constant 8 : i32
    %dma_wait3A_1345 = arith.constant 0 : i32
    %dma_wait3A_1346 = tpu.memref_slice %arg7[%dma_wait3A_1343, %dma_wait3A_1345] : memref<10x512xf32, #tpu.memory_space<vmem>> -> memref<1x512xf32, #tpu.memory_space<vmem>>
    %dma_wait3A_1347 = tpu.memref_squeeze %dma_wait3A_1346 : memref<1x512xf32, #tpu.memory_space<vmem>> -> memref<512xf32, #tpu.memory_space<vmem>>
    %dma_wait3A_1348 = tpu.memref_slice %arg5[%dma_wait3A_1344, %multiple_of3A] : memref<10x16384xf32, #tpu.memory_space<hbm>> -> memref<1x512xf32, #tpu.memory_space<hbm>>
    %dma_wait3A_1349 = tpu.memref_squeeze %dma_wait3A_1348 : memref<1x512xf32, #tpu.memory_space<hbm>> -> memref<512xf32, #tpu.memory_space<hbm>>
    %dma_wait3A_1350 = tpu.memref_slice %arg5[%dma_wait3A_1344, %multiple_of3A] : memref<10x16384xf32, #tpu.memory_space<hbm>> -> memref<1x512xf32, #tpu.memory_space<hbm>>
    %dma_wait3A_1351 = tpu.memref_squeeze %dma_wait3A_1350 : memref<1x512xf32, #tpu.memory_space<hbm>> -> memref<512xf32, #tpu.memory_space<hbm>>
    %dma_wait3A_1352 = arith.constant 0 : i32
    %dma_wait3A_1353 = tpu.memref_slice %arg7[%dma_wait3A_1343, %dma_wait3A_1352] : memref<10x512xf32, #tpu.memory_space<vmem>> -> memref<1x512xf32, #tpu.memory_space<vmem>>
    %dma_wait3A_1354 = tpu.memref_squeeze %dma_wait3A_1353 : memref<1x512xf32, #tpu.memory_space<vmem>> -> memref<512xf32, #tpu.memory_space<vmem>>
    tpu.wait_dma2 semaphore(%arg10 : memref<!tpu.dma_semaphore, #tpu.memory_space<semaphore_mem>>) src(%dma_wait3A_1354 : memref<512xf32, #tpu.memory_space<vmem>>) dst(%dma_wait3A_1351 : memref<512xf32, #tpu.memory_space<hbm>>)
    %dma_wait3A_1355 = arith.constant 9 : i32
    %dma_wait3A_1356 = arith.constant 9 : i32
    %dma_wait3A_1357 = arith.constant 0 : i32
    %dma_wait3A_1358 = tpu.memref_slice %arg7[%dma_wait3A_1355, %dma_wait3A_1357] : memref<10x512xf32, #tpu.memory_space<vmem>> -> memref<1x512xf32, #tpu.memory_space<vmem>>
    %dma_wait3A_1359 = tpu.memref_squeeze %dma_wait3A_1358 : memref<1x512xf32, #tpu.memory_space<vmem>> -> memref<512xf32, #tpu.memory_space<vmem>>
    %dma_wait3A_1360 = tpu.memref_slice %arg5[%dma_wait3A_1356, %multiple_of3A] : memref<10x16384xf32, #tpu.memory_space<hbm>> -> memref<1x512xf32, #tpu.memory_space<hbm>>
    %dma_wait3A_1361 = tpu.memref_squeeze %dma_wait3A_1360 : memref<1x512xf32, #tpu.memory_space<hbm>> -> memref<512xf32, #tpu.memory_space<hbm>>
    %dma_wait3A_1362 = tpu.memref_slice %arg5[%dma_wait3A_1356, %multiple_of3A] : memref<10x16384xf32, #tpu.memory_space<hbm>> -> memref<1x512xf32, #tpu.memory_space<hbm>>
    %dma_wait3A_1363 = tpu.memref_squeeze %dma_wait3A_1362 : memref<1x512xf32, #tpu.memory_space<hbm>> -> memref<512xf32, #tpu.memory_space<hbm>>
    %dma_wait3A_1364 = arith.constant 0 : i32
    %dma_wait3A_1365 = tpu.memref_slice %arg7[%dma_wait3A_1355, %dma_wait3A_1364] : memref<10x512xf32, #tpu.memory_space<vmem>> -> memref<1x512xf32, #tpu.memory_space<vmem>>
    %dma_wait3A_1366 = tpu.memref_squeeze %dma_wait3A_1365 : memref<1x512xf32, #tpu.memory_space<vmem>> -> memref<512xf32, #tpu.memory_space<vmem>>
    tpu.wait_dma2 semaphore(%arg10 : memref<!tpu.dma_semaphore, #tpu.memory_space<semaphore_mem>>) src(%dma_wait3A_1366 : memref<512xf32, #tpu.memory_space<vmem>>) dst(%dma_wait3A_1363 : memref<512xf32, #tpu.memory_space<hbm>>)
    return
  }
}

</mosaic_0001>

<sc_bundles>
// kernel: _encode.3.cloned.1.call-start
scs
__scs_entry_jumppad:
0x0: {  	(pc) =	sbr.rel $0x88, $3  }
0x1: {  	(tag) =	ssettag $0x0;
	lr =	simm.s32 $0x1  }
0x2: {  	[smem:$0x3F9E] =	sst lr;
	_ =	strace $0xD0000000  }
0x3: {  	_ = 	snop  }
0x4: {  	_ = 	snop  }
0x5: {  	_ = 	snop  }
0x6: {  	_ = 	snop  }
0x7: {  	_ = 	snop  }
__scs_overlays_trampoline_lowered:
0x8: {  	[smem:$0x3FAD] =	sst s0  }
0x9: {  	[smem:$0x3FAE] =	sst s1  }
0xa: {  	[smem:$0x3FAF] =	sst s2  }
0xb: {  	[smem:$0x3FB0] =	sst s3  }
0xc: {  	[smem:$0x3FB1] =	sst s4  }
0xd: {  	[smem:$0x3FB2] =	sst s5  }
0xe: {  	[smem:$0x3FB3] =	sst s6  }
0xf: {  	[smem:$0x3FB4] =	sst s7  }
0x10: {  	[smem:$0x3FB5] =	sst s8  }
0x11: {  	[smem:$0x3FB6] =	sst s9;
	s0 =	simm.s32 @!p0 $0x0  }
0x12: {  	s1 =	sld [smem:$0x3F9C];
	s0 =	simm.s32 @p0 $0x1  }
0x13: {  	[smem:$0x3FB7] =	sst s0;
	s0 =	simm.s32 @!p1 $0x0  }
0x14: {  	s2 =	sld [smem:$0x3F9B];
	s0 =	simm.s32 @p1 $0x1  }
0x15: {  	[smem:$0x3FB8] =	sst s0;
	s0 =	simm.s32 @!p2 $0x0  }
0x16: {  	s3 =	sld [smem:$0x3FDB];
	s0 =	simm.s32 @p2 $0x1  }
0x17: {  	s4 =	simm.s32 $0x1BF5;
	[smem:$0x3FBA] =	sst s0  }
0x18: {  	s0 =	sld [smem:$0x3F9D];
	_ =	swait.ge [sflag:s4], $0x0  }
0x19: {  	s7 =	sld [smem:$0x3F9E]  }
0x1a: {  	s8 =	sadd.s32 $0xFFFFE003, lr  }
0x1b: {  	s9 =	sadd.s32 $0xFFFFFEF7, lr;
	s5 =	simm.s32 $0xFFFFFFFF;
	p2 =	slt.u32 s8, $0xFFFFF086  }
0x1c: {  	p1 =	slt.u32 s9, $0xF7A;
	s5 =	simm.s32 @!p2 $0x0  }
0x1d: {  	s5 =	simm.s32 @p1 $0x1;
	p0 =	seq.s32 s7, s2  }
0x1e: {  	s7 =	smul.u32 @!p0 $0xF7A, s2;
	p2 =	seq.s32 @!p0 s5, $0x0  }
0x1f: {  	s9 =	smul.u32 $0xF7A, s1;
	s8 =	simm.s32 @!p0 $0x1BF5;
	p2 =	por !p2, p0  }
0x20: {  	[sflag:s8] =	ssyncset.s32 @!p0 $0xFFFFF086;
	s6 =	sadd.s32 @!p0 s3, s7;
	s7 =	simm.s32 @!p0 $0x108  }
0x21: {  	s3 =	sadd.s32 s3, s9;
	s6 =	sadd.s32 @!p0 $0x88, s6;
	s7 =	simm.s32 @p2 $0x1082  }
0x22: {  	[simem:s7], [sflag:s8] =	dma.local @!p0 [hbm:s6], $0xF7A  }
0x23: {  	s9 =	sor.u32 $0xD0000000, s2;
	s6 =	simm.s32 $0x108;
	_ =	swait.ge @!p0 [sflag:s8], $0x0  }
0x24: {  	s3 =	sadd.s32 $0x88, s3;
	s6 =	simm.s32 @!p1 $0x1082;
	[sflag:s4] =	ssyncset.s32 $0xFFFFF086  }
0x25: {  	[simem:s6], [sflag:s4] =	dma.local [hbm:s3], $0xF7A  }
0x26: {  	[smem:$0x3F9E] =	sst s1;
	(tag) =	ssettag s2;
	_ =	strace s9  }
0x27: {  	s1 =	sld [smem:$0x3FAE]  }
0x28: {  	s2 =	sld [smem:$0x3FAF]  }
0x29: {  	s4 =	sld [smem:$0x3FB1]  }
0x2a: {  	p0 =	seq.s32 s5, $0x0;
	s5 =	sld [smem:$0x3FB2]  }
0x2b: {  	s6 =	sld [smem:$0x3FB3]  }
0x2c: {  	s7 =	sld [smem:$0x3FB4]  }
0x2d: {  	s3 =	simm.s32 $0x108;
	s8 =	sld [smem:$0x3FB5]  }
0x2e: {  	s3 =	simm.s32 @!p0 $0x1082;
	s9 =	sld [smem:$0x3FB6]  }
0x2f: {  	lr =	sadd.s32 s0, s3;
	s0 =	sld [smem:$0x3FAD]  }
0x30: {  	s3 =	sld [smem:$0x3FB0]  }
0x31: {  	[smem:$0x3FB9] =	sst s10  }
0x32: {  	s10 =	sld [smem:$0x3FB7];
	_ =	sdelay $0x3  }
0x33: {  	p0 =	seq.s32 s10, $0x1;
	s10 =	sld [smem:$0x3FB9];
	_ =	sdelay $0x3  }
0x34: {  	[smem:$0x3FB9] =	sst s10  }
0x35: {  	s10 =	sld [smem:$0x3FB8];
	_ =	sdelay $0x3  }
0x36: {  	p1 =	seq.s32 s10, $0x1;
	s10 =	sld [smem:$0x3FB9];
	_ =	sdelay $0x3  }
0x37: {  	[smem:$0x3FB9] =	sst s10  }
0x38: {  	s10 =	sld [smem:$0x3FBA]  }
0x39: {  	_ = 	snop;
	(pc) =	sbr.ind lr, $3  }
0x3a: {  	_ = 	snop  }
0x3b: {  	_ = 	snop  }
0x3c: {  	p2 =	seq.s32 s10, $0x1;
	s10 =	sld [smem:$0x3FB9]  }
0x3d: {  	_ =	shalt  }
0x3e: {  	_ =	shalt  }
0x3f: {  	_ =	shalt  }
0x40: {  	_ =	shalt  }
0x41: {  	_ =	shalt  }
0x42: {  	_ =	shalt  }
0x43: {  	_ =	shalt  }
0x44: {  	_ =	shalt  }
0x45: {  	_ =	shalt  }
0x46: {  	_ =	shalt  }
0x47: {  	_ =	shalt  }
0x48: {  	_ =	shalt  }
0x49: {  	_ =	shalt  }
0x4a: {  	_ =	shalt  }
0x4b: {  	_ =	shalt  }
0x4c: {  	_ =	shalt  }
0x4d: {  	_ =	shalt  }
0x4e: {  	_ =	shalt  }
0x4f: {  	_ =	shalt  }
0x50: {  	_ =	shalt  }
0x51: {  	_ =	shalt  }
0x52: {  	_ =	shalt  }
0x53: {  	_ =	shalt  }
0x54: {  	_ =	shalt  }
0x55: {  	_ =	shalt  }
0x56: {  	_ =	shalt  }
0x57: {  	_ =	shalt  }
0x58: {  	_ =	shalt  }
0x59: {  	_ =	shalt  }
0x5a: {  	_ =	shalt  }
0x5b: {  	_ =	shalt  }
0x5c: {  	_ =	shalt  }
0x5d: {  	_ =	shalt  }
0x5e: {  	_ =	shalt  }
0x5f: {  	_ =	shalt  }
0x60: {  	_ =	shalt  }
0x61: {  	_ =	shalt  }
0x62: {  	_ =	shalt  }
0x63: {  	_ =	shalt  }
0x64: {  	_ =	shalt  }
0x65: {  	_ =	shalt  }
0x66: {  	_ =	shalt  }
0x67: {  	_ =	shalt  }
0x68: {  	_ =	shalt  }
0x69: {  	_ =	shalt  }
0x6a: {  	_ =	shalt  }
0x6b: {  	_ =	shalt  }
0x6c: {  	_ =	shalt  }
0x6d: {  	_ =	shalt  }
0x6e: {  	_ =	shalt  }
0x6f: {  	_ =	shalt  }
0x70: {  	_ =	shalt  }
0x71: {  	_ =	shalt  }
0x72: {  	_ =	shalt  }
0x73: {  	_ =	shalt  }
0x74: {  	_ =	shalt  }
0x75: {  	_ =	shalt  }
0x76: {  	_ =	shalt  }
0x77: {  	_ =	shalt  }
0x78: {  	_ =	shalt  }
0x79: {  	_ =	shalt  }
0x7a: {  	_ =	shalt  }
0x7b: {  	_ =	shalt  }
0x7c: {  	_ =	shalt  }
0x7d: {  	_ =	shalt  }
0x7e: {  	_ =	shalt  }
0x7f: {  	_ =	shalt  }
0x80: {  	_ =	shalt  }
0x81: {  	_ =	shalt  }
0x82: {  	_ =	shalt  }
0x83: {  	_ =	shalt  }
0x84: {  	_ =	shalt  }
0x85: {  	_ =	shalt  }
0x86: {  	_ =	shalt  }
0x87: {  	_ =	shalt  }
.Lfunc_end0:
.L_simem_size_0:
called_computation_lowered:
.L_overlay_start_0:
0x88: {  	s2 =	sld [smem:$0x3FD9]  }
0x89: {  	s3 =	sld [smem:$0x3FFE];
	_ =	sdelay $0x1  }
0x8a: {  	s1 =	srdreg.scid  }
0x8b: {  	s0 =	sand.u32 $0x1, s1  }
0x8c: {  	s18 =	sshll.u32 s0, $0xA;
	s2 =	sadd.s32 s3, s2  }
0x8d: {  	s2 =	sadd.s32 s2, s18  }
0x8e: {  	[smem:$0x3FC5] =	sst s2  }
0x8f: {  	_ = 	snop  }
0x90: {  	s2 =	sld [smem:$0x3FC9]  }
0x91: {  	s19 =	sld [smem:$0x3FC8]  }
0x92: {  	s4 =	sld [smem:$0x3FC7]  }
0x93: {  	s5 =	sld [smem:$0x3FD0];
	(tm) =	ssettm $0x1  }
0x94: {  	s6 =	sld [smem:$0x3FFB];
	_ =	sdelay $0x3  }
0x95: {  	_ =	strace s6  }
0x96: {  	s6 =	sld [smem:$0x3FFC];
	_ =	sdelay $0x3  }
0x97: {  	_ =	strace s6  }
0x98: {  	s6 =	sld [smem:$0x3FFD];
	_ =	sdelay $0x3  }
0x99: {  	_ =	strace s6  }
0x9a: {  	_ =	strace $0x8FFFFFFF  }
0x9b: {  	s20 =	sld [smem:$0x3FDB];
	_ =	sdelay $0x1  }
0x9c: {  	s7 =	simm.s32 $_scs_section_size  }
0x9d: {  	s8 =	simm.s32 $_size__tile_overlayer_lowered;
	s9 =	simm.s32 $_tile_overlayer_lowered  }
0x9e: {  	s23 =	simm.s32 $0x1BFF;
	s22 =	sshll.u32 s9, $0x1;
	s6 =	sadd.s32 s7, s20  }
0x9f: {  	s10 =	simm.s32 $0x0;
	s21 =	sshll.u32 s8, $0x1;
	s8 =	sadd.s32 s22, s6  }
0xa0: {  	[timem:s10], [sflag:s23] =	dma.local [hbm:s8], s21  }
0xa1: {  	_ =	swait.ge [sflag:s23], s21  }
0xa2: {  	s7 =	ssub.s32 $0x0, s21;
	[sflag:s23] =	ssyncset.done $0x0  }
0xa3: {  	[sflag:s23] =	ssyncadd.s32 s7;
	_ =	sdelay $0x1  }
0xa4: {  	s24 =	simm.s32 $0x1B8B  }
0xa5: {  	_ =	swait.ge [sflag:s24], $0x1  }
0xa6: {  	[sflag:s24] =	ssyncset.done $0x0  }
0xa7: {  	s25 =	simm.s32 $0x1B8E;
	[sflag:s24] =	ssyncadd.s32 $0xFFFFFFFF  }
0xa8: {  	s26 =	simm.s32 $execute0_lowered;
	[smem:$0x3FD2] =	sst s25  }
0xa9: {  	s7 =	sshll.u32 s26, $0x1;
	_ =	strace $0x80000046;
	[dreg:$0x1] =	wrdreg $0xFFFFFFFF  }
0xaa: {  	s28 =	simm.s32 $_size_execute0_lowered;
	s6 =	sadd.s32 s6, s7;
	[dreg:$0x0] =	wrdreg $0x0  }
0xab: {  	s7 =	sshll.u32 s28, $0x1;
	[dreg:$0x2] =	wrdreg s6  }
0xac: {  	[dreg:$0x3] =	wrdreg s7  }
0xad: {  	[dreg:$0x4] =	wrdreg $0xC0  }
0xae: {  	_ =	task [dreg:s10], $0x5FFFF  }
0xaf: {  	[dreg:$0x1] =	wrdreg $0xFFFFFFFF  }
0xb0: {  	[dreg:$0x0] =	wrdreg $0x60  }
0xb1: {  	[dreg:$0x2] =	wrdreg s2  }
0xb2: {  	[dreg:$0x3] =	wrdreg s19  }
0xb3: {  	[dreg:$0x4] =	wrdreg s4  }
0xb4: {  	[dreg:$0x5] =	wrdreg s5  }
0xb5: {  	[dreg:$0x6] =	wrdreg $0x9  }
0xb6: {  	_ =	task.clear_ibuf [dreg:s10], $0x7FFFF;
	_ =	strace $0x90000046  }
0xb7: {  	s29 =	simm.s32 $0x9;
	_ =	strace $0x80000048  }
0xb8: {  	_ =	swait.ge [sflag:s29], $0x1  }
0xb9: {  	[sflag:s29] =	ssyncadd.s32 $0xFFFFFFFF  }
0xba: {  	_ =	strace $0x90000048  }
0xbb: {  	_ =	sfence  }
0xbc: {  	s30 =	sld [smem:$0x0];
	_ =	sdelay $0x2  }
0xbd: {  	s31 =	sshll.u32 s1, $0xD;
	s1 =	sshrl.u32 s1, $0x2  }
0xbe: {  	s3 =	sand.u32 $0x4000, s31;
	s1 =	sadd.s32 s1, s30  }
0xbf: {  	s0 =	sor.u32 s3, s0;
	s1 =	sshll.u32 s1, $0x11  }
0xc0: {  	s0 =	sor.u32 s1, s0  }
0xc1: {  	s0 =	sadd.s32 $0x8F2B, s0  }
0xc2: {  	[sflag:s0] =	ssyncadd.remote.s32 $0x1  }
0xc3: {  	_ =	sfence.sel $0xFFFF  }
0xc4: {  	[dreg:$0x0] =	wrdreg $0xFFFFFFFF;
	(pc) =	sbr.abs _section_cstart, $3  }
0xc5: {  	[dreg:$0x1] =	wrdreg $0xFFFFFFFF  }
0xc6: {  	_ =	task.clear_ibuf [dreg:s10], $0x2FFFF;
	_ =	strace $0x9FFFFFFF  }
0xc7: {  	(tm) =	ssettm $0x7FFFFFFF  }
tec
execute0_lowered:
.L_overlay_start_1:
0x0: {  	(tag) =	ssettag $0x1  }
0x1: {  	s0 =	rddreg [dreg:$0x0]  }
0x2: {  	s7 =	rddreg [dreg:$0x1]  }
0x3: {  	s1 =	rddreg [dreg:$0x2]  }
0x4: {  	s2 =	rddreg [dreg:$0x3];
	s3 =	stileid.u32  }
0x5: {  	[dreg:$0x5] =	wrdreg s1;
	s4 =	sshll.u32 s3, $0xA;
	s3 =	simm.s32 $0x0  }
0x6: {  	s6 =	srdreg.scid;
	s9 =	sadd.s32 $0x30D4, s7;
	[smem:$0x7FF] =	sst s3  }
0x7: {  	s10 =	sadd.s32 $0x61A8, s7;
	_ =	strace $0x80000047;
	[dreg:$0x8] =	wrdreg s9  }
0x8: {  	s30 =	simm.s32 $0x2200;
	s11 =	sadd.s32 $0x927C, s7;
	[dreg:$0x9] =	wrdreg s10  }
0x9: {  	s28 =	simm.s32 $0x1;
	s12 =	sadd.s32 $0xC350, s7;
	[dreg:$0xa] =	wrdreg s11  }
0xa: {  	s29 =	simm.s32 $0x2;
	s13 =	sadd.s32 $0xF424, s7;
	[dreg:$0xb] =	wrdreg s12  }
0xb: {  	s31 =	simm.s32 $0x3;
	s14 =	sadd.s32 $0x124F8, s7;
	[dreg:$0xc] =	wrdreg s13  }
0xc: {  	s1 =	sand.u32 $0x1, s6;
	s15 =	sadd.s32 $0x155CC, s7;
	[dreg:$0xd] =	wrdreg s14  }
0xd: {  	s16 =	sadd.s32 $0x186A0, s7;
	s17 =	sadd.s32 $0x1B774, s7;
	[dreg:$0xe] =	wrdreg s15  }
0xe: {  	s7 =	simm.s32 $0xA;
	s5 =	sshll.u32 s1, $0x9;
	[dreg:$0xf] =	wrdreg s16  }
0xf: {  	s1 =	ssub.s32 $0x2, s1;
	s4 =	sor.u32 s5, s4;
	[dreg:$0x10] =	wrdreg s17  }
0x10: {  	s8 =	sshrl.u32 s1, $0x1;
	[dreg:$0x7] =	wrdreg s30;
	s11 =	simm.s32 $0x100  }
0x11: {  	s5 =	simm.s32 $0x8;
	s6 =	sshrl.u32 s4, $0x3;
	s2 =	sadd.s32 s2, s4  }
0x12: {  	s12 =	simm.s32 $0xA00;
	s0 =	sadd.s32 s0, s6;
	[dreg:$0x1a] =	wrdreg s2  }
0x13: {  	s13 =	simm.s32 $0xE00;
	s18 =	sadd.s32 $0x10, s2;
	[dreg:$0x6] =	wrdreg s0  }
0x14: {  	s14 =	simm.s32 $0x280;
	s19 =	sadd.s32 $0x20, s2;
	[dreg:$0x11] =	wrdreg s18  }
0x15: {  	s15 =	simm.s32 $0x680;
	s20 =	sadd.s32 $0x30, s2;
	[dreg:$0x12] =	wrdreg s19  }
0x16: {  	s16 =	simm.s32 $0xA80;
	s21 =	sadd.s32 $0x40, s2;
	[dreg:$0x13] =	wrdreg s20  }
0x17: {  	s17 =	simm.s32 $0xE80;
	s22 =	sadd.s32 $0x50, s2;
	[dreg:$0x14] =	wrdreg s21  }
0x18: {  	s1 =	ssub.s32 s1, s8;
	s23 =	sadd.s32 $0x60, s2;
	[dreg:$0x15] =	wrdreg s22  }
0x19: {  	s4 =	simm.s32 $0x7;
	s24 =	sadd.s32 $0x70, s2;
	[dreg:$0x16] =	wrdreg s23  }
0x1a: {  	s25 =	sadd.s32 $0x4000, s2;
	s26 =	sadd.s32 $0x4010, s2;
	[dreg:$0x17] =	wrdreg s24  }
0x1b: {  	s2 =	simm.s32 $0x4;
	s6 =	simm.s32 $0x9;
	[dreg:$0x18] =	wrdreg s25  }
0x1c: {  	[dreg:$0x19] =	wrdreg s26;
	s23 =	smax.u32 s1, $0x1;
	s25 =	simm.s32 $0xB  }
0x1d: {  	s26 =	simm.s32 $0x80;
	s1 =	simm.s32 $0x180;
	s24 =	simm.s32 $0x5  }
0x1e: {  	s0 =	simm.s32 $0x6;
	s18 =	simm.s32 $0x300;
	s19 =	simm.s32 $0x700  }
0x1f: {  	s20 =	simm.s32 $0xB00;
	s21 =	simm.s32 $0xF00;
	s22 =	simm.s32 $0x380  }
.LBB2_1:
0x20: {  	s8 =	rddreg [dreg:$0x6]  }
0x21: {  	s9 =	rddreg [dreg:$0x5]  }
0x22: {  	[tilespmem:s3], [sflag:$0xB] =	stream.linear.gather [hbm4b:s8+s3], $0x200, $0x38;
	[tilespmem:$0x2280] =	vst v63  }
0x23: {  	s10 =	rddreg [dreg:$0x7]  }
0x24: {  	[tilespmem:s10], [sflag:$0xC] =	stream.linear.gather [hbm4b:s9+s3], $0xA, $0x38;
	[tilespmem:$0x2280] =	vst v63  }
0x25: {  	s10 =	simm.s32 $0xC  }
0x26: {  	_ =	swait.ge [sflag:s10], $0xA  }
0x27: {  	[sflag:s10] =	ssyncset.done $0x0  }
0x28: {  	[sflag:s10] =	ssyncadd.s32 $0xFFFFFFF6  }
0x29: {  	_ =	swait.ge [sflag:s25], $0x200  }
0x2a: {  	[sflag:s25] =	ssyncset.done $0x0  }
0x2b: {  	[sflag:s25] =	ssyncadd.s32 $0xFFFFFE00  }
0x2c: {  	v0 =	vld [tilespmem:$0x0]  }
0x2d: {  	v1 =	vld [tilespmem:$0x10]  }
0x2e: {  	v2 =	vld [tilespmem:$0x20]  }
0x2f: {  	v3 =	vld [tilespmem:$0x30]  }
0x30: {  	v4 =	vld [tilespmem:$0x40]  }
0x31: {  	v5 =	vld [tilespmem:$0x50];
	vm0 =	vgt.s32 v0, $0x0  }
0x32: {  	v6 =	vld [tilespmem:$0x60];
	vm9 =	vgt.s32 v1, $0x0;
	v0 =	vnsel vm0, $0x0, v0  }
0x33: {  	v7 =	vld [tilespmem:$0x70];
	vm10 =	vgt.s32 v2, $0x0;
	v1 =	vnsel vm9, $0x0, v1;
	v0 =	vmin.u32 v0, $0x1869F  }
0x34: {  	v51 =	vld [tilespmem:$0x80];
	vm11 =	vgt.s32 v3, $0x0;
	v50 =	vnsel vm10, $0x0, v2;
	v49 =	vmin.u32 v1, $0x1869F;
	[tilespmem:$0x0] =	vst v0  }
0x35: {  	v54 =	vld [tilespmem:$0x90];
	vm12 =	vgt.s32 v4, $0x0;
	v53 =	vnsel vm11, $0x0, v3;
	v52 =	vmin.u32 v50, $0x1869F;
	[tilespmem:$0x10] =	vst v49  }
0x36: {  	v57 =	vld [tilespmem:$0xA0];
	vm13 =	vgt.s32 v5, $0x0;
	v56 =	vnsel vm12, $0x0, v4;
	v55 =	vmin.u32 v53, $0x1869F;
	[tilespmem:$0x20] =	vst v52  }
0x37: {  	v60 =	vld [tilespmem:$0xB0];
	vm14 =	vgt.s32 v6, $0x0;
	v59 =	vnsel vm13, $0x0, v5;
	v58 =	vmin.u32 v56, $0x1869F;
	[tilespmem:$0x30] =	vst v55  }
0x38: {  	v63 =	vld [tilespmem:$0xC0];
	vm15 =	vgt.s32 v7, $0x0;
	v62 =	vnsel vm14, $0x0, v6;
	v61 =	vmin.u32 v59, $0x1869F;
	[tilespmem:$0x40] =	vst v58  }
0x39: {  	v11 =	vld [tilespmem:$0xD0];
	vm4 =	vgt.s32 v51, $0x0;
	v10 =	vnsel vm15, $0x0, v7;
	v9 =	vmin.u32 v62, $0x1869F;
	[tilespmem:$0x50] =	vst v61  }
0x3a: {  	v14 =	vld [tilespmem:$0xE0];
	vm5 =	vgt.s32 v54, $0x0;
	v13 =	vnsel vm4, $0x0, v51;
	v12 =	vmin.u32 v10, $0x1869F;
	[tilespmem:$0x60] =	vst v9  }
0x3b: {  	v17 =	vld [tilespmem:$0xF0];
	vm6 =	vgt.s32 v57, $0x0;
	v16 =	vnsel vm5, $0x0, v54;
	v15 =	vmin.u32 v13, $0x1869F;
	[tilespmem:$0x70] =	vst v12  }
0x3c: {  	v20 =	vld [tilespmem:$0x100];
	vm7 =	vgt.s32 v60, $0x0;
	v19 =	vnsel vm6, $0x0, v57;
	v18 =	vmin.u32 v16, $0x1869F;
	[tilespmem:$0x80] =	vst v15  }
0x3d: {  	v23 =	vld [tilespmem:$0x110];
	vm8 =	vgt.s32 v63, $0x0;
	v22 =	vnsel vm7, $0x0, v60;
	v21 =	vmin.u32 v19, $0x1869F;
	[tilespmem:$0x90] =	vst v18  }
0x3e: {  	v26 =	vld [tilespmem:$0x120];
	v25 =	vnsel vm8, $0x0, v63;
	vm9 =	vgt.s32 v11, $0x0;
	v24 =	vmin.u32 v22, $0x1869F;
	[tilespmem:$0xA0] =	vst v21  }
0x3f: {  	v29 =	vld [tilespmem:$0x130];
	vm10 =	vgt.s32 v14, $0x0;
	v27 =	vmin.u32 v25, $0x1869F;
	v28 =	vnsel vm9, $0x0, v11;
	[tilespmem:$0xB0] =	vst v24  }
0x40: {  	v32 =	vld [tilespmem:$0x140];
	vm11 =	vgt.s32 v17, $0x0;
	v31 =	vnsel vm10, $0x0, v14;
	[tilespmem:$0xC0] =	vst v27;
	v30 =	vmin.u32 v28, $0x1869F  }
0x41: {  	v35 =	vld [tilespmem:$0x150];
	vm12 =	vgt.s32 v20, $0x0;
	v34 =	vnsel vm11, $0x0, v17;
	v33 =	vmin.u32 v31, $0x1869F;
	[tilespmem:$0xD0] =	vst v30  }
0x42: {  	v38 =	vld [tilespmem:$0x160];
	vm13 =	vgt.s32 v23, $0x0;
	v37 =	vnsel vm12, $0x0, v20;
	v36 =	vmin.u32 v34, $0x1869F;
	[tilespmem:$0xE0] =	vst v33  }
0x43: {  	v41 =	vld [tilespmem:$0x170];
	vm14 =	vgt.s32 v26, $0x0;
	v40 =	vnsel vm13, $0x0, v23;
	v39 =	vmin.u32 v37, $0x1869F;
	[tilespmem:$0xF0] =	vst v36  }
0x44: {  	v44 =	vld [tilespmem:$0x180];
	vm15 =	vgt.s32 v29, $0x0;
	v43 =	vnsel vm14, $0x0, v26;
	v42 =	vmin.u32 v40, $0x1869F;
	[tilespmem:$0x100] =	vst v39  }
0x45: {  	v47 =	vld [tilespmem:$0x190];
	vm4 =	vgt.s32 v32, $0x0;
	v46 =	vnsel vm15, $0x0, v29;
	v45 =	vmin.u32 v43, $0x1869F;
	[tilespmem:$0x110] =	vst v42  }
0x46: {  	vm5 =	vgt.s32 v35, $0x0;
	v50 =	vld [tilespmem:$0x1A0];
	v48 =	vmin.u32 v46, $0x1869F;
	v49 =	vnsel vm4, $0x0, v32;
	[tilespmem:$0x120] =	vst v45  }
0x47: {  	vm6 =	vgt.s32 v38, $0x0;
	v53 =	vld [tilespmem:$0x1B0];
	v52 =	vnsel vm5, $0x0, v35;
	[tilespmem:$0x130] =	vst v48;
	v51 =	vmin.u32 v49, $0x1869F  }
0x48: {  	vm7 =	vgt.s32 v41, $0x0;
	v56 =	vld [tilespmem:$0x1C0];
	v55 =	vnsel vm6, $0x0, v38;
	v54 =	vmin.u32 v52, $0x1869F;
	[tilespmem:$0x140] =	vst v51  }
0x49: {  	vm8 =	vgt.s32 v44, $0x0;
	v59 =	vld [tilespmem:$0x1D0];
	v58 =	vnsel vm7, $0x0, v41;
	v57 =	vmin.u32 v55, $0x1869F;
	[tilespmem:$0x150] =	vst v54  }
0x4a: {  	vm9 =	vgt.s32 v47, $0x0;
	v62 =	vld [tilespmem:$0x1E0];
	v61 =	vnsel vm8, $0x0, v44;
	v60 =	vmin.u32 v58, $0x1869F;
	[tilespmem:$0x160] =	vst v57  }
0x4b: {  	v10 =	vld [tilespmem:$0x1F0];
	v9 =	vnsel vm9, $0x0, v47;
	v63 =	vmin.u32 v61, $0x1869F;
	[tilespmem:$0x170] =	vst v60;
	vm10 =	vgt.s32 v50, $0x0  }
0x4c: {  	v11 =	vmin.u32 v9, $0x1869F;
	[tilespmem:$0x180] =	vst v63;
	vm11 =	vgt.s32 v53, $0x0;
	v12 =	vnsel vm10, $0x0, v50  }
0x4d: {  	[tilespmem:$0x190] =	vst v11;
	vm12 =	vgt.s32 v56, $0x0;
	v14 =	vnsel vm11, $0x0, v53;
	v13 =	vmin.u32 v12, $0x1869F  }
0x4e: {  	vm13 =	vgt.s32 v59, $0x0;
	v16 =	vnsel vm12, $0x0, v56;
	v15 =	vmin.u32 v14, $0x1869F;
	[tilespmem:$0x1A0] =	vst v13  }
0x4f: {  	vm14 =	vgt.s32 v62, $0x0;
	v18 =	vnsel vm13, $0x0, v59;
	v17 =	vmin.u32 v16, $0x1869F;
	[tilespmem:$0x1B0] =	vst v15  }
0x50: {  	vm15 =	vgt.s32 v10, $0x0;
	v20 =	vnsel vm14, $0x0, v62;
	v19 =	vmin.u32 v18, $0x1869F;
	[tilespmem:$0x1C0] =	vst v17  }
0x51: {  	v22 =	vnsel vm15, $0x0, v10;
	v21 =	vmin.u32 v20, $0x1869F;
	[tilespmem:$0x1D0] =	vst v19  }
0x52: {  	v23 =	vmin.u32 v22, $0x1869F;
	[tilespmem:$0x1E0] =	vst v21  }
0x53: {  	s9 =	simm.s32 $0x200;
	s30 =	rddreg [dreg:$0x1];
	[tilespmem:$0x1F0] =	vst v23  }
0x54: {  	[tilespmem:s9], [sflag:$0x1] =	stream.indirect.gather [hbm4b:s30+s26], $0x1, s3, s26, $0xb8;
	[tilespmem:$0x2280] =	vst v63  }
0x55: {  	s10 =	simm.s32 $0x600  }
0x56: {  	[tilespmem:s10], [sflag:$0x1] =	stream.indirect.gather [hbm4b:s30+s26], $0x1, s26, s26, $0xb8;
	[tilespmem:$0x2280] =	vst v63  }
0x57: {  	_ = 	snop  }
0x58: {  	[tilespmem:s12], [sflag:$0x1] =	stream.indirect.gather [hbm4b:s30+s26], $0x1, s11, s26, $0xb8;
	[tilespmem:$0x2280] =	vst v63  }
0x59: {  	_ = 	snop  }
0x5a: {  	[tilespmem:s13], [sflag:$0x1] =	stream.indirect.gather [hbm4b:s30+s26], $0x1, s1, s26, $0xb8;
	[tilespmem:$0x2280] =	vst v63  }
0x5b: {  	s30 =	rddreg [dreg:$0x8]  }
0x5c: {  	[tilespmem:s14], [sflag:$0x2] =	stream.indirect.gather [hbm4b:s30+s26], $0x1, s3, s26, $0xb8;
	[tilespmem:$0x2280] =	vst v63  }
0x5d: {  	_ = 	snop  }
0x5e: {  	[tilespmem:s15], [sflag:$0x2] =	stream.indirect.gather [hbm4b:s30+s26], $0x1, s26, s26, $0xb8;
	[tilespmem:$0x2280] =	vst v63  }
0x5f: {  	_ = 	snop  }
0x60: {  	[tilespmem:s16], [sflag:$0x2] =	stream.indirect.gather [hbm4b:s30+s26], $0x1, s11, s26, $0xb8;
	[tilespmem:$0x2280] =	vst v63  }
0x61: {  	_ = 	snop  }
0x62: {  	[tilespmem:s17], [sflag:$0x2] =	stream.indirect.gather [hbm4b:s30+s26], $0x1, s1, s26, $0xb8;
	[tilespmem:$0x2280] =	vst v63  }
0x63: {  	s30 =	rddreg [dreg:$0x9]  }
0x64: {  	[tilespmem:s18], [sflag:$0x3] =	stream.indirect.gather [hbm4b:s30+s26], $0x1, s3, s26, $0xb8;
	[tilespmem:$0x2280] =	vst v63  }
0x65: {  	_ = 	snop  }
0x66: {  	[tilespmem:s19], [sflag:$0x3] =	stream.indirect.gather [hbm4b:s30+s26], $0x1, s26, s26, $0xb8;
	[tilespmem:$0x2280] =	vst v63  }
0x67: {  	_ = 	snop  }
0x68: {  	[tilespmem:s20], [sflag:$0x3] =	stream.indirect.gather [hbm4b:s30+s26], $0x1, s11, s26, $0xb8;
	[tilespmem:$0x2280] =	vst v63  }
0x69: {  	_ = 	snop  }
0x6a: {  	[tilespmem:s21], [sflag:$0x3] =	stream.indirect.gather [hbm4b:s30+s26], $0x1, s1, s26, $0xb8;
	[tilespmem:$0x2280] =	vst v63  }
0x6b: {  	s8 =	rddreg [dreg:$0xa]  }
0x6c: {  	[tilespmem:s22], [sflag:$0x4] =	stream.indirect.gather [hbm4b:s8+s26], $0x1, s3, s26, $0xb8;
	[tilespmem:$0x2280] =	vst v63  }
0x6d: {  	s30 =	simm.s32 $0x780  }
0x6e: {  	[tilespmem:s30], [sflag:$0x4] =	stream.indirect.gather [hbm4b:s8+s26], $0x1, s26, s26, $0xb8;
	[tilespmem:$0x2280] =	vst v63  }
0x6f: {  	s30 =	simm.s32 $0xB80  }
0x70: {  	[tilespmem:s30], [sflag:$0x4] =	stream.indirect.gather [hbm4b:s8+s26], $0x1, s11, s26, $0xb8;
	[tilespmem:$0x2280] =	vst v63  }
0x71: {  	s30 =	simm.s32 $0xF80  }
0x72: {  	[tilespmem:s30], [sflag:$0x4] =	stream.indirect.gather [hbm4b:s8+s26], $0x1, s1, s26, $0xb8;
	[tilespmem:$0x2280] =	vst v63  }
0x73: {  	s8 =	rddreg [dreg:$0xb];
	s30 =	simm.s32 $0x400  }
0x74: {  	[tilespmem:s30], [sflag:$0x5] =	stream.indirect.gather [hbm4b:s8+s26], $0x1, s3, s26, $0xb8;
	[tilespmem:$0x2280] =	vst v63  }
0x75: {  	s30 =	simm.s32 $0x800  }
0x76: {  	[tilespmem:s30], [sflag:$0x5] =	stream.indirect.gather [hbm4b:s8+s26], $0x1, s26, s26, $0xb8;
	[tilespmem:$0x2280] =	vst v63  }
0x77: {  	s30 =	simm.s32 $0xC00  }
0x78: {  	[tilespmem:s30], [sflag:$0x5] =	stream.indirect.gather [hbm4b:s8+s26], $0x1, s11, s26, $0xb8;
	[tilespmem:$0x2280] =	vst v63  }
0x79: {  	s30 =	simm.s32 $0x1000  }
0x7a: {  	[tilespmem:s30], [sflag:$0x5] =	stream.indirect.gather [hbm4b:s8+s26], $0x1, s1, s26, $0xb8;
	[tilespmem:$0x2280] =	vst v63  }
0x7b: {  	s8 =	rddreg [dreg:$0xc];
	s30 =	simm.s32 $0x480  }
0x7c: {  	[tilespmem:s30], [sflag:$0x6] =	stream.indirect.gather [hbm4b:s8+s26], $0x1, s3, s26, $0xb8;
	[tilespmem:$0x2280] =	vst v63  }
0x7d: {  	s30 =	simm.s32 $0x880  }
0x7e: {  	[tilespmem:s30], [sflag:$0x6] =	stream.indirect.gather [hbm4b:s8+s26], $0x1, s26, s26, $0xb8;
	[tilespmem:$0x2280] =	vst v63  }
0x7f: {  	s30 =	simm.s32 $0xC80  }
0x80: {  	[tilespmem:s30], [sflag:$0x6] =	stream.indirect.gather [hbm4b:s8+s26], $0x1, s11, s26, $0xb8;
	[tilespmem:$0x2280] =	vst v63  }
0x81: {  	s30 =	simm.s32 $0x1080  }
0x82: {  	[tilespmem:s30], [sflag:$0x6] =	stream.indirect.gather [hbm4b:s8+s26], $0x1, s1, s26, $0xb8;
	[tilespmem:$0x2280] =	vst v63  }
0x83: {  	s8 =	rddreg [dreg:$0xd];
	s30 =	simm.s32 $0x500  }
0x84: {  	[tilespmem:s30], [sflag:$0x7] =	stream.indirect.gather [hbm4b:s8+s26], $0x1, s3, s26, $0xb8;
	[tilespmem:$0x2280] =	vst v63  }
0x85: {  	s30 =	simm.s32 $0x900  }
0x86: {  	[tilespmem:s30], [sflag:$0x7] =	stream.indirect.gather [hbm4b:s8+s26], $0x1, s26, s26, $0xb8;
	[tilespmem:$0x2280] =	vst v63  }
0x87: {  	s30 =	simm.s32 $0xD00  }
0x88: {  	[tilespmem:s30], [sflag:$0x7] =	stream.indirect.gather [hbm4b:s8+s26], $0x1, s11, s26, $0xb8;
	[tilespmem:$0x2280] =	vst v63  }
0x89: {  	s30 =	simm.s32 $0x1100  }
0x8a: {  	[tilespmem:s30], [sflag:$0x7] =	stream.indirect.gather [hbm4b:s8+s26], $0x1, s1, s26, $0xb8;
	[tilespmem:$0x2280] =	vst v63  }
0x8b: {  	s8 =	rddreg [dreg:$0xe];
	s30 =	simm.s32 $0x580  }
0x8c: {  	[tilespmem:s30], [sflag:$0x8] =	stream.indirect.gather [hbm4b:s8+s26], $0x1, s3, s26, $0xb8;
	[tilespmem:$0x2280] =	vst v63  }
0x8d: {  	s30 =	simm.s32 $0x980  }
0x8e: {  	[tilespmem:s30], [sflag:$0x8] =	stream.indirect.gather [hbm4b:s8+s26], $0x1, s26, s26, $0xb8;
	[tilespmem:$0x2280] =	vst v63  }
0x8f: {  	s30 =	simm.s32 $0xD80  }
0x90: {  	[tilespmem:s30], [sflag:$0x8] =	stream.indirect.gather [hbm4b:s8+s26], $0x1, s11, s26, $0xb8;
	[tilespmem:$0x2280] =	vst v63  }
0x91: {  	s30 =	simm.s32 $0x1180  }
0x92: {  	[tilespmem:s30], [sflag:$0x8] =	stream.indirect.gather [hbm4b:s8+s26], $0x1, s1, s26, $0xb8;
	[tilespmem:$0x2280] =	vst v63  }
0x93: {  	s8 =	rddreg [dreg:$0xf];
	s30 =	simm.s32 $0x1200  }
0x94: {  	[tilespmem:s30], [sflag:$0x9] =	stream.indirect.gather [hbm4b:s8+s26], $0x1, s3, s26, $0xb8;
	[tilespmem:$0x2280] =	vst v63  }
0x95: {  	s30 =	simm.s32 $0x1600  }
0x96: {  	[tilespmem:s30], [sflag:$0x9] =	stream.indirect.gather [hbm4b:s8+s26], $0x1, s26, s26, $0xb8;
	[tilespmem:$0x2280] =	vst v63  }
0x97: {  	s30 =	simm.s32 $0x1A00  }
0x98: {  	[tilespmem:s30], [sflag:$0x9] =	stream.indirect.gather [hbm4b:s8+s26], $0x1, s11, s26, $0xb8;
	[tilespmem:$0x2280] =	vst v63  }
0x99: {  	s30 =	simm.s32 $0x1E00  }
0x9a: {  	[tilespmem:s30], [sflag:$0x9] =	stream.indirect.gather [hbm4b:s8+s26], $0x1, s1, s26, $0xb8;
	[tilespmem:$0x2280] =	vst v63  }
0x9b: {  	s8 =	rddreg [dreg:$0x10];
	s30 =	simm.s32 $0x1280  }
0x9c: {  	[tilespmem:s30], [sflag:$0xA] =	stream.indirect.gather [hbm4b:s8+s26], $0x1, s3, s26, $0xb8;
	[tilespmem:$0x2280] =	vst v63  }
0x9d: {  	s30 =	simm.s32 $0x1680  }
0x9e: {  	[tilespmem:s30], [sflag:$0xA] =	stream.indirect.gather [hbm4b:s8+s26], $0x1, s26, s26, $0xb8;
	[tilespmem:$0x2280] =	vst v63  }
0x9f: {  	s30 =	simm.s32 $0x1A80  }
0xa0: {  	[tilespmem:s30], [sflag:$0xA] =	stream.indirect.gather [hbm4b:s8+s26], $0x1, s11, s26, $0xb8;
	[tilespmem:$0x2280] =	vst v63  }
0xa1: {  	s30 =	simm.s32 $0x1E80  }
0xa2: {  	[tilespmem:s30], [sflag:$0xA] =	stream.indirect.gather [hbm4b:s8+s26], $0x1, s1, s26, $0xb8;
	[tilespmem:$0x2280] =	vst v63  }
0xa3: {  	v0 =	vld [tilespmem:$0x2200];
	_ =	swait.ge [sflag:s28], $0x80  }
0xa4: {  	[sflag:s28] =	ssyncset.done $0x0  }
0xa5: {  	[sflag:s28] =	ssyncadd.s32 $0xFFFFFF80  }
0xa6: {  	_ =	swait.ge [sflag:s28], $0x80  }
0xa7: {  	[sflag:s28] =	ssyncset.done $0x0  }
0xa8: {  	[sflag:s28] =	ssyncadd.s32 $0xFFFFFF80  }
0xa9: {  	_ =	swait.ge [sflag:s28], $0x80  }
0xaa: {  	[sflag:s28] =	ssyncset.done $0x0  }
0xab: {  	[sflag:s28] =	ssyncadd.s32 $0xFFFFFF80  }
0xac: {  	_ =	swait.ge [sflag:s28], $0x80  }
0xad: {  	[sflag:s28] =	ssyncset.done $0x0  }
0xae: {  	[sflag:s28] =	ssyncadd.s32 $0xFFFFFF80  }
0xaf: {  	v24 =	vld [tilespmem:$0x200]  }
0xb0: {  	v25 =	vld [tilespmem:$0x210]  }
0xb1: {  	v26 =	vld [tilespmem:$0x220]  }
0xb2: {  	v4 =	vbroadcast v0, $0x0;
	v27 =	vld [tilespmem:$0x230]  }
0xb3: {  	v28 =	vld [tilespmem:$0x240]  }
0xb4: {  	v29 =	vld [tilespmem:$0x250];
	v1 =	vadd.f32 v24, v4  }
0xb5: {  	v8 =	vld [tilespmem:$0x260];
	v2 =	vadd.f32 v25, v4  }
0xb6: {  	v31 =	vld [tilespmem:$0x270];
	v30 =	vadd.f32 v26, v4;
	[tilespmem:$0x200] =	vst v1  }
0xb7: {  	v33 =	vld [tilespmem:$0x600];
	v32 =	vadd.f32 v27, v4;
	[tilespmem:$0x210] =	vst v2  }
0xb8: {  	v35 =	vld [tilespmem:$0x610];
	v34 =	vadd.f32 v28, v4;
	[tilespmem:$0x220] =	vst v30  }
0xb9: {  	v37 =	vld [tilespmem:$0x620];
	v36 =	vadd.f32 v29, v4;
	[tilespmem:$0x230] =	vst v32  }
0xba: {  	v39 =	vld [tilespmem:$0x630];
	v38 =	vadd.f32 v8, v4;
	[tilespmem:$0x240] =	vst v34  }
0xbb: {  	v41 =	vld [tilespmem:$0x640];
	v40 =	vadd.f32 v31, v4;
	[tilespmem:$0x250] =	vst v36  }
0xbc: {  	v43 =	vld [tilespmem:$0x650];
	v42 =	vadd.f32 v33, v4;
	[tilespmem:$0x260] =	vst v38  }
0xbd: {  	v45 =	vld [tilespmem:$0x660];
	v44 =	vadd.f32 v35, v4;
	[tilespmem:$0x270] =	vst v40  }
0xbe: {  	v47 =	vld [tilespmem:$0x670];
	v46 =	vadd.f32 v37, v4;
	[tilespmem:$0x600] =	vst v42  }
0xbf: {  	v49 =	vld [tilespmem:$0xA00];
	v48 =	vadd.f32 v39, v4;
	[tilespmem:$0x610] =	vst v44  }
0xc0: {  	v51 =	vld [tilespmem:$0xA10];
	v50 =	vadd.f32 v41, v4;
	[tilespmem:$0x620] =	vst v46  }
0xc1: {  	v53 =	vld [tilespmem:$0xA20];
	v52 =	vadd.f32 v43, v4;
	[tilespmem:$0x630] =	vst v48  }
0xc2: {  	v55 =	vld [tilespmem:$0xA30];
	v54 =	vadd.f32 v45, v4;
	[tilespmem:$0x640] =	vst v50  }
0xc3: {  	v57 =	vld [tilespmem:$0xA40];
	v56 =	vadd.f32 v47, v4;
	[tilespmem:$0x650] =	vst v52  }
0xc4: {  	v59 =	vld [tilespmem:$0xA50];
	v58 =	vadd.f32 v49, v4;
	[tilespmem:$0x660] =	vst v54  }
0xc5: {  	v61 =	vld [tilespmem:$0xA60];
	v60 =	vadd.f32 v51, v4;
	[tilespmem:$0x670] =	vst v56  }
0xc6: {  	v63 =	vld [tilespmem:$0xA70];
	v62 =	vadd.f32 v53, v4;
	[tilespmem:$0xA00] =	vst v58  }
0xc7: {  	v13 =	vld [tilespmem:$0xE00];
	v12 =	vadd.f32 v55, v4;
	[tilespmem:$0xA10] =	vst v60  }
0xc8: {  	v15 =	vld [tilespmem:$0xE10];
	v14 =	vadd.f32 v57, v4;
	[tilespmem:$0xA20] =	vst v62  }
0xc9: {  	v17 =	vld [tilespmem:$0xE20];
	v16 =	vadd.f32 v59, v4;
	[tilespmem:$0xA30] =	vst v12  }
0xca: {  	v19 =	vld [tilespmem:$0xE30];
	v18 =	vadd.f32 v61, v4;
	[tilespmem:$0xA40] =	vst v14  }
0xcb: {  	v21 =	vld [tilespmem:$0xE40];
	v20 =	vadd.f32 v63, v4;
	[tilespmem:$0xA50] =	vst v16  }
0xcc: {  	v23 =	vld [tilespmem:$0xE50];
	v22 =	vadd.f32 v13, v4;
	[tilespmem:$0xA60] =	vst v18  }
0xcd: {  	v24 =	vadd.f32 v15, v4;
	v25 =	vld [tilespmem:$0xE60];
	[tilespmem:$0xA70] =	vst v20  }
0xce: {  	v26 =	vadd.f32 v17, v4;
	v27 =	vld [tilespmem:$0xE70];
	[tilespmem:$0xE00] =	vst v22  }
0xcf: {  	v28 =	vadd.f32 v19, v4;
	[tilespmem:$0xE10] =	vst v24  }
0xd0: {  	v29 =	vadd.f32 v21, v4;
	[tilespmem:$0xE20] =	vst v26  }
0xd1: {  	[tilespmem:$0xE30] =	vst v28;
	v30 =	vadd.f32 v23, v4  }
0xd2: {  	[tilespmem:$0xE40] =	vst v29;
	v31 =	vadd.f32 v25, v4  }
0xd3: {  	[tilespmem:$0xE50] =	vst v30;
	v32 =	vadd.f32 v27, v4  }
0xd4: {  	[tilespmem:$0xE60] =	vst v31  }
0xd5: {  	s30 =	rddreg [dreg:$0x1a];
	[tilespmem:$0xE70] =	vst v32  }
0xd6: {  	[hbm4b:s30+s3] =	stream.linear.scatter [tilespmem:s9], [sflag:$0xB], $0x80, $0x38;
	[tilespmem:$0x2280] =	vst v63  }
0xd7: {  	s9 =	sadd.s32 $0x80, s30  }
0xd8: {  	[hbm4b:s9+s3] =	stream.linear.scatter [tilespmem:s10], [sflag:$0xB], $0x80, $0x38;
	[tilespmem:$0x2280] =	vst v63  }
0xd9: {  	s10 =	sadd.s32 $0x100, s30  }
0xda: {  	[hbm4b:s10+s3] =	stream.linear.scatter [tilespmem:s12], [sflag:$0xB], $0x80, $0x38;
	[tilespmem:$0x2280] =	vst v63  }
0xdb: {  	s9 =	sadd.s32 $0x180, s30  }
0xdc: {  	[hbm4b:s9+s3] =	stream.linear.scatter [tilespmem:s13], [sflag:$0xB], $0x80, $0x38;
	[tilespmem:$0x2280] =	vst v63  }
0xdd: {  	_ =	swait.ge [sflag:s29], $0x80  }
0xde: {  	[sflag:s29] =	ssyncset.done $0x0  }
0xdf: {  	[sflag:s29] =	ssyncadd.s32 $0xFFFFFF80  }
0xe0: {  	_ =	swait.ge [sflag:s29], $0x80  }
0xe1: {  	[sflag:s29] =	ssyncset.done $0x0  }
0xe2: {  	[sflag:s29] =	ssyncadd.s32 $0xFFFFFF80  }
0xe3: {  	_ =	swait.ge [sflag:s29], $0x80  }
0xe4: {  	[sflag:s29] =	ssyncset.done $0x0  }
0xe5: {  	[sflag:s29] =	ssyncadd.s32 $0xFFFFFF80  }
0xe6: {  	_ =	swait.ge [sflag:s29], $0x80  }
0xe7: {  	[sflag:s29] =	ssyncset.done $0x0  }
0xe8: {  	[sflag:s29] =	ssyncadd.s32 $0xFFFFFF80  }
0xe9: {  	v33 =	vld [tilespmem:$0x280]  }
0xea: {  	v34 =	vld [tilespmem:$0x290]  }
0xeb: {  	v35 =	vld [tilespmem:$0x2A0]  }
0xec: {  	v4 =	vbroadcast v0, $0x1;
	v36 =	vld [tilespmem:$0x2B0]  }
0xed: {  	v37 =	vld [tilespmem:$0x2C0]  }
0xee: {  	v38 =	vld [tilespmem:$0x2D0];
	v1 =	vadd.f32 v33, v4  }
0xef: {  	v39 =	vld [tilespmem:$0x2E0];
	v2 =	vadd.f32 v34, v4  }
0xf0: {  	v41 =	vld [tilespmem:$0x2F0];
	v40 =	vadd.f32 v35, v4;
	[tilespmem:$0x280] =	vst v1  }
0xf1: {  	v43 =	vld [tilespmem:$0x680];
	v42 =	vadd.f32 v36, v4;
	[tilespmem:$0x290] =	vst v2  }
0xf2: {  	v45 =	vld [tilespmem:$0x690];
	v44 =	vadd.f32 v37, v4;
	[tilespmem:$0x2A0] =	vst v40  }
0xf3: {  	v47 =	vld [tilespmem:$0x6A0];
	v46 =	vadd.f32 v38, v4;
	[tilespmem:$0x2B0] =	vst v42  }
0xf4: {  	v49 =	vld [tilespmem:$0x6B0];
	v48 =	vadd.f32 v39, v4;
	[tilespmem:$0x2C0] =	vst v44  }
0xf5: {  	v51 =	vld [tilespmem:$0x6C0];
	v50 =	vadd.f32 v41, v4;
	[tilespmem:$0x2D0] =	vst v46  }
0xf6: {  	v53 =	vld [tilespmem:$0x6D0];
	v52 =	vadd.f32 v43, v4;
	[tilespmem:$0x2E0] =	vst v48  }
0xf7: {  	v55 =	vld [tilespmem:$0x6E0];
	v54 =	vadd.f32 v45, v4;
	[tilespmem:$0x2F0] =	vst v50  }
0xf8: {  	v57 =	vld [tilespmem:$0x6F0];
	v56 =	vadd.f32 v47, v4;
	[tilespmem:$0x680] =	vst v52  }
0xf9: {  	v59 =	vld [tilespmem:$0xA80];
	v58 =	vadd.f32 v49, v4;
	[tilespmem:$0x690] =	vst v54  }
0xfa: {  	v61 =	vld [tilespmem:$0xA90];
	v60 =	vadd.f32 v51, v4;
	[tilespmem:$0x6A0] =	vst v56  }
0xfb: {  	v63 =	vld [tilespmem:$0xAA0];
	v62 =	vadd.f32 v53, v4;
	[tilespmem:$0x6B0] =	vst v58  }
0xfc: {  	v13 =	vld [tilespmem:$0xAB0];
	v12 =	vadd.f32 v55, v4;
	[tilespmem:$0x6C0] =	vst v60  }
0xfd: {  	v15 =	vld [tilespmem:$0xAC0];
	v14 =	vadd.f32 v57, v4;
	[tilespmem:$0x6D0] =	vst v62  }
0xfe: {  	v17 =	vld [tilespmem:$0xAD0];
	v16 =	vadd.f32 v59, v4;
	[tilespmem:$0x6E0] =	vst v12  }
0xff: {  	v19 =	vld [tilespmem:$0xAE0];
	v18 =	vadd.f32 v61, v4;
	[tilespmem:$0x6F0] =	vst v14  }
0x100: {  	v21 =	vld [tilespmem:$0xAF0];
	v20 =	vadd.f32 v63, v4;
	[tilespmem:$0xA80] =	vst v16  }
0x101: {  	v23 =	vld [tilespmem:$0xE80];
	v22 =	vadd.f32 v13, v4;
	[tilespmem:$0xA90] =	vst v18  }
0x102: {  	v25 =	vld [tilespmem:$0xE90];
	v24 =	vadd.f32 v15, v4;
	[tilespmem:$0xAA0] =	vst v20  }
0x103: {  	v27 =	vld [tilespmem:$0xEA0];
	v26 =	vadd.f32 v17, v4;
	[tilespmem:$0xAB0] =	vst v22  }
0x104: {  	v29 =	vld [tilespmem:$0xEB0];
	v28 =	vadd.f32 v19, v4;
	[tilespmem:$0xAC0] =	vst v24  }
0x105: {  	v31 =	vld [tilespmem:$0xEC0];
	v30 =	vadd.f32 v21, v4;
	[tilespmem:$0xAD0] =	vst v26  }
0x106: {  	v32 =	vadd.f32 v23, v4;
	v33 =	vld [tilespmem:$0xED0];
	[tilespmem:$0xAE0] =	vst v28  }
0x107: {  	v34 =	vadd.f32 v25, v4;
	v35 =	vld [tilespmem:$0xEE0];
	[tilespmem:$0xAF0] =	vst v30  }
0x108: {  	v36 =	vadd.f32 v27, v4;
	v37 =	vld [tilespmem:$0xEF0];
	[tilespmem:$0xE80] =	vst v32  }
0x109: {  	v38 =	vadd.f32 v29, v4;
	[tilespmem:$0xE90] =	vst v34  }
0x10a: {  	v39 =	vadd.f32 v31, v4;
	[tilespmem:$0xEA0] =	vst v36  }
0x10b: {  	[tilespmem:$0xEB0] =	vst v38;
	v40 =	vadd.f32 v33, v4  }
0x10c: {  	[tilespmem:$0xEC0] =	vst v39;
	v41 =	vadd.f32 v35, v4  }
0x10d: {  	v42 =	vadd.f32 v37, v4;
	[tilespmem:$0xED0] =	vst v40  }
0x10e: {  	[tilespmem:$0xEE0] =	vst v41  }
0x10f: {  	s9 =	rddreg [dreg:$0x11];
	[tilespmem:$0xEF0] =	vst v42  }
0x110: {  	[hbm4b:s9+s3] =	stream.linear.scatter [tilespmem:s14], [sflag:$0xB], $0x80, $0x38;
	[tilespmem:$0x2280] =	vst v63  }
0x111: {  	s10 =	sadd.s32 $0x80, s9  }
0x112: {  	[hbm4b:s10+s3] =	stream.linear.scatter [tilespmem:s15], [sflag:$0xB], $0x80, $0x38;
	[tilespmem:$0x2280] =	vst v63  }
0x113: {  	s30 =	sadd.s32 $0x100, s9  }
0x114: {  	[hbm4b:s30+s3] =	stream.linear.scatter [tilespmem:s16], [sflag:$0xB], $0x80, $0x38;
	[tilespmem:$0x2280] =	vst v63  }
0x115: {  	s9 =	sadd.s32 $0x180, s9  }
0x116: {  	[hbm4b:s9+s3] =	stream.linear.scatter [tilespmem:s17], [sflag:$0xB], $0x80, $0x38;
	[tilespmem:$0x2280] =	vst v63  }
0x117: {  	_ =	swait.ge [sflag:s31], $0x80  }
0x118: {  	[sflag:s31] =	ssyncset.done $0x0  }
0x119: {  	[sflag:s31] =	ssyncadd.s32 $0xFFFFFF80  }
0x11a: {  	_ =	swait.ge [sflag:s31], $0x80  }
0x11b: {  	[sflag:s31] =	ssyncset.done $0x0  }
0x11c: {  	[sflag:s31] =	ssyncadd.s32 $0xFFFFFF80  }
0x11d: {  	_ =	swait.ge [sflag:s31], $0x80  }
0x11e: {  	[sflag:s31] =	ssyncset.done $0x0  }
0x11f: {  	[sflag:s31] =	ssyncadd.s32 $0xFFFFFF80  }
0x120: {  	_ =	swait.ge [sflag:s31], $0x80  }
0x121: {  	[sflag:s31] =	ssyncset.done $0x0  }
0x122: {  	[sflag:s31] =	ssyncadd.s32 $0xFFFFFF80  }
0x123: {  	v43 =	vld [tilespmem:$0x300]  }
0x124: {  	v44 =	vld [tilespmem:$0x310]  }
0x125: {  	v45 =	vld [tilespmem:$0x320]  }
0x126: {  	v4 =	vbroadcast v0, $0x2;
	v46 =	vld [tilespmem:$0x330]  }
0x127: {  	v47 =	vld [tilespmem:$0x340]  }
0x128: {  	v48 =	vld [tilespmem:$0x350];
	v1 =	vadd.f32 v43, v4  }
0x129: {  	v49 =	vld [tilespmem:$0x360];
	v2 =	vadd.f32 v44, v4  }
0x12a: {  	v51 =	vld [tilespmem:$0x370];
	v50 =	vadd.f32 v45, v4;
	[tilespmem:$0x300] =	vst v1  }
0x12b: {  	v53 =	vld [tilespmem:$0x700];
	v52 =	vadd.f32 v46, v4;
	[tilespmem:$0x310] =	vst v2  }
0x12c: {  	v55 =	vld [tilespmem:$0x710];
	v54 =	vadd.f32 v47, v4;
	[tilespmem:$0x320] =	vst v50  }
0x12d: {  	v57 =	vld [tilespmem:$0x720];
	v56 =	vadd.f32 v48, v4;
	[tilespmem:$0x330] =	vst v52  }
0x12e: {  	v59 =	vld [tilespmem:$0x730];
	v58 =	vadd.f32 v49, v4;
	[tilespmem:$0x340] =	vst v54  }
0x12f: {  	v61 =	vld [tilespmem:$0x740];
	v60 =	vadd.f32 v51, v4;
	[tilespmem:$0x350] =	vst v56  }
0x130: {  	v63 =	vld [tilespmem:$0x750];
	v62 =	vadd.f32 v53, v4;
	[tilespmem:$0x360] =	vst v58  }
0x131: {  	v13 =	vld [tilespmem:$0x760];
	v12 =	vadd.f32 v55, v4;
	[tilespmem:$0x370] =	vst v60  }
0x132: {  	v15 =	vld [tilespmem:$0x770];
	v14 =	vadd.f32 v57, v4;
	[tilespmem:$0x700] =	vst v62  }
0x133: {  	v17 =	vld [tilespmem:$0xB00];
	v16 =	vadd.f32 v59, v4;
	[tilespmem:$0x710] =	vst v12  }
0x134: {  	v19 =	vld [tilespmem:$0xB10];
	v18 =	vadd.f32 v61, v4;
	[tilespmem:$0x720] =	vst v14  }
0x135: {  	v21 =	vld [tilespmem:$0xB20];
	v20 =	vadd.f32 v63, v4;
	[tilespmem:$0x730] =	vst v16  }
0x136: {  	v23 =	vld [tilespmem:$0xB30];
	v22 =	vadd.f32 v13, v4;
	[tilespmem:$0x740] =	vst v18  }
0x137: {  	v25 =	vld [tilespmem:$0xB40];
	v24 =	vadd.f32 v15, v4;
	[tilespmem:$0x750] =	vst v20  }
0x138: {  	v27 =	vld [tilespmem:$0xB50];
	v26 =	vadd.f32 v17, v4;
	[tilespmem:$0x760] =	vst v22  }
0x139: {  	v29 =	vld [tilespmem:$0xB60];
	v28 =	vadd.f32 v19, v4;
	[tilespmem:$0x770] =	vst v24  }
0x13a: {  	v31 =	vld [tilespmem:$0xB70];
	v30 =	vadd.f32 v21, v4;
	[tilespmem:$0xB00] =	vst v26  }
0x13b: {  	v33 =	vld [tilespmem:$0xF00];
	v32 =	vadd.f32 v23, v4;
	[tilespmem:$0xB10] =	vst v28  }
0x13c: {  	v35 =	vld [tilespmem:$0xF10];
	v34 =	vadd.f32 v25, v4;
	[tilespmem:$0xB20] =	vst v30  }
0x13d: {  	v37 =	vld [tilespmem:$0xF20];
	v36 =	vadd.f32 v27, v4;
	[tilespmem:$0xB30] =	vst v32  }
0x13e: {  	v39 =	vld [tilespmem:$0xF30];
	v38 =	vadd.f32 v29, v4;
	[tilespmem:$0xB40] =	vst v34  }
0x13f: {  	v41 =	vld [tilespmem:$0xF40];
	v40 =	vadd.f32 v31, v4;
	[tilespmem:$0xB50] =	vst v36  }
0x140: {  	v42 =	vadd.f32 v33, v4;
	v43 =	vld [tilespmem:$0xF50];
	[tilespmem:$0xB60] =	vst v38  }
0x141: {  	v44 =	vadd.f32 v35, v4;
	v45 =	vld [tilespmem:$0xF60];
	[tilespmem:$0xB70] =	vst v40  }
0x142: {  	v46 =	vadd.f32 v37, v4;
	v47 =	vld [tilespmem:$0xF70];
	[tilespmem:$0xF00] =	vst v42  }
0x143: {  	v48 =	vadd.f32 v39, v4;
	[tilespmem:$0xF10] =	vst v44  }
0x144: {  	v49 =	vadd.f32 v41, v4;
	[tilespmem:$0xF20] =	vst v46  }
0x145: {  	[tilespmem:$0xF30] =	vst v48;
	v50 =	vadd.f32 v43, v4  }
0x146: {  	[tilespmem:$0xF40] =	vst v49;
	v51 =	vadd.f32 v45, v4  }
0x147: {  	v52 =	vadd.f32 v47, v4;
	[tilespmem:$0xF50] =	vst v50  }
0x148: {  	[tilespmem:$0xF60] =	vst v51  }
0x149: {  	s9 =	rddreg [dreg:$0x12];
	[tilespmem:$0xF70] =	vst v52  }
0x14a: {  	[hbm4b:s9+s3] =	stream.linear.scatter [tilespmem:s18], [sflag:$0xB], $0x80, $0x38;
	[tilespmem:$0x2280] =	vst v63  }
0x14b: {  	s10 =	sadd.s32 $0x80, s9  }
0x14c: {  	[hbm4b:s10+s3] =	stream.linear.scatter [tilespmem:s19], [sflag:$0xB], $0x80, $0x38;
	[tilespmem:$0x2280] =	vst v63  }
0x14d: {  	s30 =	sadd.s32 $0x100, s9  }
0x14e: {  	[hbm4b:s30+s3] =	stream.linear.scatter [tilespmem:s20], [sflag:$0xB], $0x80, $0x38;
	[tilespmem:$0x2280] =	vst v63  }
0x14f: {  	s9 =	sadd.s32 $0x180, s9  }
0x150: {  	[hbm4b:s9+s3] =	stream.linear.scatter [tilespmem:s21], [sflag:$0xB], $0x80, $0x38;
	[tilespmem:$0x2280] =	vst v63  }
0x151: {  	_ =	swait.ge [sflag:s2], $0x80  }
0x152: {  	[sflag:s2] =	ssyncset.done $0x0  }
0x153: {  	[sflag:s2] =	ssyncadd.s32 $0xFFFFFF80  }
0x154: {  	_ =	swait.ge [sflag:s2], $0x80  }
0x155: {  	[sflag:s2] =	ssyncset.done $0x0  }
0x156: {  	[sflag:s2] =	ssyncadd.s32 $0xFFFFFF80  }
0x157: {  	_ =	swait.ge [sflag:s2], $0x80  }
0x158: {  	[sflag:s2] =	ssyncset.done $0x0  }
0x159: {  	[sflag:s2] =	ssyncadd.s32 $0xFFFFFF80  }
0x15a: {  	_ =	swait.ge [sflag:s2], $0x80  }
0x15b: {  	[sflag:s2] =	ssyncset.done $0x0  }
0x15c: {  	[sflag:s2] =	ssyncadd.s32 $0xFFFFFF80  }
0x15d: {  	v53 =	vld [tilespmem:$0x380]  }
0x15e: {  	v54 =	vld [tilespmem:$0x390]  }
0x15f: {  	v55 =	vld [tilespmem:$0x3A0]  }
0x160: {  	v4 =	vbroadcast v0, $0x3;
	v56 =	vld [tilespmem:$0x3B0]  }
0x161: {  	v57 =	vld [tilespmem:$0x3C0]  }
0x162: {  	v58 =	vld [tilespmem:$0x3D0];
	v1 =	vadd.f32 v53, v4  }
0x163: {  	v59 =	vld [tilespmem:$0x3E0];
	v2 =	vadd.f32 v54, v4  }
0x164: {  	v61 =	vld [tilespmem:$0x3F0];
	v60 =	vadd.f32 v55, v4;
	[tilespmem:$0x380] =	vst v1  }
0x165: {  	v63 =	vld [tilespmem:$0x780];
	v62 =	vadd.f32 v56, v4;
	[tilespmem:$0x390] =	vst v2  }
0x166: {  	v12 =	vld [tilespmem:$0x790];
	v11 =	vadd.f32 v57, v4;
	[tilespmem:$0x3A0] =	vst v60  }
0x167: {  	v14 =	vld [tilespmem:$0x7A0];
	v13 =	vadd.f32 v58, v4;
	[tilespmem:$0x3B0] =	vst v62  }
0x168: {  	v16 =	vld [tilespmem:$0x7B0];
	v15 =	vadd.f32 v59, v4;
	[tilespmem:$0x3C0] =	vst v11  }
0x169: {  	v18 =	vld [tilespmem:$0x7C0];
	v17 =	vadd.f32 v61, v4;
	[tilespmem:$0x3D0] =	vst v13  }
0x16a: {  	v20 =	vld [tilespmem:$0x7D0];
	v19 =	vadd.f32 v63, v4;
	[tilespmem:$0x3E0] =	vst v15  }
0x16b: {  	v22 =	vld [tilespmem:$0x7E0];
	v21 =	vadd.f32 v12, v4;
	[tilespmem:$0x3F0] =	vst v17  }
0x16c: {  	v24 =	vld [tilespmem:$0x7F0];
	v23 =	vadd.f32 v14, v4;
	[tilespmem:$0x780] =	vst v19  }
0x16d: {  	v26 =	vld [tilespmem:$0xB80];
	v25 =	vadd.f32 v16, v4;
	[tilespmem:$0x790] =	vst v21  }
0x16e: {  	v28 =	vld [tilespmem:$0xB90];
	v27 =	vadd.f32 v18, v4;
	[tilespmem:$0x7A0] =	vst v23  }
0x16f: {  	v30 =	vld [tilespmem:$0xBA0];
	v29 =	vadd.f32 v20, v4;
	[tilespmem:$0x7B0] =	vst v25  }
0x170: {  	v32 =	vld [tilespmem:$0xBB0];
	v31 =	vadd.f32 v22, v4;
	[tilespmem:$0x7C0] =	vst v27  }
0x171: {  	v34 =	vld [tilespmem:$0xBC0];
	v33 =	vadd.f32 v24, v4;
	[tilespmem:$0x7D0] =	vst v29  }
0x172: {  	v36 =	vld [tilespmem:$0xBD0];
	v35 =	vadd.f32 v26, v4;
	[tilespmem:$0x7E0] =	vst v31  }
0x173: {  	v42 =	vld [tilespmem:$0xBE0];
	v37 =	vadd.f32 v28, v4;
	[tilespmem:$0x7F0] =	vst v33  }
0x174: {  	v38 =	vadd.f32 v30, v4;
	[tilespmem:$0xB80] =	vst v35  }
0x175: {  	v43 =	vld [tilespmem:$0xBF0];
	v39 =	vadd.f32 v32, v4;
	[tilespmem:$0xB90] =	vst v37  }
0x176: {  	v44 =	vld [tilespmem:$0xF80];
	v40 =	vadd.f32 v34, v4;
	[tilespmem:$0xBA0] =	vst v38  }
0x177: {  	v45 =	vld [tilespmem:$0xF90];
	v41 =	vadd.f32 v36, v4;
	[tilespmem:$0xBB0] =	vst v39  }
0x178: {  	v46 =	vld [tilespmem:$0xFA0];
	[tilespmem:$0xBC0] =	vst v40;
	v1 =	vadd.f32 v42, v4  }
0x179: {  	v47 =	vld [tilespmem:$0xFB0];
	[tilespmem:$0xBD0] =	vst v41  }
0x17a: {  	v48 =	vld [tilespmem:$0xFC0];
	v2 =	vadd.f32 v43, v4;
	[tilespmem:$0xBE0] =	vst v1  }
0x17b: {  	v49 =	vadd.f32 v44, v4;
	v50 =	vld [tilespmem:$0xFD0]  }
0x17c: {  	v51 =	vadd.f32 v45, v4;
	[tilespmem:$0xBF0] =	vst v2;
	v52 =	vld [tilespmem:$0xFE0]  }
0x17d: {  	v53 =	vadd.f32 v46, v4;
	[tilespmem:$0xF80] =	vst v49;
	v54 =	vld [tilespmem:$0xFF0]  }
0x17e: {  	v55 =	vadd.f32 v47, v4;
	[tilespmem:$0xF90] =	vst v51  }
0x17f: {  	v56 =	vadd.f32 v48, v4;
	[tilespmem:$0xFA0] =	vst v53  }
0x180: {  	[tilespmem:$0xFB0] =	vst v55;
	v57 =	vadd.f32 v50, v4  }
0x181: {  	[tilespmem:$0xFC0] =	vst v56;
	v58 =	vadd.f32 v52, v4  }
0x182: {  	v59 =	vadd.f32 v54, v4;
	[tilespmem:$0xFD0] =	vst v57  }
0x183: {  	[tilespmem:$0xFE0] =	vst v58  }
0x184: {  	s9 =	rddreg [dreg:$0x13];
	[tilespmem:$0xFF0] =	vst v59  }
0x185: {  	[hbm4b:s9+s3] =	stream.linear.scatter [tilespmem:s22], [sflag:$0xB], $0x80, $0x38;
	[tilespmem:$0x2280] =	vst v63  }
0x186: {  	s30 =	simm.s32 $0x780;
	s10 =	sadd.s32 $0x80, s9  }
0x187: {  	[hbm4b:s10+s3] =	stream.linear.scatter [tilespmem:s30], [sflag:$0xB], $0x80, $0x38;
	[tilespmem:$0x2280] =	vst v63  }
0x188: {  	s10 =	sadd.s32 $0x100, s9;
	s30 =	simm.s32 $0xB80  }
0x189: {  	[hbm4b:s10+s3] =	stream.linear.scatter [tilespmem:s30], [sflag:$0xB], $0x80, $0x38;
	[tilespmem:$0x2280] =	vst v63  }
0x18a: {  	s9 =	sadd.s32 $0x180, s9;
	s10 =	simm.s32 $0xF80  }
0x18b: {  	[hbm4b:s9+s3] =	stream.linear.scatter [tilespmem:s10], [sflag:$0xB], $0x80, $0x38;
	[tilespmem:$0x2280] =	vst v63  }
0x18c: {  	_ =	swait.ge [sflag:s24], $0x80  }
0x18d: {  	[sflag:s24] =	ssyncset.done $0x0  }
0x18e: {  	[sflag:s24] =	ssyncadd.s32 $0xFFFFFF80  }
0x18f: {  	_ =	swait.ge [sflag:s24], $0x80  }
0x190: {  	[sflag:s24] =	ssyncset.done $0x0  }
0x191: {  	[sflag:s24] =	ssyncadd.s32 $0xFFFFFF80  }
0x192: {  	_ =	swait.ge [sflag:s24], $0x80  }
0x193: {  	[sflag:s24] =	ssyncset.done $0x0  }
0x194: {  	[sflag:s24] =	ssyncadd.s32 $0xFFFFFF80  }
0x195: {  	_ =	swait.ge [sflag:s24], $0x80  }
0x196: {  	[sflag:s24] =	ssyncset.done $0x0  }
0x197: {  	[sflag:s24] =	ssyncadd.s32 $0xFFFFFF80  }
0x198: {  	v60 =	vld [tilespmem:$0x400]  }
0x199: {  	v61 =	vld [tilespmem:$0x410]  }
0x19a: {  	v62 =	vld [tilespmem:$0x420]  }
0x19b: {  	v4 =	vbroadcast v0, $0x4;
	v63 =	vld [tilespmem:$0x430]  }
0x19c: {  	v12 =	vld [tilespmem:$0x440]  }
0x19d: {  	v13 =	vld [tilespmem:$0x450];
	v1 =	vadd.f32 v60, v4  }
0x19e: {  	v14 =	vld [tilespmem:$0x460];
	v2 =	vadd.f32 v61, v4  }
0x19f: {  	v16 =	vld [tilespmem:$0x470];
	v15 =	vadd.f32 v62, v4;
	[tilespmem:$0x400] =	vst v1  }
0x1a0: {  	v18 =	vld [tilespmem:$0x800];
	v17 =	vadd.f32 v63, v4;
	[tilespmem:$0x410] =	vst v2  }
0x1a1: {  	v20 =	vld [tilespmem:$0x810];
	v19 =	vadd.f32 v12, v4;
	[tilespmem:$0x420] =	vst v15  }
0x1a2: {  	v22 =	vld [tilespmem:$0x820];
	v21 =	vadd.f32 v13, v4;
	[tilespmem:$0x430] =	vst v17  }
0x1a3: {  	v24 =	vld [tilespmem:$0x830];
	v23 =	vadd.f32 v14, v4;
	[tilespmem:$0x440] =	vst v19  }
0x1a4: {  	v26 =	vld [tilespmem:$0x840];
	v25 =	vadd.f32 v16, v4;
	[tilespmem:$0x450] =	vst v21  }
0x1a5: {  	v28 =	vld [tilespmem:$0x850];
	v27 =	vadd.f32 v18, v4;
	[tilespmem:$0x460] =	vst v23  }
0x1a6: {  	v30 =	vld [tilespmem:$0x860];
	v29 =	vadd.f32 v20, v4;
	[tilespmem:$0x470] =	vst v25  }
0x1a7: {  	v32 =	vld [tilespmem:$0x870];
	v31 =	vadd.f32 v22, v4;
	[tilespmem:$0x800] =	vst v27  }
0x1a8: {  	v34 =	vld [tilespmem:$0xC00];
	v33 =	vadd.f32 v24, v4;
	[tilespmem:$0x810] =	vst v29  }
0x1a9: {  	v36 =	vld [tilespmem:$0xC10];
	v35 =	vadd.f32 v26, v4;
	[tilespmem:$0x820] =	vst v31  }
0x1aa: {  	v38 =	vld [tilespmem:$0xC20];
	v37 =	vadd.f32 v28, v4;
	[tilespmem:$0x830] =	vst v33  }
0x1ab: {  	v40 =	vld [tilespmem:$0xC30];
	v39 =	vadd.f32 v30, v4;
	[tilespmem:$0x840] =	vst v35  }
0x1ac: {  	v42 =	vld [tilespmem:$0xC40];
	v41 =	vadd.f32 v32, v4;
	[tilespmem:$0x850] =	vst v37  }
0x1ad: {  	v44 =	vld [tilespmem:$0xC50];
	v43 =	vadd.f32 v34, v4;
	[tilespmem:$0x860] =	vst v39  }
0x1ae: {  	v46 =	vld [tilespmem:$0xC60];
	v45 =	vadd.f32 v36, v4;
	[tilespmem:$0x870] =	vst v41  }
0x1af: {  	v48 =	vld [tilespmem:$0xC70];
	v47 =	vadd.f32 v38, v4;
	[tilespmem:$0xC00] =	vst v43  }
0x1b0: {  	v50 =	vld [tilespmem:$0x1000];
	v49 =	vadd.f32 v40, v4;
	[tilespmem:$0xC10] =	vst v45  }
0x1b1: {  	v52 =	vld [tilespmem:$0x1010];
	v51 =	vadd.f32 v42, v4;
	[tilespmem:$0xC20] =	vst v47  }
0x1b2: {  	v54 =	vld [tilespmem:$0x1020];
	v53 =	vadd.f32 v44, v4;
	[tilespmem:$0xC30] =	vst v49  }
0x1b3: {  	v56 =	vld [tilespmem:$0x1030];
	v55 =	vadd.f32 v46, v4;
	[tilespmem:$0xC40] =	vst v51  }
0x1b4: {  	v58 =	vld [tilespmem:$0x1040];
	v57 =	vadd.f32 v48, v4;
	[tilespmem:$0xC50] =	vst v53  }
0x1b5: {  	v59 =	vadd.f32 v50, v4;
	v60 =	vld [tilespmem:$0x1050];
	[tilespmem:$0xC60] =	vst v55  }
0x1b6: {  	v61 =	vadd.f32 v52, v4;
	v62 =	vld [tilespmem:$0x1060];
	[tilespmem:$0xC70] =	vst v57  }
0x1b7: {  	v63 =	vadd.f32 v54, v4;
	v12 =	vld [tilespmem:$0x1070];
	[tilespmem:$0x1000] =	vst v59  }
0x1b8: {  	v13 =	vadd.f32 v56, v4;
	[tilespmem:$0x1010] =	vst v61  }
0x1b9: {  	v14 =	vadd.f32 v58, v4;
	[tilespmem:$0x1020] =	vst v63  }
0x1ba: {  	[tilespmem:$0x1030] =	vst v13;
	v15 =	vadd.f32 v60, v4  }
0x1bb: {  	[tilespmem:$0x1040] =	vst v14;
	v16 =	vadd.f32 v62, v4  }
0x1bc: {  	v17 =	vadd.f32 v12, v4;
	[tilespmem:$0x1050] =	vst v15  }
0x1bd: {  	[tilespmem:$0x1060] =	vst v16  }
0x1be: {  	s30 =	simm.s32 $0x400;
	s9 =	rddreg [dreg:$0x14];
	[tilespmem:$0x1070] =	vst v17  }
0x1bf: {  	[hbm4b:s9+s3] =	stream.linear.scatter [tilespmem:s30], [sflag:$0xB], $0x80, $0x38;
	[tilespmem:$0x2280] =	vst v63  }
0x1c0: {  	s10 =	sadd.s32 $0x80, s9;
	s30 =	simm.s32 $0x800  }
0x1c1: {  	[hbm4b:s10+s3] =	stream.linear.scatter [tilespmem:s30], [sflag:$0xB], $0x80, $0x38;
	[tilespmem:$0x2280] =	vst v63  }
0x1c2: {  	s10 =	sadd.s32 $0x100, s9;
	s30 =	simm.s32 $0xC00  }
0x1c3: {  	[hbm4b:s10+s3] =	stream.linear.scatter [tilespmem:s30], [sflag:$0xB], $0x80, $0x38;
	[tilespmem:$0x2280] =	vst v63  }
0x1c4: {  	s9 =	sadd.s32 $0x180, s9;
	s10 =	simm.s32 $0x1000  }
0x1c5: {  	[hbm4b:s9+s3] =	stream.linear.scatter [tilespmem:s10], [sflag:$0xB], $0x80, $0x38;
	[tilespmem:$0x2280] =	vst v63  }
0x1c6: {  	_ =	swait.ge [sflag:s0], $0x80  }
0x1c7: {  	[sflag:s0] =	ssyncset.done $0x0  }
0x1c8: {  	[sflag:s0] =	ssyncadd.s32 $0xFFFFFF80  }
0x1c9: {  	_ =	swait.ge [sflag:s0], $0x80  }
0x1ca: {  	[sflag:s0] =	ssyncset.done $0x0  }
0x1cb: {  	[sflag:s0] =	ssyncadd.s32 $0xFFFFFF80  }
0x1cc: {  	_ =	swait.ge [sflag:s0], $0x80  }
0x1cd: {  	[sflag:s0] =	ssyncset.done $0x0  }
0x1ce: {  	[sflag:s0] =	ssyncadd.s32 $0xFFFFFF80  }
0x1cf: {  	_ =	swait.ge [sflag:s0], $0x80  }
0x1d0: {  	[sflag:s0] =	ssyncset.done $0x0  }
0x1d1: {  	[sflag:s0] =	ssyncadd.s32 $0xFFFFFF80  }
0x1d2: {  	v18 =	vld [tilespmem:$0x480]  }
0x1d3: {  	v19 =	vld [tilespmem:$0x490]  }
0x1d4: {  	v20 =	vld [tilespmem:$0x4A0]  }
0x1d5: {  	v4 =	vbroadcast v0, $0x5;
	v21 =	vld [tilespmem:$0x4B0]  }
0x1d6: {  	v22 =	vld [tilespmem:$0x4C0]  }
0x1d7: {  	v23 =	vld [tilespmem:$0x4D0];
	v1 =	vadd.f32 v18, v4  }
0x1d8: {  	v24 =	vld [tilespmem:$0x4E0];
	v2 =	vadd.f32 v19, v4  }
0x1d9: {  	v26 =	vld [tilespmem:$0x4F0];
	v25 =	vadd.f32 v20, v4;
	[tilespmem:$0x480] =	vst v1  }
0x1da: {  	v28 =	vld [tilespmem:$0x880];
	v27 =	vadd.f32 v21, v4;
	[tilespmem:$0x490] =	vst v2  }
0x1db: {  	v30 =	vld [tilespmem:$0x890];
	v29 =	vadd.f32 v22, v4;
	[tilespmem:$0x4A0] =	vst v25  }
0x1dc: {  	v32 =	vld [tilespmem:$0x8A0];
	v31 =	vadd.f32 v23, v4;
	[tilespmem:$0x4B0] =	vst v27  }
0x1dd: {  	v34 =	vld [tilespmem:$0x8B0];
	v33 =	vadd.f32 v24, v4;
	[tilespmem:$0x4C0] =	vst v29  }
0x1de: {  	v36 =	vld [tilespmem:$0x8C0];
	v35 =	vadd.f32 v26, v4;
	[tilespmem:$0x4D0] =	vst v31  }
0x1df: {  	v38 =	vld [tilespmem:$0x8D0];
	v37 =	vadd.f32 v28, v4;
	[tilespmem:$0x4E0] =	vst v33  }
0x1e0: {  	v40 =	vld [tilespmem:$0x8E0];
	v39 =	vadd.f32 v30, v4;
	[tilespmem:$0x4F0] =	vst v35  }
0x1e1: {  	v42 =	vld [tilespmem:$0x8F0];
	v41 =	vadd.f32 v32, v4;
	[tilespmem:$0x880] =	vst v37  }
0x1e2: {  	v44 =	vld [tilespmem:$0xC80];
	v43 =	vadd.f32 v34, v4;
	[tilespmem:$0x890] =	vst v39  }
0x1e3: {  	v46 =	vld [tilespmem:$0xC90];
	v45 =	vadd.f32 v36, v4;
	[tilespmem:$0x8A0] =	vst v41  }
0x1e4: {  	v48 =	vld [tilespmem:$0xCA0];
	v47 =	vadd.f32 v38, v4;
	[tilespmem:$0x8B0] =	vst v43  }
0x1e5: {  	v50 =	vld [tilespmem:$0xCB0];
	v49 =	vadd.f32 v40, v4;
	[tilespmem:$0x8C0] =	vst v45  }
0x1e6: {  	v52 =	vld [tilespmem:$0xCC0];
	v51 =	vadd.f32 v42, v4;
	[tilespmem:$0x8D0] =	vst v47  }
0x1e7: {  	v54 =	vld [tilespmem:$0xCD0];
	v53 =	vadd.f32 v44, v4;
	[tilespmem:$0x8E0] =	vst v49  }
0x1e8: {  	v56 =	vld [tilespmem:$0xCE0];
	v55 =	vadd.f32 v46, v4;
	[tilespmem:$0x8F0] =	vst v51  }
0x1e9: {  	v58 =	vld [tilespmem:$0xCF0];
	v57 =	vadd.f32 v48, v4;
	[tilespmem:$0xC80] =	vst v53  }
0x1ea: {  	v60 =	vld [tilespmem:$0x1080];
	v59 =	vadd.f32 v50, v4;
	[tilespmem:$0xC90] =	vst v55  }
0x1eb: {  	v62 =	vld [tilespmem:$0x1090];
	v61 =	vadd.f32 v52, v4;
	[tilespmem:$0xCA0] =	vst v57  }
0x1ec: {  	v12 =	vld [tilespmem:$0x10A0];
	v63 =	vadd.f32 v54, v4;
	[tilespmem:$0xCB0] =	vst v59  }
0x1ed: {  	v14 =	vld [tilespmem:$0x10B0];
	v13 =	vadd.f32 v56, v4;
	[tilespmem:$0xCC0] =	vst v61  }
0x1ee: {  	v16 =	vld [tilespmem:$0x10C0];
	v15 =	vadd.f32 v58, v4;
	[tilespmem:$0xCD0] =	vst v63  }
0x1ef: {  	v17 =	vadd.f32 v60, v4;
	v18 =	vld [tilespmem:$0x10D0];
	[tilespmem:$0xCE0] =	vst v13  }
0x1f0: {  	v19 =	vadd.f32 v62, v4;
	v20 =	vld [tilespmem:$0x10E0];
	[tilespmem:$0xCF0] =	vst v15  }
0x1f1: {  	v21 =	vadd.f32 v12, v4;
	v22 =	vld [tilespmem:$0x10F0];
	[tilespmem:$0x1080] =	vst v17  }
0x1f2: {  	v23 =	vadd.f32 v14, v4;
	[tilespmem:$0x1090] =	vst v19  }
0x1f3: {  	v24 =	vadd.f32 v16, v4;
	[tilespmem:$0x10A0] =	vst v21  }
0x1f4: {  	[tilespmem:$0x10B0] =	vst v23;
	v25 =	vadd.f32 v18, v4  }
0x1f5: {  	[tilespmem:$0x10C0] =	vst v24;
	v26 =	vadd.f32 v20, v4  }
0x1f6: {  	v27 =	vadd.f32 v22, v4;
	[tilespmem:$0x10D0] =	vst v25  }
0x1f7: {  	[tilespmem:$0x10E0] =	vst v26  }
0x1f8: {  	s30 =	simm.s32 $0x480;
	s9 =	rddreg [dreg:$0x15];
	[tilespmem:$0x10F0] =	vst v27  }
0x1f9: {  	[hbm4b:s9+s3] =	stream.linear.scatter [tilespmem:s30], [sflag:$0xB], $0x80, $0x38;
	[tilespmem:$0x2280] =	vst v63  }
0x1fa: {  	s10 =	sadd.s32 $0x80, s9;
	s30 =	simm.s32 $0x880  }
0x1fb: {  	[hbm4b:s10+s3] =	stream.linear.scatter [tilespmem:s30], [sflag:$0xB], $0x80, $0x38;
	[tilespmem:$0x2280] =	vst v63  }
0x1fc: {  	s10 =	sadd.s32 $0x100, s9;
	s30 =	simm.s32 $0xC80  }
0x1fd: {  	[hbm4b:s10+s3] =	stream.linear.scatter [tilespmem:s30], [sflag:$0xB], $0x80, $0x38;
	[tilespmem:$0x2280] =	vst v63  }
0x1fe: {  	s9 =	sadd.s32 $0x180, s9;
	s10 =	simm.s32 $0x1080  }
0x1ff: {  	[hbm4b:s9+s3] =	stream.linear.scatter [tilespmem:s10], [sflag:$0xB], $0x80, $0x38;
	[tilespmem:$0x2280] =	vst v63  }
0x200: {  	_ =	swait.ge [sflag:s4], $0x80  }
0x201: {  	[sflag:s4] =	ssyncset.done $0x0  }
0x202: {  	[sflag:s4] =	ssyncadd.s32 $0xFFFFFF80  }
0x203: {  	_ =	swait.ge [sflag:s4], $0x80  }
0x204: {  	[sflag:s4] =	ssyncset.done $0x0  }
0x205: {  	[sflag:s4] =	ssyncadd.s32 $0xFFFFFF80  }
0x206: {  	_ =	swait.ge [sflag:s4], $0x80  }
0x207: {  	[sflag:s4] =	ssyncset.done $0x0  }
0x208: {  	[sflag:s4] =	ssyncadd.s32 $0xFFFFFF80  }
0x209: {  	_ =	swait.ge [sflag:s4], $0x80  }
0x20a: {  	[sflag:s4] =	ssyncset.done $0x0  }
0x20b: {  	[sflag:s4] =	ssyncadd.s32 $0xFFFFFF80  }
0x20c: {  	v28 =	vld [tilespmem:$0x500]  }
0x20d: {  	v29 =	vld [tilespmem:$0x510]  }
0x20e: {  	v30 =	vld [tilespmem:$0x520]  }
0x20f: {  	v4 =	vbroadcast v0, $0x6;
	v31 =	vld [tilespmem:$0x530]  }
0x210: {  	v32 =	vld [tilespmem:$0x540]  }
0x211: {  	v33 =	vld [tilespmem:$0x550];
	v1 =	vadd.f32 v28, v4  }
0x212: {  	v34 =	vld [tilespmem:$0x560];
	v2 =	vadd.f32 v29, v4  }
0x213: {  	v36 =	vld [tilespmem:$0x570];
	v35 =	vadd.f32 v30, v4;
	[tilespmem:$0x500] =	vst v1  }
0x214: {  	v38 =	vld [tilespmem:$0x900];
	v37 =	vadd.f32 v31, v4;
	[tilespmem:$0x510] =	vst v2  }
0x215: {  	v40 =	vld [tilespmem:$0x910];
	v39 =	vadd.f32 v32, v4;
	[tilespmem:$0x520] =	vst v35  }
0x216: {  	v42 =	vld [tilespmem:$0x920];
	v41 =	vadd.f32 v33, v4;
	[tilespmem:$0x530] =	vst v37  }
0x217: {  	v44 =	vld [tilespmem:$0x930];
	v43 =	vadd.f32 v34, v4;
	[tilespmem:$0x540] =	vst v39  }
0x218: {  	v46 =	vld [tilespmem:$0x940];
	v45 =	vadd.f32 v36, v4;
	[tilespmem:$0x550] =	vst v41  }
0x219: {  	v48 =	vld [tilespmem:$0x950];
	v47 =	vadd.f32 v38, v4;
	[tilespmem:$0x560] =	vst v43  }
0x21a: {  	v50 =	vld [tilespmem:$0x960];
	v49 =	vadd.f32 v40, v4;
	[tilespmem:$0x570] =	vst v45  }
0x21b: {  	v52 =	vld [tilespmem:$0x970];
	v51 =	vadd.f32 v42, v4;
	[tilespmem:$0x900] =	vst v47  }
0x21c: {  	v54 =	vld [tilespmem:$0xD00];
	v53 =	vadd.f32 v44, v4;
	[tilespmem:$0x910] =	vst v49  }
0x21d: {  	v56 =	vld [tilespmem:$0xD10];
	v55 =	vadd.f32 v46, v4;
	[tilespmem:$0x920] =	vst v51  }
0x21e: {  	v58 =	vld [tilespmem:$0xD20];
	v57 =	vadd.f32 v48, v4;
	[tilespmem:$0x930] =	vst v53  }
0x21f: {  	v60 =	vld [tilespmem:$0xD30];
	v59 =	vadd.f32 v50, v4;
	[tilespmem:$0x940] =	vst v55  }
0x220: {  	v62 =	vld [tilespmem:$0xD40];
	v61 =	vadd.f32 v52, v4;
	[tilespmem:$0x950] =	vst v57  }
0x221: {  	v12 =	vld [tilespmem:$0xD50];
	v63 =	vadd.f32 v54, v4;
	[tilespmem:$0x960] =	vst v59  }
0x222: {  	v14 =	vld [tilespmem:$0xD60];
	v13 =	vadd.f32 v56, v4;
	[tilespmem:$0x970] =	vst v61  }
0x223: {  	v16 =	vld [tilespmem:$0xD70];
	v15 =	vadd.f32 v58, v4;
	[tilespmem:$0xD00] =	vst v63  }
0x224: {  	v18 =	vld [tilespmem:$0x1100];
	v17 =	vadd.f32 v60, v4;
	[tilespmem:$0xD10] =	vst v13  }
0x225: {  	v20 =	vld [tilespmem:$0x1110];
	v19 =	vadd.f32 v62, v4;
	[tilespmem:$0xD20] =	vst v15  }
0x226: {  	v22 =	vld [tilespmem:$0x1120];
	v21 =	vadd.f32 v12, v4;
	[tilespmem:$0xD30] =	vst v17  }
0x227: {  	v24 =	vld [tilespmem:$0x1130];
	v23 =	vadd.f32 v14, v4;
	[tilespmem:$0xD40] =	vst v19  }
0x228: {  	v26 =	vld [tilespmem:$0x1140];
	v25 =	vadd.f32 v16, v4;
	[tilespmem:$0xD50] =	vst v21  }
0x229: {  	v27 =	vadd.f32 v18, v4;
	v28 =	vld [tilespmem:$0x1150];
	[tilespmem:$0xD60] =	vst v23  }
0x22a: {  	v29 =	vadd.f32 v20, v4;
	v30 =	vld [tilespmem:$0x1160];
	[tilespmem:$0xD70] =	vst v25  }
0x22b: {  	v31 =	vadd.f32 v22, v4;
	v32 =	vld [tilespmem:$0x1170];
	[tilespmem:$0x1100] =	vst v27  }
0x22c: {  	v33 =	vadd.f32 v24, v4;
	[tilespmem:$0x1110] =	vst v29  }
0x22d: {  	v34 =	vadd.f32 v26, v4;
	[tilespmem:$0x1120] =	vst v31  }
0x22e: {  	[tilespmem:$0x1130] =	vst v33;
	v35 =	vadd.f32 v28, v4  }
0x22f: {  	[tilespmem:$0x1140] =	vst v34;
	v36 =	vadd.f32 v30, v4  }
0x230: {  	v37 =	vadd.f32 v32, v4;
	[tilespmem:$0x1150] =	vst v35  }
0x231: {  	[tilespmem:$0x1160] =	vst v36  }
0x232: {  	s30 =	simm.s32 $0x500;
	s9 =	rddreg [dreg:$0x16];
	[tilespmem:$0x1170] =	vst v37  }
0x233: {  	[hbm4b:s9+s3] =	stream.linear.scatter [tilespmem:s30], [sflag:$0xB], $0x80, $0x38;
	[tilespmem:$0x2280] =	vst v63  }
0x234: {  	s10 =	sadd.s32 $0x80, s9;
	s30 =	simm.s32 $0x900  }
0x235: {  	[hbm4b:s10+s3] =	stream.linear.scatter [tilespmem:s30], [sflag:$0xB], $0x80, $0x38;
	[tilespmem:$0x2280] =	vst v63  }
0x236: {  	s10 =	sadd.s32 $0x100, s9;
	s30 =	simm.s32 $0xD00  }
0x237: {  	[hbm4b:s10+s3] =	stream.linear.scatter [tilespmem:s30], [sflag:$0xB], $0x80, $0x38;
	[tilespmem:$0x2280] =	vst v63  }
0x238: {  	s9 =	sadd.s32 $0x180, s9;
	s10 =	simm.s32 $0x1100  }
0x239: {  	[hbm4b:s9+s3] =	stream.linear.scatter [tilespmem:s10], [sflag:$0xB], $0x80, $0x38;
	[tilespmem:$0x2280] =	vst v63  }
0x23a: {  	_ =	swait.ge [sflag:s5], $0x80  }
0x23b: {  	[sflag:s5] =	ssyncset.done $0x0  }
0x23c: {  	[sflag:s5] =	ssyncadd.s32 $0xFFFFFF80  }
0x23d: {  	_ =	swait.ge [sflag:s5], $0x80  }
0x23e: {  	[sflag:s5] =	ssyncset.done $0x0  }
0x23f: {  	[sflag:s5] =	ssyncadd.s32 $0xFFFFFF80  }
0x240: {  	_ =	swait.ge [sflag:s5], $0x80  }
0x241: {  	[sflag:s5] =	ssyncset.done $0x0  }
0x242: {  	[sflag:s5] =	ssyncadd.s32 $0xFFFFFF80  }
0x243: {  	_ =	swait.ge [sflag:s5], $0x80  }
0x244: {  	[sflag:s5] =	ssyncset.done $0x0  }
0x245: {  	[sflag:s5] =	ssyncadd.s32 $0xFFFFFF80  }
0x246: {  	v38 =	vld [tilespmem:$0x580]  }
0x247: {  	v39 =	vld [tilespmem:$0x590]  }
0x248: {  	v40 =	vld [tilespmem:$0x5A0]  }
0x249: {  	v4 =	vbroadcast v0, $0x7;
	v41 =	vld [tilespmem:$0x5B0]  }
0x24a: {  	v42 =	vld [tilespmem:$0x5C0]  }
0x24b: {  	v43 =	vld [tilespmem:$0x5D0];
	v1 =	vadd.f32 v38, v4  }
0x24c: {  	v44 =	vld [tilespmem:$0x5E0];
	v2 =	vadd.f32 v39, v4  }
0x24d: {  	v46 =	vld [tilespmem:$0x5F0];
	v45 =	vadd.f32 v40, v4;
	[tilespmem:$0x580] =	vst v1  }
0x24e: {  	v48 =	vld [tilespmem:$0x980];
	v47 =	vadd.f32 v41, v4;
	[tilespmem:$0x590] =	vst v2  }
0x24f: {  	v50 =	vld [tilespmem:$0x990];
	v49 =	vadd.f32 v42, v4;
	[tilespmem:$0x5A0] =	vst v45  }
0x250: {  	v52 =	vld [tilespmem:$0x9A0];
	v51 =	vadd.f32 v43, v4;
	[tilespmem:$0x5B0] =	vst v47  }
0x251: {  	v54 =	vld [tilespmem:$0x9B0];
	v53 =	vadd.f32 v44, v4;
	[tilespmem:$0x5C0] =	vst v49  }
0x252: {  	v56 =	vld [tilespmem:$0x9C0];
	v55 =	vadd.f32 v46, v4;
	[tilespmem:$0x5D0] =	vst v51  }
0x253: {  	v58 =	vld [tilespmem:$0x9D0];
	v57 =	vadd.f32 v48, v4;
	[tilespmem:$0x5E0] =	vst v53  }
0x254: {  	v60 =	vld [tilespmem:$0x9E0];
	v59 =	vadd.f32 v50, v4;
	[tilespmem:$0x5F0] =	vst v55  }
0x255: {  	v62 =	vld [tilespmem:$0x9F0];
	v61 =	vadd.f32 v52, v4;
	[tilespmem:$0x980] =	vst v57  }
0x256: {  	v12 =	vld [tilespmem:$0xD80];
	v63 =	vadd.f32 v54, v4;
	[tilespmem:$0x990] =	vst v59  }
0x257: {  	v14 =	vld [tilespmem:$0xD90];
	v13 =	vadd.f32 v56, v4;
	[tilespmem:$0x9A0] =	vst v61  }
0x258: {  	v16 =	vld [tilespmem:$0xDA0];
	v15 =	vadd.f32 v58, v4;
	[tilespmem:$0x9B0] =	vst v63  }
0x259: {  	v18 =	vld [tilespmem:$0xDB0];
	v17 =	vadd.f32 v60, v4;
	[tilespmem:$0x9C0] =	vst v13  }
0x25a: {  	v20 =	vld [tilespmem:$0xDC0];
	v19 =	vadd.f32 v62, v4;
	[tilespmem:$0x9D0] =	vst v15  }
0x25b: {  	v22 =	vld [tilespmem:$0xDD0];
	v21 =	vadd.f32 v12, v4;
	[tilespmem:$0x9E0] =	vst v17  }
0x25c: {  	v24 =	vld [tilespmem:$0xDE0];
	v23 =	vadd.f32 v14, v4;
	[tilespmem:$0x9F0] =	vst v19  }
0x25d: {  	v26 =	vld [tilespmem:$0xDF0];
	v25 =	vadd.f32 v16, v4;
	[tilespmem:$0xD80] =	vst v21  }
0x25e: {  	v28 =	vld [tilespmem:$0x1180];
	v27 =	vadd.f32 v18, v4;
	[tilespmem:$0xD90] =	vst v23  }
0x25f: {  	v30 =	vld [tilespmem:$0x1190];
	v29 =	vadd.f32 v20, v4;
	[tilespmem:$0xDA0] =	vst v25  }
0x260: {  	v32 =	vld [tilespmem:$0x11A0];
	v31 =	vadd.f32 v22, v4;
	[tilespmem:$0xDB0] =	vst v27  }
0x261: {  	v34 =	vld [tilespmem:$0x11B0];
	v33 =	vadd.f32 v24, v4;
	[tilespmem:$0xDC0] =	vst v29  }
0x262: {  	v36 =	vld [tilespmem:$0x11C0];
	v35 =	vadd.f32 v26, v4;
	[tilespmem:$0xDD0] =	vst v31  }
0x263: {  	v37 =	vadd.f32 v28, v4;
	v38 =	vld [tilespmem:$0x11D0];
	[tilespmem:$0xDE0] =	vst v33  }
0x264: {  	v39 =	vadd.f32 v30, v4;
	v40 =	vld [tilespmem:$0x11E0];
	[tilespmem:$0xDF0] =	vst v35  }
0x265: {  	v41 =	vadd.f32 v32, v4;
	v42 =	vld [tilespmem:$0x11F0];
	[tilespmem:$0x1180] =	vst v37  }
0x266: {  	v43 =	vadd.f32 v34, v4;
	[tilespmem:$0x1190] =	vst v39  }
0x267: {  	v44 =	vadd.f32 v36, v4;
	[tilespmem:$0x11A0] =	vst v41  }
0x268: {  	[tilespmem:$0x11B0] =	vst v43;
	v45 =	vadd.f32 v38, v4  }
0x269: {  	[tilespmem:$0x11C0] =	vst v44;
	v46 =	vadd.f32 v40, v4  }
0x26a: {  	v47 =	vadd.f32 v42, v4;
	[tilespmem:$0x11D0] =	vst v45  }
0x26b: {  	[tilespmem:$0x11E0] =	vst v46  }
0x26c: {  	s30 =	simm.s32 $0x580;
	s9 =	rddreg [dreg:$0x17];
	[tilespmem:$0x11F0] =	vst v47  }
0x26d: {  	[hbm4b:s9+s3] =	stream.linear.scatter [tilespmem:s30], [sflag:$0xB], $0x80, $0x38;
	[tilespmem:$0x2280] =	vst v63  }
0x26e: {  	s10 =	sadd.s32 $0x80, s9;
	s30 =	simm.s32 $0x980  }
0x26f: {  	[hbm4b:s10+s3] =	stream.linear.scatter [tilespmem:s30], [sflag:$0xB], $0x80, $0x38;
	[tilespmem:$0x2280] =	vst v63  }
0x270: {  	s10 =	sadd.s32 $0x100, s9;
	s30 =	simm.s32 $0xD80  }
0x271: {  	[hbm4b:s10+s3] =	stream.linear.scatter [tilespmem:s30], [sflag:$0xB], $0x80, $0x38;
	[tilespmem:$0x2280] =	vst v63  }
0x272: {  	s9 =	sadd.s32 $0x180, s9;
	s10 =	simm.s32 $0x1180  }
0x273: {  	[hbm4b:s9+s3] =	stream.linear.scatter [tilespmem:s10], [sflag:$0xB], $0x80, $0x38;
	[tilespmem:$0x2280] =	vst v63  }
0x274: {  	_ =	swait.ge [sflag:s6], $0x80  }
0x275: {  	[sflag:s6] =	ssyncset.done $0x0  }
0x276: {  	[sflag:s6] =	ssyncadd.s32 $0xFFFFFF80  }
0x277: {  	_ =	swait.ge [sflag:s6], $0x80  }
0x278: {  	[sflag:s6] =	ssyncset.done $0x0  }
0x279: {  	[sflag:s6] =	ssyncadd.s32 $0xFFFFFF80  }
0x27a: {  	_ =	swait.ge [sflag:s6], $0x80  }
0x27b: {  	[sflag:s6] =	ssyncset.done $0x0  }
0x27c: {  	[sflag:s6] =	ssyncadd.s32 $0xFFFFFF80  }
0x27d: {  	_ =	swait.ge [sflag:s6], $0x80  }
0x27e: {  	[sflag:s6] =	ssyncset.done $0x0  }
0x27f: {  	[sflag:s6] =	ssyncadd.s32 $0xFFFFFF80  }
0x280: {  	v48 =	vld [tilespmem:$0x1200]  }
0x281: {  	v49 =	vld [tilespmem:$0x1210]  }
0x282: {  	v50 =	vld [tilespmem:$0x1220]  }
0x283: {  	v4 =	vbroadcast v0, $0x8;
	v51 =	vld [tilespmem:$0x1230]  }
0x284: {  	v52 =	vld [tilespmem:$0x1240]  }
0x285: {  	v53 =	vld [tilespmem:$0x1250];
	v1 =	vadd.f32 v48, v4  }
0x286: {  	v54 =	vld [tilespmem:$0x1260];
	v2 =	vadd.f32 v49, v4  }
0x287: {  	v56 =	vld [tilespmem:$0x1270];
	v55 =	vadd.f32 v50, v4;
	[tilespmem:$0x1200] =	vst v1  }
0x288: {  	v58 =	vld [tilespmem:$0x1600];
	v57 =	vadd.f32 v51, v4;
	[tilespmem:$0x1210] =	vst v2  }
0x289: {  	v60 =	vld [tilespmem:$0x1610];
	v59 =	vadd.f32 v52, v4;
	[tilespmem:$0x1220] =	vst v55  }
0x28a: {  	v62 =	vld [tilespmem:$0x1620];
	v61 =	vadd.f32 v53, v4;
	[tilespmem:$0x1230] =	vst v57  }
0x28b: {  	v12 =	vld [tilespmem:$0x1630];
	v63 =	vadd.f32 v54, v4;
	[tilespmem:$0x1240] =	vst v59  }
0x28c: {  	v14 =	vld [tilespmem:$0x1640];
	v13 =	vadd.f32 v56, v4;
	[tilespmem:$0x1250] =	vst v61  }
0x28d: {  	v16 =	vld [tilespmem:$0x1650];
	v15 =	vadd.f32 v58, v4;
	[tilespmem:$0x1260] =	vst v63  }
0x28e: {  	v18 =	vld [tilespmem:$0x1660];
	v17 =	vadd.f32 v60, v4;
	[tilespmem:$0x1270] =	vst v13  }
0x28f: {  	v20 =	vld [tilespmem:$0x1670];
	v19 =	vadd.f32 v62, v4;
	[tilespmem:$0x1600] =	vst v15  }
0x290: {  	v22 =	vld [tilespmem:$0x1A00];
	v21 =	vadd.f32 v12, v4;
	[tilespmem:$0x1610] =	vst v17  }
0x291: {  	v24 =	vld [tilespmem:$0x1A10];
	v23 =	vadd.f32 v14, v4;
	[tilespmem:$0x1620] =	vst v19  }
0x292: {  	v26 =	vld [tilespmem:$0x1A20];
	v25 =	vadd.f32 v16, v4;
	[tilespmem:$0x1630] =	vst v21  }
0x293: {  	v28 =	vld [tilespmem:$0x1A30];
	v27 =	vadd.f32 v18, v4;
	[tilespmem:$0x1640] =	vst v23  }
0x294: {  	v30 =	vld [tilespmem:$0x1A40];
	v29 =	vadd.f32 v20, v4;
	[tilespmem:$0x1650] =	vst v25  }
0x295: {  	v32 =	vld [tilespmem:$0x1A50];
	v31 =	vadd.f32 v22, v4;
	[tilespmem:$0x1660] =	vst v27  }
0x296: {  	v34 =	vld [tilespmem:$0x1A60];
	v33 =	vadd.f32 v24, v4;
	[tilespmem:$0x1670] =	vst v29  }
0x297: {  	v36 =	vld [tilespmem:$0x1A70];
	v35 =	vadd.f32 v26, v4;
	[tilespmem:$0x1A00] =	vst v31  }
0x298: {  	v38 =	vld [tilespmem:$0x1E00];
	v37 =	vadd.f32 v28, v4;
	[tilespmem:$0x1A10] =	vst v33  }
0x299: {  	v40 =	vld [tilespmem:$0x1E10];
	v39 =	vadd.f32 v30, v4;
	[tilespmem:$0x1A20] =	vst v35  }
0x29a: {  	v42 =	vld [tilespmem:$0x1E20];
	v41 =	vadd.f32 v32, v4;
	[tilespmem:$0x1A30] =	vst v37  }
0x29b: {  	v44 =	vld [tilespmem:$0x1E30];
	v43 =	vadd.f32 v34, v4;
	[tilespmem:$0x1A40] =	vst v39  }
0x29c: {  	v46 =	vld [tilespmem:$0x1E40];
	v45 =	vadd.f32 v36, v4;
	[tilespmem:$0x1A50] =	vst v41  }
0x29d: {  	v47 =	vadd.f32 v38, v4;
	v48 =	vld [tilespmem:$0x1E50];
	[tilespmem:$0x1A60] =	vst v43  }
0x29e: {  	v49 =	vadd.f32 v40, v4;
	v50 =	vld [tilespmem:$0x1E60];
	[tilespmem:$0x1A70] =	vst v45  }
0x29f: {  	v51 =	vadd.f32 v42, v4;
	v52 =	vld [tilespmem:$0x1E70];
	[tilespmem:$0x1E00] =	vst v47  }
0x2a0: {  	v53 =	vadd.f32 v44, v4;
	[tilespmem:$0x1E10] =	vst v49  }
0x2a1: {  	v54 =	vadd.f32 v46, v4;
	[tilespmem:$0x1E20] =	vst v51  }
0x2a2: {  	[tilespmem:$0x1E30] =	vst v53;
	v55 =	vadd.f32 v48, v4  }
0x2a3: {  	[tilespmem:$0x1E40] =	vst v54;
	v56 =	vadd.f32 v50, v4  }
0x2a4: {  	v57 =	vadd.f32 v52, v4;
	[tilespmem:$0x1E50] =	vst v55  }
0x2a5: {  	[tilespmem:$0x1E60] =	vst v56  }
0x2a6: {  	s30 =	simm.s32 $0x1200;
	s9 =	rddreg [dreg:$0x18];
	[tilespmem:$0x1E70] =	vst v57  }
0x2a7: {  	[hbm4b:s9+s3] =	stream.linear.scatter [tilespmem:s30], [sflag:$0xB], $0x80, $0x38;
	[tilespmem:$0x2280] =	vst v63  }
0x2a8: {  	s10 =	sadd.s32 $0x80, s9;
	s30 =	simm.s32 $0x1600  }
0x2a9: {  	[hbm4b:s10+s3] =	stream.linear.scatter [tilespmem:s30], [sflag:$0xB], $0x80, $0x38;
	[tilespmem:$0x2280] =	vst v63  }
0x2aa: {  	s10 =	sadd.s32 $0x100, s9;
	s30 =	simm.s32 $0x1A00  }
0x2ab: {  	[hbm4b:s10+s3] =	stream.linear.scatter [tilespmem:s30], [sflag:$0xB], $0x80, $0x38;
	[tilespmem:$0x2280] =	vst v63  }
0x2ac: {  	s9 =	sadd.s32 $0x180, s9;
	s10 =	simm.s32 $0x1E00  }
0x2ad: {  	[hbm4b:s9+s3] =	stream.linear.scatter [tilespmem:s10], [sflag:$0xB], $0x80, $0x38;
	[tilespmem:$0x2280] =	vst v63  }
0x2ae: {  	_ =	swait.ge [sflag:s7], $0x80  }
0x2af: {  	[sflag:s7] =	ssyncset.done $0x0  }
0x2b0: {  	[sflag:s7] =	ssyncadd.s32 $0xFFFFFF80  }
0x2b1: {  	_ =	swait.ge [sflag:s7], $0x80  }
0x2b2: {  	[sflag:s7] =	ssyncset.done $0x0  }
0x2b3: {  	[sflag:s7] =	ssyncadd.s32 $0xFFFFFF80  }
0x2b4: {  	_ =	swait.ge [sflag:s7], $0x80  }
0x2b5: {  	[sflag:s7] =	ssyncset.done $0x0  }
0x2b6: {  	[sflag:s7] =	ssyncadd.s32 $0xFFFFFF80  }
0x2b7: {  	_ =	swait.ge [sflag:s7], $0x80  }
0x2b8: {  	[sflag:s7] =	ssyncset.done $0x0  }
0x2b9: {  	[sflag:s7] =	ssyncadd.s32 $0xFFFFFF80  }
0x2ba: {  	v58 =	vld [tilespmem:$0x1280]  }
0x2bb: {  	v59 =	vld [tilespmem:$0x1290]  }
0x2bc: {  	v60 =	vld [tilespmem:$0x12A0]  }
0x2bd: {  	v0 =	vbroadcast v0, $0x9;
	v61 =	vld [tilespmem:$0x12B0]  }
0x2be: {  	v62 =	vld [tilespmem:$0x12C0]  }
0x2bf: {  	v63 =	vld [tilespmem:$0x12D0];
	v1 =	vadd.f32 v58, v0  }
0x2c0: {  	v9 =	vld [tilespmem:$0x12E0];
	v2 =	vadd.f32 v59, v0  }
0x2c1: {  	v11 =	vld [tilespmem:$0x12F0];
	v10 =	vadd.f32 v60, v0;
	[tilespmem:$0x1280] =	vst v1  }
0x2c2: {  	v13 =	vld [tilespmem:$0x1680];
	v12 =	vadd.f32 v61, v0;
	[tilespmem:$0x1290] =	vst v2  }
0x2c3: {  	v15 =	vld [tilespmem:$0x1690];
	v14 =	vadd.f32 v62, v0;
	[tilespmem:$0x12A0] =	vst v10  }
0x2c4: {  	v17 =	vld [tilespmem:$0x16A0];
	v16 =	vadd.f32 v63, v0;
	[tilespmem:$0x12B0] =	vst v12  }
0x2c5: {  	v19 =	vld [tilespmem:$0x16B0];
	v18 =	vadd.f32 v9, v0;
	[tilespmem:$0x12C0] =	vst v14  }
0x2c6: {  	v21 =	vld [tilespmem:$0x16C0];
	v20 =	vadd.f32 v11, v0;
	[tilespmem:$0x12D0] =	vst v16  }
0x2c7: {  	v23 =	vld [tilespmem:$0x16D0];
	v22 =	vadd.f32 v13, v0;
	[tilespmem:$0x12E0] =	vst v18  }
0x2c8: {  	v25 =	vld [tilespmem:$0x16E0];
	v24 =	vadd.f32 v15, v0;
	[tilespmem:$0x12F0] =	vst v20  }
0x2c9: {  	v27 =	vld [tilespmem:$0x16F0];
	v26 =	vadd.f32 v17, v0;
	[tilespmem:$0x1680] =	vst v22  }
0x2ca: {  	v29 =	vld [tilespmem:$0x1A80];
	v28 =	vadd.f32 v19, v0;
	[tilespmem:$0x1690] =	vst v24  }
0x2cb: {  	v31 =	vld [tilespmem:$0x1A90];
	v30 =	vadd.f32 v21, v0;
	[tilespmem:$0x16A0] =	vst v26  }
0x2cc: {  	v33 =	vld [tilespmem:$0x1AA0];
	v32 =	vadd.f32 v23, v0;
	[tilespmem:$0x16B0] =	vst v28  }
0x2cd: {  	v35 =	vld [tilespmem:$0x1AB0];
	v34 =	vadd.f32 v25, v0;
	[tilespmem:$0x16C0] =	vst v30  }
0x2ce: {  	v37 =	vld [tilespmem:$0x1AC0];
	v36 =	vadd.f32 v27, v0;
	[tilespmem:$0x16D0] =	vst v32  }
0x2cf: {  	v39 =	vld [tilespmem:$0x1AD0];
	v38 =	vadd.f32 v29, v0;
	[tilespmem:$0x16E0] =	vst v34  }
0x2d0: {  	v41 =	vld [tilespmem:$0x1AE0];
	v40 =	vadd.f32 v31, v0;
	[tilespmem:$0x16F0] =	vst v36  }
0x2d1: {  	v43 =	vld [tilespmem:$0x1AF0];
	v42 =	vadd.f32 v33, v0;
	[tilespmem:$0x1A80] =	vst v38  }
0x2d2: {  	v45 =	vld [tilespmem:$0x1E80];
	v44 =	vadd.f32 v35, v0;
	[tilespmem:$0x1A90] =	vst v40  }
0x2d3: {  	v47 =	vld [tilespmem:$0x1E90];
	v46 =	vadd.f32 v37, v0;
	[tilespmem:$0x1AA0] =	vst v42  }
0x2d4: {  	v49 =	vld [tilespmem:$0x1EA0];
	v48 =	vadd.f32 v39, v0;
	[tilespmem:$0x1AB0] =	vst v44  }
0x2d5: {  	v51 =	vld [tilespmem:$0x1EB0];
	v50 =	vadd.f32 v41, v0;
	[tilespmem:$0x1AC0] =	vst v46  }
0x2d6: {  	v53 =	vld [tilespmem:$0x1EC0];
	v52 =	vadd.f32 v43, v0;
	[tilespmem:$0x1AD0] =	vst v48  }
0x2d7: {  	v55 =	vld [tilespmem:$0x1ED0];
	v54 =	vadd.f32 v45, v0;
	[tilespmem:$0x1AE0] =	vst v50  }
0x2d8: {  	v57 =	vld [tilespmem:$0x1EE0];
	v56 =	vadd.f32 v47, v0;
	[tilespmem:$0x1AF0] =	vst v52  }
0x2d9: {  	v58 =	vadd.f32 v49, v0;
	v59 =	vld [tilespmem:$0x1EF0];
	[tilespmem:$0x1E80] =	vst v54  }
0x2da: {  	v60 =	vadd.f32 v51, v0;
	[tilespmem:$0x1E90] =	vst v56  }
0x2db: {  	v61 =	vadd.f32 v53, v0;
	[tilespmem:$0x1EA0] =	vst v58  }
0x2dc: {  	v62 =	vadd.f32 v55, v0;
	[tilespmem:$0x1EB0] =	vst v60  }
0x2dd: {  	v63 =	vadd.f32 v57, v0;
	[tilespmem:$0x1EC0] =	vst v61  }
0x2de: {  	[tilespmem:$0x1ED0] =	vst v62;
	v0 =	vadd.f32 v59, v0  }
0x2df: {  	[tilespmem:$0x1EE0] =	vst v63  }
0x2e0: {  	s30 =	simm.s32 $0x1280;
	s9 =	rddreg [dreg:$0x19];
	[tilespmem:$0x1EF0] =	vst v0  }
0x2e1: {  	[hbm4b:s9+s3] =	stream.linear.scatter [tilespmem:s30], [sflag:$0xB], $0x80, $0x38;
	[tilespmem:$0x2280] =	vst v63  }
0x2e2: {  	s10 =	sadd.s32 $0x80, s9;
	s30 =	simm.s32 $0x1680  }
0x2e3: {  	[hbm4b:s10+s3] =	stream.linear.scatter [tilespmem:s30], [sflag:$0xB], $0x80, $0x38;
	[tilespmem:$0x2280] =	vst v63  }
0x2e4: {  	s10 =	sadd.s32 $0x100, s9;
	s30 =	simm.s32 $0x1A80  }
0x2e5: {  	[hbm4b:s10+s3] =	stream.linear.scatter [tilespmem:s30], [sflag:$0xB], $0x80, $0x38;
	[tilespmem:$0x2280] =	vst v63  }
0x2e6: {  	s10 =	sadd.s32 $0x180, s9;
	s30 =	simm.s32 $0x1E80  }
0x2e7: {  	[hbm4b:s10+s3] =	stream.linear.scatter [tilespmem:s30], [sflag:$0xB], $0x80, $0x38;
	[tilespmem:$0x2280] =	vst v63  }
0x2e8: {  	_ =	swait.ge [sflag:s25], $0x200  }
0x2e9: {  	[sflag:s25] =	ssyncset.done $0x0  }
0x2ea: {  	[sflag:s25] =	ssyncadd.s32 $0xFFFFFE00  }
0x2eb: {  	_ =	swait.ge [sflag:s25], $0x200  }
0x2ec: {  	[sflag:s25] =	ssyncset.done $0x0  }
0x2ed: {  	[sflag:s25] =	ssyncadd.s32 $0xFFFFFE00  }
0x2ee: {  	_ =	swait.ge [sflag:s25], $0x200  }
0x2ef: {  	[sflag:s25] =	ssyncset.done $0x0  }
0x2f0: {  	[sflag:s25] =	ssyncadd.s32 $0xFFFFFE00  }
0x2f1: {  	_ =	swait.ge [sflag:s25], $0x200  }
0x2f2: {  	[sflag:s25] =	ssyncset.done $0x0  }
0x2f3: {  	[sflag:s25] =	ssyncadd.s32 $0xFFFFFE00  }
0x2f4: {  	_ =	swait.ge [sflag:s25], $0x200  }
0x2f5: {  	[sflag:s25] =	ssyncset.done $0x0  }
0x2f6: {  	[sflag:s25] =	ssyncadd.s32 $0xFFFFFE00  }
0x2f7: {  	_ =	swait.ge [sflag:s25], $0x200  }
0x2f8: {  	[sflag:s25] =	ssyncset.done $0x0  }
0x2f9: {  	[sflag:s25] =	ssyncadd.s32 $0xFFFFFE00  }
0x2fa: {  	_ =	swait.ge [sflag:s25], $0x200  }
0x2fb: {  	[sflag:s25] =	ssyncset.done $0x0  }
0x2fc: {  	[sflag:s25] =	ssyncadd.s32 $0xFFFFFE00  }
0x2fd: {  	_ =	swait.ge [sflag:s25], $0x200  }
0x2fe: {  	[sflag:s25] =	ssyncset.done $0x0  }
0x2ff: {  	[sflag:s25] =	ssyncadd.s32 $0xFFFFFE00  }
0x300: {  	p0 =	sne.s32 s23, $0x1;
	_ =	swait.ge [sflag:s25], $0x200  }
.Ltmp0:
0x301: {  	[sflag:s25] =	ssyncset.done $0x0;
	(pc) =	sbr.rel @p0 .LBB2_1-.Ltmp0, $4  }
0x302: {  	[sflag:s25] =	ssyncadd.s32 $0xFFFFFE00  }
0x303: {  	_ =	swait.ge [sflag:s25], $0x200  }
0x304: {  	[sflag:s25] =	ssyncset.done $0x0  }
0x305: {  	s23 =	sadd.s32 $0xFFFFFFFF, s23;
	[sflag:s25] =	ssyncadd.s32 $0xFFFFFE00  }
0x306: {  	_ =	sfence.sel $0x180000  }
0x307: {  	[bflag:$0x0] =	sbarrier.arrive $0xFFFF  }
0x308: {  	_ =	strace $0x90000047  }
0x309: {  	s0 =	stileid.u32;
	[bflag:$0x2] =	sbarrier.arrive $0xFFFF  }
0x30a: {  	p0 =	sne.s32 s0, $0x0;
	s0 =	rddreg [dreg:$0x4]  }
0x30b: {  	s0 =	sadd.s32 @!p0 $0x100000, s0  }
0x30c: {  	[sflag:s0] =	ssyncadd.tile.s32 @!p0 $0x1;
	_ =	shalt  }
.Lfunc_end2:
_tile_overlayer_lowered:
.L_overlay_start_2:
0x30d: {  	(tag) =	ssettag $0x2  }
0x30e: {  	s0 =	rddreg [dreg:$0x0];
	s2 =	stileid.u32  }
0x30f: {  	s1 =	rddreg [dreg:$0x1];
	p0 =	sne.s32 s2, $0x0  }
0x310: {  	s3 =	rddreg [dreg:$0x2];
	[bflag:$0x3] =	sbarrier.arrive $0xFFFF;
	s2 =	simm.s32 @!p0 $0x1C0C  }
0x311: {  	[timem:s3], [sflag:s2] =	dma.local @!p0 [hbm:s0], s1  }
0x312: {  	s0 =	simm.s32 @!p0 $0xC  }
0x313: {  	_ =	swait.ge @!p0 [sflag:s0], s1  }
0x314: {  	s1 =	ssub.s32 @!p0 $0x0, s1;
	[sflag:s0] =	ssyncset.done @!p0 $0x0  }
0x315: {  	[sflag:s0] =	ssyncadd.s32 @!p0 s1  }
0x316: {  	[bflag:$0x3] =	sbarrier.arrive $0xFFFF  }
0x317: {  	_ =	shalt  }

</sc_bundles>
